<compile_context>
chip_gen: v7x
topology: tpu7x:2x2x1
jax: 0.10.2.dev20260603
libtpu: 0.0.44.dev20260713+nightly
codegen_flags: <defaults>
</compile_context>

<pallas_src>
import functools

import jax
import jax.numpy as jnp
from jax import lax
from jax.experimental import pallas as pl
from jax.experimental.pallas import tpu as pltpu
from jax.experimental.pallas import tpu_sc as plsc

_N = 1000000
_M = 16384
_CHUNK = 128
_L = 16

_cached = None


def _build():
    global _cached
    if _cached is not None:
        return _cached

    info = plsc.get_sparse_core_info()
    NC, NS = info.num_cores, info.num_subcores
    NW = NC * NS
    assert _M % (NW * _CHUNK) == 0
    n_chunks = _M // (NW * _CHUNK)
    ids_w = n_chunks * _CHUNK
    qrows_w = ids_w * 4 // _CHUNK
    trows_w = ids_w * 3 // _CHUNK

    mesh = plsc.VectorSubcoreMesh(core_axis_name="c", subcore_axis_name="s")

    @functools.partial(
        pl.kernel,
        mesh=mesh,
        out_type=(
            jax.ShapeDtypeStruct((_M * 4 // _CHUNK, _CHUNK), jnp.float32),
            jax.ShapeDtypeStruct((_M * 3 // _CHUNK, _CHUNK), jnp.float32),
        ),
        scratch_types=[
            pltpu.VMEM((n_chunks, _CHUNK), jnp.int32),
            pltpu.VMEM((n_chunks, _CHUNK), jnp.int32),
            pltpu.VMEM((qrows_w, _CHUNK), jnp.int32),
            pltpu.VMEM((trows_w, _CHUNK), jnp.int32),
            pltpu.VMEM((qrows_w, _CHUNK), jnp.float32),
            pltpu.VMEM((trows_w, _CHUNK), jnp.float32),
            pltpu.SemaphoreType.DMA,
        ],
        compiler_params=pltpu.CompilerParams(
            use_tc_tiling_on_sc=False, needs_layout_passes=False),
    )
    def cam_gather(qf_hbm, tf_hbm, fmi_hbm, fid_hbm, out_q, out_t,
                   idx_v, rid_v, qidx_v, tidx_v, qg_v, tg_v, sem):
        wid = lax.axis_index("s") * NC + lax.axis_index("c")
        pltpu.sync_copy(fid_hbm.at[pl.ds(wid * n_chunks, n_chunks)], idx_v)
        for c in range(n_chunks):
            pltpu.async_copy(fmi_hbm.at[idx_v.at[c]], rid_v.at[c], sem).wait()

        lanes = jnp.arange(_L, dtype=jnp.int32)
        for c in range(n_chunks):
            for b in range(_CHUNK // _L):
                r = rid_v[c, pl.ds(b * _L, _L)]
                q4 = r
                t3 = r
                pq = (c * 512 + b * 64) + lanes * 4
                for j in range(4):
                    p = pq + j
                    plsc.store_scatter(
                        qidx_v, [p >> 7, p & 127], q4 + j * _N)
                pt = (c * 384 + b * 48) + lanes * 3
                for j in range(3):
                    p = pt + j
                    plsc.store_scatter(
                        tidx_v, [p >> 7, p & 127], t3 + j * _N)

        copies = []
        for rr in range(qrows_w):
            copies.append(
                pltpu.async_copy(qf_hbm.at[qidx_v.at[rr]], qg_v.at[rr], sem))
        for rr in range(trows_w):
            copies.append(
                pltpu.async_copy(tf_hbm.at[tidx_v.at[rr]], tg_v.at[rr], sem))
        for cp in copies:
            cp.wait()
        pltpu.sync_copy(qg_v, out_q.at[pl.ds(wid * qrows_w, qrows_w)])
        pltpu.sync_copy(tg_v, out_t.at[pl.ds(wid * trows_w, trows_w)])

    _cached = cam_gather
    return cam_gather


def kernel(quat, trans, frame_mapping_inv, frame_id):
    qf = quat.T.reshape(-1)
    tf = trans.T.reshape(-1)
    fid2d = frame_id.reshape(_M // _CHUNK, _CHUNK)
    out_q, out_t = _build()(qf, tf, frame_mapping_inv, fid2d)
    return out_q.reshape(_M, 4), out_t.reshape(_M, 3)

# --- scband reference (transcript-rebuilt; emitter-appended) ---
"""Pipeline reference for scband-camera-const-79182017069773 (READ-ONLY COPY).

The authoritative reference and input builder live on the scoring server;
editing this copy changes nothing except your own understanding.
"""

import jax, jax.numpy as jnp
import numpy as np

N = 1000000  # number of frames (rows in pose table)
M = 16384    # number of frame_id lookups


def _quaternion_to_matrix(q):
    r, i, j, k = q[..., 0], q[..., 1], q[..., 2], q[..., 3]
    two_s = 2.0 / jnp.sum(q * q, axis=-1)
    o = jnp.stack([
        1 - two_s * (j * j + k * k), two_s * (i * j - k * r), two_s * (i * k + j * r),
        two_s * (i * j + k * r), 1 - two_s * (i * i + k * k), two_s * (j * k - i * r),
        two_s * (i * k - j * r), two_s * (j * k + i * r), 1 - two_s * (i * i + j * j),
    ], axis=-1)
    return o.reshape(q.shape[:-1] + (3, 3))


def _sqrt_positive_part(x):
    return jnp.sqrt(jnp.maximum(x, 0.0))


def _matrix_to_quaternion(matrix):
    # pytorch3d-style matrix_to_quaternion, as used at module init
    m00 = matrix[..., 0, 0]; m01 = matrix[..., 0, 1]; m02 = matrix[..., 0, 2]
    m10 = matrix[..., 1, 0]; m11 = matrix[..., 1, 1]; m12 = matrix[..., 1, 2]
    m20 = matrix[..., 2, 0]; m21 = matrix[..., 2, 1]; m22 = matrix[..., 2, 2]
    q_abs = _sqrt_positive_part(jnp.stack([
        1.0 + m00 + m11 + m22,
        1.0 + m00 - m11 - m22,
        1.0 - m00 + m11 - m22,
        1.0 - m00 - m11 + m22,
    ], axis=-1))
    quat_by_rijk = jnp.stack([
        jnp.stack([q_abs[..., 0] ** 2, m21 - m12, m02 - m20, m10 - m01], axis=-1),
        jnp.stack([m21 - m12, q_abs[..., 1] ** 2, m10 + m01, m02 + m20], axis=-1),
        jnp.stack([m02 - m20, m10 + m01, q_abs[..., 2] ** 2, m12 + m21], axis=-1),
        jnp.stack([m10 - m01, m20 + m02, m21 + m12, q_abs[..., 3] ** 2], axis=-1),
    ], axis=-2)
    quat_candidates = quat_by_rijk / (2.0 * jnp.maximum(q_abs[..., None], 0.1))
    idx = jnp.argmax(q_abs, axis=-1)
    out = jnp.take_along_axis(quat_candidates, idx[..., None, None], axis=-2)
    return out[..., 0, :]


def setup_inputs(seed: int = 0) -> dict:
    key = jax.random.key(seed)
    kq, kt, kf = jax.random.split(key, 3)
    # Build rtmat buffer (N,4,4): random rigid transforms (init kwarg of the module)
    q0 = jax.random.normal(kq, (N, 4), dtype=jnp.float32)
    q0 = q0 / jnp.linalg.norm(q0, axis=-1, keepdims=True)
    R = _quaternion_to_matrix(q0)
    t0 = jax.random.normal(kt, (N, 3), dtype=jnp.float32)
    rtmat = jnp.zeros((N, 4, 4), dtype=jnp.float32)
    rtmat = rtmat.at[:, :3, :3].set(R)
    rtmat = rtmat.at[:, :3, 3].set(t0)
    rtmat = rtmat.at[:, 3, 3].set(1.0)
    # Buffers computed in __init__
    trans = rtmat[:, :3, 3]
    quat = _matrix_to_quaternion(rtmat[:, :3, :3])
    # frame_info is None -> frame_mapping = range(N) -> inverse is identity
    frame_mapping_inv = jnp.arange(N, dtype=jnp.int32)
    frame_id = jax.random.randint(kf, (M,), 0, N, dtype=jnp.int32)
    return {"quat": quat, "trans": trans, "frame_mapping_inv": frame_mapping_inv, "frame_id": frame_id}


def reference(quat, trans, frame_mapping_inv, frame_id):
    # get_vals(frame_id): remap frame ids, then gather pose buffers
    fid = jnp.take(frame_mapping_inv, frame_id.astype(jnp.int32), axis=0)
    quat_out = jnp.take(quat, fid, axis=0)
    trans_out = jnp.take(trans, fid, axis=0)
    return (quat_out, trans_out)

if __name__ == "__main__":
    import jax
    _d = setup_inputs()
    print(jax.jit(kernel)(*tuple(_d.values())))

</pallas_src>

<mosaic_0001>
#map = affine_map<(d0, d1) -> (0)>
#map1 = affine_map<(d0, d1) -> (0, 0)>
module attributes {stable_mosaic.version = 14 : i64} {
  func.func @cam_gather(%arg0: i32, %arg1: i32, %arg2: memref<4000000xf32, #tpu.memory_space<hbm>>, %arg3: memref<3000000xf32, #tpu.memory_space<hbm>>, %arg4: memref<1000000xi32, #tpu.memory_space<hbm>>, %arg5: memref<128x128xi32, #tpu.memory_space<hbm>>, %arg6: memref<512x128xf32, #tpu.memory_space<hbm>>, %arg7: memref<384x128xf32, #tpu.memory_space<hbm>>, %arg8: memref<4x128xi32, #tpu.memory_space<vmem>>, %arg9: memref<4x128xi32, #tpu.memory_space<vmem>>, %arg10: memref<16x128xi32, #tpu.memory_space<vmem>>, %arg11: memref<12x128xi32, #tpu.memory_space<vmem>>, %arg12: memref<16x128xf32, #tpu.memory_space<vmem>>, %arg13: memref<12x128xf32, #tpu.memory_space<vmem>>, %arg14: memref<!tpu.dma_semaphore, #tpu.memory_space<semaphore_mem>>) attributes {dimension_semantics = [#tpu.dimension_semantics<core_parallel>, #tpu.dimension_semantics<subcore_parallel>], iteration_bounds = array<i64: 2, 16>, scalar_prefetch = 0 : i64, scratch_operands = 7 : i64, tpu.core_type = #tpu.core_type<sc_vector_subcore>, window_params = [{transform_indices = #map}, {transform_indices = #map}, {transform_indices = #map}, {transform_indices = #map1}, {transform_indices = #map1}, {transform_indices = #map1}]} {
    %mul3A = arith.constant 2 : i32
    %mul3A_0 = arith.muli %arg1, %mul3A : i32
    %add3A = arith.addi %mul3A_0, %arg0 : i32
    %mul3A_1 = arith.constant 4 : i32
    %mul3A_2 = arith.muli %add3A, %mul3A_1 : i32
    "tpu.region"() ({
      %run_scoped3A = tpu.sem_alloc : memref<!tpu.dma_semaphore, #tpu.memory_space<semaphore_mem>>
      %dma_start3A_3842 = arith.constant 0 : i32
      %dma_start3A_3843 = tpu.memref_slice %arg5[%mul3A_2, %dma_start3A_3842] : memref<128x128xi32, #tpu.memory_space<hbm>> -> memref<4x128xi32, #tpu.memory_space<hbm>>
      %dma_start3A_3844 = arith.constant 0 : i32
      %dma_start3A_3845 = tpu.memref_slice %arg5[%mul3A_2, %dma_start3A_3844] : memref<128x128xi32, #tpu.memory_space<hbm>> -> memref<4x128xi32, #tpu.memory_space<hbm>>
      tpu.enqueue_dma source(%dma_start3A_3845 : memref<4x128xi32, #tpu.memory_space<hbm>>) target(%arg8 : memref<4x128xi32, #tpu.memory_space<vmem>>) target_semaphore(%run_scoped3A : memref<!tpu.dma_semaphore, #tpu.memory_space<semaphore_mem>>)
      %dma_wait3A_3846 = arith.constant 0 : i32
      %dma_wait3A_3847 = tpu.memref_slice %arg5[%mul3A_2, %dma_wait3A_3846] : memref<128x128xi32, #tpu.memory_space<hbm>> -> memref<4x128xi32, #tpu.memory_space<hbm>>
      %dma_wait3A_3848 = arith.constant 0 : i32
      %dma_wait3A_3849 = tpu.memref_slice %arg5[%mul3A_2, %dma_wait3A_3848] : memref<128x128xi32, #tpu.memory_space<hbm>> -> memref<4x128xi32, #tpu.memory_space<hbm>>
      tpu.wait_dma2 semaphore(%run_scoped3A : memref<!tpu.dma_semaphore, #tpu.memory_space<semaphore_mem>>) src(%dma_wait3A_3849 : memref<4x128xi32, #tpu.memory_space<hbm>>) dst(%arg8 : memref<4x128xi32, #tpu.memory_space<vmem>>)
      tpu.yield
    }) : () -> ()
    %dma_start3A = arith.constant 0 : i32
    %dma_start3A_3 = arith.constant 0 : i32
    %dma_start3A_4 = arith.constant 0 : i32
    %dma_start3A_5 = tpu.memref_slice %arg9[%dma_start3A_3, %dma_start3A_4] : memref<4x128xi32, #tpu.memory_space<vmem>> -> memref<1x128xi32, #tpu.memory_space<vmem>>
    %dma_start3A_6 = tpu.memref_squeeze %dma_start3A_5 : memref<1x128xi32, #tpu.memory_space<vmem>> -> memref<128xi32, #tpu.memory_space<vmem>>
    %dma_start3A_7 = arith.constant 0 : i32
    %dma_start3A_8 = tpu.memref_slice %arg8[%dma_start3A, %dma_start3A_7] : memref<4x128xi32, #tpu.memory_space<vmem>> -> memref<1x128xi32, #tpu.memory_space<vmem>>
    %dma_start3A_9 = tpu.memref_squeeze %dma_start3A_8 : memref<1x128xi32, #tpu.memory_space<vmem>> -> memref<128xi32, #tpu.memory_space<vmem>>
    %dma_start3A_10 = arith.constant 0 : i32
    %dma_start3A_11 = tpu.memref_slice %arg4[%dma_start3A_10] : memref<1000000xi32, #tpu.memory_space<hbm>> -> memref<1000000xi32, #tpu.memory_space<hbm>>
    tpu.enqueue_indirect_dma source(%dma_start3A_11 : memref<1000000xi32, #tpu.memory_space<hbm>>) target(%dma_start3A_6 : memref<128xi32, #tpu.memory_space<vmem>>) offsets(%dma_start3A_9 : memref<128xi32, #tpu.memory_space<vmem>>) semaphore(%arg14 : memref<!tpu.dma_semaphore, #tpu.memory_space<semaphore_mem>>)
    %dma_wait3A = arith.constant 0 : i32
    %dma_wait3A_12 = arith.constant 0 : i32
    %dma_wait3A_13 = arith.constant 0 : i32
    %dma_wait3A_14 = tpu.memref_slice %arg9[%dma_wait3A_12, %dma_wait3A_13] : memref<4x128xi32, #tpu.memory_space<vmem>> -> memref<1x128xi32, #tpu.memory_space<vmem>>
    %dma_wait3A_15 = tpu.memref_squeeze %dma_wait3A_14 : memref<1x128xi32, #tpu.memory_space<vmem>> -> memref<128xi32, #tpu.memory_space<vmem>>
    %dma_wait3A_16 = arith.constant 0 : i32
    %dma_wait3A_17 = tpu.memref_slice %arg8[%dma_wait3A, %dma_wait3A_16] : memref<4x128xi32, #tpu.memory_space<vmem>> -> memref<1x128xi32, #tpu.memory_space<vmem>>
    %dma_wait3A_18 = tpu.memref_squeeze %dma_wait3A_17 : memref<1x128xi32, #tpu.memory_space<vmem>> -> memref<128xi32, #tpu.memory_space<vmem>>
    %dma_wait3A_19 = arith.constant 0 : i32
    %dma_wait3A_20 = tpu.memref_slice %arg4[%dma_wait3A_19] : memref<1000000xi32, #tpu.memory_space<hbm>> -> memref<1000000xi32, #tpu.memory_space<hbm>>
    tpu.wait_indirect_dma semaphore(%arg14 : memref<!tpu.dma_semaphore, #tpu.memory_space<semaphore_mem>>) src(%dma_wait3A_20 : memref<1000000xi32, #tpu.memory_space<hbm>>) dst(%dma_wait3A_15 : memref<128xi32, #tpu.memory_space<vmem>>)
    %dma_start3A_21 = arith.constant 1 : i32
    %dma_start3A_22 = arith.constant 1 : i32
    %dma_start3A_23 = arith.constant 0 : i32
    %dma_start3A_24 = tpu.memref_slice %arg9[%dma_start3A_22, %dma_start3A_23] : memref<4x128xi32, #tpu.memory_space<vmem>> -> memref<1x128xi32, #tpu.memory_space<vmem>>
    %dma_start3A_25 = tpu.memref_squeeze %dma_start3A_24 : memref<1x128xi32, #tpu.memory_space<vmem>> -> memref<128xi32, #tpu.memory_space<vmem>>
    %dma_start3A_26 = arith.constant 0 : i32
    %dma_start3A_27 = tpu.memref_slice %arg8[%dma_start3A_21, %dma_start3A_26] : memref<4x128xi32, #tpu.memory_space<vmem>> -> memref<1x128xi32, #tpu.memory_space<vmem>>
    %dma_start3A_28 = tpu.memref_squeeze %dma_start3A_27 : memref<1x128xi32, #tpu.memory_space<vmem>> -> memref<128xi32, #tpu.memory_space<vmem>>
    %dma_start3A_29 = arith.constant 0 : i32
    %dma_start3A_30 = tpu.memref_slice %arg4[%dma_start3A_29] : memref<1000000xi32, #tpu.memory_space<hbm>> -> memref<1000000xi32, #tpu.memory_space<hbm>>
    tpu.enqueue_indirect_dma source(%dma_start3A_30 : memref<1000000xi32, #tpu.memory_space<hbm>>) target(%dma_start3A_25 : memref<128xi32, #tpu.memory_space<vmem>>) offsets(%dma_start3A_28 : memref<128xi32, #tpu.memory_space<vmem>>) semaphore(%arg14 : memref<!tpu.dma_semaphore, #tpu.memory_space<semaphore_mem>>)
    %dma_wait3A_31 = arith.constant 1 : i32
    %dma_wait3A_32 = arith.constant 1 : i32
    %dma_wait3A_33 = arith.constant 0 : i32
    %dma_wait3A_34 = tpu.memref_slice %arg9[%dma_wait3A_32, %dma_wait3A_33] : memref<4x128xi32, #tpu.memory_space<vmem>> -> memref<1x128xi32, #tpu.memory_space<vmem>>
    %dma_wait3A_35 = tpu.memref_squeeze %dma_wait3A_34 : memref<1x128xi32, #tpu.memory_space<vmem>> -> memref<128xi32, #tpu.memory_space<vmem>>
    %dma_wait3A_36 = arith.constant 0 : i32
    %dma_wait3A_37 = tpu.memref_slice %arg8[%dma_wait3A_31, %dma_wait3A_36] : memref<4x128xi32, #tpu.memory_space<vmem>> -> memref<1x128xi32, #tpu.memory_space<vmem>>
    %dma_wait3A_38 = tpu.memref_squeeze %dma_wait3A_37 : memref<1x128xi32, #tpu.memory_space<vmem>> -> memref<128xi32, #tpu.memory_space<vmem>>
    %dma_wait3A_39 = arith.constant 0 : i32
    %dma_wait3A_40 = tpu.memref_slice %arg4[%dma_wait3A_39] : memref<1000000xi32, #tpu.memory_space<hbm>> -> memref<1000000xi32, #tpu.memory_space<hbm>>
    tpu.wait_indirect_dma semaphore(%arg14 : memref<!tpu.dma_semaphore, #tpu.memory_space<semaphore_mem>>) src(%dma_wait3A_40 : memref<1000000xi32, #tpu.memory_space<hbm>>) dst(%dma_wait3A_35 : memref<128xi32, #tpu.memory_space<vmem>>)
    %dma_start3A_41 = arith.constant 2 : i32
    %dma_start3A_42 = arith.constant 2 : i32
    %dma_start3A_43 = arith.constant 0 : i32
    %dma_start3A_44 = tpu.memref_slice %arg9[%dma_start3A_42, %dma_start3A_43] : memref<4x128xi32, #tpu.memory_space<vmem>> -> memref<1x128xi32, #tpu.memory_space<vmem>>
    %dma_start3A_45 = tpu.memref_squeeze %dma_start3A_44 : memref<1x128xi32, #tpu.memory_space<vmem>> -> memref<128xi32, #tpu.memory_space<vmem>>
    %dma_start3A_46 = arith.constant 0 : i32
    %dma_start3A_47 = tpu.memref_slice %arg8[%dma_start3A_41, %dma_start3A_46] : memref<4x128xi32, #tpu.memory_space<vmem>> -> memref<1x128xi32, #tpu.memory_space<vmem>>
    %dma_start3A_48 = tpu.memref_squeeze %dma_start3A_47 : memref<1x128xi32, #tpu.memory_space<vmem>> -> memref<128xi32, #tpu.memory_space<vmem>>
    %dma_start3A_49 = arith.constant 0 : i32
    %dma_start3A_50 = tpu.memref_slice %arg4[%dma_start3A_49] : memref<1000000xi32, #tpu.memory_space<hbm>> -> memref<1000000xi32, #tpu.memory_space<hbm>>
    tpu.enqueue_indirect_dma source(%dma_start3A_50 : memref<1000000xi32, #tpu.memory_space<hbm>>) target(%dma_start3A_45 : memref<128xi32, #tpu.memory_space<vmem>>) offsets(%dma_start3A_48 : memref<128xi32, #tpu.memory_space<vmem>>) semaphore(%arg14 : memref<!tpu.dma_semaphore, #tpu.memory_space<semaphore_mem>>)
    %dma_wait3A_51 = arith.constant 2 : i32
    %dma_wait3A_52 = arith.constant 2 : i32
    %dma_wait3A_53 = arith.constant 0 : i32
    %dma_wait3A_54 = tpu.memref_slice %arg9[%dma_wait3A_52, %dma_wait3A_53] : memref<4x128xi32, #tpu.memory_space<vmem>> -> memref<1x128xi32, #tpu.memory_space<vmem>>
    %dma_wait3A_55 = tpu.memref_squeeze %dma_wait3A_54 : memref<1x128xi32, #tpu.memory_space<vmem>> -> memref<128xi32, #tpu.memory_space<vmem>>
    %dma_wait3A_56 = arith.constant 0 : i32
    %dma_wait3A_57 = tpu.memref_slice %arg8[%dma_wait3A_51, %dma_wait3A_56] : memref<4x128xi32, #tpu.memory_space<vmem>> -> memref<1x128xi32, #tpu.memory_space<vmem>>
    %dma_wait3A_58 = tpu.memref_squeeze %dma_wait3A_57 : memref<1x128xi32, #tpu.memory_space<vmem>> -> memref<128xi32, #tpu.memory_space<vmem>>
    %dma_wait3A_59 = arith.constant 0 : i32
    %dma_wait3A_60 = tpu.memref_slice %arg4[%dma_wait3A_59] : memref<1000000xi32, #tpu.memory_space<hbm>> -> memref<1000000xi32, #tpu.memory_space<hbm>>
    tpu.wait_indirect_dma semaphore(%arg14 : memref<!tpu.dma_semaphore, #tpu.memory_space<semaphore_mem>>) src(%dma_wait3A_60 : memref<1000000xi32, #tpu.memory_space<hbm>>) dst(%dma_wait3A_55 : memref<128xi32, #tpu.memory_space<vmem>>)
    %dma_start3A_61 = arith.constant 3 : i32
    %dma_start3A_62 = arith.constant 3 : i32
    %dma_start3A_63 = arith.constant 0 : i32
    %dma_start3A_64 = tpu.memref_slice %arg9[%dma_start3A_62, %dma_start3A_63] : memref<4x128xi32, #tpu.memory_space<vmem>> -> memref<1x128xi32, #tpu.memory_space<vmem>>
    %dma_start3A_65 = tpu.memref_squeeze %dma_start3A_64 : memref<1x128xi32, #tpu.memory_space<vmem>> -> memref<128xi32, #tpu.memory_space<vmem>>
    %dma_start3A_66 = arith.constant 0 : i32
    %dma_start3A_67 = tpu.memref_slice %arg8[%dma_start3A_61, %dma_start3A_66] : memref<4x128xi32, #tpu.memory_space<vmem>> -> memref<1x128xi32, #tpu.memory_space<vmem>>
    %dma_start3A_68 = tpu.memref_squeeze %dma_start3A_67 : memref<1x128xi32, #tpu.memory_space<vmem>> -> memref<128xi32, #tpu.memory_space<vmem>>
    %dma_start3A_69 = arith.constant 0 : i32
    %dma_start3A_70 = tpu.memref_slice %arg4[%dma_start3A_69] : memref<1000000xi32, #tpu.memory_space<hbm>> -> memref<1000000xi32, #tpu.memory_space<hbm>>
    tpu.enqueue_indirect_dma source(%dma_start3A_70 : memref<1000000xi32, #tpu.memory_space<hbm>>) target(%dma_start3A_65 : memref<128xi32, #tpu.memory_space<vmem>>) offsets(%dma_start3A_68 : memref<128xi32, #tpu.memory_space<vmem>>) semaphore(%arg14 : memref<!tpu.dma_semaphore, #tpu.memory_space<semaphore_mem>>)
    %dma_wait3A_71 = arith.constant 3 : i32
    %dma_wait3A_72 = arith.constant 3 : i32
    %dma_wait3A_73 = arith.constant 0 : i32
    %dma_wait3A_74 = tpu.memref_slice %arg9[%dma_wait3A_72, %dma_wait3A_73] : memref<4x128xi32, #tpu.memory_space<vmem>> -> memref<1x128xi32, #tpu.memory_space<vmem>>
    %dma_wait3A_75 = tpu.memref_squeeze %dma_wait3A_74 : memref<1x128xi32, #tpu.memory_space<vmem>> -> memref<128xi32, #tpu.memory_space<vmem>>
    %dma_wait3A_76 = arith.constant 0 : i32
    %dma_wait3A_77 = tpu.memref_slice %arg8[%dma_wait3A_71, %dma_wait3A_76] : memref<4x128xi32, #tpu.memory_space<vmem>> -> memref<1x128xi32, #tpu.memory_space<vmem>>
    %dma_wait3A_78 = tpu.memref_squeeze %dma_wait3A_77 : memref<1x128xi32, #tpu.memory_space<vmem>> -> memref<128xi32, #tpu.memory_space<vmem>>
    %dma_wait3A_79 = arith.constant 0 : i32
    %dma_wait3A_80 = tpu.memref_slice %arg4[%dma_wait3A_79] : memref<1000000xi32, #tpu.memory_space<hbm>> -> memref<1000000xi32, #tpu.memory_space<hbm>>
    tpu.wait_indirect_dma semaphore(%arg14 : memref<!tpu.dma_semaphore, #tpu.memory_space<semaphore_mem>>) src(%dma_wait3A_80 : memref<1000000xi32, #tpu.memory_space<hbm>>) dst(%dma_wait3A_75 : memref<128xi32, #tpu.memory_space<vmem>>)
    %iota3A = tpu.iota {dimensions = array<i32: 0>} : vector<16xi32>
    %get3A = arith.constant 0 : i32
    %get3A_81 = arith.index_cast %get3A : i32 to index
    %get3A_82 = arith.constant 0 : index
    %get3A_83 = tpu.vector_load %arg9[%get3A_81, %get3A_82] {strides = array<i32>} : memref<4x128xi32, #tpu.memory_space<vmem>>, vector<16xi32>,
    %mul3A_84 = arith.constant 4 : i32
    %mul3A_85 = vector.broadcast %mul3A_84 : i32 to vector<16xi32>
    %mul3A_86 = arith.muli %iota3A, %mul3A_85 : vector<16xi32>
    %add3A_87 = arith.constant 0 : i32
    %add3A_88 = vector.broadcast %add3A_87 : i32 to vector<16xi32>
    %add3A_89 = arith.addi %add3A_88, %mul3A_86 : vector<16xi32>
    %add3A_90 = arith.constant 0 : i32
    %add3A_91 = vector.broadcast %add3A_90 : i32 to vector<16xi32>
    %add3A_92 = arith.addi %add3A_89, %add3A_91 : vector<16xi32>
    %shift_right_arithmetic3A = arith.constant 7 : i32
    %shift_right_arithmetic3A_93 = vector.broadcast %shift_right_arithmetic3A : i32 to vector<16xi32>
    %shift_right_arithmetic3A_94 = arith.shrsi %add3A_92, %shift_right_arithmetic3A_93 : vector<16xi32>
    %and3A = arith.constant 127 : i32
    %and3A_95 = vector.broadcast %and3A : i32 to vector<16xi32>
    %and3A_96 = arith.andi %add3A_92, %and3A_95 : vector<16xi32>
    %add3A_97 = arith.constant 0 : i32
    %add3A_98 = vector.broadcast %add3A_97 : i32 to vector<16xi32>
    %add3A_99 = arith.addi %get3A_83, %add3A_98 : vector<16xi32>
    tpu.vector_store_idx %arg10[%shift_right_arithmetic3A_94, %and3A_96], %add3A_99 : memref<16x128xi32, #tpu.memory_space<vmem>>[vector<16xi32>, vector<16xi32>], vector<16xi32>,
    %add3A_100 = arith.constant 1 : i32
    %add3A_101 = vector.broadcast %add3A_100 : i32 to vector<16xi32>
    %add3A_102 = arith.addi %add3A_89, %add3A_101 : vector<16xi32>
    %shift_right_arithmetic3A_103 = arith.constant 7 : i32
    %shift_right_arithmetic3A_104 = vector.broadcast %shift_right_arithmetic3A_103 : i32 to vector<16xi32>
    %shift_right_arithmetic3A_105 = arith.shrsi %add3A_102, %shift_right_arithmetic3A_104 : vector<16xi32>
    %and3A_106 = arith.constant 127 : i32
    %and3A_107 = vector.broadcast %and3A_106 : i32 to vector<16xi32>
    %and3A_108 = arith.andi %add3A_102, %and3A_107 : vector<16xi32>
    %add3A_109 = arith.constant 1000000 : i32
    %add3A_110 = vector.broadcast %add3A_109 : i32 to vector<16xi32>
    %add3A_111 = arith.addi %get3A_83, %add3A_110 : vector<16xi32>
    tpu.vector_store_idx %arg10[%shift_right_arithmetic3A_105, %and3A_108], %add3A_111 : memref<16x128xi32, #tpu.memory_space<vmem>>[vector<16xi32>, vector<16xi32>], vector<16xi32>,
    %add3A_112 = arith.constant 2 : i32
    %add3A_113 = vector.broadcast %add3A_112 : i32 to vector<16xi32>
    %add3A_114 = arith.addi %add3A_89, %add3A_113 : vector<16xi32>
    %shift_right_arithmetic3A_115 = arith.constant 7 : i32
    %shift_right_arithmetic3A_116 = vector.broadcast %shift_right_arithmetic3A_115 : i32 to vector<16xi32>
    %shift_right_arithmetic3A_117 = arith.shrsi %add3A_114, %shift_right_arithmetic3A_116 : vector<16xi32>
    %and3A_118 = arith.constant 127 : i32
    %and3A_119 = vector.broadcast %and3A_118 : i32 to vector<16xi32>
    %and3A_120 = arith.andi %add3A_114, %and3A_119 : vector<16xi32>
    %add3A_121 = arith.constant 2000000 : i32
    %add3A_122 = vector.broadcast %add3A_121 : i32 to vector<16xi32>
    %add3A_123 = arith.addi %get3A_83, %add3A_122 : vector<16xi32>
    tpu.vector_store_idx %arg10[%shift_right_arithmetic3A_117, %and3A_120], %add3A_123 : memref<16x128xi32, #tpu.memory_space<vmem>>[vector<16xi32>, vector<16xi32>], vector<16xi32>,
    %add3A_124 = arith.constant 3 : i32
    %add3A_125 = vector.broadcast %add3A_124 : i32 to vector<16xi32>
    %add3A_126 = arith.addi %add3A_89, %add3A_125 : vector<16xi32>
    %shift_right_arithmetic3A_127 = arith.constant 7 : i32
    %shift_right_arithmetic3A_128 = vector.broadcast %shift_right_arithmetic3A_127 : i32 to vector<16xi32>
    %shift_right_arithmetic3A_129 = arith.shrsi %add3A_126, %shift_right_arithmetic3A_128 : vector<16xi32>
    %and3A_130 = arith.constant 127 : i32
    %and3A_131 = vector.broadcast %and3A_130 : i32 to vector<16xi32>
    %and3A_132 = arith.andi %add3A_126, %and3A_131 : vector<16xi32>
    %add3A_133 = arith.constant 3000000 : i32
    %add3A_134 = vector.broadcast %add3A_133 : i32 to vector<16xi32>
    %add3A_135 = arith.addi %get3A_83, %add3A_134 : vector<16xi32>
    tpu.vector_store_idx %arg10[%shift_right_arithmetic3A_129, %and3A_132], %add3A_135 : memref<16x128xi32, #tpu.memory_space<vmem>>[vector<16xi32>, vector<16xi32>], vector<16xi32>,
    %mul3A_136 = arith.constant 3 : i32
    %mul3A_137 = vector.broadcast %mul3A_136 : i32 to vector<16xi32>
    %mul3A_138 = arith.muli %iota3A, %mul3A_137 : vector<16xi32>
    %add3A_139 = arith.constant 0 : i32
    %add3A_140 = vector.broadcast %add3A_139 : i32 to vector<16xi32>
    %add3A_141 = arith.addi %add3A_140, %mul3A_138 : vector<16xi32>
    %add3A_142 = arith.constant 0 : i32
    %add3A_143 = vector.broadcast %add3A_142 : i32 to vector<16xi32>
    %add3A_144 = arith.addi %add3A_141, %add3A_143 : vector<16xi32>
    %shift_right_arithmetic3A_145 = arith.constant 7 : i32
    %shift_right_arithmetic3A_146 = vector.broadcast %shift_right_arithmetic3A_145 : i32 to vector<16xi32>
    %shift_right_arithmetic3A_147 = arith.shrsi %add3A_144, %shift_right_arithmetic3A_146 : vector<16xi32>
    %and3A_148 = arith.constant 127 : i32
    %and3A_149 = vector.broadcast %and3A_148 : i32 to vector<16xi32>
    %and3A_150 = arith.andi %add3A_144, %and3A_149 : vector<16xi32>
    %add3A_151 = arith.constant 0 : i32
    %add3A_152 = vector.broadcast %add3A_151 : i32 to vector<16xi32>
    %add3A_153 = arith.addi %get3A_83, %add3A_152 : vector<16xi32>
    tpu.vector_store_idx %arg11[%shift_right_arithmetic3A_147, %and3A_150], %add3A_153 : memref<12x128xi32, #tpu.memory_space<vmem>>[vector<16xi32>, vector<16xi32>], vector<16xi32>,
    %add3A_154 = arith.constant 1 : i32
    %add3A_155 = vector.broadcast %add3A_154 : i32 to vector<16xi32>
    %add3A_156 = arith.addi %add3A_141, %add3A_155 : vector<16xi32>
    %shift_right_arithmetic3A_157 = arith.constant 7 : i32
    %shift_right_arithmetic3A_158 = vector.broadcast %shift_right_arithmetic3A_157 : i32 to vector<16xi32>
    %shift_right_arithmetic3A_159 = arith.shrsi %add3A_156, %shift_right_arithmetic3A_158 : vector<16xi32>
    %and3A_160 = arith.constant 127 : i32
    %and3A_161 = vector.broadcast %and3A_160 : i32 to vector<16xi32>
    %and3A_162 = arith.andi %add3A_156, %and3A_161 : vector<16xi32>
    %add3A_163 = arith.constant 1000000 : i32
    %add3A_164 = vector.broadcast %add3A_163 : i32 to vector<16xi32>
    %add3A_165 = arith.addi %get3A_83, %add3A_164 : vector<16xi32>
    tpu.vector_store_idx %arg11[%shift_right_arithmetic3A_159, %and3A_162], %add3A_165 : memref<12x128xi32, #tpu.memory_space<vmem>>[vector<16xi32>, vector<16xi32>], vector<16xi32>,
    %add3A_166 = arith.constant 2 : i32
    %add3A_167 = vector.broadcast %add3A_166 : i32 to vector<16xi32>
    %add3A_168 = arith.addi %add3A_141, %add3A_167 : vector<16xi32>
    %shift_right_arithmetic3A_169 = arith.constant 7 : i32
    %shift_right_arithmetic3A_170 = vector.broadcast %shift_right_arithmetic3A_169 : i32 to vector<16xi32>
    %shift_right_arithmetic3A_171 = arith.shrsi %add3A_168, %shift_right_arithmetic3A_170 : vector<16xi32>
    %and3A_172 = arith.constant 127 : i32
    %and3A_173 = vector.broadcast %and3A_172 : i32 to vector<16xi32>
    %and3A_174 = arith.andi %add3A_168, %and3A_173 : vector<16xi32>
    %add3A_175 = arith.constant 2000000 : i32
    %add3A_176 = vector.broadcast %add3A_175 : i32 to vector<16xi32>
    %add3A_177 = arith.addi %get3A_83, %add3A_176 : vector<16xi32>
    tpu.vector_store_idx %arg11[%shift_right_arithmetic3A_171, %and3A_174], %add3A_177 : memref<12x128xi32, #tpu.memory_space<vmem>>[vector<16xi32>, vector<16xi32>], vector<16xi32>,
    %get3A_178 = arith.constant 0 : i32
    %get3A_179 = arith.index_cast %get3A_178 : i32 to index
    %get3A_180 = arith.constant 16 : index
    %get3A_181 = tpu.vector_load %arg9[%get3A_179, %get3A_180] {strides = array<i32>} : memref<4x128xi32, #tpu.memory_space<vmem>>, vector<16xi32>,
    %mul3A_182 = arith.constant 4 : i32
    %mul3A_183 = vector.broadcast %mul3A_182 : i32 to vector<16xi32>
    %mul3A_184 = arith.muli %iota3A, %mul3A_183 : vector<16xi32>
    %add3A_185 = arith.constant 64 : i32
    %add3A_186 = vector.broadcast %add3A_185 : i32 to vector<16xi32>
    %add3A_187 = arith.addi %add3A_186, %mul3A_184 : vector<16xi32>
    %add3A_188 = arith.constant 0 : i32
    %add3A_189 = vector.broadcast %add3A_188 : i32 to vector<16xi32>
    %add3A_190 = arith.addi %add3A_187, %add3A_189 : vector<16xi32>
    %shift_right_arithmetic3A_191 = arith.constant 7 : i32
    %shift_right_arithmetic3A_192 = vector.broadcast %shift_right_arithmetic3A_191 : i32 to vector<16xi32>
    %shift_right_arithmetic3A_193 = arith.shrsi %add3A_190, %shift_right_arithmetic3A_192 : vector<16xi32>
    %and3A_194 = arith.constant 127 : i32
    %and3A_195 = vector.broadcast %and3A_194 : i32 to vector<16xi32>
    %and3A_196 = arith.andi %add3A_190, %and3A_195 : vector<16xi32>
    %add3A_197 = arith.constant 0 : i32
    %add3A_198 = vector.broadcast %add3A_197 : i32 to vector<16xi32>
    %add3A_199 = arith.addi %get3A_181, %add3A_198 : vector<16xi32>
    tpu.vector_store_idx %arg10[%shift_right_arithmetic3A_193, %and3A_196], %add3A_199 : memref<16x128xi32, #tpu.memory_space<vmem>>[vector<16xi32>, vector<16xi32>], vector<16xi32>,
    %add3A_200 = arith.constant 1 : i32
    %add3A_201 = vector.broadcast %add3A_200 : i32 to vector<16xi32>
    %add3A_202 = arith.addi %add3A_187, %add3A_201 : vector<16xi32>
    %shift_right_arithmetic3A_203 = arith.constant 7 : i32
    %shift_right_arithmetic3A_204 = vector.broadcast %shift_right_arithmetic3A_203 : i32 to vector<16xi32>
    %shift_right_arithmetic3A_205 = arith.shrsi %add3A_202, %shift_right_arithmetic3A_204 : vector<16xi32>
    %and3A_206 = arith.constant 127 : i32
    %and3A_207 = vector.broadcast %and3A_206 : i32 to vector<16xi32>
    %and3A_208 = arith.andi %add3A_202, %and3A_207 : vector<16xi32>
    %add3A_209 = arith.constant 1000000 : i32
    %add3A_210 = vector.broadcast %add3A_209 : i32 to vector<16xi32>
    %add3A_211 = arith.addi %get3A_181, %add3A_210 : vector<16xi32>
    tpu.vector_store_idx %arg10[%shift_right_arithmetic3A_205, %and3A_208], %add3A_211 : memref<16x128xi32, #tpu.memory_space<vmem>>[vector<16xi32>, vector<16xi32>], vector<16xi32>,
    %add3A_212 = arith.constant 2 : i32
    %add3A_213 = vector.broadcast %add3A_212 : i32 to vector<16xi32>
    %add3A_214 = arith.addi %add3A_187, %add3A_213 : vector<16xi32>
    %shift_right_arithmetic3A_215 = arith.constant 7 : i32
    %shift_right_arithmetic3A_216 = vector.broadcast %shift_right_arithmetic3A_215 : i32 to vector<16xi32>
    %shift_right_arithmetic3A_217 = arith.shrsi %add3A_214, %shift_right_arithmetic3A_216 : vector<16xi32>
    %and3A_218 = arith.constant 127 : i32
    %and3A_219 = vector.broadcast %and3A_218 : i32 to vector<16xi32>
    %and3A_220 = arith.andi %add3A_214, %and3A_219 : vector<16xi32>
    %add3A_221 = arith.constant 2000000 : i32
    %add3A_222 = vector.broadcast %add3A_221 : i32 to vector<16xi32>
    %add3A_223 = arith.addi %get3A_181, %add3A_222 : vector<16xi32>
    tpu.vector_store_idx %arg10[%shift_right_arithmetic3A_217, %and3A_220], %add3A_223 : memref<16x128xi32, #tpu.memory_space<vmem>>[vector<16xi32>, vector<16xi32>], vector<16xi32>,
    %add3A_224 = arith.constant 3 : i32
    %add3A_225 = vector.broadcast %add3A_224 : i32 to vector<16xi32>
    %add3A_226 = arith.addi %add3A_187, %add3A_225 : vector<16xi32>
    %shift_right_arithmetic3A_227 = arith.constant 7 : i32
    %shift_right_arithmetic3A_228 = vector.broadcast %shift_right_arithmetic3A_227 : i32 to vector<16xi32>
    %shift_right_arithmetic3A_229 = arith.shrsi %add3A_226, %shift_right_arithmetic3A_228 : vector<16xi32>
    %and3A_230 = arith.constant 127 : i32
    %and3A_231 = vector.broadcast %and3A_230 : i32 to vector<16xi32>
    %and3A_232 = arith.andi %add3A_226, %and3A_231 : vector<16xi32>
    %add3A_233 = arith.constant 3000000 : i32
    %add3A_234 = vector.broadcast %add3A_233 : i32 to vector<16xi32>
    %add3A_235 = arith.addi %get3A_181, %add3A_234 : vector<16xi32>
    tpu.vector_store_idx %arg10[%shift_right_arithmetic3A_229, %and3A_232], %add3A_235 : memref<16x128xi32, #tpu.memory_space<vmem>>[vector<16xi32>, vector<16xi32>], vector<16xi32>,
    %mul3A_236 = arith.constant 3 : i32
    %mul3A_237 = vector.broadcast %mul3A_236 : i32 to vector<16xi32>
    %mul3A_238 = arith.muli %iota3A, %mul3A_237 : vector<16xi32>
    %add3A_239 = arith.constant 48 : i32
    %add3A_240 = vector.broadcast %add3A_239 : i32 to vector<16xi32>
    %add3A_241 = arith.addi %add3A_240, %mul3A_238 : vector<16xi32>
    %add3A_242 = arith.constant 0 : i32
    %add3A_243 = vector.broadcast %add3A_242 : i32 to vector<16xi32>
    %add3A_244 = arith.addi %add3A_241, %add3A_243 : vector<16xi32>
    %shift_right_arithmetic3A_245 = arith.constant 7 : i32
    %shift_right_arithmetic3A_246 = vector.broadcast %shift_right_arithmetic3A_245 : i32 to vector<16xi32>
    %shift_right_arithmetic3A_247 = arith.shrsi %add3A_244, %shift_right_arithmetic3A_246 : vector<16xi32>
    %and3A_248 = arith.constant 127 : i32
    %and3A_249 = vector.broadcast %and3A_248 : i32 to vector<16xi32>
    %and3A_250 = arith.andi %add3A_244, %and3A_249 : vector<16xi32>
    %add3A_251 = arith.constant 0 : i32
    %add3A_252 = vector.broadcast %add3A_251 : i32 to vector<16xi32>
    %add3A_253 = arith.addi %get3A_181, %add3A_252 : vector<16xi32>
    tpu.vector_store_idx %arg11[%shift_right_arithmetic3A_247, %and3A_250], %add3A_253 : memref<12x128xi32, #tpu.memory_space<vmem>>[vector<16xi32>, vector<16xi32>], vector<16xi32>,
    %add3A_254 = arith.constant 1 : i32
    %add3A_255 = vector.broadcast %add3A_254 : i32 to vector<16xi32>
    %add3A_256 = arith.addi %add3A_241, %add3A_255 : vector<16xi32>
    %shift_right_arithmetic3A_257 = arith.constant 7 : i32
    %shift_right_arithmetic3A_258 = vector.broadcast %shift_right_arithmetic3A_257 : i32 to vector<16xi32>
    %shift_right_arithmetic3A_259 = arith.shrsi %add3A_256, %shift_right_arithmetic3A_258 : vector<16xi32>
    %and3A_260 = arith.constant 127 : i32
    %and3A_261 = vector.broadcast %and3A_260 : i32 to vector<16xi32>
    %and3A_262 = arith.andi %add3A_256, %and3A_261 : vector<16xi32>
    %add3A_263 = arith.constant 1000000 : i32
    %add3A_264 = vector.broadcast %add3A_263 : i32 to vector<16xi32>
    %add3A_265 = arith.addi %get3A_181, %add3A_264 : vector<16xi32>
    tpu.vector_store_idx %arg11[%shift_right_arithmetic3A_259, %and3A_262], %add3A_265 : memref<12x128xi32, #tpu.memory_space<vmem>>[vector<16xi32>, vector<16xi32>], vector<16xi32>,
    %add3A_266 = arith.constant 2 : i32
    %add3A_267 = vector.broadcast %add3A_266 : i32 to vector<16xi32>
    %add3A_268 = arith.addi %add3A_241, %add3A_267 : vector<16xi32>
    %shift_right_arithmetic3A_269 = arith.constant 7 : i32
    %shift_right_arithmetic3A_270 = vector.broadcast %shift_right_arithmetic3A_269 : i32 to vector<16xi32>
    %shift_right_arithmetic3A_271 = arith.shrsi %add3A_268, %shift_right_arithmetic3A_270 : vector<16xi32>
    %and3A_272 = arith.constant 127 : i32
    %and3A_273 = vector.broadcast %and3A_272 : i32 to vector<16xi32>
    %and3A_274 = arith.andi %add3A_268, %and3A_273 : vector<16xi32>
    %add3A_275 = arith.constant 2000000 : i32
    %add3A_276 = vector.broadcast %add3A_275 : i32 to vector<16xi32>
    %add3A_277 = arith.addi %get3A_181, %add3A_276 : vector<16xi32>
    tpu.vector_store_idx %arg11[%shift_right_arithmetic3A_271, %and3A_274], %add3A_277 : memref<12x128xi32, #tpu.memory_space<vmem>>[vector<16xi32>, vector<16xi32>], vector<16xi32>,
    %get3A_278 = arith.constant 0 : i32
    %get3A_279 = arith.index_cast %get3A_278 : i32 to index
    %get3A_280 = arith.constant 32 : index
    %get3A_281 = tpu.vector_load %arg9[%get3A_279, %get3A_280] {strides = array<i32>} : memref<4x128xi32, #tpu.memory_space<vmem>>, vector<16xi32>,
    %mul3A_282 = arith.constant 4 : i32
    %mul3A_283 = vector.broadcast %mul3A_282 : i32 to vector<16xi32>
    %mul3A_284 = arith.muli %iota3A, %mul3A_283 : vector<16xi32>
    %add3A_285 = arith.constant 128 : i32
    %add3A_286 = vector.broadcast %add3A_285 : i32 to vector<16xi32>
    %add3A_287 = arith.addi %add3A_286, %mul3A_284 : vector<16xi32>
    %add3A_288 = arith.constant 0 : i32
    %add3A_289 = vector.broadcast %add3A_288 : i32 to vector<16xi32>
    %add3A_290 = arith.addi %add3A_287, %add3A_289 : vector<16xi32>
    %shift_right_arithmetic3A_291 = arith.constant 7 : i32
    %shift_right_arithmetic3A_292 = vector.broadcast %shift_right_arithmetic3A_291 : i32 to vector<16xi32>
    %shift_right_arithmetic3A_293 = arith.shrsi %add3A_290, %shift_right_arithmetic3A_292 : vector<16xi32>
    %and3A_294 = arith.constant 127 : i32
    %and3A_295 = vector.broadcast %and3A_294 : i32 to vector<16xi32>
    %and3A_296 = arith.andi %add3A_290, %and3A_295 : vector<16xi32>
    %add3A_297 = arith.constant 0 : i32
    %add3A_298 = vector.broadcast %add3A_297 : i32 to vector<16xi32>
    %add3A_299 = arith.addi %get3A_281, %add3A_298 : vector<16xi32>
    tpu.vector_store_idx %arg10[%shift_right_arithmetic3A_293, %and3A_296], %add3A_299 : memref<16x128xi32, #tpu.memory_space<vmem>>[vector<16xi32>, vector<16xi32>], vector<16xi32>,
    %add3A_300 = arith.constant 1 : i32
    %add3A_301 = vector.broadcast %add3A_300 : i32 to vector<16xi32>
    %add3A_302 = arith.addi %add3A_287, %add3A_301 : vector<16xi32>
    %shift_right_arithmetic3A_303 = arith.constant 7 : i32
    %shift_right_arithmetic3A_304 = vector.broadcast %shift_right_arithmetic3A_303 : i32 to vector<16xi32>
    %shift_right_arithmetic3A_305 = arith.shrsi %add3A_302, %shift_right_arithmetic3A_304 : vector<16xi32>
    %and3A_306 = arith.constant 127 : i32
    %and3A_307 = vector.broadcast %and3A_306 : i32 to vector<16xi32>
    %and3A_308 = arith.andi %add3A_302, %and3A_307 : vector<16xi32>
    %add3A_309 = arith.constant 1000000 : i32
    %add3A_310 = vector.broadcast %add3A_309 : i32 to vector<16xi32>
    %add3A_311 = arith.addi %get3A_281, %add3A_310 : vector<16xi32>
    tpu.vector_store_idx %arg10[%shift_right_arithmetic3A_305, %and3A_308], %add3A_311 : memref<16x128xi32, #tpu.memory_space<vmem>>[vector<16xi32>, vector<16xi32>], vector<16xi32>,
    %add3A_312 = arith.constant 2 : i32
    %add3A_313 = vector.broadcast %add3A_312 : i32 to vector<16xi32>
    %add3A_314 = arith.addi %add3A_287, %add3A_313 : vector<16xi32>
    %shift_right_arithmetic3A_315 = arith.constant 7 : i32
    %shift_right_arithmetic3A_316 = vector.broadcast %shift_right_arithmetic3A_315 : i32 to vector<16xi32>
    %shift_right_arithmetic3A_317 = arith.shrsi %add3A_314, %shift_right_arithmetic3A_316 : vector<16xi32>
    %and3A_318 = arith.constant 127 : i32
    %and3A_319 = vector.broadcast %and3A_318 : i32 to vector<16xi32>
    %and3A_320 = arith.andi %add3A_314, %and3A_319 : vector<16xi32>
    %add3A_321 = arith.constant 2000000 : i32
    %add3A_322 = vector.broadcast %add3A_321 : i32 to vector<16xi32>
    %add3A_323 = arith.addi %get3A_281, %add3A_322 : vector<16xi32>
    tpu.vector_store_idx %arg10[%shift_right_arithmetic3A_317, %and3A_320], %add3A_323 : memref<16x128xi32, #tpu.memory_space<vmem>>[vector<16xi32>, vector<16xi32>], vector<16xi32>,
    %add3A_324 = arith.constant 3 : i32
    %add3A_325 = vector.broadcast %add3A_324 : i32 to vector<16xi32>
    %add3A_326 = arith.addi %add3A_287, %add3A_325 : vector<16xi32>
    %shift_right_arithmetic3A_327 = arith.constant 7 : i32
    %shift_right_arithmetic3A_328 = vector.broadcast %shift_right_arithmetic3A_327 : i32 to vector<16xi32>
    %shift_right_arithmetic3A_329 = arith.shrsi %add3A_326, %shift_right_arithmetic3A_328 : vector<16xi32>
    %and3A_330 = arith.constant 127 : i32
    %and3A_331 = vector.broadcast %and3A_330 : i32 to vector<16xi32>
    %and3A_332 = arith.andi %add3A_326, %and3A_331 : vector<16xi32>
    %add3A_333 = arith.constant 3000000 : i32
    %add3A_334 = vector.broadcast %add3A_333 : i32 to vector<16xi32>
    %add3A_335 = arith.addi %get3A_281, %add3A_334 : vector<16xi32>
    tpu.vector_store_idx %arg10[%shift_right_arithmetic3A_329, %and3A_332], %add3A_335 : memref<16x128xi32, #tpu.memory_space<vmem>>[vector<16xi32>, vector<16xi32>], vector<16xi32>,
    %mul3A_336 = arith.constant 3 : i32
    %mul3A_337 = vector.broadcast %mul3A_336 : i32 to vector<16xi32>
    %mul3A_338 = arith.muli %iota3A, %mul3A_337 : vector<16xi32>
    %add3A_339 = arith.constant 96 : i32
    %add3A_340 = vector.broadcast %add3A_339 : i32 to vector<16xi32>
    %add3A_341 = arith.addi %add3A_340, %mul3A_338 : vector<16xi32>
    %add3A_342 = arith.constant 0 : i32
    %add3A_343 = vector.broadcast %add3A_342 : i32 to vector<16xi32>
    %add3A_344 = arith.addi %add3A_341, %add3A_343 : vector<16xi32>
    %shift_right_arithmetic3A_345 = arith.constant 7 : i32
    %shift_right_arithmetic3A_346 = vector.broadcast %shift_right_arithmetic3A_345 : i32 to vector<16xi32>
    %shift_right_arithmetic3A_347 = arith.shrsi %add3A_344, %shift_right_arithmetic3A_346 : vector<16xi32>
    %and3A_348 = arith.constant 127 : i32
    %and3A_349 = vector.broadcast %and3A_348 : i32 to vector<16xi32>
    %and3A_350 = arith.andi %add3A_344, %and3A_349 : vector<16xi32>
    %add3A_351 = arith.constant 0 : i32
    %add3A_352 = vector.broadcast %add3A_351 : i32 to vector<16xi32>
    %add3A_353 = arith.addi %get3A_281, %add3A_352 : vector<16xi32>
    tpu.vector_store_idx %arg11[%shift_right_arithmetic3A_347, %and3A_350], %add3A_353 : memref<12x128xi32, #tpu.memory_space<vmem>>[vector<16xi32>, vector<16xi32>], vector<16xi32>,
    %add3A_354 = arith.constant 1 : i32
    %add3A_355 = vector.broadcast %add3A_354 : i32 to vector<16xi32>
    %add3A_356 = arith.addi %add3A_341, %add3A_355 : vector<16xi32>
    %shift_right_arithmetic3A_357 = arith.constant 7 : i32
    %shift_right_arithmetic3A_358 = vector.broadcast %shift_right_arithmetic3A_357 : i32 to vector<16xi32>
    %shift_right_arithmetic3A_359 = arith.shrsi %add3A_356, %shift_right_arithmetic3A_358 : vector<16xi32>
    %and3A_360 = arith.constant 127 : i32
    %and3A_361 = vector.broadcast %and3A_360 : i32 to vector<16xi32>
    %and3A_362 = arith.andi %add3A_356, %and3A_361 : vector<16xi32>
    %add3A_363 = arith.constant 1000000 : i32
    %add3A_364 = vector.broadcast %add3A_363 : i32 to vector<16xi32>
    %add3A_365 = arith.addi %get3A_281, %add3A_364 : vector<16xi32>
    tpu.vector_store_idx %arg11[%shift_right_arithmetic3A_359, %and3A_362], %add3A_365 : memref<12x128xi32, #tpu.memory_space<vmem>>[vector<16xi32>, vector<16xi32>], vector<16xi32>,
    %add3A_366 = arith.constant 2 : i32
    %add3A_367 = vector.broadcast %add3A_366 : i32 to vector<16xi32>
    %add3A_368 = arith.addi %add3A_341, %add3A_367 : vector<16xi32>
    %shift_right_arithmetic3A_369 = arith.constant 7 : i32
    %shift_right_arithmetic3A_370 = vector.broadcast %shift_right_arithmetic3A_369 : i32 to vector<16xi32>
    %shift_right_arithmetic3A_371 = arith.shrsi %add3A_368, %shift_right_arithmetic3A_370 : vector<16xi32>
    %and3A_372 = arith.constant 127 : i32
    %and3A_373 = vector.broadcast %and3A_372 : i32 to vector<16xi32>
    %and3A_374 = arith.andi %add3A_368, %and3A_373 : vector<16xi32>
    %add3A_375 = arith.constant 2000000 : i32
    %add3A_376 = vector.broadcast %add3A_375 : i32 to vector<16xi32>
    %add3A_377 = arith.addi %get3A_281, %add3A_376 : vector<16xi32>
    tpu.vector_store_idx %arg11[%shift_right_arithmetic3A_371, %and3A_374], %add3A_377 : memref<12x128xi32, #tpu.memory_space<vmem>>[vector<16xi32>, vector<16xi32>], vector<16xi32>,
    %get3A_378 = arith.constant 0 : i32
    %get3A_379 = arith.index_cast %get3A_378 : i32 to index
    %get3A_380 = arith.constant 48 : index
    %get3A_381 = tpu.vector_load %arg9[%get3A_379, %get3A_380] {strides = array<i32>} : memref<4x128xi32, #tpu.memory_space<vmem>>, vector<16xi32>,
    %mul3A_382 = arith.constant 4 : i32
    %mul3A_383 = vector.broadcast %mul3A_382 : i32 to vector<16xi32>
    %mul3A_384 = arith.muli %iota3A, %mul3A_383 : vector<16xi32>
    %add3A_385 = arith.constant 192 : i32
    %add3A_386 = vector.broadcast %add3A_385 : i32 to vector<16xi32>
    %add3A_387 = arith.addi %add3A_386, %mul3A_384 : vector<16xi32>
    %add3A_388 = arith.constant 0 : i32
    %add3A_389 = vector.broadcast %add3A_388 : i32 to vector<16xi32>
    %add3A_390 = arith.addi %add3A_387, %add3A_389 : vector<16xi32>
    %shift_right_arithmetic3A_391 = arith.constant 7 : i32
    %shift_right_arithmetic3A_392 = vector.broadcast %shift_right_arithmetic3A_391 : i32 to vector<16xi32>
    %shift_right_arithmetic3A_393 = arith.shrsi %add3A_390, %shift_right_arithmetic3A_392 : vector<16xi32>
    %and3A_394 = arith.constant 127 : i32
    %and3A_395 = vector.broadcast %and3A_394 : i32 to vector<16xi32>
    %and3A_396 = arith.andi %add3A_390, %and3A_395 : vector<16xi32>
    %add3A_397 = arith.constant 0 : i32
    %add3A_398 = vector.broadcast %add3A_397 : i32 to vector<16xi32>
    %add3A_399 = arith.addi %get3A_381, %add3A_398 : vector<16xi32>
    tpu.vector_store_idx %arg10[%shift_right_arithmetic3A_393, %and3A_396], %add3A_399 : memref<16x128xi32, #tpu.memory_space<vmem>>[vector<16xi32>, vector<16xi32>], vector<16xi32>,
    %add3A_400 = arith.constant 1 : i32
    %add3A_401 = vector.broadcast %add3A_400 : i32 to vector<16xi32>
    %add3A_402 = arith.addi %add3A_387, %add3A_401 : vector<16xi32>
    %shift_right_arithmetic3A_403 = arith.constant 7 : i32
    %shift_right_arithmetic3A_404 = vector.broadcast %shift_right_arithmetic3A_403 : i32 to vector<16xi32>
    %shift_right_arithmetic3A_405 = arith.shrsi %add3A_402, %shift_right_arithmetic3A_404 : vector<16xi32>
    %and3A_406 = arith.constant 127 : i32
    %and3A_407 = vector.broadcast %and3A_406 : i32 to vector<16xi32>
    %and3A_408 = arith.andi %add3A_402, %and3A_407 : vector<16xi32>
    %add3A_409 = arith.constant 1000000 : i32
    %add3A_410 = vector.broadcast %add3A_409 : i32 to vector<16xi32>
    %add3A_411 = arith.addi %get3A_381, %add3A_410 : vector<16xi32>
    tpu.vector_store_idx %arg10[%shift_right_arithmetic3A_405, %and3A_408], %add3A_411 : memref<16x128xi32, #tpu.memory_space<vmem>>[vector<16xi32>, vector<16xi32>], vector<16xi32>,
    %add3A_412 = arith.constant 2 : i32
    %add3A_413 = vector.broadcast %add3A_412 : i32 to vector<16xi32>
    %add3A_414 = arith.addi %add3A_387, %add3A_413 : vector<16xi32>
    %shift_right_arithmetic3A_415 = arith.constant 7 : i32
    %shift_right_arithmetic3A_416 = vector.broadcast %shift_right_arithmetic3A_415 : i32 to vector<16xi32>
    %shift_right_arithmetic3A_417 = arith.shrsi %add3A_414, %shift_right_arithmetic3A_416 : vector<16xi32>
    %and3A_418 = arith.constant 127 : i32
    %and3A_419 = vector.broadcast %and3A_418 : i32 to vector<16xi32>
    %and3A_420 = arith.andi %add3A_414, %and3A_419 : vector<16xi32>
    %add3A_421 = arith.constant 2000000 : i32
    %add3A_422 = vector.broadcast %add3A_421 : i32 to vector<16xi32>
    %add3A_423 = arith.addi %get3A_381, %add3A_422 : vector<16xi32>
    tpu.vector_store_idx %arg10[%shift_right_arithmetic3A_417, %and3A_420], %add3A_423 : memref<16x128xi32, #tpu.memory_space<vmem>>[vector<16xi32>, vector<16xi32>], vector<16xi32>,
    %add3A_424 = arith.constant 3 : i32
    %add3A_425 = vector.broadcast %add3A_424 : i32 to vector<16xi32>
    %add3A_426 = arith.addi %add3A_387, %add3A_425 : vector<16xi32>
    %shift_right_arithmetic3A_427 = arith.constant 7 : i32
    %shift_right_arithmetic3A_428 = vector.broadcast %shift_right_arithmetic3A_427 : i32 to vector<16xi32>
    %shift_right_arithmetic3A_429 = arith.shrsi %add3A_426, %shift_right_arithmetic3A_428 : vector<16xi32>
    %and3A_430 = arith.constant 127 : i32
    %and3A_431 = vector.broadcast %and3A_430 : i32 to vector<16xi32>
    %and3A_432 = arith.andi %add3A_426, %and3A_431 : vector<16xi32>
    %add3A_433 = arith.constant 3000000 : i32
    %add3A_434 = vector.broadcast %add3A_433 : i32 to vector<16xi32>
    %add3A_435 = arith.addi %get3A_381, %add3A_434 : vector<16xi32>
    tpu.vector_store_idx %arg10[%shift_right_arithmetic3A_429, %and3A_432], %add3A_435 : memref<16x128xi32, #tpu.memory_space<vmem>>[vector<16xi32>, vector<16xi32>], vector<16xi32>,
    %mul3A_436 = arith.constant 3 : i32
    %mul3A_437 = vector.broadcast %mul3A_436 : i32 to vector<16xi32>
    %mul3A_438 = arith.muli %iota3A, %mul3A_437 : vector<16xi32>
    %add3A_439 = arith.constant 144 : i32
    %add3A_440 = vector.broadcast %add3A_439 : i32 to vector<16xi32>
    %add3A_441 = arith.addi %add3A_440, %mul3A_438 : vector<16xi32>
    %add3A_442 = arith.constant 0 : i32
    %add3A_443 = vector.broadcast %add3A_442 : i32 to vector<16xi32>
    %add3A_444 = arith.addi %add3A_441, %add3A_443 : vector<16xi32>
    %shift_right_arithmetic3A_445 = arith.constant 7 : i32
    %shift_right_arithmetic3A_446 = vector.broadcast %shift_right_arithmetic3A_445 : i32 to vector<16xi32>
    %shift_right_arithmetic3A_447 = arith.shrsi %add3A_444, %shift_right_arithmetic3A_446 : vector<16xi32>
    %and3A_448 = arith.constant 127 : i32
    %and3A_449 = vector.broadcast %and3A_448 : i32 to vector<16xi32>
    %and3A_450 = arith.andi %add3A_444, %and3A_449 : vector<16xi32>
    %add3A_451 = arith.constant 0 : i32
    %add3A_452 = vector.broadcast %add3A_451 : i32 to vector<16xi32>
    %add3A_453 = arith.addi %get3A_381, %add3A_452 : vector<16xi32>
    tpu.vector_store_idx %arg11[%shift_right_arithmetic3A_447, %and3A_450], %add3A_453 : memref<12x128xi32, #tpu.memory_space<vmem>>[vector<16xi32>, vector<16xi32>], vector<16xi32>,
    %add3A_454 = arith.constant 1 : i32
    %add3A_455 = vector.broadcast %add3A_454 : i32 to vector<16xi32>
    %add3A_456 = arith.addi %add3A_441, %add3A_455 : vector<16xi32>
    %shift_right_arithmetic3A_457 = arith.constant 7 : i32
    %shift_right_arithmetic3A_458 = vector.broadcast %shift_right_arithmetic3A_457 : i32 to vector<16xi32>
    %shift_right_arithmetic3A_459 = arith.shrsi %add3A_456, %shift_right_arithmetic3A_458 : vector<16xi32>
    %and3A_460 = arith.constant 127 : i32
    %and3A_461 = vector.broadcast %and3A_460 : i32 to vector<16xi32>
    %and3A_462 = arith.andi %add3A_456, %and3A_461 : vector<16xi32>
    %add3A_463 = arith.constant 1000000 : i32
    %add3A_464 = vector.broadcast %add3A_463 : i32 to vector<16xi32>
    %add3A_465 = arith.addi %get3A_381, %add3A_464 : vector<16xi32>
    tpu.vector_store_idx %arg11[%shift_right_arithmetic3A_459, %and3A_462], %add3A_465 : memref<12x128xi32, #tpu.memory_space<vmem>>[vector<16xi32>, vector<16xi32>], vector<16xi32>,
    %add3A_466 = arith.constant 2 : i32
    %add3A_467 = vector.broadcast %add3A_466 : i32 to vector<16xi32>
    %add3A_468 = arith.addi %add3A_441, %add3A_467 : vector<16xi32>
    %shift_right_arithmetic3A_469 = arith.constant 7 : i32
    %shift_right_arithmetic3A_470 = vector.broadcast %shift_right_arithmetic3A_469 : i32 to vector<16xi32>
    %shift_right_arithmetic3A_471 = arith.shrsi %add3A_468, %shift_right_arithmetic3A_470 : vector<16xi32>
    %and3A_472 = arith.constant 127 : i32
    %and3A_473 = vector.broadcast %and3A_472 : i32 to vector<16xi32>
    %and3A_474 = arith.andi %add3A_468, %and3A_473 : vector<16xi32>
    %add3A_475 = arith.constant 2000000 : i32
    %add3A_476 = vector.broadcast %add3A_475 : i32 to vector<16xi32>
    %add3A_477 = arith.addi %get3A_381, %add3A_476 : vector<16xi32>
    tpu.vector_store_idx %arg11[%shift_right_arithmetic3A_471, %and3A_474], %add3A_477 : memref<12x128xi32, #tpu.memory_space<vmem>>[vector<16xi32>, vector<16xi32>], vector<16xi32>,
    %get3A_478 = arith.constant 0 : i32
    %get3A_479 = arith.index_cast %get3A_478 : i32 to index
    %get3A_480 = arith.constant 64 : index
    %get3A_481 = tpu.vector_load %arg9[%get3A_479, %get3A_480] {strides = array<i32>} : memref<4x128xi32, #tpu.memory_space<vmem>>, vector<16xi32>,
    %mul3A_482 = arith.constant 4 : i32
    %mul3A_483 = vector.broadcast %mul3A_482 : i32 to vector<16xi32>
    %mul3A_484 = arith.muli %iota3A, %mul3A_483 : vector<16xi32>
    %add3A_485 = arith.constant 256 : i32
    %add3A_486 = vector.broadcast %add3A_485 : i32 to vector<16xi32>
    %add3A_487 = arith.addi %add3A_486, %mul3A_484 : vector<16xi32>
    %add3A_488 = arith.constant 0 : i32
    %add3A_489 = vector.broadcast %add3A_488 : i32 to vector<16xi32>
    %add3A_490 = arith.addi %add3A_487, %add3A_489 : vector<16xi32>
    %shift_right_arithmetic3A_491 = arith.constant 7 : i32
    %shift_right_arithmetic3A_492 = vector.broadcast %shift_right_arithmetic3A_491 : i32 to vector<16xi32>
    %shift_right_arithmetic3A_493 = arith.shrsi %add3A_490, %shift_right_arithmetic3A_492 : vector<16xi32>
    %and3A_494 = arith.constant 127 : i32
    %and3A_495 = vector.broadcast %and3A_494 : i32 to vector<16xi32>
    %and3A_496 = arith.andi %add3A_490, %and3A_495 : vector<16xi32>
    %add3A_497 = arith.constant 0 : i32
    %add3A_498 = vector.broadcast %add3A_497 : i32 to vector<16xi32>
    %add3A_499 = arith.addi %get3A_481, %add3A_498 : vector<16xi32>
    tpu.vector_store_idx %arg10[%shift_right_arithmetic3A_493, %and3A_496], %add3A_499 : memref<16x128xi32, #tpu.memory_space<vmem>>[vector<16xi32>, vector<16xi32>], vector<16xi32>,
    %add3A_500 = arith.constant 1 : i32
    %add3A_501 = vector.broadcast %add3A_500 : i32 to vector<16xi32>
    %add3A_502 = arith.addi %add3A_487, %add3A_501 : vector<16xi32>
    %shift_right_arithmetic3A_503 = arith.constant 7 : i32
    %shift_right_arithmetic3A_504 = vector.broadcast %shift_right_arithmetic3A_503 : i32 to vector<16xi32>
    %shift_right_arithmetic3A_505 = arith.shrsi %add3A_502, %shift_right_arithmetic3A_504 : vector<16xi32>
    %and3A_506 = arith.constant 127 : i32
    %and3A_507 = vector.broadcast %and3A_506 : i32 to vector<16xi32>
    %and3A_508 = arith.andi %add3A_502, %and3A_507 : vector<16xi32>
    %add3A_509 = arith.constant 1000000 : i32
    %add3A_510 = vector.broadcast %add3A_509 : i32 to vector<16xi32>
    %add3A_511 = arith.addi %get3A_481, %add3A_510 : vector<16xi32>
    tpu.vector_store_idx %arg10[%shift_right_arithmetic3A_505, %and3A_508], %add3A_511 : memref<16x128xi32, #tpu.memory_space<vmem>>[vector<16xi32>, vector<16xi32>], vector<16xi32>,
    %add3A_512 = arith.constant 2 : i32
    %add3A_513 = vector.broadcast %add3A_512 : i32 to vector<16xi32>
    %add3A_514 = arith.addi %add3A_487, %add3A_513 : vector<16xi32>
    %shift_right_arithmetic3A_515 = arith.constant 7 : i32
    %shift_right_arithmetic3A_516 = vector.broadcast %shift_right_arithmetic3A_515 : i32 to vector<16xi32>
    %shift_right_arithmetic3A_517 = arith.shrsi %add3A_514, %shift_right_arithmetic3A_516 : vector<16xi32>
    %and3A_518 = arith.constant 127 : i32
    %and3A_519 = vector.broadcast %and3A_518 : i32 to vector<16xi32>
    %and3A_520 = arith.andi %add3A_514, %and3A_519 : vector<16xi32>
    %add3A_521 = arith.constant 2000000 : i32
    %add3A_522 = vector.broadcast %add3A_521 : i32 to vector<16xi32>
    %add3A_523 = arith.addi %get3A_481, %add3A_522 : vector<16xi32>
    tpu.vector_store_idx %arg10[%shift_right_arithmetic3A_517, %and3A_520], %add3A_523 : memref<16x128xi32, #tpu.memory_space<vmem>>[vector<16xi32>, vector<16xi32>], vector<16xi32>,
    %add3A_524 = arith.constant 3 : i32
    %add3A_525 = vector.broadcast %add3A_524 : i32 to vector<16xi32>
    %add3A_526 = arith.addi %add3A_487, %add3A_525 : vector<16xi32>
    %shift_right_arithmetic3A_527 = arith.constant 7 : i32
    %shift_right_arithmetic3A_528 = vector.broadcast %shift_right_arithmetic3A_527 : i32 to vector<16xi32>
    %shift_right_arithmetic3A_529 = arith.shrsi %add3A_526, %shift_right_arithmetic3A_528 : vector<16xi32>
    %and3A_530 = arith.constant 127 : i32
    %and3A_531 = vector.broadcast %and3A_530 : i32 to vector<16xi32>
    %and3A_532 = arith.andi %add3A_526, %and3A_531 : vector<16xi32>
    %add3A_533 = arith.constant 3000000 : i32
    %add3A_534 = vector.broadcast %add3A_533 : i32 to vector<16xi32>
    %add3A_535 = arith.addi %get3A_481, %add3A_534 : vector<16xi32>
    tpu.vector_store_idx %arg10[%shift_right_arithmetic3A_529, %and3A_532], %add3A_535 : memref<16x128xi32, #tpu.memory_space<vmem>>[vector<16xi32>, vector<16xi32>], vector<16xi32>,
    %mul3A_536 = arith.constant 3 : i32
    %mul3A_537 = vector.broadcast %mul3A_536 : i32 to vector<16xi32>
    %mul3A_538 = arith.muli %iota3A, %mul3A_537 : vector<16xi32>
    %add3A_539 = arith.constant 192 : i32
    %add3A_540 = vector.broadcast %add3A_539 : i32 to vector<16xi32>
    %add3A_541 = arith.addi %add3A_540, %mul3A_538 : vector<16xi32>
    %add3A_542 = arith.constant 0 : i32
    %add3A_543 = vector.broadcast %add3A_542 : i32 to vector<16xi32>
    %add3A_544 = arith.addi %add3A_541, %add3A_543 : vector<16xi32>
    %shift_right_arithmetic3A_545 = arith.constant 7 : i32
    %shift_right_arithmetic3A_546 = vector.broadcast %shift_right_arithmetic3A_545 : i32 to vector<16xi32>
    %shift_right_arithmetic3A_547 = arith.shrsi %add3A_544, %shift_right_arithmetic3A_546 : vector<16xi32>
    %and3A_548 = arith.constant 127 : i32
    %and3A_549 = vector.broadcast %and3A_548 : i32 to vector<16xi32>
    %and3A_550 = arith.andi %add3A_544, %and3A_549 : vector<16xi32>
    %add3A_551 = arith.constant 0 : i32
    %add3A_552 = vector.broadcast %add3A_551 : i32 to vector<16xi32>
    %add3A_553 = arith.addi %get3A_481, %add3A_552 : vector<16xi32>
    tpu.vector_store_idx %arg11[%shift_right_arithmetic3A_547, %and3A_550], %add3A_553 : memref<12x128xi32, #tpu.memory_space<vmem>>[vector<16xi32>, vector<16xi32>], vector<16xi32>,
    %add3A_554 = arith.constant 1 : i32
    %add3A_555 = vector.broadcast %add3A_554 : i32 to vector<16xi32>
    %add3A_556 = arith.addi %add3A_541, %add3A_555 : vector<16xi32>
    %shift_right_arithmetic3A_557 = arith.constant 7 : i32
    %shift_right_arithmetic3A_558 = vector.broadcast %shift_right_arithmetic3A_557 : i32 to vector<16xi32>
    %shift_right_arithmetic3A_559 = arith.shrsi %add3A_556, %shift_right_arithmetic3A_558 : vector<16xi32>
    %and3A_560 = arith.constant 127 : i32
    %and3A_561 = vector.broadcast %and3A_560 : i32 to vector<16xi32>
    %and3A_562 = arith.andi %add3A_556, %and3A_561 : vector<16xi32>
    %add3A_563 = arith.constant 1000000 : i32
    %add3A_564 = vector.broadcast %add3A_563 : i32 to vector<16xi32>
    %add3A_565 = arith.addi %get3A_481, %add3A_564 : vector<16xi32>
    tpu.vector_store_idx %arg11[%shift_right_arithmetic3A_559, %and3A_562], %add3A_565 : memref<12x128xi32, #tpu.memory_space<vmem>>[vector<16xi32>, vector<16xi32>], vector<16xi32>,
    %add3A_566 = arith.constant 2 : i32
    %add3A_567 = vector.broadcast %add3A_566 : i32 to vector<16xi32>
    %add3A_568 = arith.addi %add3A_541, %add3A_567 : vector<16xi32>
    %shift_right_arithmetic3A_569 = arith.constant 7 : i32
    %shift_right_arithmetic3A_570 = vector.broadcast %shift_right_arithmetic3A_569 : i32 to vector<16xi32>
    %shift_right_arithmetic3A_571 = arith.shrsi %add3A_568, %shift_right_arithmetic3A_570 : vector<16xi32>
    %and3A_572 = arith.constant 127 : i32
    %and3A_573 = vector.broadcast %and3A_572 : i32 to vector<16xi32>
    %and3A_574 = arith.andi %add3A_568, %and3A_573 : vector<16xi32>
    %add3A_575 = arith.constant 2000000 : i32
    %add3A_576 = vector.broadcast %add3A_575 : i32 to vector<16xi32>
    %add3A_577 = arith.addi %get3A_481, %add3A_576 : vector<16xi32>
    tpu.vector_store_idx %arg11[%shift_right_arithmetic3A_571, %and3A_574], %add3A_577 : memref<12x128xi32, #tpu.memory_space<vmem>>[vector<16xi32>, vector<16xi32>], vector<16xi32>,
    %get3A_578 = arith.constant 0 : i32
    %get3A_579 = arith.index_cast %get3A_578 : i32 to index
    %get3A_580 = arith.constant 80 : index
    %get3A_581 = tpu.vector_load %arg9[%get3A_579, %get3A_580] {strides = array<i32>} : memref<4x128xi32, #tpu.memory_space<vmem>>, vector<16xi32>,
    %mul3A_582 = arith.constant 4 : i32
    %mul3A_583 = vector.broadcast %mul3A_582 : i32 to vector<16xi32>
    %mul3A_584 = arith.muli %iota3A, %mul3A_583 : vector<16xi32>
    %add3A_585 = arith.constant 320 : i32
    %add3A_586 = vector.broadcast %add3A_585 : i32 to vector<16xi32>
    %add3A_587 = arith.addi %add3A_586, %mul3A_584 : vector<16xi32>
    %add3A_588 = arith.constant 0 : i32
    %add3A_589 = vector.broadcast %add3A_588 : i32 to vector<16xi32>
    %add3A_590 = arith.addi %add3A_587, %add3A_589 : vector<16xi32>
    %shift_right_arithmetic3A_591 = arith.constant 7 : i32
    %shift_right_arithmetic3A_592 = vector.broadcast %shift_right_arithmetic3A_591 : i32 to vector<16xi32>
    %shift_right_arithmetic3A_593 = arith.shrsi %add3A_590, %shift_right_arithmetic3A_592 : vector<16xi32>
    %and3A_594 = arith.constant 127 : i32
    %and3A_595 = vector.broadcast %and3A_594 : i32 to vector<16xi32>
    %and3A_596 = arith.andi %add3A_590, %and3A_595 : vector<16xi32>
    %add3A_597 = arith.constant 0 : i32
    %add3A_598 = vector.broadcast %add3A_597 : i32 to vector<16xi32>
    %add3A_599 = arith.addi %get3A_581, %add3A_598 : vector<16xi32>
    tpu.vector_store_idx %arg10[%shift_right_arithmetic3A_593, %and3A_596], %add3A_599 : memref<16x128xi32, #tpu.memory_space<vmem>>[vector<16xi32>, vector<16xi32>], vector<16xi32>,
    %add3A_600 = arith.constant 1 : i32
    %add3A_601 = vector.broadcast %add3A_600 : i32 to vector<16xi32>
    %add3A_602 = arith.addi %add3A_587, %add3A_601 : vector<16xi32>
    %shift_right_arithmetic3A_603 = arith.constant 7 : i32
    %shift_right_arithmetic3A_604 = vector.broadcast %shift_right_arithmetic3A_603 : i32 to vector<16xi32>
    %shift_right_arithmetic3A_605 = arith.shrsi %add3A_602, %shift_right_arithmetic3A_604 : vector<16xi32>
    %and3A_606 = arith.constant 127 : i32
    %and3A_607 = vector.broadcast %and3A_606 : i32 to vector<16xi32>
    %and3A_608 = arith.andi %add3A_602, %and3A_607 : vector<16xi32>
    %add3A_609 = arith.constant 1000000 : i32
    %add3A_610 = vector.broadcast %add3A_609 : i32 to vector<16xi32>
    %add3A_611 = arith.addi %get3A_581, %add3A_610 : vector<16xi32>
    tpu.vector_store_idx %arg10[%shift_right_arithmetic3A_605, %and3A_608], %add3A_611 : memref<16x128xi32, #tpu.memory_space<vmem>>[vector<16xi32>, vector<16xi32>], vector<16xi32>,
    %add3A_612 = arith.constant 2 : i32
    %add3A_613 = vector.broadcast %add3A_612 : i32 to vector<16xi32>
    %add3A_614 = arith.addi %add3A_587, %add3A_613 : vector<16xi32>
    %shift_right_arithmetic3A_615 = arith.constant 7 : i32
    %shift_right_arithmetic3A_616 = vector.broadcast %shift_right_arithmetic3A_615 : i32 to vector<16xi32>
    %shift_right_arithmetic3A_617 = arith.shrsi %add3A_614, %shift_right_arithmetic3A_616 : vector<16xi32>
    %and3A_618 = arith.constant 127 : i32
    %and3A_619 = vector.broadcast %and3A_618 : i32 to vector<16xi32>
    %and3A_620 = arith.andi %add3A_614, %and3A_619 : vector<16xi32>
    %add3A_621 = arith.constant 2000000 : i32
    %add3A_622 = vector.broadcast %add3A_621 : i32 to vector<16xi32>
    %add3A_623 = arith.addi %get3A_581, %add3A_622 : vector<16xi32>
    tpu.vector_store_idx %arg10[%shift_right_arithmetic3A_617, %and3A_620], %add3A_623 : memref<16x128xi32, #tpu.memory_space<vmem>>[vector<16xi32>, vector<16xi32>], vector<16xi32>,
    %add3A_624 = arith.constant 3 : i32
    %add3A_625 = vector.broadcast %add3A_624 : i32 to vector<16xi32>
    %add3A_626 = arith.addi %add3A_587, %add3A_625 : vector<16xi32>
    %shift_right_arithmetic3A_627 = arith.constant 7 : i32
    %shift_right_arithmetic3A_628 = vector.broadcast %shift_right_arithmetic3A_627 : i32 to vector<16xi32>
    %shift_right_arithmetic3A_629 = arith.shrsi %add3A_626, %shift_right_arithmetic3A_628 : vector<16xi32>
    %and3A_630 = arith.constant 127 : i32
    %and3A_631 = vector.broadcast %and3A_630 : i32 to vector<16xi32>
    %and3A_632 = arith.andi %add3A_626, %and3A_631 : vector<16xi32>
    %add3A_633 = arith.constant 3000000 : i32
    %add3A_634 = vector.broadcast %add3A_633 : i32 to vector<16xi32>
    %add3A_635 = arith.addi %get3A_581, %add3A_634 : vector<16xi32>
    tpu.vector_store_idx %arg10[%shift_right_arithmetic3A_629, %and3A_632], %add3A_635 : memref<16x128xi32, #tpu.memory_space<vmem>>[vector<16xi32>, vector<16xi32>], vector<16xi32>,
    %mul3A_636 = arith.constant 3 : i32
    %mul3A_637 = vector.broadcast %mul3A_636 : i32 to vector<16xi32>
    %mul3A_638 = arith.muli %iota3A, %mul3A_637 : vector<16xi32>
    %add3A_639 = arith.constant 240 : i32
    %add3A_640 = vector.broadcast %add3A_639 : i32 to vector<16xi32>
    %add3A_641 = arith.addi %add3A_640, %mul3A_638 : vector<16xi32>
    %add3A_642 = arith.constant 0 : i32
    %add3A_643 = vector.broadcast %add3A_642 : i32 to vector<16xi32>
    %add3A_644 = arith.addi %add3A_641, %add3A_643 : vector<16xi32>
    %shift_right_arithmetic3A_645 = arith.constant 7 : i32
    %shift_right_arithmetic3A_646 = vector.broadcast %shift_right_arithmetic3A_645 : i32 to vector<16xi32>
    %shift_right_arithmetic3A_647 = arith.shrsi %add3A_644, %shift_right_arithmetic3A_646 : vector<16xi32>
    %and3A_648 = arith.constant 127 : i32
    %and3A_649 = vector.broadcast %and3A_648 : i32 to vector<16xi32>
    %and3A_650 = arith.andi %add3A_644, %and3A_649 : vector<16xi32>
    %add3A_651 = arith.constant 0 : i32
    %add3A_652 = vector.broadcast %add3A_651 : i32 to vector<16xi32>
    %add3A_653 = arith.addi %get3A_581, %add3A_652 : vector<16xi32>
    tpu.vector_store_idx %arg11[%shift_right_arithmetic3A_647, %and3A_650], %add3A_653 : memref<12x128xi32, #tpu.memory_space<vmem>>[vector<16xi32>, vector<16xi32>], vector<16xi32>,
    %add3A_654 = arith.constant 1 : i32
    %add3A_655 = vector.broadcast %add3A_654 : i32 to vector<16xi32>
    %add3A_656 = arith.addi %add3A_641, %add3A_655 : vector<16xi32>
    %shift_right_arithmetic3A_657 = arith.constant 7 : i32
    %shift_right_arithmetic3A_658 = vector.broadcast %shift_right_arithmetic3A_657 : i32 to vector<16xi32>
    %shift_right_arithmetic3A_659 = arith.shrsi %add3A_656, %shift_right_arithmetic3A_658 : vector<16xi32>
    %and3A_660 = arith.constant 127 : i32
    %and3A_661 = vector.broadcast %and3A_660 : i32 to vector<16xi32>
    %and3A_662 = arith.andi %add3A_656, %and3A_661 : vector<16xi32>
    %add3A_663 = arith.constant 1000000 : i32
    %add3A_664 = vector.broadcast %add3A_663 : i32 to vector<16xi32>
    %add3A_665 = arith.addi %get3A_581, %add3A_664 : vector<16xi32>
    tpu.vector_store_idx %arg11[%shift_right_arithmetic3A_659, %and3A_662], %add3A_665 : memref<12x128xi32, #tpu.memory_space<vmem>>[vector<16xi32>, vector<16xi32>], vector<16xi32>,
    %add3A_666 = arith.constant 2 : i32
    %add3A_667 = vector.broadcast %add3A_666 : i32 to vector<16xi32>
    %add3A_668 = arith.addi %add3A_641, %add3A_667 : vector<16xi32>
    %shift_right_arithmetic3A_669 = arith.constant 7 : i32
    %shift_right_arithmetic3A_670 = vector.broadcast %shift_right_arithmetic3A_669 : i32 to vector<16xi32>
    %shift_right_arithmetic3A_671 = arith.shrsi %add3A_668, %shift_right_arithmetic3A_670 : vector<16xi32>
    %and3A_672 = arith.constant 127 : i32
    %and3A_673 = vector.broadcast %and3A_672 : i32 to vector<16xi32>
    %and3A_674 = arith.andi %add3A_668, %and3A_673 : vector<16xi32>
    %add3A_675 = arith.constant 2000000 : i32
    %add3A_676 = vector.broadcast %add3A_675 : i32 to vector<16xi32>
    %add3A_677 = arith.addi %get3A_581, %add3A_676 : vector<16xi32>
    tpu.vector_store_idx %arg11[%shift_right_arithmetic3A_671, %and3A_674], %add3A_677 : memref<12x128xi32, #tpu.memory_space<vmem>>[vector<16xi32>, vector<16xi32>], vector<16xi32>,
    %get3A_678 = arith.constant 0 : i32
    %get3A_679 = arith.index_cast %get3A_678 : i32 to index
    %get3A_680 = arith.constant 96 : index
    %get3A_681 = tpu.vector_load %arg9[%get3A_679, %get3A_680] {strides = array<i32>} : memref<4x128xi32, #tpu.memory_space<vmem>>, vector<16xi32>,
    %mul3A_682 = arith.constant 4 : i32
    %mul3A_683 = vector.broadcast %mul3A_682 : i32 to vector<16xi32>
    %mul3A_684 = arith.muli %iota3A, %mul3A_683 : vector<16xi32>
    %add3A_685 = arith.constant 384 : i32
    %add3A_686 = vector.broadcast %add3A_685 : i32 to vector<16xi32>
    %add3A_687 = arith.addi %add3A_686, %mul3A_684 : vector<16xi32>
    %add3A_688 = arith.constant 0 : i32
    %add3A_689 = vector.broadcast %add3A_688 : i32 to vector<16xi32>
    %add3A_690 = arith.addi %add3A_687, %add3A_689 : vector<16xi32>
    %shift_right_arithmetic3A_691 = arith.constant 7 : i32
    %shift_right_arithmetic3A_692 = vector.broadcast %shift_right_arithmetic3A_691 : i32 to vector<16xi32>
    %shift_right_arithmetic3A_693 = arith.shrsi %add3A_690, %shift_right_arithmetic3A_692 : vector<16xi32>
    %and3A_694 = arith.constant 127 : i32
    %and3A_695 = vector.broadcast %and3A_694 : i32 to vector<16xi32>
    %and3A_696 = arith.andi %add3A_690, %and3A_695 : vector<16xi32>
    %add3A_697 = arith.constant 0 : i32
    %add3A_698 = vector.broadcast %add3A_697 : i32 to vector<16xi32>
    %add3A_699 = arith.addi %get3A_681, %add3A_698 : vector<16xi32>
    tpu.vector_store_idx %arg10[%shift_right_arithmetic3A_693, %and3A_696], %add3A_699 : memref<16x128xi32, #tpu.memory_space<vmem>>[vector<16xi32>, vector<16xi32>], vector<16xi32>,
    %add3A_700 = arith.constant 1 : i32
    %add3A_701 = vector.broadcast %add3A_700 : i32 to vector<16xi32>
    %add3A_702 = arith.addi %add3A_687, %add3A_701 : vector<16xi32>
    %shift_right_arithmetic3A_703 = arith.constant 7 : i32
    %shift_right_arithmetic3A_704 = vector.broadcast %shift_right_arithmetic3A_703 : i32 to vector<16xi32>
    %shift_right_arithmetic3A_705 = arith.shrsi %add3A_702, %shift_right_arithmetic3A_704 : vector<16xi32>
    %and3A_706 = arith.constant 127 : i32
    %and3A_707 = vector.broadcast %and3A_706 : i32 to vector<16xi32>
    %and3A_708 = arith.andi %add3A_702, %and3A_707 : vector<16xi32>
    %add3A_709 = arith.constant 1000000 : i32
    %add3A_710 = vector.broadcast %add3A_709 : i32 to vector<16xi32>
    %add3A_711 = arith.addi %get3A_681, %add3A_710 : vector<16xi32>
    tpu.vector_store_idx %arg10[%shift_right_arithmetic3A_705, %and3A_708], %add3A_711 : memref<16x128xi32, #tpu.memory_space<vmem>>[vector<16xi32>, vector<16xi32>], vector<16xi32>,
    %add3A_712 = arith.constant 2 : i32
    %add3A_713 = vector.broadcast %add3A_712 : i32 to vector<16xi32>
    %add3A_714 = arith.addi %add3A_687, %add3A_713 : vector<16xi32>
    %shift_right_arithmetic3A_715 = arith.constant 7 : i32
    %shift_right_arithmetic3A_716 = vector.broadcast %shift_right_arithmetic3A_715 : i32 to vector<16xi32>
    %shift_right_arithmetic3A_717 = arith.shrsi %add3A_714, %shift_right_arithmetic3A_716 : vector<16xi32>
    %and3A_718 = arith.constant 127 : i32
    %and3A_719 = vector.broadcast %and3A_718 : i32 to vector<16xi32>
    %and3A_720 = arith.andi %add3A_714, %and3A_719 : vector<16xi32>
    %add3A_721 = arith.constant 2000000 : i32
    %add3A_722 = vector.broadcast %add3A_721 : i32 to vector<16xi32>
    %add3A_723 = arith.addi %get3A_681, %add3A_722 : vector<16xi32>
    tpu.vector_store_idx %arg10[%shift_right_arithmetic3A_717, %and3A_720], %add3A_723 : memref<16x128xi32, #tpu.memory_space<vmem>>[vector<16xi32>, vector<16xi32>], vector<16xi32>,
    %add3A_724 = arith.constant 3 : i32
    %add3A_725 = vector.broadcast %add3A_724 : i32 to vector<16xi32>
    %add3A_726 = arith.addi %add3A_687, %add3A_725 : vector<16xi32>
    %shift_right_arithmetic3A_727 = arith.constant 7 : i32
    %shift_right_arithmetic3A_728 = vector.broadcast %shift_right_arithmetic3A_727 : i32 to vector<16xi32>
    %shift_right_arithmetic3A_729 = arith.shrsi %add3A_726, %shift_right_arithmetic3A_728 : vector<16xi32>
    %and3A_730 = arith.constant 127 : i32
    %and3A_731 = vector.broadcast %and3A_730 : i32 to vector<16xi32>
    %and3A_732 = arith.andi %add3A_726, %and3A_731 : vector<16xi32>
    %add3A_733 = arith.constant 3000000 : i32
    %add3A_734 = vector.broadcast %add3A_733 : i32 to vector<16xi32>
    %add3A_735 = arith.addi %get3A_681, %add3A_734 : vector<16xi32>
    tpu.vector_store_idx %arg10[%shift_right_arithmetic3A_729, %and3A_732], %add3A_735 : memref<16x128xi32, #tpu.memory_space<vmem>>[vector<16xi32>, vector<16xi32>], vector<16xi32>,
    %mul3A_736 = arith.constant 3 : i32
    %mul3A_737 = vector.broadcast %mul3A_736 : i32 to vector<16xi32>
    %mul3A_738 = arith.muli %iota3A, %mul3A_737 : vector<16xi32>
    %add3A_739 = arith.constant 288 : i32
    %add3A_740 = vector.broadcast %add3A_739 : i32 to vector<16xi32>
    %add3A_741 = arith.addi %add3A_740, %mul3A_738 : vector<16xi32>
    %add3A_742 = arith.constant 0 : i32
    %add3A_743 = vector.broadcast %add3A_742 : i32 to vector<16xi32>
    %add3A_744 = arith.addi %add3A_741, %add3A_743 : vector<16xi32>
    %shift_right_arithmetic3A_745 = arith.constant 7 : i32
    %shift_right_arithmetic3A_746 = vector.broadcast %shift_right_arithmetic3A_745 : i32 to vector<16xi32>
    %shift_right_arithmetic3A_747 = arith.shrsi %add3A_744, %shift_right_arithmetic3A_746 : vector<16xi32>
    %and3A_748 = arith.constant 127 : i32
    %and3A_749 = vector.broadcast %and3A_748 : i32 to vector<16xi32>
    %and3A_750 = arith.andi %add3A_744, %and3A_749 : vector<16xi32>
    %add3A_751 = arith.constant 0 : i32
    %add3A_752 = vector.broadcast %add3A_751 : i32 to vector<16xi32>
    %add3A_753 = arith.addi %get3A_681, %add3A_752 : vector<16xi32>
    tpu.vector_store_idx %arg11[%shift_right_arithmetic3A_747, %and3A_750], %add3A_753 : memref<12x128xi32, #tpu.memory_space<vmem>>[vector<16xi32>, vector<16xi32>], vector<16xi32>,
    %add3A_754 = arith.constant 1 : i32
    %add3A_755 = vector.broadcast %add3A_754 : i32 to vector<16xi32>
    %add3A_756 = arith.addi %add3A_741, %add3A_755 : vector<16xi32>
    %shift_right_arithmetic3A_757 = arith.constant 7 : i32
    %shift_right_arithmetic3A_758 = vector.broadcast %shift_right_arithmetic3A_757 : i32 to vector<16xi32>
    %shift_right_arithmetic3A_759 = arith.shrsi %add3A_756, %shift_right_arithmetic3A_758 : vector<16xi32>
    %and3A_760 = arith.constant 127 : i32
    %and3A_761 = vector.broadcast %and3A_760 : i32 to vector<16xi32>
    %and3A_762 = arith.andi %add3A_756, %and3A_761 : vector<16xi32>
    %add3A_763 = arith.constant 1000000 : i32
    %add3A_764 = vector.broadcast %add3A_763 : i32 to vector<16xi32>
    %add3A_765 = arith.addi %get3A_681, %add3A_764 : vector<16xi32>
    tpu.vector_store_idx %arg11[%shift_right_arithmetic3A_759, %and3A_762], %add3A_765 : memref<12x128xi32, #tpu.memory_space<vmem>>[vector<16xi32>, vector<16xi32>], vector<16xi32>,
    %add3A_766 = arith.constant 2 : i32
    %add3A_767 = vector.broadcast %add3A_766 : i32 to vector<16xi32>
    %add3A_768 = arith.addi %add3A_741, %add3A_767 : vector<16xi32>
    %shift_right_arithmetic3A_769 = arith.constant 7 : i32
    %shift_right_arithmetic3A_770 = vector.broadcast %shift_right_arithmetic3A_769 : i32 to vector<16xi32>
    %shift_right_arithmetic3A_771 = arith.shrsi %add3A_768, %shift_right_arithmetic3A_770 : vector<16xi32>
    %and3A_772 = arith.constant 127 : i32
    %and3A_773 = vector.broadcast %and3A_772 : i32 to vector<16xi32>
    %and3A_774 = arith.andi %add3A_768, %and3A_773 : vector<16xi32>
    %add3A_775 = arith.constant 2000000 : i32
    %add3A_776 = vector.broadcast %add3A_775 : i32 to vector<16xi32>
    %add3A_777 = arith.addi %get3A_681, %add3A_776 : vector<16xi32>
    tpu.vector_store_idx %arg11[%shift_right_arithmetic3A_771, %and3A_774], %add3A_777 : memref<12x128xi32, #tpu.memory_space<vmem>>[vector<16xi32>, vector<16xi32>], vector<16xi32>,
    %get3A_778 = arith.constant 0 : i32
    %get3A_779 = arith.index_cast %get3A_778 : i32 to index
    %get3A_780 = arith.constant 112 : index
    %get3A_781 = tpu.vector_load %arg9[%get3A_779, %get3A_780] {strides = array<i32>} : memref<4x128xi32, #tpu.memory_space<vmem>>, vector<16xi32>,
    %mul3A_782 = arith.constant 4 : i32
    %mul3A_783 = vector.broadcast %mul3A_782 : i32 to vector<16xi32>
    %mul3A_784 = arith.muli %iota3A, %mul3A_783 : vector<16xi32>
    %add3A_785 = arith.constant 448 : i32
    %add3A_786 = vector.broadcast %add3A_785 : i32 to vector<16xi32>
    %add3A_787 = arith.addi %add3A_786, %mul3A_784 : vector<16xi32>
    %add3A_788 = arith.constant 0 : i32
    %add3A_789 = vector.broadcast %add3A_788 : i32 to vector<16xi32>
    %add3A_790 = arith.addi %add3A_787, %add3A_789 : vector<16xi32>
    %shift_right_arithmetic3A_791 = arith.constant 7 : i32
    %shift_right_arithmetic3A_792 = vector.broadcast %shift_right_arithmetic3A_791 : i32 to vector<16xi32>
    %shift_right_arithmetic3A_793 = arith.shrsi %add3A_790, %shift_right_arithmetic3A_792 : vector<16xi32>
    %and3A_794 = arith.constant 127 : i32
    %and3A_795 = vector.broadcast %and3A_794 : i32 to vector<16xi32>
    %and3A_796 = arith.andi %add3A_790, %and3A_795 : vector<16xi32>
    %add3A_797 = arith.constant 0 : i32
    %add3A_798 = vector.broadcast %add3A_797 : i32 to vector<16xi32>
    %add3A_799 = arith.addi %get3A_781, %add3A_798 : vector<16xi32>
    tpu.vector_store_idx %arg10[%shift_right_arithmetic3A_793, %and3A_796], %add3A_799 : memref<16x128xi32, #tpu.memory_space<vmem>>[vector<16xi32>, vector<16xi32>], vector<16xi32>,
    %add3A_800 = arith.constant 1 : i32
    %add3A_801 = vector.broadcast %add3A_800 : i32 to vector<16xi32>
    %add3A_802 = arith.addi %add3A_787, %add3A_801 : vector<16xi32>
    %shift_right_arithmetic3A_803 = arith.constant 7 : i32
    %shift_right_arithmetic3A_804 = vector.broadcast %shift_right_arithmetic3A_803 : i32 to vector<16xi32>
    %shift_right_arithmetic3A_805 = arith.shrsi %add3A_802, %shift_right_arithmetic3A_804 : vector<16xi32>
    %and3A_806 = arith.constant 127 : i32
    %and3A_807 = vector.broadcast %and3A_806 : i32 to vector<16xi32>
    %and3A_808 = arith.andi %add3A_802, %and3A_807 : vector<16xi32>
    %add3A_809 = arith.constant 1000000 : i32
    %add3A_810 = vector.broadcast %add3A_809 : i32 to vector<16xi32>
    %add3A_811 = arith.addi %get3A_781, %add3A_810 : vector<16xi32>
    tpu.vector_store_idx %arg10[%shift_right_arithmetic3A_805, %and3A_808], %add3A_811 : memref<16x128xi32, #tpu.memory_space<vmem>>[vector<16xi32>, vector<16xi32>], vector<16xi32>,
    %add3A_812 = arith.constant 2 : i32
    %add3A_813 = vector.broadcast %add3A_812 : i32 to vector<16xi32>
    %add3A_814 = arith.addi %add3A_787, %add3A_813 : vector<16xi32>
    %shift_right_arithmetic3A_815 = arith.constant 7 : i32
    %shift_right_arithmetic3A_816 = vector.broadcast %shift_right_arithmetic3A_815 : i32 to vector<16xi32>
    %shift_right_arithmetic3A_817 = arith.shrsi %add3A_814, %shift_right_arithmetic3A_816 : vector<16xi32>
    %and3A_818 = arith.constant 127 : i32
    %and3A_819 = vector.broadcast %and3A_818 : i32 to vector<16xi32>
    %and3A_820 = arith.andi %add3A_814, %and3A_819 : vector<16xi32>
    %add3A_821 = arith.constant 2000000 : i32
    %add3A_822 = vector.broadcast %add3A_821 : i32 to vector<16xi32>
    %add3A_823 = arith.addi %get3A_781, %add3A_822 : vector<16xi32>
    tpu.vector_store_idx %arg10[%shift_right_arithmetic3A_817, %and3A_820], %add3A_823 : memref<16x128xi32, #tpu.memory_space<vmem>>[vector<16xi32>, vector<16xi32>], vector<16xi32>,
    %add3A_824 = arith.constant 3 : i32
    %add3A_825 = vector.broadcast %add3A_824 : i32 to vector<16xi32>
    %add3A_826 = arith.addi %add3A_787, %add3A_825 : vector<16xi32>
    %shift_right_arithmetic3A_827 = arith.constant 7 : i32
    %shift_right_arithmetic3A_828 = vector.broadcast %shift_right_arithmetic3A_827 : i32 to vector<16xi32>
    %shift_right_arithmetic3A_829 = arith.shrsi %add3A_826, %shift_right_arithmetic3A_828 : vector<16xi32>
    %and3A_830 = arith.constant 127 : i32
    %and3A_831 = vector.broadcast %and3A_830 : i32 to vector<16xi32>
    %and3A_832 = arith.andi %add3A_826, %and3A_831 : vector<16xi32>
    %add3A_833 = arith.constant 3000000 : i32
    %add3A_834 = vector.broadcast %add3A_833 : i32 to vector<16xi32>
    %add3A_835 = arith.addi %get3A_781, %add3A_834 : vector<16xi32>
    tpu.vector_store_idx %arg10[%shift_right_arithmetic3A_829, %and3A_832], %add3A_835 : memref<16x128xi32, #tpu.memory_space<vmem>>[vector<16xi32>, vector<16xi32>], vector<16xi32>,
    %mul3A_836 = arith.constant 3 : i32
    %mul3A_837 = vector.broadcast %mul3A_836 : i32 to vector<16xi32>
    %mul3A_838 = arith.muli %iota3A, %mul3A_837 : vector<16xi32>
    %add3A_839 = arith.constant 336 : i32
    %add3A_840 = vector.broadcast %add3A_839 : i32 to vector<16xi32>
    %add3A_841 = arith.addi %add3A_840, %mul3A_838 : vector<16xi32>
    %add3A_842 = arith.constant 0 : i32
    %add3A_843 = vector.broadcast %add3A_842 : i32 to vector<16xi32>
    %add3A_844 = arith.addi %add3A_841, %add3A_843 : vector<16xi32>
    %shift_right_arithmetic3A_845 = arith.constant 7 : i32
    %shift_right_arithmetic3A_846 = vector.broadcast %shift_right_arithmetic3A_845 : i32 to vector<16xi32>
    %shift_right_arithmetic3A_847 = arith.shrsi %add3A_844, %shift_right_arithmetic3A_846 : vector<16xi32>
    %and3A_848 = arith.constant 127 : i32
    %and3A_849 = vector.broadcast %and3A_848 : i32 to vector<16xi32>
    %and3A_850 = arith.andi %add3A_844, %and3A_849 : vector<16xi32>
    %add3A_851 = arith.constant 0 : i32
    %add3A_852 = vector.broadcast %add3A_851 : i32 to vector<16xi32>
    %add3A_853 = arith.addi %get3A_781, %add3A_852 : vector<16xi32>
    tpu.vector_store_idx %arg11[%shift_right_arithmetic3A_847, %and3A_850], %add3A_853 : memref<12x128xi32, #tpu.memory_space<vmem>>[vector<16xi32>, vector<16xi32>], vector<16xi32>,
    %add3A_854 = arith.constant 1 : i32
    %add3A_855 = vector.broadcast %add3A_854 : i32 to vector<16xi32>
    %add3A_856 = arith.addi %add3A_841, %add3A_855 : vector<16xi32>
    %shift_right_arithmetic3A_857 = arith.constant 7 : i32
    %shift_right_arithmetic3A_858 = vector.broadcast %shift_right_arithmetic3A_857 : i32 to vector<16xi32>
    %shift_right_arithmetic3A_859 = arith.shrsi %add3A_856, %shift_right_arithmetic3A_858 : vector<16xi32>
    %and3A_860 = arith.constant 127 : i32
    %and3A_861 = vector.broadcast %and3A_860 : i32 to vector<16xi32>
    %and3A_862 = arith.andi %add3A_856, %and3A_861 : vector<16xi32>
    %add3A_863 = arith.constant 1000000 : i32
    %add3A_864 = vector.broadcast %add3A_863 : i32 to vector<16xi32>
    %add3A_865 = arith.addi %get3A_781, %add3A_864 : vector<16xi32>
    tpu.vector_store_idx %arg11[%shift_right_arithmetic3A_859, %and3A_862], %add3A_865 : memref<12x128xi32, #tpu.memory_space<vmem>>[vector<16xi32>, vector<16xi32>], vector<16xi32>,
    %add3A_866 = arith.constant 2 : i32
    %add3A_867 = vector.broadcast %add3A_866 : i32 to vector<16xi32>
    %add3A_868 = arith.addi %add3A_841, %add3A_867 : vector<16xi32>
    %shift_right_arithmetic3A_869 = arith.constant 7 : i32
    %shift_right_arithmetic3A_870 = vector.broadcast %shift_right_arithmetic3A_869 : i32 to vector<16xi32>
    %shift_right_arithmetic3A_871 = arith.shrsi %add3A_868, %shift_right_arithmetic3A_870 : vector<16xi32>
    %and3A_872 = arith.constant 127 : i32
    %and3A_873 = vector.broadcast %and3A_872 : i32 to vector<16xi32>
    %and3A_874 = arith.andi %add3A_868, %and3A_873 : vector<16xi32>
    %add3A_875 = arith.constant 2000000 : i32
    %add3A_876 = vector.broadcast %add3A_875 : i32 to vector<16xi32>
    %add3A_877 = arith.addi %get3A_781, %add3A_876 : vector<16xi32>
    tpu.vector_store_idx %arg11[%shift_right_arithmetic3A_871, %and3A_874], %add3A_877 : memref<12x128xi32, #tpu.memory_space<vmem>>[vector<16xi32>, vector<16xi32>], vector<16xi32>,
    %get3A_878 = arith.constant 1 : i32
    %get3A_879 = arith.index_cast %get3A_878 : i32 to index
    %get3A_880 = arith.constant 0 : index
    %get3A_881 = tpu.vector_load %arg9[%get3A_879, %get3A_880] {strides = array<i32>} : memref<4x128xi32, #tpu.memory_space<vmem>>, vector<16xi32>,
    %mul3A_882 = arith.constant 4 : i32
    %mul3A_883 = vector.broadcast %mul3A_882 : i32 to vector<16xi32>
    %mul3A_884 = arith.muli %iota3A, %mul3A_883 : vector<16xi32>
    %add3A_885 = arith.constant 512 : i32
    %add3A_886 = vector.broadcast %add3A_885 : i32 to vector<16xi32>
    %add3A_887 = arith.addi %add3A_886, %mul3A_884 : vector<16xi32>
    %add3A_888 = arith.constant 0 : i32
    %add3A_889 = vector.broadcast %add3A_888 : i32 to vector<16xi32>
    %add3A_890 = arith.addi %add3A_887, %add3A_889 : vector<16xi32>
    %shift_right_arithmetic3A_891 = arith.constant 7 : i32
    %shift_right_arithmetic3A_892 = vector.broadcast %shift_right_arithmetic3A_891 : i32 to vector<16xi32>
    %shift_right_arithmetic3A_893 = arith.shrsi %add3A_890, %shift_right_arithmetic3A_892 : vector<16xi32>
    %and3A_894 = arith.constant 127 : i32
    %and3A_895 = vector.broadcast %and3A_894 : i32 to vector<16xi32>
    %and3A_896 = arith.andi %add3A_890, %and3A_895 : vector<16xi32>
    %add3A_897 = arith.constant 0 : i32
    %add3A_898 = vector.broadcast %add3A_897 : i32 to vector<16xi32>
    %add3A_899 = arith.addi %get3A_881, %add3A_898 : vector<16xi32>
    tpu.vector_store_idx %arg10[%shift_right_arithmetic3A_893, %and3A_896], %add3A_899 : memref<16x128xi32, #tpu.memory_space<vmem>>[vector<16xi32>, vector<16xi32>], vector<16xi32>,
    %add3A_900 = arith.constant 1 : i32
    %add3A_901 = vector.broadcast %add3A_900 : i32 to vector<16xi32>
    %add3A_902 = arith.addi %add3A_887, %add3A_901 : vector<16xi32>
    %shift_right_arithmetic3A_903 = arith.constant 7 : i32
    %shift_right_arithmetic3A_904 = vector.broadcast %shift_right_arithmetic3A_903 : i32 to vector<16xi32>
    %shift_right_arithmetic3A_905 = arith.shrsi %add3A_902, %shift_right_arithmetic3A_904 : vector<16xi32>
    %and3A_906 = arith.constant 127 : i32
    %and3A_907 = vector.broadcast %and3A_906 : i32 to vector<16xi32>
    %and3A_908 = arith.andi %add3A_902, %and3A_907 : vector<16xi32>
    %add3A_909 = arith.constant 1000000 : i32
    %add3A_910 = vector.broadcast %add3A_909 : i32 to vector<16xi32>
    %add3A_911 = arith.addi %get3A_881, %add3A_910 : vector<16xi32>
    tpu.vector_store_idx %arg10[%shift_right_arithmetic3A_905, %and3A_908], %add3A_911 : memref<16x128xi32, #tpu.memory_space<vmem>>[vector<16xi32>, vector<16xi32>], vector<16xi32>,
    %add3A_912 = arith.constant 2 : i32
    %add3A_913 = vector.broadcast %add3A_912 : i32 to vector<16xi32>
    %add3A_914 = arith.addi %add3A_887, %add3A_913 : vector<16xi32>
    %shift_right_arithmetic3A_915 = arith.constant 7 : i32
    %shift_right_arithmetic3A_916 = vector.broadcast %shift_right_arithmetic3A_915 : i32 to vector<16xi32>
    %shift_right_arithmetic3A_917 = arith.shrsi %add3A_914, %shift_right_arithmetic3A_916 : vector<16xi32>
    %and3A_918 = arith.constant 127 : i32
    %and3A_919 = vector.broadcast %and3A_918 : i32 to vector<16xi32>
    %and3A_920 = arith.andi %add3A_914, %and3A_919 : vector<16xi32>
    %add3A_921 = arith.constant 2000000 : i32
    %add3A_922 = vector.broadcast %add3A_921 : i32 to vector<16xi32>
    %add3A_923 = arith.addi %get3A_881, %add3A_922 : vector<16xi32>
    tpu.vector_store_idx %arg10[%shift_right_arithmetic3A_917, %and3A_920], %add3A_923 : memref<16x128xi32, #tpu.memory_space<vmem>>[vector<16xi32>, vector<16xi32>], vector<16xi32>,
    %add3A_924 = arith.constant 3 : i32
    %add3A_925 = vector.broadcast %add3A_924 : i32 to vector<16xi32>
    %add3A_926 = arith.addi %add3A_887, %add3A_925 : vector<16xi32>
    %shift_right_arithmetic3A_927 = arith.constant 7 : i32
    %shift_right_arithmetic3A_928 = vector.broadcast %shift_right_arithmetic3A_927 : i32 to vector<16xi32>
    %shift_right_arithmetic3A_929 = arith.shrsi %add3A_926, %shift_right_arithmetic3A_928 : vector<16xi32>
    %and3A_930 = arith.constant 127 : i32
    %and3A_931 = vector.broadcast %and3A_930 : i32 to vector<16xi32>
    %and3A_932 = arith.andi %add3A_926, %and3A_931 : vector<16xi32>
    %add3A_933 = arith.constant 3000000 : i32
    %add3A_934 = vector.broadcast %add3A_933 : i32 to vector<16xi32>
    %add3A_935 = arith.addi %get3A_881, %add3A_934 : vector<16xi32>
    tpu.vector_store_idx %arg10[%shift_right_arithmetic3A_929, %and3A_932], %add3A_935 : memref<16x128xi32, #tpu.memory_space<vmem>>[vector<16xi32>, vector<16xi32>], vector<16xi32>,
    %mul3A_936 = arith.constant 3 : i32
    %mul3A_937 = vector.broadcast %mul3A_936 : i32 to vector<16xi32>
    %mul3A_938 = arith.muli %iota3A, %mul3A_937 : vector<16xi32>
    %add3A_939 = arith.constant 384 : i32
    %add3A_940 = vector.broadcast %add3A_939 : i32 to vector<16xi32>
    %add3A_941 = arith.addi %add3A_940, %mul3A_938 : vector<16xi32>
    %add3A_942 = arith.constant 0 : i32
    %add3A_943 = vector.broadcast %add3A_942 : i32 to vector<16xi32>
    %add3A_944 = arith.addi %add3A_941, %add3A_943 : vector<16xi32>
    %shift_right_arithmetic3A_945 = arith.constant 7 : i32
    %shift_right_arithmetic3A_946 = vector.broadcast %shift_right_arithmetic3A_945 : i32 to vector<16xi32>
    %shift_right_arithmetic3A_947 = arith.shrsi %add3A_944, %shift_right_arithmetic3A_946 : vector<16xi32>
    %and3A_948 = arith.constant 127 : i32
    %and3A_949 = vector.broadcast %and3A_948 : i32 to vector<16xi32>
    %and3A_950 = arith.andi %add3A_944, %and3A_949 : vector<16xi32>
    %add3A_951 = arith.constant 0 : i32
    %add3A_952 = vector.broadcast %add3A_951 : i32 to vector<16xi32>
    %add3A_953 = arith.addi %get3A_881, %add3A_952 : vector<16xi32>
    tpu.vector_store_idx %arg11[%shift_right_arithmetic3A_947, %and3A_950], %add3A_953 : memref<12x128xi32, #tpu.memory_space<vmem>>[vector<16xi32>, vector<16xi32>], vector<16xi32>,
    %add3A_954 = arith.constant 1 : i32
    %add3A_955 = vector.broadcast %add3A_954 : i32 to vector<16xi32>
    %add3A_956 = arith.addi %add3A_941, %add3A_955 : vector<16xi32>
    %shift_right_arithmetic3A_957 = arith.constant 7 : i32
    %shift_right_arithmetic3A_958 = vector.broadcast %shift_right_arithmetic3A_957 : i32 to vector<16xi32>
    %shift_right_arithmetic3A_959 = arith.shrsi %add3A_956, %shift_right_arithmetic3A_958 : vector<16xi32>
    %and3A_960 = arith.constant 127 : i32
    %and3A_961 = vector.broadcast %and3A_960 : i32 to vector<16xi32>
    %and3A_962 = arith.andi %add3A_956, %and3A_961 : vector<16xi32>
    %add3A_963 = arith.constant 1000000 : i32
    %add3A_964 = vector.broadcast %add3A_963 : i32 to vector<16xi32>
    %add3A_965 = arith.addi %get3A_881, %add3A_964 : vector<16xi32>
    tpu.vector_store_idx %arg11[%shift_right_arithmetic3A_959, %and3A_962], %add3A_965 : memref<12x128xi32, #tpu.memory_space<vmem>>[vector<16xi32>, vector<16xi32>], vector<16xi32>,
    %add3A_966 = arith.constant 2 : i32
    %add3A_967 = vector.broadcast %add3A_966 : i32 to vector<16xi32>
    %add3A_968 = arith.addi %add3A_941, %add3A_967 : vector<16xi32>
    %shift_right_arithmetic3A_969 = arith.constant 7 : i32
    %shift_right_arithmetic3A_970 = vector.broadcast %shift_right_arithmetic3A_969 : i32 to vector<16xi32>
    %shift_right_arithmetic3A_971 = arith.shrsi %add3A_968, %shift_right_arithmetic3A_970 : vector<16xi32>
    %and3A_972 = arith.constant 127 : i32
    %and3A_973 = vector.broadcast %and3A_972 : i32 to vector<16xi32>
    %and3A_974 = arith.andi %add3A_968, %and3A_973 : vector<16xi32>
    %add3A_975 = arith.constant 2000000 : i32
    %add3A_976 = vector.broadcast %add3A_975 : i32 to vector<16xi32>
    %add3A_977 = arith.addi %get3A_881, %add3A_976 : vector<16xi32>
    tpu.vector_store_idx %arg11[%shift_right_arithmetic3A_971, %and3A_974], %add3A_977 : memref<12x128xi32, #tpu.memory_space<vmem>>[vector<16xi32>, vector<16xi32>], vector<16xi32>,
    %get3A_978 = arith.constant 1 : i32
    %get3A_979 = arith.index_cast %get3A_978 : i32 to index
    %get3A_980 = arith.constant 16 : index
    %get3A_981 = tpu.vector_load %arg9[%get3A_979, %get3A_980] {strides = array<i32>} : memref<4x128xi32, #tpu.memory_space<vmem>>, vector<16xi32>,
    %mul3A_982 = arith.constant 4 : i32
    %mul3A_983 = vector.broadcast %mul3A_982 : i32 to vector<16xi32>
    %mul3A_984 = arith.muli %iota3A, %mul3A_983 : vector<16xi32>
    %add3A_985 = arith.constant 576 : i32
    %add3A_986 = vector.broadcast %add3A_985 : i32 to vector<16xi32>
    %add3A_987 = arith.addi %add3A_986, %mul3A_984 : vector<16xi32>
    %add3A_988 = arith.constant 0 : i32
    %add3A_989 = vector.broadcast %add3A_988 : i32 to vector<16xi32>
    %add3A_990 = arith.addi %add3A_987, %add3A_989 : vector<16xi32>
    %shift_right_arithmetic3A_991 = arith.constant 7 : i32
    %shift_right_arithmetic3A_992 = vector.broadcast %shift_right_arithmetic3A_991 : i32 to vector<16xi32>
    %shift_right_arithmetic3A_993 = arith.shrsi %add3A_990, %shift_right_arithmetic3A_992 : vector<16xi32>
    %and3A_994 = arith.constant 127 : i32
    %and3A_995 = vector.broadcast %and3A_994 : i32 to vector<16xi32>
    %and3A_996 = arith.andi %add3A_990, %and3A_995 : vector<16xi32>
    %add3A_997 = arith.constant 0 : i32
    %add3A_998 = vector.broadcast %add3A_997 : i32 to vector<16xi32>
    %add3A_999 = arith.addi %get3A_981, %add3A_998 : vector<16xi32>
    tpu.vector_store_idx %arg10[%shift_right_arithmetic3A_993, %and3A_996], %add3A_999 : memref<16x128xi32, #tpu.memory_space<vmem>>[vector<16xi32>, vector<16xi32>], vector<16xi32>,
    %add3A_1000 = arith.constant 1 : i32
    %add3A_1001 = vector.broadcast %add3A_1000 : i32 to vector<16xi32>
    %add3A_1002 = arith.addi %add3A_987, %add3A_1001 : vector<16xi32>
    %shift_right_arithmetic3A_1003 = arith.constant 7 : i32
    %shift_right_arithmetic3A_1004 = vector.broadcast %shift_right_arithmetic3A_1003 : i32 to vector<16xi32>
    %shift_right_arithmetic3A_1005 = arith.shrsi %add3A_1002, %shift_right_arithmetic3A_1004 : vector<16xi32>
    %and3A_1006 = arith.constant 127 : i32
    %and3A_1007 = vector.broadcast %and3A_1006 : i32 to vector<16xi32>
    %and3A_1008 = arith.andi %add3A_1002, %and3A_1007 : vector<16xi32>
    %add3A_1009 = arith.constant 1000000 : i32
    %add3A_1010 = vector.broadcast %add3A_1009 : i32 to vector<16xi32>
    %add3A_1011 = arith.addi %get3A_981, %add3A_1010 : vector<16xi32>
    tpu.vector_store_idx %arg10[%shift_right_arithmetic3A_1005, %and3A_1008], %add3A_1011 : memref<16x128xi32, #tpu.memory_space<vmem>>[vector<16xi32>, vector<16xi32>], vector<16xi32>,
    %add3A_1012 = arith.constant 2 : i32
    %add3A_1013 = vector.broadcast %add3A_1012 : i32 to vector<16xi32>
    %add3A_1014 = arith.addi %add3A_987, %add3A_1013 : vector<16xi32>
    %shift_right_arithmetic3A_1015 = arith.constant 7 : i32
    %shift_right_arithmetic3A_1016 = vector.broadcast %shift_right_arithmetic3A_1015 : i32 to vector<16xi32>
    %shift_right_arithmetic3A_1017 = arith.shrsi %add3A_1014, %shift_right_arithmetic3A_1016 : vector<16xi32>
    %and3A_1018 = arith.constant 127 : i32
    %and3A_1019 = vector.broadcast %and3A_1018 : i32 to vector<16xi32>
    %and3A_1020 = arith.andi %add3A_1014, %and3A_1019 : vector<16xi32>
    %add3A_1021 = arith.constant 2000000 : i32
    %add3A_1022 = vector.broadcast %add3A_1021 : i32 to vector<16xi32>
    %add3A_1023 = arith.addi %get3A_981, %add3A_1022 : vector<16xi32>
    tpu.vector_store_idx %arg10[%shift_right_arithmetic3A_1017, %and3A_1020], %add3A_1023 : memref<16x128xi32, #tpu.memory_space<vmem>>[vector<16xi32>, vector<16xi32>], vector<16xi32>,
    %add3A_1024 = arith.constant 3 : i32
    %add3A_1025 = vector.broadcast %add3A_1024 : i32 to vector<16xi32>
    %add3A_1026 = arith.addi %add3A_987, %add3A_1025 : vector<16xi32>
    %shift_right_arithmetic3A_1027 = arith.constant 7 : i32
    %shift_right_arithmetic3A_1028 = vector.broadcast %shift_right_arithmetic3A_1027 : i32 to vector<16xi32>
    %shift_right_arithmetic3A_1029 = arith.shrsi %add3A_1026, %shift_right_arithmetic3A_1028 : vector<16xi32>
    %and3A_1030 = arith.constant 127 : i32
    %and3A_1031 = vector.broadcast %and3A_1030 : i32 to vector<16xi32>
    %and3A_1032 = arith.andi %add3A_1026, %and3A_1031 : vector<16xi32>
    %add3A_1033 = arith.constant 3000000 : i32
    %add3A_1034 = vector.broadcast %add3A_1033 : i32 to vector<16xi32>
    %add3A_1035 = arith.addi %get3A_981, %add3A_1034 : vector<16xi32>
    tpu.vector_store_idx %arg10[%shift_right_arithmetic3A_1029, %and3A_1032], %add3A_1035 : memref<16x128xi32, #tpu.memory_space<vmem>>[vector<16xi32>, vector<16xi32>], vector<16xi32>,
    %mul3A_1036 = arith.constant 3 : i32
    %mul3A_1037 = vector.broadcast %mul3A_1036 : i32 to vector<16xi32>
    %mul3A_1038 = arith.muli %iota3A, %mul3A_1037 : vector<16xi32>
    %add3A_1039 = arith.constant 432 : i32
    %add3A_1040 = vector.broadcast %add3A_1039 : i32 to vector<16xi32>
    %add3A_1041 = arith.addi %add3A_1040, %mul3A_1038 : vector<16xi32>
    %add3A_1042 = arith.constant 0 : i32
    %add3A_1043 = vector.broadcast %add3A_1042 : i32 to vector<16xi32>
    %add3A_1044 = arith.addi %add3A_1041, %add3A_1043 : vector<16xi32>
    %shift_right_arithmetic3A_1045 = arith.constant 7 : i32
    %shift_right_arithmetic3A_1046 = vector.broadcast %shift_right_arithmetic3A_1045 : i32 to vector<16xi32>
    %shift_right_arithmetic3A_1047 = arith.shrsi %add3A_1044, %shift_right_arithmetic3A_1046 : vector<16xi32>
    %and3A_1048 = arith.constant 127 : i32
    %and3A_1049 = vector.broadcast %and3A_1048 : i32 to vector<16xi32>
    %and3A_1050 = arith.andi %add3A_1044, %and3A_1049 : vector<16xi32>
    %add3A_1051 = arith.constant 0 : i32
    %add3A_1052 = vector.broadcast %add3A_1051 : i32 to vector<16xi32>
    %add3A_1053 = arith.addi %get3A_981, %add3A_1052 : vector<16xi32>
    tpu.vector_store_idx %arg11[%shift_right_arithmetic3A_1047, %and3A_1050], %add3A_1053 : memref<12x128xi32, #tpu.memory_space<vmem>>[vector<16xi32>, vector<16xi32>], vector<16xi32>,
    %add3A_1054 = arith.constant 1 : i32
    %add3A_1055 = vector.broadcast %add3A_1054 : i32 to vector<16xi32>
    %add3A_1056 = arith.addi %add3A_1041, %add3A_1055 : vector<16xi32>
    %shift_right_arithmetic3A_1057 = arith.constant 7 : i32
    %shift_right_arithmetic3A_1058 = vector.broadcast %shift_right_arithmetic3A_1057 : i32 to vector<16xi32>
    %shift_right_arithmetic3A_1059 = arith.shrsi %add3A_1056, %shift_right_arithmetic3A_1058 : vector<16xi32>
    %and3A_1060 = arith.constant 127 : i32
    %and3A_1061 = vector.broadcast %and3A_1060 : i32 to vector<16xi32>
    %and3A_1062 = arith.andi %add3A_1056, %and3A_1061 : vector<16xi32>
    %add3A_1063 = arith.constant 1000000 : i32
    %add3A_1064 = vector.broadcast %add3A_1063 : i32 to vector<16xi32>
    %add3A_1065 = arith.addi %get3A_981, %add3A_1064 : vector<16xi32>
    tpu.vector_store_idx %arg11[%shift_right_arithmetic3A_1059, %and3A_1062], %add3A_1065 : memref<12x128xi32, #tpu.memory_space<vmem>>[vector<16xi32>, vector<16xi32>], vector<16xi32>,
    %add3A_1066 = arith.constant 2 : i32
    %add3A_1067 = vector.broadcast %add3A_1066 : i32 to vector<16xi32>
    %add3A_1068 = arith.addi %add3A_1041, %add3A_1067 : vector<16xi32>
    %shift_right_arithmetic3A_1069 = arith.constant 7 : i32
    %shift_right_arithmetic3A_1070 = vector.broadcast %shift_right_arithmetic3A_1069 : i32 to vector<16xi32>
    %shift_right_arithmetic3A_1071 = arith.shrsi %add3A_1068, %shift_right_arithmetic3A_1070 : vector<16xi32>
    %and3A_1072 = arith.constant 127 : i32
    %and3A_1073 = vector.broadcast %and3A_1072 : i32 to vector<16xi32>
    %and3A_1074 = arith.andi %add3A_1068, %and3A_1073 : vector<16xi32>
    %add3A_1075 = arith.constant 2000000 : i32
    %add3A_1076 = vector.broadcast %add3A_1075 : i32 to vector<16xi32>
    %add3A_1077 = arith.addi %get3A_981, %add3A_1076 : vector<16xi32>
    tpu.vector_store_idx %arg11[%shift_right_arithmetic3A_1071, %and3A_1074], %add3A_1077 : memref<12x128xi32, #tpu.memory_space<vmem>>[vector<16xi32>, vector<16xi32>], vector<16xi32>,
    %get3A_1078 = arith.constant 1 : i32
    %get3A_1079 = arith.index_cast %get3A_1078 : i32 to index
    %get3A_1080 = arith.constant 32 : index
    %get3A_1081 = tpu.vector_load %arg9[%get3A_1079, %get3A_1080] {strides = array<i32>} : memref<4x128xi32, #tpu.memory_space<vmem>>, vector<16xi32>,
    %mul3A_1082 = arith.constant 4 : i32
    %mul3A_1083 = vector.broadcast %mul3A_1082 : i32 to vector<16xi32>
    %mul3A_1084 = arith.muli %iota3A, %mul3A_1083 : vector<16xi32>
    %add3A_1085 = arith.constant 640 : i32
    %add3A_1086 = vector.broadcast %add3A_1085 : i32 to vector<16xi32>
    %add3A_1087 = arith.addi %add3A_1086, %mul3A_1084 : vector<16xi32>
    %add3A_1088 = arith.constant 0 : i32
    %add3A_1089 = vector.broadcast %add3A_1088 : i32 to vector<16xi32>
    %add3A_1090 = arith.addi %add3A_1087, %add3A_1089 : vector<16xi32>
    %shift_right_arithmetic3A_1091 = arith.constant 7 : i32
    %shift_right_arithmetic3A_1092 = vector.broadcast %shift_right_arithmetic3A_1091 : i32 to vector<16xi32>
    %shift_right_arithmetic3A_1093 = arith.shrsi %add3A_1090, %shift_right_arithmetic3A_1092 : vector<16xi32>
    %and3A_1094 = arith.constant 127 : i32
    %and3A_1095 = vector.broadcast %and3A_1094 : i32 to vector<16xi32>
    %and3A_1096 = arith.andi %add3A_1090, %and3A_1095 : vector<16xi32>
    %add3A_1097 = arith.constant 0 : i32
    %add3A_1098 = vector.broadcast %add3A_1097 : i32 to vector<16xi32>
    %add3A_1099 = arith.addi %get3A_1081, %add3A_1098 : vector<16xi32>
    tpu.vector_store_idx %arg10[%shift_right_arithmetic3A_1093, %and3A_1096], %add3A_1099 : memref<16x128xi32, #tpu.memory_space<vmem>>[vector<16xi32>, vector<16xi32>], vector<16xi32>,
    %add3A_1100 = arith.constant 1 : i32
    %add3A_1101 = vector.broadcast %add3A_1100 : i32 to vector<16xi32>
    %add3A_1102 = arith.addi %add3A_1087, %add3A_1101 : vector<16xi32>
    %shift_right_arithmetic3A_1103 = arith.constant 7 : i32
    %shift_right_arithmetic3A_1104 = vector.broadcast %shift_right_arithmetic3A_1103 : i32 to vector<16xi32>
    %shift_right_arithmetic3A_1105 = arith.shrsi %add3A_1102, %shift_right_arithmetic3A_1104 : vector<16xi32>
    %and3A_1106 = arith.constant 127 : i32
    %and3A_1107 = vector.broadcast %and3A_1106 : i32 to vector<16xi32>
    %and3A_1108 = arith.andi %add3A_1102, %and3A_1107 : vector<16xi32>
    %add3A_1109 = arith.constant 1000000 : i32
    %add3A_1110 = vector.broadcast %add3A_1109 : i32 to vector<16xi32>
    %add3A_1111 = arith.addi %get3A_1081, %add3A_1110 : vector<16xi32>
    tpu.vector_store_idx %arg10[%shift_right_arithmetic3A_1105, %and3A_1108], %add3A_1111 : memref<16x128xi32, #tpu.memory_space<vmem>>[vector<16xi32>, vector<16xi32>], vector<16xi32>,
    %add3A_1112 = arith.constant 2 : i32
    %add3A_1113 = vector.broadcast %add3A_1112 : i32 to vector<16xi32>
    %add3A_1114 = arith.addi %add3A_1087, %add3A_1113 : vector<16xi32>
    %shift_right_arithmetic3A_1115 = arith.constant 7 : i32
    %shift_right_arithmetic3A_1116 = vector.broadcast %shift_right_arithmetic3A_1115 : i32 to vector<16xi32>
    %shift_right_arithmetic3A_1117 = arith.shrsi %add3A_1114, %shift_right_arithmetic3A_1116 : vector<16xi32>
    %and3A_1118 = arith.constant 127 : i32
    %and3A_1119 = vector.broadcast %and3A_1118 : i32 to vector<16xi32>
    %and3A_1120 = arith.andi %add3A_1114, %and3A_1119 : vector<16xi32>
    %add3A_1121 = arith.constant 2000000 : i32
    %add3A_1122 = vector.broadcast %add3A_1121 : i32 to vector<16xi32>
    %add3A_1123 = arith.addi %get3A_1081, %add3A_1122 : vector<16xi32>
    tpu.vector_store_idx %arg10[%shift_right_arithmetic3A_1117, %and3A_1120], %add3A_1123 : memref<16x128xi32, #tpu.memory_space<vmem>>[vector<16xi32>, vector<16xi32>], vector<16xi32>,
    %add3A_1124 = arith.constant 3 : i32
    %add3A_1125 = vector.broadcast %add3A_1124 : i32 to vector<16xi32>
    %add3A_1126 = arith.addi %add3A_1087, %add3A_1125 : vector<16xi32>
    %shift_right_arithmetic3A_1127 = arith.constant 7 : i32
    %shift_right_arithmetic3A_1128 = vector.broadcast %shift_right_arithmetic3A_1127 : i32 to vector<16xi32>
    %shift_right_arithmetic3A_1129 = arith.shrsi %add3A_1126, %shift_right_arithmetic3A_1128 : vector<16xi32>
    %and3A_1130 = arith.constant 127 : i32
    %and3A_1131 = vector.broadcast %and3A_1130 : i32 to vector<16xi32>
    %and3A_1132 = arith.andi %add3A_1126, %and3A_1131 : vector<16xi32>
    %add3A_1133 = arith.constant 3000000 : i32
    %add3A_1134 = vector.broadcast %add3A_1133 : i32 to vector<16xi32>
    %add3A_1135 = arith.addi %get3A_1081, %add3A_1134 : vector<16xi32>
    tpu.vector_store_idx %arg10[%shift_right_arithmetic3A_1129, %and3A_1132], %add3A_1135 : memref<16x128xi32, #tpu.memory_space<vmem>>[vector<16xi32>, vector<16xi32>], vector<16xi32>,
    %mul3A_1136 = arith.constant 3 : i32
    %mul3A_1137 = vector.broadcast %mul3A_1136 : i32 to vector<16xi32>
    %mul3A_1138 = arith.muli %iota3A, %mul3A_1137 : vector<16xi32>
    %add3A_1139 = arith.constant 480 : i32
    %add3A_1140 = vector.broadcast %add3A_1139 : i32 to vector<16xi32>
    %add3A_1141 = arith.addi %add3A_1140, %mul3A_1138 : vector<16xi32>
    %add3A_1142 = arith.constant 0 : i32
    %add3A_1143 = vector.broadcast %add3A_1142 : i32 to vector<16xi32>
    %add3A_1144 = arith.addi %add3A_1141, %add3A_1143 : vector<16xi32>
    %shift_right_arithmetic3A_1145 = arith.constant 7 : i32
    %shift_right_arithmetic3A_1146 = vector.broadcast %shift_right_arithmetic3A_1145 : i32 to vector<16xi32>
    %shift_right_arithmetic3A_1147 = arith.shrsi %add3A_1144, %shift_right_arithmetic3A_1146 : vector<16xi32>
    %and3A_1148 = arith.constant 127 : i32
    %and3A_1149 = vector.broadcast %and3A_1148 : i32 to vector<16xi32>
    %and3A_1150 = arith.andi %add3A_1144, %and3A_1149 : vector<16xi32>
    %add3A_1151 = arith.constant 0 : i32
    %add3A_1152 = vector.broadcast %add3A_1151 : i32 to vector<16xi32>
    %add3A_1153 = arith.addi %get3A_1081, %add3A_1152 : vector<16xi32>
    tpu.vector_store_idx %arg11[%shift_right_arithmetic3A_1147, %and3A_1150], %add3A_1153 : memref<12x128xi32, #tpu.memory_space<vmem>>[vector<16xi32>, vector<16xi32>], vector<16xi32>,
    %add3A_1154 = arith.constant 1 : i32
    %add3A_1155 = vector.broadcast %add3A_1154 : i32 to vector<16xi32>
    %add3A_1156 = arith.addi %add3A_1141, %add3A_1155 : vector<16xi32>
    %shift_right_arithmetic3A_1157 = arith.constant 7 : i32
    %shift_right_arithmetic3A_1158 = vector.broadcast %shift_right_arithmetic3A_1157 : i32 to vector<16xi32>
    %shift_right_arithmetic3A_1159 = arith.shrsi %add3A_1156, %shift_right_arithmetic3A_1158 : vector<16xi32>
    %and3A_1160 = arith.constant 127 : i32
    %and3A_1161 = vector.broadcast %and3A_1160 : i32 to vector<16xi32>
    %and3A_1162 = arith.andi %add3A_1156, %and3A_1161 : vector<16xi32>
    %add3A_1163 = arith.constant 1000000 : i32
    %add3A_1164 = vector.broadcast %add3A_1163 : i32 to vector<16xi32>
    %add3A_1165 = arith.addi %get3A_1081, %add3A_1164 : vector<16xi32>
    tpu.vector_store_idx %arg11[%shift_right_arithmetic3A_1159, %and3A_1162], %add3A_1165 : memref<12x128xi32, #tpu.memory_space<vmem>>[vector<16xi32>, vector<16xi32>], vector<16xi32>,
    %add3A_1166 = arith.constant 2 : i32
    %add3A_1167 = vector.broadcast %add3A_1166 : i32 to vector<16xi32>
    %add3A_1168 = arith.addi %add3A_1141, %add3A_1167 : vector<16xi32>
    %shift_right_arithmetic3A_1169 = arith.constant 7 : i32
    %shift_right_arithmetic3A_1170 = vector.broadcast %shift_right_arithmetic3A_1169 : i32 to vector<16xi32>
    %shift_right_arithmetic3A_1171 = arith.shrsi %add3A_1168, %shift_right_arithmetic3A_1170 : vector<16xi32>
    %and3A_1172 = arith.constant 127 : i32
    %and3A_1173 = vector.broadcast %and3A_1172 : i32 to vector<16xi32>
    %and3A_1174 = arith.andi %add3A_1168, %and3A_1173 : vector<16xi32>
    %add3A_1175 = arith.constant 2000000 : i32
    %add3A_1176 = vector.broadcast %add3A_1175 : i32 to vector<16xi32>
    %add3A_1177 = arith.addi %get3A_1081, %add3A_1176 : vector<16xi32>
    tpu.vector_store_idx %arg11[%shift_right_arithmetic3A_1171, %and3A_1174], %add3A_1177 : memref<12x128xi32, #tpu.memory_space<vmem>>[vector<16xi32>, vector<16xi32>], vector<16xi32>,
    %get3A_1178 = arith.constant 1 : i32
    %get3A_1179 = arith.index_cast %get3A_1178 : i32 to index
    %get3A_1180 = arith.constant 48 : index
    %get3A_1181 = tpu.vector_load %arg9[%get3A_1179, %get3A_1180] {strides = array<i32>} : memref<4x128xi32, #tpu.memory_space<vmem>>, vector<16xi32>,
    %mul3A_1182 = arith.constant 4 : i32
    %mul3A_1183 = vector.broadcast %mul3A_1182 : i32 to vector<16xi32>
    %mul3A_1184 = arith.muli %iota3A, %mul3A_1183 : vector<16xi32>
    %add3A_1185 = arith.constant 704 : i32
    %add3A_1186 = vector.broadcast %add3A_1185 : i32 to vector<16xi32>
    %add3A_1187 = arith.addi %add3A_1186, %mul3A_1184 : vector<16xi32>
    %add3A_1188 = arith.constant 0 : i32
    %add3A_1189 = vector.broadcast %add3A_1188 : i32 to vector<16xi32>
    %add3A_1190 = arith.addi %add3A_1187, %add3A_1189 : vector<16xi32>
    %shift_right_arithmetic3A_1191 = arith.constant 7 : i32
    %shift_right_arithmetic3A_1192 = vector.broadcast %shift_right_arithmetic3A_1191 : i32 to vector<16xi32>
    %shift_right_arithmetic3A_1193 = arith.shrsi %add3A_1190, %shift_right_arithmetic3A_1192 : vector<16xi32>
    %and3A_1194 = arith.constant 127 : i32
    %and3A_1195 = vector.broadcast %and3A_1194 : i32 to vector<16xi32>
    %and3A_1196 = arith.andi %add3A_1190, %and3A_1195 : vector<16xi32>
    %add3A_1197 = arith.constant 0 : i32
    %add3A_1198 = vector.broadcast %add3A_1197 : i32 to vector<16xi32>
    %add3A_1199 = arith.addi %get3A_1181, %add3A_1198 : vector<16xi32>
    tpu.vector_store_idx %arg10[%shift_right_arithmetic3A_1193, %and3A_1196], %add3A_1199 : memref<16x128xi32, #tpu.memory_space<vmem>>[vector<16xi32>, vector<16xi32>], vector<16xi32>,
    %add3A_1200 = arith.constant 1 : i32
    %add3A_1201 = vector.broadcast %add3A_1200 : i32 to vector<16xi32>
    %add3A_1202 = arith.addi %add3A_1187, %add3A_1201 : vector<16xi32>
    %shift_right_arithmetic3A_1203 = arith.constant 7 : i32
    %shift_right_arithmetic3A_1204 = vector.broadcast %shift_right_arithmetic3A_1203 : i32 to vector<16xi32>
    %shift_right_arithmetic3A_1205 = arith.shrsi %add3A_1202, %shift_right_arithmetic3A_1204 : vector<16xi32>
    %and3A_1206 = arith.constant 127 : i32
    %and3A_1207 = vector.broadcast %and3A_1206 : i32 to vector<16xi32>
    %and3A_1208 = arith.andi %add3A_1202, %and3A_1207 : vector<16xi32>
    %add3A_1209 = arith.constant 1000000 : i32
    %add3A_1210 = vector.broadcast %add3A_1209 : i32 to vector<16xi32>
    %add3A_1211 = arith.addi %get3A_1181, %add3A_1210 : vector<16xi32>
    tpu.vector_store_idx %arg10[%shift_right_arithmetic3A_1205, %and3A_1208], %add3A_1211 : memref<16x128xi32, #tpu.memory_space<vmem>>[vector<16xi32>, vector<16xi32>], vector<16xi32>,
    %add3A_1212 = arith.constant 2 : i32
    %add3A_1213 = vector.broadcast %add3A_1212 : i32 to vector<16xi32>
    %add3A_1214 = arith.addi %add3A_1187, %add3A_1213 : vector<16xi32>
    %shift_right_arithmetic3A_1215 = arith.constant 7 : i32
    %shift_right_arithmetic3A_1216 = vector.broadcast %shift_right_arithmetic3A_1215 : i32 to vector<16xi32>
    %shift_right_arithmetic3A_1217 = arith.shrsi %add3A_1214, %shift_right_arithmetic3A_1216 : vector<16xi32>
    %and3A_1218 = arith.constant 127 : i32
    %and3A_1219 = vector.broadcast %and3A_1218 : i32 to vector<16xi32>
    %and3A_1220 = arith.andi %add3A_1214, %and3A_1219 : vector<16xi32>
    %add3A_1221 = arith.constant 2000000 : i32
    %add3A_1222 = vector.broadcast %add3A_1221 : i32 to vector<16xi32>
    %add3A_1223 = arith.addi %get3A_1181, %add3A_1222 : vector<16xi32>
    tpu.vector_store_idx %arg10[%shift_right_arithmetic3A_1217, %and3A_1220], %add3A_1223 : memref<16x128xi32, #tpu.memory_space<vmem>>[vector<16xi32>, vector<16xi32>], vector<16xi32>,
    %add3A_1224 = arith.constant 3 : i32
    %add3A_1225 = vector.broadcast %add3A_1224 : i32 to vector<16xi32>
    %add3A_1226 = arith.addi %add3A_1187, %add3A_1225 : vector<16xi32>
    %shift_right_arithmetic3A_1227 = arith.constant 7 : i32
    %shift_right_arithmetic3A_1228 = vector.broadcast %shift_right_arithmetic3A_1227 : i32 to vector<16xi32>
    %shift_right_arithmetic3A_1229 = arith.shrsi %add3A_1226, %shift_right_arithmetic3A_1228 : vector<16xi32>
    %and3A_1230 = arith.constant 127 : i32
    %and3A_1231 = vector.broadcast %and3A_1230 : i32 to vector<16xi32>
    %and3A_1232 = arith.andi %add3A_1226, %and3A_1231 : vector<16xi32>
    %add3A_1233 = arith.constant 3000000 : i32
    %add3A_1234 = vector.broadcast %add3A_1233 : i32 to vector<16xi32>
    %add3A_1235 = arith.addi %get3A_1181, %add3A_1234 : vector<16xi32>
    tpu.vector_store_idx %arg10[%shift_right_arithmetic3A_1229, %and3A_1232], %add3A_1235 : memref<16x128xi32, #tpu.memory_space<vmem>>[vector<16xi32>, vector<16xi32>], vector<16xi32>,
    %mul3A_1236 = arith.constant 3 : i32
    %mul3A_1237 = vector.broadcast %mul3A_1236 : i32 to vector<16xi32>
    %mul3A_1238 = arith.muli %iota3A, %mul3A_1237 : vector<16xi32>
    %add3A_1239 = arith.constant 528 : i32
    %add3A_1240 = vector.broadcast %add3A_1239 : i32 to vector<16xi32>
    %add3A_1241 = arith.addi %add3A_1240, %mul3A_1238 : vector<16xi32>
    %add3A_1242 = arith.constant 0 : i32
    %add3A_1243 = vector.broadcast %add3A_1242 : i32 to vector<16xi32>
    %add3A_1244 = arith.addi %add3A_1241, %add3A_1243 : vector<16xi32>
    %shift_right_arithmetic3A_1245 = arith.constant 7 : i32
    %shift_right_arithmetic3A_1246 = vector.broadcast %shift_right_arithmetic3A_1245 : i32 to vector<16xi32>
    %shift_right_arithmetic3A_1247 = arith.shrsi %add3A_1244, %shift_right_arithmetic3A_1246 : vector<16xi32>
    %and3A_1248 = arith.constant 127 : i32
    %and3A_1249 = vector.broadcast %and3A_1248 : i32 to vector<16xi32>
    %and3A_1250 = arith.andi %add3A_1244, %and3A_1249 : vector<16xi32>
    %add3A_1251 = arith.constant 0 : i32
    %add3A_1252 = vector.broadcast %add3A_1251 : i32 to vector<16xi32>
    %add3A_1253 = arith.addi %get3A_1181, %add3A_1252 : vector<16xi32>
    tpu.vector_store_idx %arg11[%shift_right_arithmetic3A_1247, %and3A_1250], %add3A_1253 : memref<12x128xi32, #tpu.memory_space<vmem>>[vector<16xi32>, vector<16xi32>], vector<16xi32>,
    %add3A_1254 = arith.constant 1 : i32
    %add3A_1255 = vector.broadcast %add3A_1254 : i32 to vector<16xi32>
    %add3A_1256 = arith.addi %add3A_1241, %add3A_1255 : vector<16xi32>
    %shift_right_arithmetic3A_1257 = arith.constant 7 : i32
    %shift_right_arithmetic3A_1258 = vector.broadcast %shift_right_arithmetic3A_1257 : i32 to vector<16xi32>
    %shift_right_arithmetic3A_1259 = arith.shrsi %add3A_1256, %shift_right_arithmetic3A_1258 : vector<16xi32>
    %and3A_1260 = arith.constant 127 : i32
    %and3A_1261 = vector.broadcast %and3A_1260 : i32 to vector<16xi32>
    %and3A_1262 = arith.andi %add3A_1256, %and3A_1261 : vector<16xi32>
    %add3A_1263 = arith.constant 1000000 : i32
    %add3A_1264 = vector.broadcast %add3A_1263 : i32 to vector<16xi32>
    %add3A_1265 = arith.addi %get3A_1181, %add3A_1264 : vector<16xi32>
    tpu.vector_store_idx %arg11[%shift_right_arithmetic3A_1259, %and3A_1262], %add3A_1265 : memref<12x128xi32, #tpu.memory_space<vmem>>[vector<16xi32>, vector<16xi32>], vector<16xi32>,
    %add3A_1266 = arith.constant 2 : i32
    %add3A_1267 = vector.broadcast %add3A_1266 : i32 to vector<16xi32>
    %add3A_1268 = arith.addi %add3A_1241, %add3A_1267 : vector<16xi32>
    %shift_right_arithmetic3A_1269 = arith.constant 7 : i32
    %shift_right_arithmetic3A_1270 = vector.broadcast %shift_right_arithmetic3A_1269 : i32 to vector<16xi32>
    %shift_right_arithmetic3A_1271 = arith.shrsi %add3A_1268, %shift_right_arithmetic3A_1270 : vector<16xi32>
    %and3A_1272 = arith.constant 127 : i32
    %and3A_1273 = vector.broadcast %and3A_1272 : i32 to vector<16xi32>
    %and3A_1274 = arith.andi %add3A_1268, %and3A_1273 : vector<16xi32>
    %add3A_1275 = arith.constant 2000000 : i32
    %add3A_1276 = vector.broadcast %add3A_1275 : i32 to vector<16xi32>
    %add3A_1277 = arith.addi %get3A_1181, %add3A_1276 : vector<16xi32>
    tpu.vector_store_idx %arg11[%shift_right_arithmetic3A_1271, %and3A_1274], %add3A_1277 : memref<12x128xi32, #tpu.memory_space<vmem>>[vector<16xi32>, vector<16xi32>], vector<16xi32>,
    %get3A_1278 = arith.constant 1 : i32
    %get3A_1279 = arith.index_cast %get3A_1278 : i32 to index
    %get3A_1280 = arith.constant 64 : index
    %get3A_1281 = tpu.vector_load %arg9[%get3A_1279, %get3A_1280] {strides = array<i32>} : memref<4x128xi32, #tpu.memory_space<vmem>>, vector<16xi32>,
    %mul3A_1282 = arith.constant 4 : i32
    %mul3A_1283 = vector.broadcast %mul3A_1282 : i32 to vector<16xi32>
    %mul3A_1284 = arith.muli %iota3A, %mul3A_1283 : vector<16xi32>
    %add3A_1285 = arith.constant 768 : i32
    %add3A_1286 = vector.broadcast %add3A_1285 : i32 to vector<16xi32>
    %add3A_1287 = arith.addi %add3A_1286, %mul3A_1284 : vector<16xi32>
    %add3A_1288 = arith.constant 0 : i32
    %add3A_1289 = vector.broadcast %add3A_1288 : i32 to vector<16xi32>
    %add3A_1290 = arith.addi %add3A_1287, %add3A_1289 : vector<16xi32>
    %shift_right_arithmetic3A_1291 = arith.constant 7 : i32
    %shift_right_arithmetic3A_1292 = vector.broadcast %shift_right_arithmetic3A_1291 : i32 to vector<16xi32>
    %shift_right_arithmetic3A_1293 = arith.shrsi %add3A_1290, %shift_right_arithmetic3A_1292 : vector<16xi32>
    %and3A_1294 = arith.constant 127 : i32
    %and3A_1295 = vector.broadcast %and3A_1294 : i32 to vector<16xi32>
    %and3A_1296 = arith.andi %add3A_1290, %and3A_1295 : vector<16xi32>
    %add3A_1297 = arith.constant 0 : i32
    %add3A_1298 = vector.broadcast %add3A_1297 : i32 to vector<16xi32>
    %add3A_1299 = arith.addi %get3A_1281, %add3A_1298 : vector<16xi32>
    tpu.vector_store_idx %arg10[%shift_right_arithmetic3A_1293, %and3A_1296], %add3A_1299 : memref<16x128xi32, #tpu.memory_space<vmem>>[vector<16xi32>, vector<16xi32>], vector<16xi32>,
    %add3A_1300 = arith.constant 1 : i32
    %add3A_1301 = vector.broadcast %add3A_1300 : i32 to vector<16xi32>
    %add3A_1302 = arith.addi %add3A_1287, %add3A_1301 : vector<16xi32>
    %shift_right_arithmetic3A_1303 = arith.constant 7 : i32
    %shift_right_arithmetic3A_1304 = vector.broadcast %shift_right_arithmetic3A_1303 : i32 to vector<16xi32>
    %shift_right_arithmetic3A_1305 = arith.shrsi %add3A_1302, %shift_right_arithmetic3A_1304 : vector<16xi32>
    %and3A_1306 = arith.constant 127 : i32
    %and3A_1307 = vector.broadcast %and3A_1306 : i32 to vector<16xi32>
    %and3A_1308 = arith.andi %add3A_1302, %and3A_1307 : vector<16xi32>
    %add3A_1309 = arith.constant 1000000 : i32
    %add3A_1310 = vector.broadcast %add3A_1309 : i32 to vector<16xi32>
    %add3A_1311 = arith.addi %get3A_1281, %add3A_1310 : vector<16xi32>
    tpu.vector_store_idx %arg10[%shift_right_arithmetic3A_1305, %and3A_1308], %add3A_1311 : memref<16x128xi32, #tpu.memory_space<vmem>>[vector<16xi32>, vector<16xi32>], vector<16xi32>,
    %add3A_1312 = arith.constant 2 : i32
    %add3A_1313 = vector.broadcast %add3A_1312 : i32 to vector<16xi32>
    %add3A_1314 = arith.addi %add3A_1287, %add3A_1313 : vector<16xi32>
    %shift_right_arithmetic3A_1315 = arith.constant 7 : i32
    %shift_right_arithmetic3A_1316 = vector.broadcast %shift_right_arithmetic3A_1315 : i32 to vector<16xi32>
    %shift_right_arithmetic3A_1317 = arith.shrsi %add3A_1314, %shift_right_arithmetic3A_1316 : vector<16xi32>
    %and3A_1318 = arith.constant 127 : i32
    %and3A_1319 = vector.broadcast %and3A_1318 : i32 to vector<16xi32>
    %and3A_1320 = arith.andi %add3A_1314, %and3A_1319 : vector<16xi32>
    %add3A_1321 = arith.constant 2000000 : i32
    %add3A_1322 = vector.broadcast %add3A_1321 : i32 to vector<16xi32>
    %add3A_1323 = arith.addi %get3A_1281, %add3A_1322 : vector<16xi32>
    tpu.vector_store_idx %arg10[%shift_right_arithmetic3A_1317, %and3A_1320], %add3A_1323 : memref<16x128xi32, #tpu.memory_space<vmem>>[vector<16xi32>, vector<16xi32>], vector<16xi32>,
    %add3A_1324 = arith.constant 3 : i32
    %add3A_1325 = vector.broadcast %add3A_1324 : i32 to vector<16xi32>
    %add3A_1326 = arith.addi %add3A_1287, %add3A_1325 : vector<16xi32>
    %shift_right_arithmetic3A_1327 = arith.constant 7 : i32
    %shift_right_arithmetic3A_1328 = vector.broadcast %shift_right_arithmetic3A_1327 : i32 to vector<16xi32>
    %shift_right_arithmetic3A_1329 = arith.shrsi %add3A_1326, %shift_right_arithmetic3A_1328 : vector<16xi32>
    %and3A_1330 = arith.constant 127 : i32
    %and3A_1331 = vector.broadcast %and3A_1330 : i32 to vector<16xi32>
    %and3A_1332 = arith.andi %add3A_1326, %and3A_1331 : vector<16xi32>
    %add3A_1333 = arith.constant 3000000 : i32
    %add3A_1334 = vector.broadcast %add3A_1333 : i32 to vector<16xi32>
    %add3A_1335 = arith.addi %get3A_1281, %add3A_1334 : vector<16xi32>
    tpu.vector_store_idx %arg10[%shift_right_arithmetic3A_1329, %and3A_1332], %add3A_1335 : memref<16x128xi32, #tpu.memory_space<vmem>>[vector<16xi32>, vector<16xi32>], vector<16xi32>,
    %mul3A_1336 = arith.constant 3 : i32
    %mul3A_1337 = vector.broadcast %mul3A_1336 : i32 to vector<16xi32>
    %mul3A_1338 = arith.muli %iota3A, %mul3A_1337 : vector<16xi32>
    %add3A_1339 = arith.constant 576 : i32
    %add3A_1340 = vector.broadcast %add3A_1339 : i32 to vector<16xi32>
    %add3A_1341 = arith.addi %add3A_1340, %mul3A_1338 : vector<16xi32>
    %add3A_1342 = arith.constant 0 : i32
    %add3A_1343 = vector.broadcast %add3A_1342 : i32 to vector<16xi32>
    %add3A_1344 = arith.addi %add3A_1341, %add3A_1343 : vector<16xi32>
    %shift_right_arithmetic3A_1345 = arith.constant 7 : i32
    %shift_right_arithmetic3A_1346 = vector.broadcast %shift_right_arithmetic3A_1345 : i32 to vector<16xi32>
    %shift_right_arithmetic3A_1347 = arith.shrsi %add3A_1344, %shift_right_arithmetic3A_1346 : vector<16xi32>
    %and3A_1348 = arith.constant 127 : i32
    %and3A_1349 = vector.broadcast %and3A_1348 : i32 to vector<16xi32>
    %and3A_1350 = arith.andi %add3A_1344, %and3A_1349 : vector<16xi32>
    %add3A_1351 = arith.constant 0 : i32
    %add3A_1352 = vector.broadcast %add3A_1351 : i32 to vector<16xi32>
    %add3A_1353 = arith.addi %get3A_1281, %add3A_1352 : vector<16xi32>
    tpu.vector_store_idx %arg11[%shift_right_arithmetic3A_1347, %and3A_1350], %add3A_1353 : memref<12x128xi32, #tpu.memory_space<vmem>>[vector<16xi32>, vector<16xi32>], vector<16xi32>,
    %add3A_1354 = arith.constant 1 : i32
    %add3A_1355 = vector.broadcast %add3A_1354 : i32 to vector<16xi32>
    %add3A_1356 = arith.addi %add3A_1341, %add3A_1355 : vector<16xi32>
    %shift_right_arithmetic3A_1357 = arith.constant 7 : i32
    %shift_right_arithmetic3A_1358 = vector.broadcast %shift_right_arithmetic3A_1357 : i32 to vector<16xi32>
    %shift_right_arithmetic3A_1359 = arith.shrsi %add3A_1356, %shift_right_arithmetic3A_1358 : vector<16xi32>
    %and3A_1360 = arith.constant 127 : i32
    %and3A_1361 = vector.broadcast %and3A_1360 : i32 to vector<16xi32>
    %and3A_1362 = arith.andi %add3A_1356, %and3A_1361 : vector<16xi32>
    %add3A_1363 = arith.constant 1000000 : i32
    %add3A_1364 = vector.broadcast %add3A_1363 : i32 to vector<16xi32>
    %add3A_1365 = arith.addi %get3A_1281, %add3A_1364 : vector<16xi32>
    tpu.vector_store_idx %arg11[%shift_right_arithmetic3A_1359, %and3A_1362], %add3A_1365 : memref<12x128xi32, #tpu.memory_space<vmem>>[vector<16xi32>, vector<16xi32>], vector<16xi32>,
    %add3A_1366 = arith.constant 2 : i32
    %add3A_1367 = vector.broadcast %add3A_1366 : i32 to vector<16xi32>
    %add3A_1368 = arith.addi %add3A_1341, %add3A_1367 : vector<16xi32>
    %shift_right_arithmetic3A_1369 = arith.constant 7 : i32
    %shift_right_arithmetic3A_1370 = vector.broadcast %shift_right_arithmetic3A_1369 : i32 to vector<16xi32>
    %shift_right_arithmetic3A_1371 = arith.shrsi %add3A_1368, %shift_right_arithmetic3A_1370 : vector<16xi32>
    %and3A_1372 = arith.constant 127 : i32
    %and3A_1373 = vector.broadcast %and3A_1372 : i32 to vector<16xi32>
    %and3A_1374 = arith.andi %add3A_1368, %and3A_1373 : vector<16xi32>
    %add3A_1375 = arith.constant 2000000 : i32
    %add3A_1376 = vector.broadcast %add3A_1375 : i32 to vector<16xi32>
    %add3A_1377 = arith.addi %get3A_1281, %add3A_1376 : vector<16xi32>
    tpu.vector_store_idx %arg11[%shift_right_arithmetic3A_1371, %and3A_1374], %add3A_1377 : memref<12x128xi32, #tpu.memory_space<vmem>>[vector<16xi32>, vector<16xi32>], vector<16xi32>,
    %get3A_1378 = arith.constant 1 : i32
    %get3A_1379 = arith.index_cast %get3A_1378 : i32 to index
    %get3A_1380 = arith.constant 80 : index
    %get3A_1381 = tpu.vector_load %arg9[%get3A_1379, %get3A_1380] {strides = array<i32>} : memref<4x128xi32, #tpu.memory_space<vmem>>, vector<16xi32>,
    %mul3A_1382 = arith.constant 4 : i32
    %mul3A_1383 = vector.broadcast %mul3A_1382 : i32 to vector<16xi32>
    %mul3A_1384 = arith.muli %iota3A, %mul3A_1383 : vector<16xi32>
    %add3A_1385 = arith.constant 832 : i32
    %add3A_1386 = vector.broadcast %add3A_1385 : i32 to vector<16xi32>
    %add3A_1387 = arith.addi %add3A_1386, %mul3A_1384 : vector<16xi32>
    %add3A_1388 = arith.constant 0 : i32
    %add3A_1389 = vector.broadcast %add3A_1388 : i32 to vector<16xi32>
    %add3A_1390 = arith.addi %add3A_1387, %add3A_1389 : vector<16xi32>
    %shift_right_arithmetic3A_1391 = arith.constant 7 : i32
    %shift_right_arithmetic3A_1392 = vector.broadcast %shift_right_arithmetic3A_1391 : i32 to vector<16xi32>
    %shift_right_arithmetic3A_1393 = arith.shrsi %add3A_1390, %shift_right_arithmetic3A_1392 : vector<16xi32>
    %and3A_1394 = arith.constant 127 : i32
    %and3A_1395 = vector.broadcast %and3A_1394 : i32 to vector<16xi32>
    %and3A_1396 = arith.andi %add3A_1390, %and3A_1395 : vector<16xi32>
    %add3A_1397 = arith.constant 0 : i32
    %add3A_1398 = vector.broadcast %add3A_1397 : i32 to vector<16xi32>
    %add3A_1399 = arith.addi %get3A_1381, %add3A_1398 : vector<16xi32>
    tpu.vector_store_idx %arg10[%shift_right_arithmetic3A_1393, %and3A_1396], %add3A_1399 : memref<16x128xi32, #tpu.memory_space<vmem>>[vector<16xi32>, vector<16xi32>], vector<16xi32>,
    %add3A_1400 = arith.constant 1 : i32
    %add3A_1401 = vector.broadcast %add3A_1400 : i32 to vector<16xi32>
    %add3A_1402 = arith.addi %add3A_1387, %add3A_1401 : vector<16xi32>
    %shift_right_arithmetic3A_1403 = arith.constant 7 : i32
    %shift_right_arithmetic3A_1404 = vector.broadcast %shift_right_arithmetic3A_1403 : i32 to vector<16xi32>
    %shift_right_arithmetic3A_1405 = arith.shrsi %add3A_1402, %shift_right_arithmetic3A_1404 : vector<16xi32>
    %and3A_1406 = arith.constant 127 : i32
    %and3A_1407 = vector.broadcast %and3A_1406 : i32 to vector<16xi32>
    %and3A_1408 = arith.andi %add3A_1402, %and3A_1407 : vector<16xi32>
    %add3A_1409 = arith.constant 1000000 : i32
    %add3A_1410 = vector.broadcast %add3A_1409 : i32 to vector<16xi32>
    %add3A_1411 = arith.addi %get3A_1381, %add3A_1410 : vector<16xi32>
    tpu.vector_store_idx %arg10[%shift_right_arithmetic3A_1405, %and3A_1408], %add3A_1411 : memref<16x128xi32, #tpu.memory_space<vmem>>[vector<16xi32>, vector<16xi32>], vector<16xi32>,
    %add3A_1412 = arith.constant 2 : i32
    %add3A_1413 = vector.broadcast %add3A_1412 : i32 to vector<16xi32>
    %add3A_1414 = arith.addi %add3A_1387, %add3A_1413 : vector<16xi32>
    %shift_right_arithmetic3A_1415 = arith.constant 7 : i32
    %shift_right_arithmetic3A_1416 = vector.broadcast %shift_right_arithmetic3A_1415 : i32 to vector<16xi32>
    %shift_right_arithmetic3A_1417 = arith.shrsi %add3A_1414, %shift_right_arithmetic3A_1416 : vector<16xi32>
    %and3A_1418 = arith.constant 127 : i32
    %and3A_1419 = vector.broadcast %and3A_1418 : i32 to vector<16xi32>
    %and3A_1420 = arith.andi %add3A_1414, %and3A_1419 : vector<16xi32>
    %add3A_1421 = arith.constant 2000000 : i32
    %add3A_1422 = vector.broadcast %add3A_1421 : i32 to vector<16xi32>
    %add3A_1423 = arith.addi %get3A_1381, %add3A_1422 : vector<16xi32>
    tpu.vector_store_idx %arg10[%shift_right_arithmetic3A_1417, %and3A_1420], %add3A_1423 : memref<16x128xi32, #tpu.memory_space<vmem>>[vector<16xi32>, vector<16xi32>], vector<16xi32>,
    %add3A_1424 = arith.constant 3 : i32
    %add3A_1425 = vector.broadcast %add3A_1424 : i32 to vector<16xi32>
    %add3A_1426 = arith.addi %add3A_1387, %add3A_1425 : vector<16xi32>
    %shift_right_arithmetic3A_1427 = arith.constant 7 : i32
    %shift_right_arithmetic3A_1428 = vector.broadcast %shift_right_arithmetic3A_1427 : i32 to vector<16xi32>
    %shift_right_arithmetic3A_1429 = arith.shrsi %add3A_1426, %shift_right_arithmetic3A_1428 : vector<16xi32>
    %and3A_1430 = arith.constant 127 : i32
    %and3A_1431 = vector.broadcast %and3A_1430 : i32 to vector<16xi32>
    %and3A_1432 = arith.andi %add3A_1426, %and3A_1431 : vector<16xi32>
    %add3A_1433 = arith.constant 3000000 : i32
    %add3A_1434 = vector.broadcast %add3A_1433 : i32 to vector<16xi32>
    %add3A_1435 = arith.addi %get3A_1381, %add3A_1434 : vector<16xi32>
    tpu.vector_store_idx %arg10[%shift_right_arithmetic3A_1429, %and3A_1432], %add3A_1435 : memref<16x128xi32, #tpu.memory_space<vmem>>[vector<16xi32>, vector<16xi32>], vector<16xi32>,
    %mul3A_1436 = arith.constant 3 : i32
    %mul3A_1437 = vector.broadcast %mul3A_1436 : i32 to vector<16xi32>
    %mul3A_1438 = arith.muli %iota3A, %mul3A_1437 : vector<16xi32>
    %add3A_1439 = arith.constant 624 : i32
    %add3A_1440 = vector.broadcast %add3A_1439 : i32 to vector<16xi32>
    %add3A_1441 = arith.addi %add3A_1440, %mul3A_1438 : vector<16xi32>
    %add3A_1442 = arith.constant 0 : i32
    %add3A_1443 = vector.broadcast %add3A_1442 : i32 to vector<16xi32>
    %add3A_1444 = arith.addi %add3A_1441, %add3A_1443 : vector<16xi32>
    %shift_right_arithmetic3A_1445 = arith.constant 7 : i32
    %shift_right_arithmetic3A_1446 = vector.broadcast %shift_right_arithmetic3A_1445 : i32 to vector<16xi32>
    %shift_right_arithmetic3A_1447 = arith.shrsi %add3A_1444, %shift_right_arithmetic3A_1446 : vector<16xi32>
    %and3A_1448 = arith.constant 127 : i32
    %and3A_1449 = vector.broadcast %and3A_1448 : i32 to vector<16xi32>
    %and3A_1450 = arith.andi %add3A_1444, %and3A_1449 : vector<16xi32>
    %add3A_1451 = arith.constant 0 : i32
    %add3A_1452 = vector.broadcast %add3A_1451 : i32 to vector<16xi32>
    %add3A_1453 = arith.addi %get3A_1381, %add3A_1452 : vector<16xi32>
    tpu.vector_store_idx %arg11[%shift_right_arithmetic3A_1447, %and3A_1450], %add3A_1453 : memref<12x128xi32, #tpu.memory_space<vmem>>[vector<16xi32>, vector<16xi32>], vector<16xi32>,
    %add3A_1454 = arith.constant 1 : i32
    %add3A_1455 = vector.broadcast %add3A_1454 : i32 to vector<16xi32>
    %add3A_1456 = arith.addi %add3A_1441, %add3A_1455 : vector<16xi32>
    %shift_right_arithmetic3A_1457 = arith.constant 7 : i32
    %shift_right_arithmetic3A_1458 = vector.broadcast %shift_right_arithmetic3A_1457 : i32 to vector<16xi32>
    %shift_right_arithmetic3A_1459 = arith.shrsi %add3A_1456, %shift_right_arithmetic3A_1458 : vector<16xi32>
    %and3A_1460 = arith.constant 127 : i32
    %and3A_1461 = vector.broadcast %and3A_1460 : i32 to vector<16xi32>
    %and3A_1462 = arith.andi %add3A_1456, %and3A_1461 : vector<16xi32>
    %add3A_1463 = arith.constant 1000000 : i32
    %add3A_1464 = vector.broadcast %add3A_1463 : i32 to vector<16xi32>
    %add3A_1465 = arith.addi %get3A_1381, %add3A_1464 : vector<16xi32>
    tpu.vector_store_idx %arg11[%shift_right_arithmetic3A_1459, %and3A_1462], %add3A_1465 : memref<12x128xi32, #tpu.memory_space<vmem>>[vector<16xi32>, vector<16xi32>], vector<16xi32>,
    %add3A_1466 = arith.constant 2 : i32
    %add3A_1467 = vector.broadcast %add3A_1466 : i32 to vector<16xi32>
    %add3A_1468 = arith.addi %add3A_1441, %add3A_1467 : vector<16xi32>
    %shift_right_arithmetic3A_1469 = arith.constant 7 : i32
    %shift_right_arithmetic3A_1470 = vector.broadcast %shift_right_arithmetic3A_1469 : i32 to vector<16xi32>
    %shift_right_arithmetic3A_1471 = arith.shrsi %add3A_1468, %shift_right_arithmetic3A_1470 : vector<16xi32>
    %and3A_1472 = arith.constant 127 : i32
    %and3A_1473 = vector.broadcast %and3A_1472 : i32 to vector<16xi32>
    %and3A_1474 = arith.andi %add3A_1468, %and3A_1473 : vector<16xi32>
    %add3A_1475 = arith.constant 2000000 : i32
    %add3A_1476 = vector.broadcast %add3A_1475 : i32 to vector<16xi32>
    %add3A_1477 = arith.addi %get3A_1381, %add3A_1476 : vector<16xi32>
    tpu.vector_store_idx %arg11[%shift_right_arithmetic3A_1471, %and3A_1474], %add3A_1477 : memref<12x128xi32, #tpu.memory_space<vmem>>[vector<16xi32>, vector<16xi32>], vector<16xi32>,
    %get3A_1478 = arith.constant 1 : i32
    %get3A_1479 = arith.index_cast %get3A_1478 : i32 to index
    %get3A_1480 = arith.constant 96 : index
    %get3A_1481 = tpu.vector_load %arg9[%get3A_1479, %get3A_1480] {strides = array<i32>} : memref<4x128xi32, #tpu.memory_space<vmem>>, vector<16xi32>,
    %mul3A_1482 = arith.constant 4 : i32
    %mul3A_1483 = vector.broadcast %mul3A_1482 : i32 to vector<16xi32>
    %mul3A_1484 = arith.muli %iota3A, %mul3A_1483 : vector<16xi32>
    %add3A_1485 = arith.constant 896 : i32
    %add3A_1486 = vector.broadcast %add3A_1485 : i32 to vector<16xi32>
    %add3A_1487 = arith.addi %add3A_1486, %mul3A_1484 : vector<16xi32>
    %add3A_1488 = arith.constant 0 : i32
    %add3A_1489 = vector.broadcast %add3A_1488 : i32 to vector<16xi32>
    %add3A_1490 = arith.addi %add3A_1487, %add3A_1489 : vector<16xi32>
    %shift_right_arithmetic3A_1491 = arith.constant 7 : i32
    %shift_right_arithmetic3A_1492 = vector.broadcast %shift_right_arithmetic3A_1491 : i32 to vector<16xi32>
    %shift_right_arithmetic3A_1493 = arith.shrsi %add3A_1490, %shift_right_arithmetic3A_1492 : vector<16xi32>
    %and3A_1494 = arith.constant 127 : i32
    %and3A_1495 = vector.broadcast %and3A_1494 : i32 to vector<16xi32>
    %and3A_1496 = arith.andi %add3A_1490, %and3A_1495 : vector<16xi32>
    %add3A_1497 = arith.constant 0 : i32
    %add3A_1498 = vector.broadcast %add3A_1497 : i32 to vector<16xi32>
    %add3A_1499 = arith.addi %get3A_1481, %add3A_1498 : vector<16xi32>
    tpu.vector_store_idx %arg10[%shift_right_arithmetic3A_1493, %and3A_1496], %add3A_1499 : memref<16x128xi32, #tpu.memory_space<vmem>>[vector<16xi32>, vector<16xi32>], vector<16xi32>,
    %add3A_1500 = arith.constant 1 : i32
    %add3A_1501 = vector.broadcast %add3A_1500 : i32 to vector<16xi32>
    %add3A_1502 = arith.addi %add3A_1487, %add3A_1501 : vector<16xi32>
    %shift_right_arithmetic3A_1503 = arith.constant 7 : i32
    %shift_right_arithmetic3A_1504 = vector.broadcast %shift_right_arithmetic3A_1503 : i32 to vector<16xi32>
    %shift_right_arithmetic3A_1505 = arith.shrsi %add3A_1502, %shift_right_arithmetic3A_1504 : vector<16xi32>
    %and3A_1506 = arith.constant 127 : i32
    %and3A_1507 = vector.broadcast %and3A_1506 : i32 to vector<16xi32>
    %and3A_1508 = arith.andi %add3A_1502, %and3A_1507 : vector<16xi32>
    %add3A_1509 = arith.constant 1000000 : i32
    %add3A_1510 = vector.broadcast %add3A_1509 : i32 to vector<16xi32>
    %add3A_1511 = arith.addi %get3A_1481, %add3A_1510 : vector<16xi32>
    tpu.vector_store_idx %arg10[%shift_right_arithmetic3A_1505, %and3A_1508], %add3A_1511 : memref<16x128xi32, #tpu.memory_space<vmem>>[vector<16xi32>, vector<16xi32>], vector<16xi32>,
    %add3A_1512 = arith.constant 2 : i32
    %add3A_1513 = vector.broadcast %add3A_1512 : i32 to vector<16xi32>
    %add3A_1514 = arith.addi %add3A_1487, %add3A_1513 : vector<16xi32>
    %shift_right_arithmetic3A_1515 = arith.constant 7 : i32
    %shift_right_arithmetic3A_1516 = vector.broadcast %shift_right_arithmetic3A_1515 : i32 to vector<16xi32>
    %shift_right_arithmetic3A_1517 = arith.shrsi %add3A_1514, %shift_right_arithmetic3A_1516 : vector<16xi32>
    %and3A_1518 = arith.constant 127 : i32
    %and3A_1519 = vector.broadcast %and3A_1518 : i32 to vector<16xi32>
    %and3A_1520 = arith.andi %add3A_1514, %and3A_1519 : vector<16xi32>
    %add3A_1521 = arith.constant 2000000 : i32
    %add3A_1522 = vector.broadcast %add3A_1521 : i32 to vector<16xi32>
    %add3A_1523 = arith.addi %get3A_1481, %add3A_1522 : vector<16xi32>
    tpu.vector_store_idx %arg10[%shift_right_arithmetic3A_1517, %and3A_1520], %add3A_1523 : memref<16x128xi32, #tpu.memory_space<vmem>>[vector<16xi32>, vector<16xi32>], vector<16xi32>,
    %add3A_1524 = arith.constant 3 : i32
    %add3A_1525 = vector.broadcast %add3A_1524 : i32 to vector<16xi32>
    %add3A_1526 = arith.addi %add3A_1487, %add3A_1525 : vector<16xi32>
    %shift_right_arithmetic3A_1527 = arith.constant 7 : i32
    %shift_right_arithmetic3A_1528 = vector.broadcast %shift_right_arithmetic3A_1527 : i32 to vector<16xi32>
    %shift_right_arithmetic3A_1529 = arith.shrsi %add3A_1526, %shift_right_arithmetic3A_1528 : vector<16xi32>
    %and3A_1530 = arith.constant 127 : i32
    %and3A_1531 = vector.broadcast %and3A_1530 : i32 to vector<16xi32>
    %and3A_1532 = arith.andi %add3A_1526, %and3A_1531 : vector<16xi32>
    %add3A_1533 = arith.constant 3000000 : i32
    %add3A_1534 = vector.broadcast %add3A_1533 : i32 to vector<16xi32>
    %add3A_1535 = arith.addi %get3A_1481, %add3A_1534 : vector<16xi32>
    tpu.vector_store_idx %arg10[%shift_right_arithmetic3A_1529, %and3A_1532], %add3A_1535 : memref<16x128xi32, #tpu.memory_space<vmem>>[vector<16xi32>, vector<16xi32>], vector<16xi32>,
    %mul3A_1536 = arith.constant 3 : i32
    %mul3A_1537 = vector.broadcast %mul3A_1536 : i32 to vector<16xi32>
    %mul3A_1538 = arith.muli %iota3A, %mul3A_1537 : vector<16xi32>
    %add3A_1539 = arith.constant 672 : i32
    %add3A_1540 = vector.broadcast %add3A_1539 : i32 to vector<16xi32>
    %add3A_1541 = arith.addi %add3A_1540, %mul3A_1538 : vector<16xi32>
    %add3A_1542 = arith.constant 0 : i32
    %add3A_1543 = vector.broadcast %add3A_1542 : i32 to vector<16xi32>
    %add3A_1544 = arith.addi %add3A_1541, %add3A_1543 : vector<16xi32>
    %shift_right_arithmetic3A_1545 = arith.constant 7 : i32
    %shift_right_arithmetic3A_1546 = vector.broadcast %shift_right_arithmetic3A_1545 : i32 to vector<16xi32>
    %shift_right_arithmetic3A_1547 = arith.shrsi %add3A_1544, %shift_right_arithmetic3A_1546 : vector<16xi32>
    %and3A_1548 = arith.constant 127 : i32
    %and3A_1549 = vector.broadcast %and3A_1548 : i32 to vector<16xi32>
    %and3A_1550 = arith.andi %add3A_1544, %and3A_1549 : vector<16xi32>
    %add3A_1551 = arith.constant 0 : i32
    %add3A_1552 = vector.broadcast %add3A_1551 : i32 to vector<16xi32>
    %add3A_1553 = arith.addi %get3A_1481, %add3A_1552 : vector<16xi32>
    tpu.vector_store_idx %arg11[%shift_right_arithmetic3A_1547, %and3A_1550], %add3A_1553 : memref<12x128xi32, #tpu.memory_space<vmem>>[vector<16xi32>, vector<16xi32>], vector<16xi32>,
    %add3A_1554 = arith.constant 1 : i32
    %add3A_1555 = vector.broadcast %add3A_1554 : i32 to vector<16xi32>
    %add3A_1556 = arith.addi %add3A_1541, %add3A_1555 : vector<16xi32>
    %shift_right_arithmetic3A_1557 = arith.constant 7 : i32
    %shift_right_arithmetic3A_1558 = vector.broadcast %shift_right_arithmetic3A_1557 : i32 to vector<16xi32>
    %shift_right_arithmetic3A_1559 = arith.shrsi %add3A_1556, %shift_right_arithmetic3A_1558 : vector<16xi32>
    %and3A_1560 = arith.constant 127 : i32
    %and3A_1561 = vector.broadcast %and3A_1560 : i32 to vector<16xi32>
    %and3A_1562 = arith.andi %add3A_1556, %and3A_1561 : vector<16xi32>
    %add3A_1563 = arith.constant 1000000 : i32
    %add3A_1564 = vector.broadcast %add3A_1563 : i32 to vector<16xi32>
    %add3A_1565 = arith.addi %get3A_1481, %add3A_1564 : vector<16xi32>
    tpu.vector_store_idx %arg11[%shift_right_arithmetic3A_1559, %and3A_1562], %add3A_1565 : memref<12x128xi32, #tpu.memory_space<vmem>>[vector<16xi32>, vector<16xi32>], vector<16xi32>,
    %add3A_1566 = arith.constant 2 : i32
    %add3A_1567 = vector.broadcast %add3A_1566 : i32 to vector<16xi32>
    %add3A_1568 = arith.addi %add3A_1541, %add3A_1567 : vector<16xi32>
    %shift_right_arithmetic3A_1569 = arith.constant 7 : i32
    %shift_right_arithmetic3A_1570 = vector.broadcast %shift_right_arithmetic3A_1569 : i32 to vector<16xi32>
    %shift_right_arithmetic3A_1571 = arith.shrsi %add3A_1568, %shift_right_arithmetic3A_1570 : vector<16xi32>
    %and3A_1572 = arith.constant 127 : i32
    %and3A_1573 = vector.broadcast %and3A_1572 : i32 to vector<16xi32>
    %and3A_1574 = arith.andi %add3A_1568, %and3A_1573 : vector<16xi32>
    %add3A_1575 = arith.constant 2000000 : i32
    %add3A_1576 = vector.broadcast %add3A_1575 : i32 to vector<16xi32>
    %add3A_1577 = arith.addi %get3A_1481, %add3A_1576 : vector<16xi32>
    tpu.vector_store_idx %arg11[%shift_right_arithmetic3A_1571, %and3A_1574], %add3A_1577 : memref<12x128xi32, #tpu.memory_space<vmem>>[vector<16xi32>, vector<16xi32>], vector<16xi32>,
    %get3A_1578 = arith.constant 1 : i32
    %get3A_1579 = arith.index_cast %get3A_1578 : i32 to index
    %get3A_1580 = arith.constant 112 : index
    %get3A_1581 = tpu.vector_load %arg9[%get3A_1579, %get3A_1580] {strides = array<i32>} : memref<4x128xi32, #tpu.memory_space<vmem>>, vector<16xi32>,
    %mul3A_1582 = arith.constant 4 : i32
    %mul3A_1583 = vector.broadcast %mul3A_1582 : i32 to vector<16xi32>
    %mul3A_1584 = arith.muli %iota3A, %mul3A_1583 : vector<16xi32>
    %add3A_1585 = arith.constant 960 : i32
    %add3A_1586 = vector.broadcast %add3A_1585 : i32 to vector<16xi32>
    %add3A_1587 = arith.addi %add3A_1586, %mul3A_1584 : vector<16xi32>
    %add3A_1588 = arith.constant 0 : i32
    %add3A_1589 = vector.broadcast %add3A_1588 : i32 to vector<16xi32>
    %add3A_1590 = arith.addi %add3A_1587, %add3A_1589 : vector<16xi32>
    %shift_right_arithmetic3A_1591 = arith.constant 7 : i32
    %shift_right_arithmetic3A_1592 = vector.broadcast %shift_right_arithmetic3A_1591 : i32 to vector<16xi32>
    %shift_right_arithmetic3A_1593 = arith.shrsi %add3A_1590, %shift_right_arithmetic3A_1592 : vector<16xi32>
    %and3A_1594 = arith.constant 127 : i32
    %and3A_1595 = vector.broadcast %and3A_1594 : i32 to vector<16xi32>
    %and3A_1596 = arith.andi %add3A_1590, %and3A_1595 : vector<16xi32>
    %add3A_1597 = arith.constant 0 : i32
    %add3A_1598 = vector.broadcast %add3A_1597 : i32 to vector<16xi32>
    %add3A_1599 = arith.addi %get3A_1581, %add3A_1598 : vector<16xi32>
    tpu.vector_store_idx %arg10[%shift_right_arithmetic3A_1593, %and3A_1596], %add3A_1599 : memref<16x128xi32, #tpu.memory_space<vmem>>[vector<16xi32>, vector<16xi32>], vector<16xi32>,
    %add3A_1600 = arith.constant 1 : i32
    %add3A_1601 = vector.broadcast %add3A_1600 : i32 to vector<16xi32>
    %add3A_1602 = arith.addi %add3A_1587, %add3A_1601 : vector<16xi32>
    %shift_right_arithmetic3A_1603 = arith.constant 7 : i32
    %shift_right_arithmetic3A_1604 = vector.broadcast %shift_right_arithmetic3A_1603 : i32 to vector<16xi32>
    %shift_right_arithmetic3A_1605 = arith.shrsi %add3A_1602, %shift_right_arithmetic3A_1604 : vector<16xi32>
    %and3A_1606 = arith.constant 127 : i32
    %and3A_1607 = vector.broadcast %and3A_1606 : i32 to vector<16xi32>
    %and3A_1608 = arith.andi %add3A_1602, %and3A_1607 : vector<16xi32>
    %add3A_1609 = arith.constant 1000000 : i32
    %add3A_1610 = vector.broadcast %add3A_1609 : i32 to vector<16xi32>
    %add3A_1611 = arith.addi %get3A_1581, %add3A_1610 : vector<16xi32>
    tpu.vector_store_idx %arg10[%shift_right_arithmetic3A_1605, %and3A_1608], %add3A_1611 : memref<16x128xi32, #tpu.memory_space<vmem>>[vector<16xi32>, vector<16xi32>], vector<16xi32>,
    %add3A_1612 = arith.constant 2 : i32
    %add3A_1613 = vector.broadcast %add3A_1612 : i32 to vector<16xi32>
    %add3A_1614 = arith.addi %add3A_1587, %add3A_1613 : vector<16xi32>
    %shift_right_arithmetic3A_1615 = arith.constant 7 : i32
    %shift_right_arithmetic3A_1616 = vector.broadcast %shift_right_arithmetic3A_1615 : i32 to vector<16xi32>
    %shift_right_arithmetic3A_1617 = arith.shrsi %add3A_1614, %shift_right_arithmetic3A_1616 : vector<16xi32>
    %and3A_1618 = arith.constant 127 : i32
    %and3A_1619 = vector.broadcast %and3A_1618 : i32 to vector<16xi32>
    %and3A_1620 = arith.andi %add3A_1614, %and3A_1619 : vector<16xi32>
    %add3A_1621 = arith.constant 2000000 : i32
    %add3A_1622 = vector.broadcast %add3A_1621 : i32 to vector<16xi32>
    %add3A_1623 = arith.addi %get3A_1581, %add3A_1622 : vector<16xi32>
    tpu.vector_store_idx %arg10[%shift_right_arithmetic3A_1617, %and3A_1620], %add3A_1623 : memref<16x128xi32, #tpu.memory_space<vmem>>[vector<16xi32>, vector<16xi32>], vector<16xi32>,
    %add3A_1624 = arith.constant 3 : i32
    %add3A_1625 = vector.broadcast %add3A_1624 : i32 to vector<16xi32>
    %add3A_1626 = arith.addi %add3A_1587, %add3A_1625 : vector<16xi32>
    %shift_right_arithmetic3A_1627 = arith.constant 7 : i32
    %shift_right_arithmetic3A_1628 = vector.broadcast %shift_right_arithmetic3A_1627 : i32 to vector<16xi32>
    %shift_right_arithmetic3A_1629 = arith.shrsi %add3A_1626, %shift_right_arithmetic3A_1628 : vector<16xi32>
    %and3A_1630 = arith.constant 127 : i32
    %and3A_1631 = vector.broadcast %and3A_1630 : i32 to vector<16xi32>
    %and3A_1632 = arith.andi %add3A_1626, %and3A_1631 : vector<16xi32>
    %add3A_1633 = arith.constant 3000000 : i32
    %add3A_1634 = vector.broadcast %add3A_1633 : i32 to vector<16xi32>
    %add3A_1635 = arith.addi %get3A_1581, %add3A_1634 : vector<16xi32>
    tpu.vector_store_idx %arg10[%shift_right_arithmetic3A_1629, %and3A_1632], %add3A_1635 : memref<16x128xi32, #tpu.memory_space<vmem>>[vector<16xi32>, vector<16xi32>], vector<16xi32>,
    %mul3A_1636 = arith.constant 3 : i32
    %mul3A_1637 = vector.broadcast %mul3A_1636 : i32 to vector<16xi32>
    %mul3A_1638 = arith.muli %iota3A, %mul3A_1637 : vector<16xi32>
    %add3A_1639 = arith.constant 720 : i32
    %add3A_1640 = vector.broadcast %add3A_1639 : i32 to vector<16xi32>
    %add3A_1641 = arith.addi %add3A_1640, %mul3A_1638 : vector<16xi32>
    %add3A_1642 = arith.constant 0 : i32
    %add3A_1643 = vector.broadcast %add3A_1642 : i32 to vector<16xi32>
    %add3A_1644 = arith.addi %add3A_1641, %add3A_1643 : vector<16xi32>
    %shift_right_arithmetic3A_1645 = arith.constant 7 : i32
    %shift_right_arithmetic3A_1646 = vector.broadcast %shift_right_arithmetic3A_1645 : i32 to vector<16xi32>
    %shift_right_arithmetic3A_1647 = arith.shrsi %add3A_1644, %shift_right_arithmetic3A_1646 : vector<16xi32>
    %and3A_1648 = arith.constant 127 : i32
    %and3A_1649 = vector.broadcast %and3A_1648 : i32 to vector<16xi32>
    %and3A_1650 = arith.andi %add3A_1644, %and3A_1649 : vector<16xi32>
    %add3A_1651 = arith.constant 0 : i32
    %add3A_1652 = vector.broadcast %add3A_1651 : i32 to vector<16xi32>
    %add3A_1653 = arith.addi %get3A_1581, %add3A_1652 : vector<16xi32>
    tpu.vector_store_idx %arg11[%shift_right_arithmetic3A_1647, %and3A_1650], %add3A_1653 : memref<12x128xi32, #tpu.memory_space<vmem>>[vector<16xi32>, vector<16xi32>], vector<16xi32>,
    %add3A_1654 = arith.constant 1 : i32
    %add3A_1655 = vector.broadcast %add3A_1654 : i32 to vector<16xi32>
    %add3A_1656 = arith.addi %add3A_1641, %add3A_1655 : vector<16xi32>
    %shift_right_arithmetic3A_1657 = arith.constant 7 : i32
    %shift_right_arithmetic3A_1658 = vector.broadcast %shift_right_arithmetic3A_1657 : i32 to vector<16xi32>
    %shift_right_arithmetic3A_1659 = arith.shrsi %add3A_1656, %shift_right_arithmetic3A_1658 : vector<16xi32>
    %and3A_1660 = arith.constant 127 : i32
    %and3A_1661 = vector.broadcast %and3A_1660 : i32 to vector<16xi32>
    %and3A_1662 = arith.andi %add3A_1656, %and3A_1661 : vector<16xi32>
    %add3A_1663 = arith.constant 1000000 : i32
    %add3A_1664 = vector.broadcast %add3A_1663 : i32 to vector<16xi32>
    %add3A_1665 = arith.addi %get3A_1581, %add3A_1664 : vector<16xi32>
    tpu.vector_store_idx %arg11[%shift_right_arithmetic3A_1659, %and3A_1662], %add3A_1665 : memref<12x128xi32, #tpu.memory_space<vmem>>[vector<16xi32>, vector<16xi32>], vector<16xi32>,
    %add3A_1666 = arith.constant 2 : i32
    %add3A_1667 = vector.broadcast %add3A_1666 : i32 to vector<16xi32>
    %add3A_1668 = arith.addi %add3A_1641, %add3A_1667 : vector<16xi32>
    %shift_right_arithmetic3A_1669 = arith.constant 7 : i32
    %shift_right_arithmetic3A_1670 = vector.broadcast %shift_right_arithmetic3A_1669 : i32 to vector<16xi32>
    %shift_right_arithmetic3A_1671 = arith.shrsi %add3A_1668, %shift_right_arithmetic3A_1670 : vector<16xi32>
    %and3A_1672 = arith.constant 127 : i32
    %and3A_1673 = vector.broadcast %and3A_1672 : i32 to vector<16xi32>
    %and3A_1674 = arith.andi %add3A_1668, %and3A_1673 : vector<16xi32>
    %add3A_1675 = arith.constant 2000000 : i32
    %add3A_1676 = vector.broadcast %add3A_1675 : i32 to vector<16xi32>
    %add3A_1677 = arith.addi %get3A_1581, %add3A_1676 : vector<16xi32>
    tpu.vector_store_idx %arg11[%shift_right_arithmetic3A_1671, %and3A_1674], %add3A_1677 : memref<12x128xi32, #tpu.memory_space<vmem>>[vector<16xi32>, vector<16xi32>], vector<16xi32>,
    %get3A_1678 = arith.constant 2 : i32
    %get3A_1679 = arith.index_cast %get3A_1678 : i32 to index
    %get3A_1680 = arith.constant 0 : index
    %get3A_1681 = tpu.vector_load %arg9[%get3A_1679, %get3A_1680] {strides = array<i32>} : memref<4x128xi32, #tpu.memory_space<vmem>>, vector<16xi32>,
    %mul3A_1682 = arith.constant 4 : i32
    %mul3A_1683 = vector.broadcast %mul3A_1682 : i32 to vector<16xi32>
    %mul3A_1684 = arith.muli %iota3A, %mul3A_1683 : vector<16xi32>
    %add3A_1685 = arith.constant 1024 : i32
    %add3A_1686 = vector.broadcast %add3A_1685 : i32 to vector<16xi32>
    %add3A_1687 = arith.addi %add3A_1686, %mul3A_1684 : vector<16xi32>
    %add3A_1688 = arith.constant 0 : i32
    %add3A_1689 = vector.broadcast %add3A_1688 : i32 to vector<16xi32>
    %add3A_1690 = arith.addi %add3A_1687, %add3A_1689 : vector<16xi32>
    %shift_right_arithmetic3A_1691 = arith.constant 7 : i32
    %shift_right_arithmetic3A_1692 = vector.broadcast %shift_right_arithmetic3A_1691 : i32 to vector<16xi32>
    %shift_right_arithmetic3A_1693 = arith.shrsi %add3A_1690, %shift_right_arithmetic3A_1692 : vector<16xi32>
    %and3A_1694 = arith.constant 127 : i32
    %and3A_1695 = vector.broadcast %and3A_1694 : i32 to vector<16xi32>
    %and3A_1696 = arith.andi %add3A_1690, %and3A_1695 : vector<16xi32>
    %add3A_1697 = arith.constant 0 : i32
    %add3A_1698 = vector.broadcast %add3A_1697 : i32 to vector<16xi32>
    %add3A_1699 = arith.addi %get3A_1681, %add3A_1698 : vector<16xi32>
    tpu.vector_store_idx %arg10[%shift_right_arithmetic3A_1693, %and3A_1696], %add3A_1699 : memref<16x128xi32, #tpu.memory_space<vmem>>[vector<16xi32>, vector<16xi32>], vector<16xi32>,
    %add3A_1700 = arith.constant 1 : i32
    %add3A_1701 = vector.broadcast %add3A_1700 : i32 to vector<16xi32>
    %add3A_1702 = arith.addi %add3A_1687, %add3A_1701 : vector<16xi32>
    %shift_right_arithmetic3A_1703 = arith.constant 7 : i32
    %shift_right_arithmetic3A_1704 = vector.broadcast %shift_right_arithmetic3A_1703 : i32 to vector<16xi32>
    %shift_right_arithmetic3A_1705 = arith.shrsi %add3A_1702, %shift_right_arithmetic3A_1704 : vector<16xi32>
    %and3A_1706 = arith.constant 127 : i32
    %and3A_1707 = vector.broadcast %and3A_1706 : i32 to vector<16xi32>
    %and3A_1708 = arith.andi %add3A_1702, %and3A_1707 : vector<16xi32>
    %add3A_1709 = arith.constant 1000000 : i32
    %add3A_1710 = vector.broadcast %add3A_1709 : i32 to vector<16xi32>
    %add3A_1711 = arith.addi %get3A_1681, %add3A_1710 : vector<16xi32>
    tpu.vector_store_idx %arg10[%shift_right_arithmetic3A_1705, %and3A_1708], %add3A_1711 : memref<16x128xi32, #tpu.memory_space<vmem>>[vector<16xi32>, vector<16xi32>], vector<16xi32>,
    %add3A_1712 = arith.constant 2 : i32
    %add3A_1713 = vector.broadcast %add3A_1712 : i32 to vector<16xi32>
    %add3A_1714 = arith.addi %add3A_1687, %add3A_1713 : vector<16xi32>
    %shift_right_arithmetic3A_1715 = arith.constant 7 : i32
    %shift_right_arithmetic3A_1716 = vector.broadcast %shift_right_arithmetic3A_1715 : i32 to vector<16xi32>
    %shift_right_arithmetic3A_1717 = arith.shrsi %add3A_1714, %shift_right_arithmetic3A_1716 : vector<16xi32>
    %and3A_1718 = arith.constant 127 : i32
    %and3A_1719 = vector.broadcast %and3A_1718 : i32 to vector<16xi32>
    %and3A_1720 = arith.andi %add3A_1714, %and3A_1719 : vector<16xi32>
    %add3A_1721 = arith.constant 2000000 : i32
    %add3A_1722 = vector.broadcast %add3A_1721 : i32 to vector<16xi32>
    %add3A_1723 = arith.addi %get3A_1681, %add3A_1722 : vector<16xi32>
    tpu.vector_store_idx %arg10[%shift_right_arithmetic3A_1717, %and3A_1720], %add3A_1723 : memref<16x128xi32, #tpu.memory_space<vmem>>[vector<16xi32>, vector<16xi32>], vector<16xi32>,
    %add3A_1724 = arith.constant 3 : i32
    %add3A_1725 = vector.broadcast %add3A_1724 : i32 to vector<16xi32>
    %add3A_1726 = arith.addi %add3A_1687, %add3A_1725 : vector<16xi32>
    %shift_right_arithmetic3A_1727 = arith.constant 7 : i32
    %shift_right_arithmetic3A_1728 = vector.broadcast %shift_right_arithmetic3A_1727 : i32 to vector<16xi32>
    %shift_right_arithmetic3A_1729 = arith.shrsi %add3A_1726, %shift_right_arithmetic3A_1728 : vector<16xi32>
    %and3A_1730 = arith.constant 127 : i32
    %and3A_1731 = vector.broadcast %and3A_1730 : i32 to vector<16xi32>
    %and3A_1732 = arith.andi %add3A_1726, %and3A_1731 : vector<16xi32>
    %add3A_1733 = arith.constant 3000000 : i32
    %add3A_1734 = vector.broadcast %add3A_1733 : i32 to vector<16xi32>
    %add3A_1735 = arith.addi %get3A_1681, %add3A_1734 : vector<16xi32>
    tpu.vector_store_idx %arg10[%shift_right_arithmetic3A_1729, %and3A_1732], %add3A_1735 : memref<16x128xi32, #tpu.memory_space<vmem>>[vector<16xi32>, vector<16xi32>], vector<16xi32>,
    %mul3A_1736 = arith.constant 3 : i32
    %mul3A_1737 = vector.broadcast %mul3A_1736 : i32 to vector<16xi32>
    %mul3A_1738 = arith.muli %iota3A, %mul3A_1737 : vector<16xi32>
    %add3A_1739 = arith.constant 768 : i32
    %add3A_1740 = vector.broadcast %add3A_1739 : i32 to vector<16xi32>
    %add3A_1741 = arith.addi %add3A_1740, %mul3A_1738 : vector<16xi32>
    %add3A_1742 = arith.constant 0 : i32
    %add3A_1743 = vector.broadcast %add3A_1742 : i32 to vector<16xi32>
    %add3A_1744 = arith.addi %add3A_1741, %add3A_1743 : vector<16xi32>
    %shift_right_arithmetic3A_1745 = arith.constant 7 : i32
    %shift_right_arithmetic3A_1746 = vector.broadcast %shift_right_arithmetic3A_1745 : i32 to vector<16xi32>
    %shift_right_arithmetic3A_1747 = arith.shrsi %add3A_1744, %shift_right_arithmetic3A_1746 : vector<16xi32>
    %and3A_1748 = arith.constant 127 : i32
    %and3A_1749 = vector.broadcast %and3A_1748 : i32 to vector<16xi32>
    %and3A_1750 = arith.andi %add3A_1744, %and3A_1749 : vector<16xi32>
    %add3A_1751 = arith.constant 0 : i32
    %add3A_1752 = vector.broadcast %add3A_1751 : i32 to vector<16xi32>
    %add3A_1753 = arith.addi %get3A_1681, %add3A_1752 : vector<16xi32>
    tpu.vector_store_idx %arg11[%shift_right_arithmetic3A_1747, %and3A_1750], %add3A_1753 : memref<12x128xi32, #tpu.memory_space<vmem>>[vector<16xi32>, vector<16xi32>], vector<16xi32>,
    %add3A_1754 = arith.constant 1 : i32
    %add3A_1755 = vector.broadcast %add3A_1754 : i32 to vector<16xi32>
    %add3A_1756 = arith.addi %add3A_1741, %add3A_1755 : vector<16xi32>
    %shift_right_arithmetic3A_1757 = arith.constant 7 : i32
    %shift_right_arithmetic3A_1758 = vector.broadcast %shift_right_arithmetic3A_1757 : i32 to vector<16xi32>
    %shift_right_arithmetic3A_1759 = arith.shrsi %add3A_1756, %shift_right_arithmetic3A_1758 : vector<16xi32>
    %and3A_1760 = arith.constant 127 : i32
    %and3A_1761 = vector.broadcast %and3A_1760 : i32 to vector<16xi32>
    %and3A_1762 = arith.andi %add3A_1756, %and3A_1761 : vector<16xi32>
    %add3A_1763 = arith.constant 1000000 : i32
    %add3A_1764 = vector.broadcast %add3A_1763 : i32 to vector<16xi32>
    %add3A_1765 = arith.addi %get3A_1681, %add3A_1764 : vector<16xi32>
    tpu.vector_store_idx %arg11[%shift_right_arithmetic3A_1759, %and3A_1762], %add3A_1765 : memref<12x128xi32, #tpu.memory_space<vmem>>[vector<16xi32>, vector<16xi32>], vector<16xi32>,
    %add3A_1766 = arith.constant 2 : i32
    %add3A_1767 = vector.broadcast %add3A_1766 : i32 to vector<16xi32>
    %add3A_1768 = arith.addi %add3A_1741, %add3A_1767 : vector<16xi32>
    %shift_right_arithmetic3A_1769 = arith.constant 7 : i32
    %shift_right_arithmetic3A_1770 = vector.broadcast %shift_right_arithmetic3A_1769 : i32 to vector<16xi32>
    %shift_right_arithmetic3A_1771 = arith.shrsi %add3A_1768, %shift_right_arithmetic3A_1770 : vector<16xi32>
    %and3A_1772 = arith.constant 127 : i32
    %and3A_1773 = vector.broadcast %and3A_1772 : i32 to vector<16xi32>
    %and3A_1774 = arith.andi %add3A_1768, %and3A_1773 : vector<16xi32>
    %add3A_1775 = arith.constant 2000000 : i32
    %add3A_1776 = vector.broadcast %add3A_1775 : i32 to vector<16xi32>
    %add3A_1777 = arith.addi %get3A_1681, %add3A_1776 : vector<16xi32>
    tpu.vector_store_idx %arg11[%shift_right_arithmetic3A_1771, %and3A_1774], %add3A_1777 : memref<12x128xi32, #tpu.memory_space<vmem>>[vector<16xi32>, vector<16xi32>], vector<16xi32>,
    %get3A_1778 = arith.constant 2 : i32
    %get3A_1779 = arith.index_cast %get3A_1778 : i32 to index
    %get3A_1780 = arith.constant 16 : index
    %get3A_1781 = tpu.vector_load %arg9[%get3A_1779, %get3A_1780] {strides = array<i32>} : memref<4x128xi32, #tpu.memory_space<vmem>>, vector<16xi32>,
    %mul3A_1782 = arith.constant 4 : i32
    %mul3A_1783 = vector.broadcast %mul3A_1782 : i32 to vector<16xi32>
    %mul3A_1784 = arith.muli %iota3A, %mul3A_1783 : vector<16xi32>
    %add3A_1785 = arith.constant 1088 : i32
    %add3A_1786 = vector.broadcast %add3A_1785 : i32 to vector<16xi32>
    %add3A_1787 = arith.addi %add3A_1786, %mul3A_1784 : vector<16xi32>
    %add3A_1788 = arith.constant 0 : i32
    %add3A_1789 = vector.broadcast %add3A_1788 : i32 to vector<16xi32>
    %add3A_1790 = arith.addi %add3A_1787, %add3A_1789 : vector<16xi32>
    %shift_right_arithmetic3A_1791 = arith.constant 7 : i32
    %shift_right_arithmetic3A_1792 = vector.broadcast %shift_right_arithmetic3A_1791 : i32 to vector<16xi32>
    %shift_right_arithmetic3A_1793 = arith.shrsi %add3A_1790, %shift_right_arithmetic3A_1792 : vector<16xi32>
    %and3A_1794 = arith.constant 127 : i32
    %and3A_1795 = vector.broadcast %and3A_1794 : i32 to vector<16xi32>
    %and3A_1796 = arith.andi %add3A_1790, %and3A_1795 : vector<16xi32>
    %add3A_1797 = arith.constant 0 : i32
    %add3A_1798 = vector.broadcast %add3A_1797 : i32 to vector<16xi32>
    %add3A_1799 = arith.addi %get3A_1781, %add3A_1798 : vector<16xi32>
    tpu.vector_store_idx %arg10[%shift_right_arithmetic3A_1793, %and3A_1796], %add3A_1799 : memref<16x128xi32, #tpu.memory_space<vmem>>[vector<16xi32>, vector<16xi32>], vector<16xi32>,
    %add3A_1800 = arith.constant 1 : i32
    %add3A_1801 = vector.broadcast %add3A_1800 : i32 to vector<16xi32>
    %add3A_1802 = arith.addi %add3A_1787, %add3A_1801 : vector<16xi32>
    %shift_right_arithmetic3A_1803 = arith.constant 7 : i32
    %shift_right_arithmetic3A_1804 = vector.broadcast %shift_right_arithmetic3A_1803 : i32 to vector<16xi32>
    %shift_right_arithmetic3A_1805 = arith.shrsi %add3A_1802, %shift_right_arithmetic3A_1804 : vector<16xi32>
    %and3A_1806 = arith.constant 127 : i32
    %and3A_1807 = vector.broadcast %and3A_1806 : i32 to vector<16xi32>
    %and3A_1808 = arith.andi %add3A_1802, %and3A_1807 : vector<16xi32>
    %add3A_1809 = arith.constant 1000000 : i32
    %add3A_1810 = vector.broadcast %add3A_1809 : i32 to vector<16xi32>
    %add3A_1811 = arith.addi %get3A_1781, %add3A_1810 : vector<16xi32>
    tpu.vector_store_idx %arg10[%shift_right_arithmetic3A_1805, %and3A_1808], %add3A_1811 : memref<16x128xi32, #tpu.memory_space<vmem>>[vector<16xi32>, vector<16xi32>], vector<16xi32>,
    %add3A_1812 = arith.constant 2 : i32
    %add3A_1813 = vector.broadcast %add3A_1812 : i32 to vector<16xi32>
    %add3A_1814 = arith.addi %add3A_1787, %add3A_1813 : vector<16xi32>
    %shift_right_arithmetic3A_1815 = arith.constant 7 : i32
    %shift_right_arithmetic3A_1816 = vector.broadcast %shift_right_arithmetic3A_1815 : i32 to vector<16xi32>
    %shift_right_arithmetic3A_1817 = arith.shrsi %add3A_1814, %shift_right_arithmetic3A_1816 : vector<16xi32>
    %and3A_1818 = arith.constant 127 : i32
    %and3A_1819 = vector.broadcast %and3A_1818 : i32 to vector<16xi32>
    %and3A_1820 = arith.andi %add3A_1814, %and3A_1819 : vector<16xi32>
    %add3A_1821 = arith.constant 2000000 : i32
    %add3A_1822 = vector.broadcast %add3A_1821 : i32 to vector<16xi32>
    %add3A_1823 = arith.addi %get3A_1781, %add3A_1822 : vector<16xi32>
    tpu.vector_store_idx %arg10[%shift_right_arithmetic3A_1817, %and3A_1820], %add3A_1823 : memref<16x128xi32, #tpu.memory_space<vmem>>[vector<16xi32>, vector<16xi32>], vector<16xi32>,
    %add3A_1824 = arith.constant 3 : i32
    %add3A_1825 = vector.broadcast %add3A_1824 : i32 to vector<16xi32>
    %add3A_1826 = arith.addi %add3A_1787, %add3A_1825 : vector<16xi32>
    %shift_right_arithmetic3A_1827 = arith.constant 7 : i32
    %shift_right_arithmetic3A_1828 = vector.broadcast %shift_right_arithmetic3A_1827 : i32 to vector<16xi32>
    %shift_right_arithmetic3A_1829 = arith.shrsi %add3A_1826, %shift_right_arithmetic3A_1828 : vector<16xi32>
    %and3A_1830 = arith.constant 127 : i32
    %and3A_1831 = vector.broadcast %and3A_1830 : i32 to vector<16xi32>
    %and3A_1832 = arith.andi %add3A_1826, %and3A_1831 : vector<16xi32>
    %add3A_1833 = arith.constant 3000000 : i32
    %add3A_1834 = vector.broadcast %add3A_1833 : i32 to vector<16xi32>
    %add3A_1835 = arith.addi %get3A_1781, %add3A_1834 : vector<16xi32>
    tpu.vector_store_idx %arg10[%shift_right_arithmetic3A_1829, %and3A_1832], %add3A_1835 : memref<16x128xi32, #tpu.memory_space<vmem>>[vector<16xi32>, vector<16xi32>], vector<16xi32>,
    %mul3A_1836 = arith.constant 3 : i32
    %mul3A_1837 = vector.broadcast %mul3A_1836 : i32 to vector<16xi32>
    %mul3A_1838 = arith.muli %iota3A, %mul3A_1837 : vector<16xi32>
    %add3A_1839 = arith.constant 816 : i32
    %add3A_1840 = vector.broadcast %add3A_1839 : i32 to vector<16xi32>
    %add3A_1841 = arith.addi %add3A_1840, %mul3A_1838 : vector<16xi32>
    %add3A_1842 = arith.constant 0 : i32
    %add3A_1843 = vector.broadcast %add3A_1842 : i32 to vector<16xi32>
    %add3A_1844 = arith.addi %add3A_1841, %add3A_1843 : vector<16xi32>
    %shift_right_arithmetic3A_1845 = arith.constant 7 : i32
    %shift_right_arithmetic3A_1846 = vector.broadcast %shift_right_arithmetic3A_1845 : i32 to vector<16xi32>
    %shift_right_arithmetic3A_1847 = arith.shrsi %add3A_1844, %shift_right_arithmetic3A_1846 : vector<16xi32>
    %and3A_1848 = arith.constant 127 : i32
    %and3A_1849 = vector.broadcast %and3A_1848 : i32 to vector<16xi32>
    %and3A_1850 = arith.andi %add3A_1844, %and3A_1849 : vector<16xi32>
    %add3A_1851 = arith.constant 0 : i32
    %add3A_1852 = vector.broadcast %add3A_1851 : i32 to vector<16xi32>
    %add3A_1853 = arith.addi %get3A_1781, %add3A_1852 : vector<16xi32>
    tpu.vector_store_idx %arg11[%shift_right_arithmetic3A_1847, %and3A_1850], %add3A_1853 : memref<12x128xi32, #tpu.memory_space<vmem>>[vector<16xi32>, vector<16xi32>], vector<16xi32>,
    %add3A_1854 = arith.constant 1 : i32
    %add3A_1855 = vector.broadcast %add3A_1854 : i32 to vector<16xi32>
    %add3A_1856 = arith.addi %add3A_1841, %add3A_1855 : vector<16xi32>
    %shift_right_arithmetic3A_1857 = arith.constant 7 : i32
    %shift_right_arithmetic3A_1858 = vector.broadcast %shift_right_arithmetic3A_1857 : i32 to vector<16xi32>
    %shift_right_arithmetic3A_1859 = arith.shrsi %add3A_1856, %shift_right_arithmetic3A_1858 : vector<16xi32>
    %and3A_1860 = arith.constant 127 : i32
    %and3A_1861 = vector.broadcast %and3A_1860 : i32 to vector<16xi32>
    %and3A_1862 = arith.andi %add3A_1856, %and3A_1861 : vector<16xi32>
    %add3A_1863 = arith.constant 1000000 : i32
    %add3A_1864 = vector.broadcast %add3A_1863 : i32 to vector<16xi32>
    %add3A_1865 = arith.addi %get3A_1781, %add3A_1864 : vector<16xi32>
    tpu.vector_store_idx %arg11[%shift_right_arithmetic3A_1859, %and3A_1862], %add3A_1865 : memref<12x128xi32, #tpu.memory_space<vmem>>[vector<16xi32>, vector<16xi32>], vector<16xi32>,
    %add3A_1866 = arith.constant 2 : i32
    %add3A_1867 = vector.broadcast %add3A_1866 : i32 to vector<16xi32>
    %add3A_1868 = arith.addi %add3A_1841, %add3A_1867 : vector<16xi32>
    %shift_right_arithmetic3A_1869 = arith.constant 7 : i32
    %shift_right_arithmetic3A_1870 = vector.broadcast %shift_right_arithmetic3A_1869 : i32 to vector<16xi32>
    %shift_right_arithmetic3A_1871 = arith.shrsi %add3A_1868, %shift_right_arithmetic3A_1870 : vector<16xi32>
    %and3A_1872 = arith.constant 127 : i32
    %and3A_1873 = vector.broadcast %and3A_1872 : i32 to vector<16xi32>
    %and3A_1874 = arith.andi %add3A_1868, %and3A_1873 : vector<16xi32>
    %add3A_1875 = arith.constant 2000000 : i32
    %add3A_1876 = vector.broadcast %add3A_1875 : i32 to vector<16xi32>
    %add3A_1877 = arith.addi %get3A_1781, %add3A_1876 : vector<16xi32>
    tpu.vector_store_idx %arg11[%shift_right_arithmetic3A_1871, %and3A_1874], %add3A_1877 : memref<12x128xi32, #tpu.memory_space<vmem>>[vector<16xi32>, vector<16xi32>], vector<16xi32>,
    %get3A_1878 = arith.constant 2 : i32
    %get3A_1879 = arith.index_cast %get3A_1878 : i32 to index
    %get3A_1880 = arith.constant 32 : index
    %get3A_1881 = tpu.vector_load %arg9[%get3A_1879, %get3A_1880] {strides = array<i32>} : memref<4x128xi32, #tpu.memory_space<vmem>>, vector<16xi32>,
    %mul3A_1882 = arith.constant 4 : i32
    %mul3A_1883 = vector.broadcast %mul3A_1882 : i32 to vector<16xi32>
    %mul3A_1884 = arith.muli %iota3A, %mul3A_1883 : vector<16xi32>
    %add3A_1885 = arith.constant 1152 : i32
    %add3A_1886 = vector.broadcast %add3A_1885 : i32 to vector<16xi32>
    %add3A_1887 = arith.addi %add3A_1886, %mul3A_1884 : vector<16xi32>
    %add3A_1888 = arith.constant 0 : i32
    %add3A_1889 = vector.broadcast %add3A_1888 : i32 to vector<16xi32>
    %add3A_1890 = arith.addi %add3A_1887, %add3A_1889 : vector<16xi32>
    %shift_right_arithmetic3A_1891 = arith.constant 7 : i32
    %shift_right_arithmetic3A_1892 = vector.broadcast %shift_right_arithmetic3A_1891 : i32 to vector<16xi32>
    %shift_right_arithmetic3A_1893 = arith.shrsi %add3A_1890, %shift_right_arithmetic3A_1892 : vector<16xi32>
    %and3A_1894 = arith.constant 127 : i32
    %and3A_1895 = vector.broadcast %and3A_1894 : i32 to vector<16xi32>
    %and3A_1896 = arith.andi %add3A_1890, %and3A_1895 : vector<16xi32>
    %add3A_1897 = arith.constant 0 : i32
    %add3A_1898 = vector.broadcast %add3A_1897 : i32 to vector<16xi32>
    %add3A_1899 = arith.addi %get3A_1881, %add3A_1898 : vector<16xi32>
    tpu.vector_store_idx %arg10[%shift_right_arithmetic3A_1893, %and3A_1896], %add3A_1899 : memref<16x128xi32, #tpu.memory_space<vmem>>[vector<16xi32>, vector<16xi32>], vector<16xi32>,
    %add3A_1900 = arith.constant 1 : i32
    %add3A_1901 = vector.broadcast %add3A_1900 : i32 to vector<16xi32>
    %add3A_1902 = arith.addi %add3A_1887, %add3A_1901 : vector<16xi32>
    %shift_right_arithmetic3A_1903 = arith.constant 7 : i32
    %shift_right_arithmetic3A_1904 = vector.broadcast %shift_right_arithmetic3A_1903 : i32 to vector<16xi32>
    %shift_right_arithmetic3A_1905 = arith.shrsi %add3A_1902, %shift_right_arithmetic3A_1904 : vector<16xi32>
    %and3A_1906 = arith.constant 127 : i32
    %and3A_1907 = vector.broadcast %and3A_1906 : i32 to vector<16xi32>
    %and3A_1908 = arith.andi %add3A_1902, %and3A_1907 : vector<16xi32>
    %add3A_1909 = arith.constant 1000000 : i32
    %add3A_1910 = vector.broadcast %add3A_1909 : i32 to vector<16xi32>
    %add3A_1911 = arith.addi %get3A_1881, %add3A_1910 : vector<16xi32>
    tpu.vector_store_idx %arg10[%shift_right_arithmetic3A_1905, %and3A_1908], %add3A_1911 : memref<16x128xi32, #tpu.memory_space<vmem>>[vector<16xi32>, vector<16xi32>], vector<16xi32>,
    %add3A_1912 = arith.constant 2 : i32
    %add3A_1913 = vector.broadcast %add3A_1912 : i32 to vector<16xi32>
    %add3A_1914 = arith.addi %add3A_1887, %add3A_1913 : vector<16xi32>
    %shift_right_arithmetic3A_1915 = arith.constant 7 : i32
    %shift_right_arithmetic3A_1916 = vector.broadcast %shift_right_arithmetic3A_1915 : i32 to vector<16xi32>
    %shift_right_arithmetic3A_1917 = arith.shrsi %add3A_1914, %shift_right_arithmetic3A_1916 : vector<16xi32>
    %and3A_1918 = arith.constant 127 : i32
    %and3A_1919 = vector.broadcast %and3A_1918 : i32 to vector<16xi32>
    %and3A_1920 = arith.andi %add3A_1914, %and3A_1919 : vector<16xi32>
    %add3A_1921 = arith.constant 2000000 : i32
    %add3A_1922 = vector.broadcast %add3A_1921 : i32 to vector<16xi32>
    %add3A_1923 = arith.addi %get3A_1881, %add3A_1922 : vector<16xi32>
    tpu.vector_store_idx %arg10[%shift_right_arithmetic3A_1917, %and3A_1920], %add3A_1923 : memref<16x128xi32, #tpu.memory_space<vmem>>[vector<16xi32>, vector<16xi32>], vector<16xi32>,
    %add3A_1924 = arith.constant 3 : i32
    %add3A_1925 = vector.broadcast %add3A_1924 : i32 to vector<16xi32>
    %add3A_1926 = arith.addi %add3A_1887, %add3A_1925 : vector<16xi32>
    %shift_right_arithmetic3A_1927 = arith.constant 7 : i32
    %shift_right_arithmetic3A_1928 = vector.broadcast %shift_right_arithmetic3A_1927 : i32 to vector<16xi32>
    %shift_right_arithmetic3A_1929 = arith.shrsi %add3A_1926, %shift_right_arithmetic3A_1928 : vector<16xi32>
    %and3A_1930 = arith.constant 127 : i32
    %and3A_1931 = vector.broadcast %and3A_1930 : i32 to vector<16xi32>
    %and3A_1932 = arith.andi %add3A_1926, %and3A_1931 : vector<16xi32>
    %add3A_1933 = arith.constant 3000000 : i32
    %add3A_1934 = vector.broadcast %add3A_1933 : i32 to vector<16xi32>
    %add3A_1935 = arith.addi %get3A_1881, %add3A_1934 : vector<16xi32>
    tpu.vector_store_idx %arg10[%shift_right_arithmetic3A_1929, %and3A_1932], %add3A_1935 : memref<16x128xi32, #tpu.memory_space<vmem>>[vector<16xi32>, vector<16xi32>], vector<16xi32>,
    %mul3A_1936 = arith.constant 3 : i32
    %mul3A_1937 = vector.broadcast %mul3A_1936 : i32 to vector<16xi32>
    %mul3A_1938 = arith.muli %iota3A, %mul3A_1937 : vector<16xi32>
    %add3A_1939 = arith.constant 864 : i32
    %add3A_1940 = vector.broadcast %add3A_1939 : i32 to vector<16xi32>
    %add3A_1941 = arith.addi %add3A_1940, %mul3A_1938 : vector<16xi32>
    %add3A_1942 = arith.constant 0 : i32
    %add3A_1943 = vector.broadcast %add3A_1942 : i32 to vector<16xi32>
    %add3A_1944 = arith.addi %add3A_1941, %add3A_1943 : vector<16xi32>
    %shift_right_arithmetic3A_1945 = arith.constant 7 : i32
    %shift_right_arithmetic3A_1946 = vector.broadcast %shift_right_arithmetic3A_1945 : i32 to vector<16xi32>
    %shift_right_arithmetic3A_1947 = arith.shrsi %add3A_1944, %shift_right_arithmetic3A_1946 : vector<16xi32>
    %and3A_1948 = arith.constant 127 : i32
    %and3A_1949 = vector.broadcast %and3A_1948 : i32 to vector<16xi32>
    %and3A_1950 = arith.andi %add3A_1944, %and3A_1949 : vector<16xi32>
    %add3A_1951 = arith.constant 0 : i32
    %add3A_1952 = vector.broadcast %add3A_1951 : i32 to vector<16xi32>
    %add3A_1953 = arith.addi %get3A_1881, %add3A_1952 : vector<16xi32>
    tpu.vector_store_idx %arg11[%shift_right_arithmetic3A_1947, %and3A_1950], %add3A_1953 : memref<12x128xi32, #tpu.memory_space<vmem>>[vector<16xi32>, vector<16xi32>], vector<16xi32>,
    %add3A_1954 = arith.constant 1 : i32
    %add3A_1955 = vector.broadcast %add3A_1954 : i32 to vector<16xi32>
    %add3A_1956 = arith.addi %add3A_1941, %add3A_1955 : vector<16xi32>
    %shift_right_arithmetic3A_1957 = arith.constant 7 : i32
    %shift_right_arithmetic3A_1958 = vector.broadcast %shift_right_arithmetic3A_1957 : i32 to vector<16xi32>
    %shift_right_arithmetic3A_1959 = arith.shrsi %add3A_1956, %shift_right_arithmetic3A_1958 : vector<16xi32>
    %and3A_1960 = arith.constant 127 : i32
    %and3A_1961 = vector.broadcast %and3A_1960 : i32 to vector<16xi32>
    %and3A_1962 = arith.andi %add3A_1956, %and3A_1961 : vector<16xi32>
    %add3A_1963 = arith.constant 1000000 : i32
    %add3A_1964 = vector.broadcast %add3A_1963 : i32 to vector<16xi32>
    %add3A_1965 = arith.addi %get3A_1881, %add3A_1964 : vector<16xi32>
    tpu.vector_store_idx %arg11[%shift_right_arithmetic3A_1959, %and3A_1962], %add3A_1965 : memref<12x128xi32, #tpu.memory_space<vmem>>[vector<16xi32>, vector<16xi32>], vector<16xi32>,
    %add3A_1966 = arith.constant 2 : i32
    %add3A_1967 = vector.broadcast %add3A_1966 : i32 to vector<16xi32>
    %add3A_1968 = arith.addi %add3A_1941, %add3A_1967 : vector<16xi32>
    %shift_right_arithmetic3A_1969 = arith.constant 7 : i32
    %shift_right_arithmetic3A_1970 = vector.broadcast %shift_right_arithmetic3A_1969 : i32 to vector<16xi32>
    %shift_right_arithmetic3A_1971 = arith.shrsi %add3A_1968, %shift_right_arithmetic3A_1970 : vector<16xi32>
    %and3A_1972 = arith.constant 127 : i32
    %and3A_1973 = vector.broadcast %and3A_1972 : i32 to vector<16xi32>
    %and3A_1974 = arith.andi %add3A_1968, %and3A_1973 : vector<16xi32>
    %add3A_1975 = arith.constant 2000000 : i32
    %add3A_1976 = vector.broadcast %add3A_1975 : i32 to vector<16xi32>
    %add3A_1977 = arith.addi %get3A_1881, %add3A_1976 : vector<16xi32>
    tpu.vector_store_idx %arg11[%shift_right_arithmetic3A_1971, %and3A_1974], %add3A_1977 : memref<12x128xi32, #tpu.memory_space<vmem>>[vector<16xi32>, vector<16xi32>], vector<16xi32>,
    %get3A_1978 = arith.constant 2 : i32
    %get3A_1979 = arith.index_cast %get3A_1978 : i32 to index
    %get3A_1980 = arith.constant 48 : index
    %get3A_1981 = tpu.vector_load %arg9[%get3A_1979, %get3A_1980] {strides = array<i32>} : memref<4x128xi32, #tpu.memory_space<vmem>>, vector<16xi32>,
    %mul3A_1982 = arith.constant 4 : i32
    %mul3A_1983 = vector.broadcast %mul3A_1982 : i32 to vector<16xi32>
    %mul3A_1984 = arith.muli %iota3A, %mul3A_1983 : vector<16xi32>
    %add3A_1985 = arith.constant 1216 : i32
    %add3A_1986 = vector.broadcast %add3A_1985 : i32 to vector<16xi32>
    %add3A_1987 = arith.addi %add3A_1986, %mul3A_1984 : vector<16xi32>
    %add3A_1988 = arith.constant 0 : i32
    %add3A_1989 = vector.broadcast %add3A_1988 : i32 to vector<16xi32>
    %add3A_1990 = arith.addi %add3A_1987, %add3A_1989 : vector<16xi32>
    %shift_right_arithmetic3A_1991 = arith.constant 7 : i32
    %shift_right_arithmetic3A_1992 = vector.broadcast %shift_right_arithmetic3A_1991 : i32 to vector<16xi32>
    %shift_right_arithmetic3A_1993 = arith.shrsi %add3A_1990, %shift_right_arithmetic3A_1992 : vector<16xi32>
    %and3A_1994 = arith.constant 127 : i32
    %and3A_1995 = vector.broadcast %and3A_1994 : i32 to vector<16xi32>
    %and3A_1996 = arith.andi %add3A_1990, %and3A_1995 : vector<16xi32>
    %add3A_1997 = arith.constant 0 : i32
    %add3A_1998 = vector.broadcast %add3A_1997 : i32 to vector<16xi32>
    %add3A_1999 = arith.addi %get3A_1981, %add3A_1998 : vector<16xi32>
    tpu.vector_store_idx %arg10[%shift_right_arithmetic3A_1993, %and3A_1996], %add3A_1999 : memref<16x128xi32, #tpu.memory_space<vmem>>[vector<16xi32>, vector<16xi32>], vector<16xi32>,
    %add3A_2000 = arith.constant 1 : i32
    %add3A_2001 = vector.broadcast %add3A_2000 : i32 to vector<16xi32>
    %add3A_2002 = arith.addi %add3A_1987, %add3A_2001 : vector<16xi32>
    %shift_right_arithmetic3A_2003 = arith.constant 7 : i32
    %shift_right_arithmetic3A_2004 = vector.broadcast %shift_right_arithmetic3A_2003 : i32 to vector<16xi32>
    %shift_right_arithmetic3A_2005 = arith.shrsi %add3A_2002, %shift_right_arithmetic3A_2004 : vector<16xi32>
    %and3A_2006 = arith.constant 127 : i32
    %and3A_2007 = vector.broadcast %and3A_2006 : i32 to vector<16xi32>
    %and3A_2008 = arith.andi %add3A_2002, %and3A_2007 : vector<16xi32>
    %add3A_2009 = arith.constant 1000000 : i32
    %add3A_2010 = vector.broadcast %add3A_2009 : i32 to vector<16xi32>
    %add3A_2011 = arith.addi %get3A_1981, %add3A_2010 : vector<16xi32>
    tpu.vector_store_idx %arg10[%shift_right_arithmetic3A_2005, %and3A_2008], %add3A_2011 : memref<16x128xi32, #tpu.memory_space<vmem>>[vector<16xi32>, vector<16xi32>], vector<16xi32>,
    %add3A_2012 = arith.constant 2 : i32
    %add3A_2013 = vector.broadcast %add3A_2012 : i32 to vector<16xi32>
    %add3A_2014 = arith.addi %add3A_1987, %add3A_2013 : vector<16xi32>
    %shift_right_arithmetic3A_2015 = arith.constant 7 : i32
    %shift_right_arithmetic3A_2016 = vector.broadcast %shift_right_arithmetic3A_2015 : i32 to vector<16xi32>
    %shift_right_arithmetic3A_2017 = arith.shrsi %add3A_2014, %shift_right_arithmetic3A_2016 : vector<16xi32>
    %and3A_2018 = arith.constant 127 : i32
    %and3A_2019 = vector.broadcast %and3A_2018 : i32 to vector<16xi32>
    %and3A_2020 = arith.andi %add3A_2014, %and3A_2019 : vector<16xi32>
    %add3A_2021 = arith.constant 2000000 : i32
    %add3A_2022 = vector.broadcast %add3A_2021 : i32 to vector<16xi32>
    %add3A_2023 = arith.addi %get3A_1981, %add3A_2022 : vector<16xi32>
    tpu.vector_store_idx %arg10[%shift_right_arithmetic3A_2017, %and3A_2020], %add3A_2023 : memref<16x128xi32, #tpu.memory_space<vmem>>[vector<16xi32>, vector<16xi32>], vector<16xi32>,
    %add3A_2024 = arith.constant 3 : i32
    %add3A_2025 = vector.broadcast %add3A_2024 : i32 to vector<16xi32>
    %add3A_2026 = arith.addi %add3A_1987, %add3A_2025 : vector<16xi32>
    %shift_right_arithmetic3A_2027 = arith.constant 7 : i32
    %shift_right_arithmetic3A_2028 = vector.broadcast %shift_right_arithmetic3A_2027 : i32 to vector<16xi32>
    %shift_right_arithmetic3A_2029 = arith.shrsi %add3A_2026, %shift_right_arithmetic3A_2028 : vector<16xi32>
    %and3A_2030 = arith.constant 127 : i32
    %and3A_2031 = vector.broadcast %and3A_2030 : i32 to vector<16xi32>
    %and3A_2032 = arith.andi %add3A_2026, %and3A_2031 : vector<16xi32>
    %add3A_2033 = arith.constant 3000000 : i32
    %add3A_2034 = vector.broadcast %add3A_2033 : i32 to vector<16xi32>
    %add3A_2035 = arith.addi %get3A_1981, %add3A_2034 : vector<16xi32>
    tpu.vector_store_idx %arg10[%shift_right_arithmetic3A_2029, %and3A_2032], %add3A_2035 : memref<16x128xi32, #tpu.memory_space<vmem>>[vector<16xi32>, vector<16xi32>], vector<16xi32>,
    %mul3A_2036 = arith.constant 3 : i32
    %mul3A_2037 = vector.broadcast %mul3A_2036 : i32 to vector<16xi32>
    %mul3A_2038 = arith.muli %iota3A, %mul3A_2037 : vector<16xi32>
    %add3A_2039 = arith.constant 912 : i32
    %add3A_2040 = vector.broadcast %add3A_2039 : i32 to vector<16xi32>
    %add3A_2041 = arith.addi %add3A_2040, %mul3A_2038 : vector<16xi32>
    %add3A_2042 = arith.constant 0 : i32
    %add3A_2043 = vector.broadcast %add3A_2042 : i32 to vector<16xi32>
    %add3A_2044 = arith.addi %add3A_2041, %add3A_2043 : vector<16xi32>
    %shift_right_arithmetic3A_2045 = arith.constant 7 : i32
    %shift_right_arithmetic3A_2046 = vector.broadcast %shift_right_arithmetic3A_2045 : i32 to vector<16xi32>
    %shift_right_arithmetic3A_2047 = arith.shrsi %add3A_2044, %shift_right_arithmetic3A_2046 : vector<16xi32>
    %and3A_2048 = arith.constant 127 : i32
    %and3A_2049 = vector.broadcast %and3A_2048 : i32 to vector<16xi32>
    %and3A_2050 = arith.andi %add3A_2044, %and3A_2049 : vector<16xi32>
    %add3A_2051 = arith.constant 0 : i32
    %add3A_2052 = vector.broadcast %add3A_2051 : i32 to vector<16xi32>
    %add3A_2053 = arith.addi %get3A_1981, %add3A_2052 : vector<16xi32>
    tpu.vector_store_idx %arg11[%shift_right_arithmetic3A_2047, %and3A_2050], %add3A_2053 : memref<12x128xi32, #tpu.memory_space<vmem>>[vector<16xi32>, vector<16xi32>], vector<16xi32>,
    %add3A_2054 = arith.constant 1 : i32
    %add3A_2055 = vector.broadcast %add3A_2054 : i32 to vector<16xi32>
    %add3A_2056 = arith.addi %add3A_2041, %add3A_2055 : vector<16xi32>
    %shift_right_arithmetic3A_2057 = arith.constant 7 : i32
    %shift_right_arithmetic3A_2058 = vector.broadcast %shift_right_arithmetic3A_2057 : i32 to vector<16xi32>
    %shift_right_arithmetic3A_2059 = arith.shrsi %add3A_2056, %shift_right_arithmetic3A_2058 : vector<16xi32>
    %and3A_2060 = arith.constant 127 : i32
    %and3A_2061 = vector.broadcast %and3A_2060 : i32 to vector<16xi32>
    %and3A_2062 = arith.andi %add3A_2056, %and3A_2061 : vector<16xi32>
    %add3A_2063 = arith.constant 1000000 : i32
    %add3A_2064 = vector.broadcast %add3A_2063 : i32 to vector<16xi32>
    %add3A_2065 = arith.addi %get3A_1981, %add3A_2064 : vector<16xi32>
    tpu.vector_store_idx %arg11[%shift_right_arithmetic3A_2059, %and3A_2062], %add3A_2065 : memref<12x128xi32, #tpu.memory_space<vmem>>[vector<16xi32>, vector<16xi32>], vector<16xi32>,
    %add3A_2066 = arith.constant 2 : i32
    %add3A_2067 = vector.broadcast %add3A_2066 : i32 to vector<16xi32>
    %add3A_2068 = arith.addi %add3A_2041, %add3A_2067 : vector<16xi32>
    %shift_right_arithmetic3A_2069 = arith.constant 7 : i32
    %shift_right_arithmetic3A_2070 = vector.broadcast %shift_right_arithmetic3A_2069 : i32 to vector<16xi32>
    %shift_right_arithmetic3A_2071 = arith.shrsi %add3A_2068, %shift_right_arithmetic3A_2070 : vector<16xi32>
    %and3A_2072 = arith.constant 127 : i32
    %and3A_2073 = vector.broadcast %and3A_2072 : i32 to vector<16xi32>
    %and3A_2074 = arith.andi %add3A_2068, %and3A_2073 : vector<16xi32>
    %add3A_2075 = arith.constant 2000000 : i32
    %add3A_2076 = vector.broadcast %add3A_2075 : i32 to vector<16xi32>
    %add3A_2077 = arith.addi %get3A_1981, %add3A_2076 : vector<16xi32>
    tpu.vector_store_idx %arg11[%shift_right_arithmetic3A_2071, %and3A_2074], %add3A_2077 : memref<12x128xi32, #tpu.memory_space<vmem>>[vector<16xi32>, vector<16xi32>], vector<16xi32>,
    %get3A_2078 = arith.constant 2 : i32
    %get3A_2079 = arith.index_cast %get3A_2078 : i32 to index
    %get3A_2080 = arith.constant 64 : index
    %get3A_2081 = tpu.vector_load %arg9[%get3A_2079, %get3A_2080] {strides = array<i32>} : memref<4x128xi32, #tpu.memory_space<vmem>>, vector<16xi32>,
    %mul3A_2082 = arith.constant 4 : i32
    %mul3A_2083 = vector.broadcast %mul3A_2082 : i32 to vector<16xi32>
    %mul3A_2084 = arith.muli %iota3A, %mul3A_2083 : vector<16xi32>
    %add3A_2085 = arith.constant 1280 : i32
    %add3A_2086 = vector.broadcast %add3A_2085 : i32 to vector<16xi32>
    %add3A_2087 = arith.addi %add3A_2086, %mul3A_2084 : vector<16xi32>
    %add3A_2088 = arith.constant 0 : i32
    %add3A_2089 = vector.broadcast %add3A_2088 : i32 to vector<16xi32>
    %add3A_2090 = arith.addi %add3A_2087, %add3A_2089 : vector<16xi32>
    %shift_right_arithmetic3A_2091 = arith.constant 7 : i32
    %shift_right_arithmetic3A_2092 = vector.broadcast %shift_right_arithmetic3A_2091 : i32 to vector<16xi32>
    %shift_right_arithmetic3A_2093 = arith.shrsi %add3A_2090, %shift_right_arithmetic3A_2092 : vector<16xi32>
    %and3A_2094 = arith.constant 127 : i32
    %and3A_2095 = vector.broadcast %and3A_2094 : i32 to vector<16xi32>
    %and3A_2096 = arith.andi %add3A_2090, %and3A_2095 : vector<16xi32>
    %add3A_2097 = arith.constant 0 : i32
    %add3A_2098 = vector.broadcast %add3A_2097 : i32 to vector<16xi32>
    %add3A_2099 = arith.addi %get3A_2081, %add3A_2098 : vector<16xi32>
    tpu.vector_store_idx %arg10[%shift_right_arithmetic3A_2093, %and3A_2096], %add3A_2099 : memref<16x128xi32, #tpu.memory_space<vmem>>[vector<16xi32>, vector<16xi32>], vector<16xi32>,
    %add3A_2100 = arith.constant 1 : i32
    %add3A_2101 = vector.broadcast %add3A_2100 : i32 to vector<16xi32>
    %add3A_2102 = arith.addi %add3A_2087, %add3A_2101 : vector<16xi32>
    %shift_right_arithmetic3A_2103 = arith.constant 7 : i32
    %shift_right_arithmetic3A_2104 = vector.broadcast %shift_right_arithmetic3A_2103 : i32 to vector<16xi32>
    %shift_right_arithmetic3A_2105 = arith.shrsi %add3A_2102, %shift_right_arithmetic3A_2104 : vector<16xi32>
    %and3A_2106 = arith.constant 127 : i32
    %and3A_2107 = vector.broadcast %and3A_2106 : i32 to vector<16xi32>
    %and3A_2108 = arith.andi %add3A_2102, %and3A_2107 : vector<16xi32>
    %add3A_2109 = arith.constant 1000000 : i32
    %add3A_2110 = vector.broadcast %add3A_2109 : i32 to vector<16xi32>
    %add3A_2111 = arith.addi %get3A_2081, %add3A_2110 : vector<16xi32>
    tpu.vector_store_idx %arg10[%shift_right_arithmetic3A_2105, %and3A_2108], %add3A_2111 : memref<16x128xi32, #tpu.memory_space<vmem>>[vector<16xi32>, vector<16xi32>], vector<16xi32>,
    %add3A_2112 = arith.constant 2 : i32
    %add3A_2113 = vector.broadcast %add3A_2112 : i32 to vector<16xi32>
    %add3A_2114 = arith.addi %add3A_2087, %add3A_2113 : vector<16xi32>
    %shift_right_arithmetic3A_2115 = arith.constant 7 : i32
    %shift_right_arithmetic3A_2116 = vector.broadcast %shift_right_arithmetic3A_2115 : i32 to vector<16xi32>
    %shift_right_arithmetic3A_2117 = arith.shrsi %add3A_2114, %shift_right_arithmetic3A_2116 : vector<16xi32>
    %and3A_2118 = arith.constant 127 : i32
    %and3A_2119 = vector.broadcast %and3A_2118 : i32 to vector<16xi32>
    %and3A_2120 = arith.andi %add3A_2114, %and3A_2119 : vector<16xi32>
    %add3A_2121 = arith.constant 2000000 : i32
    %add3A_2122 = vector.broadcast %add3A_2121 : i32 to vector<16xi32>
    %add3A_2123 = arith.addi %get3A_2081, %add3A_2122 : vector<16xi32>
    tpu.vector_store_idx %arg10[%shift_right_arithmetic3A_2117, %and3A_2120], %add3A_2123 : memref<16x128xi32, #tpu.memory_space<vmem>>[vector<16xi32>, vector<16xi32>], vector<16xi32>,
    %add3A_2124 = arith.constant 3 : i32
    %add3A_2125 = vector.broadcast %add3A_2124 : i32 to vector<16xi32>
    %add3A_2126 = arith.addi %add3A_2087, %add3A_2125 : vector<16xi32>
    %shift_right_arithmetic3A_2127 = arith.constant 7 : i32
    %shift_right_arithmetic3A_2128 = vector.broadcast %shift_right_arithmetic3A_2127 : i32 to vector<16xi32>
    %shift_right_arithmetic3A_2129 = arith.shrsi %add3A_2126, %shift_right_arithmetic3A_2128 : vector<16xi32>
    %and3A_2130 = arith.constant 127 : i32
    %and3A_2131 = vector.broadcast %and3A_2130 : i32 to vector<16xi32>
    %and3A_2132 = arith.andi %add3A_2126, %and3A_2131 : vector<16xi32>
    %add3A_2133 = arith.constant 3000000 : i32
    %add3A_2134 = vector.broadcast %add3A_2133 : i32 to vector<16xi32>
    %add3A_2135 = arith.addi %get3A_2081, %add3A_2134 : vector<16xi32>
    tpu.vector_store_idx %arg10[%shift_right_arithmetic3A_2129, %and3A_2132], %add3A_2135 : memref<16x128xi32, #tpu.memory_space<vmem>>[vector<16xi32>, vector<16xi32>], vector<16xi32>,
    %mul3A_2136 = arith.constant 3 : i32
    %mul3A_2137 = vector.broadcast %mul3A_2136 : i32 to vector<16xi32>
    %mul3A_2138 = arith.muli %iota3A, %mul3A_2137 : vector<16xi32>
    %add3A_2139 = arith.constant 960 : i32
    %add3A_2140 = vector.broadcast %add3A_2139 : i32 to vector<16xi32>
    %add3A_2141 = arith.addi %add3A_2140, %mul3A_2138 : vector<16xi32>
    %add3A_2142 = arith.constant 0 : i32
    %add3A_2143 = vector.broadcast %add3A_2142 : i32 to vector<16xi32>
    %add3A_2144 = arith.addi %add3A_2141, %add3A_2143 : vector<16xi32>
    %shift_right_arithmetic3A_2145 = arith.constant 7 : i32
    %shift_right_arithmetic3A_2146 = vector.broadcast %shift_right_arithmetic3A_2145 : i32 to vector<16xi32>
    %shift_right_arithmetic3A_2147 = arith.shrsi %add3A_2144, %shift_right_arithmetic3A_2146 : vector<16xi32>
    %and3A_2148 = arith.constant 127 : i32
    %and3A_2149 = vector.broadcast %and3A_2148 : i32 to vector<16xi32>
    %and3A_2150 = arith.andi %add3A_2144, %and3A_2149 : vector<16xi32>
    %add3A_2151 = arith.constant 0 : i32
    %add3A_2152 = vector.broadcast %add3A_2151 : i32 to vector<16xi32>
    %add3A_2153 = arith.addi %get3A_2081, %add3A_2152 : vector<16xi32>
    tpu.vector_store_idx %arg11[%shift_right_arithmetic3A_2147, %and3A_2150], %add3A_2153 : memref<12x128xi32, #tpu.memory_space<vmem>>[vector<16xi32>, vector<16xi32>], vector<16xi32>,
    %add3A_2154 = arith.constant 1 : i32
    %add3A_2155 = vector.broadcast %add3A_2154 : i32 to vector<16xi32>
    %add3A_2156 = arith.addi %add3A_2141, %add3A_2155 : vector<16xi32>
    %shift_right_arithmetic3A_2157 = arith.constant 7 : i32
    %shift_right_arithmetic3A_2158 = vector.broadcast %shift_right_arithmetic3A_2157 : i32 to vector<16xi32>
    %shift_right_arithmetic3A_2159 = arith.shrsi %add3A_2156, %shift_right_arithmetic3A_2158 : vector<16xi32>
    %and3A_2160 = arith.constant 127 : i32
    %and3A_2161 = vector.broadcast %and3A_2160 : i32 to vector<16xi32>
    %and3A_2162 = arith.andi %add3A_2156, %and3A_2161 : vector<16xi32>
    %add3A_2163 = arith.constant 1000000 : i32
    %add3A_2164 = vector.broadcast %add3A_2163 : i32 to vector<16xi32>
    %add3A_2165 = arith.addi %get3A_2081, %add3A_2164 : vector<16xi32>
    tpu.vector_store_idx %arg11[%shift_right_arithmetic3A_2159, %and3A_2162], %add3A_2165 : memref<12x128xi32, #tpu.memory_space<vmem>>[vector<16xi32>, vector<16xi32>], vector<16xi32>,
    %add3A_2166 = arith.constant 2 : i32
    %add3A_2167 = vector.broadcast %add3A_2166 : i32 to vector<16xi32>
    %add3A_2168 = arith.addi %add3A_2141, %add3A_2167 : vector<16xi32>
    %shift_right_arithmetic3A_2169 = arith.constant 7 : i32
    %shift_right_arithmetic3A_2170 = vector.broadcast %shift_right_arithmetic3A_2169 : i32 to vector<16xi32>
    %shift_right_arithmetic3A_2171 = arith.shrsi %add3A_2168, %shift_right_arithmetic3A_2170 : vector<16xi32>
    %and3A_2172 = arith.constant 127 : i32
    %and3A_2173 = vector.broadcast %and3A_2172 : i32 to vector<16xi32>
    %and3A_2174 = arith.andi %add3A_2168, %and3A_2173 : vector<16xi32>
    %add3A_2175 = arith.constant 2000000 : i32
    %add3A_2176 = vector.broadcast %add3A_2175 : i32 to vector<16xi32>
    %add3A_2177 = arith.addi %get3A_2081, %add3A_2176 : vector<16xi32>
    tpu.vector_store_idx %arg11[%shift_right_arithmetic3A_2171, %and3A_2174], %add3A_2177 : memref<12x128xi32, #tpu.memory_space<vmem>>[vector<16xi32>, vector<16xi32>], vector<16xi32>,
    %get3A_2178 = arith.constant 2 : i32
    %get3A_2179 = arith.index_cast %get3A_2178 : i32 to index
    %get3A_2180 = arith.constant 80 : index
    %get3A_2181 = tpu.vector_load %arg9[%get3A_2179, %get3A_2180] {strides = array<i32>} : memref<4x128xi32, #tpu.memory_space<vmem>>, vector<16xi32>,
    %mul3A_2182 = arith.constant 4 : i32
    %mul3A_2183 = vector.broadcast %mul3A_2182 : i32 to vector<16xi32>
    %mul3A_2184 = arith.muli %iota3A, %mul3A_2183 : vector<16xi32>
    %add3A_2185 = arith.constant 1344 : i32
    %add3A_2186 = vector.broadcast %add3A_2185 : i32 to vector<16xi32>
    %add3A_2187 = arith.addi %add3A_2186, %mul3A_2184 : vector<16xi32>
    %add3A_2188 = arith.constant 0 : i32
    %add3A_2189 = vector.broadcast %add3A_2188 : i32 to vector<16xi32>
    %add3A_2190 = arith.addi %add3A_2187, %add3A_2189 : vector<16xi32>
    %shift_right_arithmetic3A_2191 = arith.constant 7 : i32
    %shift_right_arithmetic3A_2192 = vector.broadcast %shift_right_arithmetic3A_2191 : i32 to vector<16xi32>
    %shift_right_arithmetic3A_2193 = arith.shrsi %add3A_2190, %shift_right_arithmetic3A_2192 : vector<16xi32>
    %and3A_2194 = arith.constant 127 : i32
    %and3A_2195 = vector.broadcast %and3A_2194 : i32 to vector<16xi32>
    %and3A_2196 = arith.andi %add3A_2190, %and3A_2195 : vector<16xi32>
    %add3A_2197 = arith.constant 0 : i32
    %add3A_2198 = vector.broadcast %add3A_2197 : i32 to vector<16xi32>
    %add3A_2199 = arith.addi %get3A_2181, %add3A_2198 : vector<16xi32>
    tpu.vector_store_idx %arg10[%shift_right_arithmetic3A_2193, %and3A_2196], %add3A_2199 : memref<16x128xi32, #tpu.memory_space<vmem>>[vector<16xi32>, vector<16xi32>], vector<16xi32>,
    %add3A_2200 = arith.constant 1 : i32
    %add3A_2201 = vector.broadcast %add3A_2200 : i32 to vector<16xi32>
    %add3A_2202 = arith.addi %add3A_2187, %add3A_2201 : vector<16xi32>
    %shift_right_arithmetic3A_2203 = arith.constant 7 : i32
    %shift_right_arithmetic3A_2204 = vector.broadcast %shift_right_arithmetic3A_2203 : i32 to vector<16xi32>
    %shift_right_arithmetic3A_2205 = arith.shrsi %add3A_2202, %shift_right_arithmetic3A_2204 : vector<16xi32>
    %and3A_2206 = arith.constant 127 : i32
    %and3A_2207 = vector.broadcast %and3A_2206 : i32 to vector<16xi32>
    %and3A_2208 = arith.andi %add3A_2202, %and3A_2207 : vector<16xi32>
    %add3A_2209 = arith.constant 1000000 : i32
    %add3A_2210 = vector.broadcast %add3A_2209 : i32 to vector<16xi32>
    %add3A_2211 = arith.addi %get3A_2181, %add3A_2210 : vector<16xi32>
    tpu.vector_store_idx %arg10[%shift_right_arithmetic3A_2205, %and3A_2208], %add3A_2211 : memref<16x128xi32, #tpu.memory_space<vmem>>[vector<16xi32>, vector<16xi32>], vector<16xi32>,
    %add3A_2212 = arith.constant 2 : i32
    %add3A_2213 = vector.broadcast %add3A_2212 : i32 to vector<16xi32>
    %add3A_2214 = arith.addi %add3A_2187, %add3A_2213 : vector<16xi32>
    %shift_right_arithmetic3A_2215 = arith.constant 7 : i32
    %shift_right_arithmetic3A_2216 = vector.broadcast %shift_right_arithmetic3A_2215 : i32 to vector<16xi32>
    %shift_right_arithmetic3A_2217 = arith.shrsi %add3A_2214, %shift_right_arithmetic3A_2216 : vector<16xi32>
    %and3A_2218 = arith.constant 127 : i32
    %and3A_2219 = vector.broadcast %and3A_2218 : i32 to vector<16xi32>
    %and3A_2220 = arith.andi %add3A_2214, %and3A_2219 : vector<16xi32>
    %add3A_2221 = arith.constant 2000000 : i32
    %add3A_2222 = vector.broadcast %add3A_2221 : i32 to vector<16xi32>
    %add3A_2223 = arith.addi %get3A_2181, %add3A_2222 : vector<16xi32>
    tpu.vector_store_idx %arg10[%shift_right_arithmetic3A_2217, %and3A_2220], %add3A_2223 : memref<16x128xi32, #tpu.memory_space<vmem>>[vector<16xi32>, vector<16xi32>], vector<16xi32>,
    %add3A_2224 = arith.constant 3 : i32
    %add3A_2225 = vector.broadcast %add3A_2224 : i32 to vector<16xi32>
    %add3A_2226 = arith.addi %add3A_2187, %add3A_2225 : vector<16xi32>
    %shift_right_arithmetic3A_2227 = arith.constant 7 : i32
    %shift_right_arithmetic3A_2228 = vector.broadcast %shift_right_arithmetic3A_2227 : i32 to vector<16xi32>
    %shift_right_arithmetic3A_2229 = arith.shrsi %add3A_2226, %shift_right_arithmetic3A_2228 : vector<16xi32>
    %and3A_2230 = arith.constant 127 : i32
    %and3A_2231 = vector.broadcast %and3A_2230 : i32 to vector<16xi32>
    %and3A_2232 = arith.andi %add3A_2226, %and3A_2231 : vector<16xi32>
    %add3A_2233 = arith.constant 3000000 : i32
    %add3A_2234 = vector.broadcast %add3A_2233 : i32 to vector<16xi32>
    %add3A_2235 = arith.addi %get3A_2181, %add3A_2234 : vector<16xi32>
    tpu.vector_store_idx %arg10[%shift_right_arithmetic3A_2229, %and3A_2232], %add3A_2235 : memref<16x128xi32, #tpu.memory_space<vmem>>[vector<16xi32>, vector<16xi32>], vector<16xi32>,
    %mul3A_2236 = arith.constant 3 : i32
    %mul3A_2237 = vector.broadcast %mul3A_2236 : i32 to vector<16xi32>
    %mul3A_2238 = arith.muli %iota3A, %mul3A_2237 : vector<16xi32>
    %add3A_2239 = arith.constant 1008 : i32
    %add3A_2240 = vector.broadcast %add3A_2239 : i32 to vector<16xi32>
    %add3A_2241 = arith.addi %add3A_2240, %mul3A_2238 : vector<16xi32>
    %add3A_2242 = arith.constant 0 : i32
    %add3A_2243 = vector.broadcast %add3A_2242 : i32 to vector<16xi32>
    %add3A_2244 = arith.addi %add3A_2241, %add3A_2243 : vector<16xi32>
    %shift_right_arithmetic3A_2245 = arith.constant 7 : i32
    %shift_right_arithmetic3A_2246 = vector.broadcast %shift_right_arithmetic3A_2245 : i32 to vector<16xi32>
    %shift_right_arithmetic3A_2247 = arith.shrsi %add3A_2244, %shift_right_arithmetic3A_2246 : vector<16xi32>
    %and3A_2248 = arith.constant 127 : i32
    %and3A_2249 = vector.broadcast %and3A_2248 : i32 to vector<16xi32>
    %and3A_2250 = arith.andi %add3A_2244, %and3A_2249 : vector<16xi32>
    %add3A_2251 = arith.constant 0 : i32
    %add3A_2252 = vector.broadcast %add3A_2251 : i32 to vector<16xi32>
    %add3A_2253 = arith.addi %get3A_2181, %add3A_2252 : vector<16xi32>
    tpu.vector_store_idx %arg11[%shift_right_arithmetic3A_2247, %and3A_2250], %add3A_2253 : memref<12x128xi32, #tpu.memory_space<vmem>>[vector<16xi32>, vector<16xi32>], vector<16xi32>,
    %add3A_2254 = arith.constant 1 : i32
    %add3A_2255 = vector.broadcast %add3A_2254 : i32 to vector<16xi32>
    %add3A_2256 = arith.addi %add3A_2241, %add3A_2255 : vector<16xi32>
    %shift_right_arithmetic3A_2257 = arith.constant 7 : i32
    %shift_right_arithmetic3A_2258 = vector.broadcast %shift_right_arithmetic3A_2257 : i32 to vector<16xi32>
    %shift_right_arithmetic3A_2259 = arith.shrsi %add3A_2256, %shift_right_arithmetic3A_2258 : vector<16xi32>
    %and3A_2260 = arith.constant 127 : i32
    %and3A_2261 = vector.broadcast %and3A_2260 : i32 to vector<16xi32>
    %and3A_2262 = arith.andi %add3A_2256, %and3A_2261 : vector<16xi32>
    %add3A_2263 = arith.constant 1000000 : i32
    %add3A_2264 = vector.broadcast %add3A_2263 : i32 to vector<16xi32>
    %add3A_2265 = arith.addi %get3A_2181, %add3A_2264 : vector<16xi32>
    tpu.vector_store_idx %arg11[%shift_right_arithmetic3A_2259, %and3A_2262], %add3A_2265 : memref<12x128xi32, #tpu.memory_space<vmem>>[vector<16xi32>, vector<16xi32>], vector<16xi32>,
    %add3A_2266 = arith.constant 2 : i32
    %add3A_2267 = vector.broadcast %add3A_2266 : i32 to vector<16xi32>
    %add3A_2268 = arith.addi %add3A_2241, %add3A_2267 : vector<16xi32>
    %shift_right_arithmetic3A_2269 = arith.constant 7 : i32
    %shift_right_arithmetic3A_2270 = vector.broadcast %shift_right_arithmetic3A_2269 : i32 to vector<16xi32>
    %shift_right_arithmetic3A_2271 = arith.shrsi %add3A_2268, %shift_right_arithmetic3A_2270 : vector<16xi32>
    %and3A_2272 = arith.constant 127 : i32
    %and3A_2273 = vector.broadcast %and3A_2272 : i32 to vector<16xi32>
    %and3A_2274 = arith.andi %add3A_2268, %and3A_2273 : vector<16xi32>
    %add3A_2275 = arith.constant 2000000 : i32
    %add3A_2276 = vector.broadcast %add3A_2275 : i32 to vector<16xi32>
    %add3A_2277 = arith.addi %get3A_2181, %add3A_2276 : vector<16xi32>
    tpu.vector_store_idx %arg11[%shift_right_arithmetic3A_2271, %and3A_2274], %add3A_2277 : memref<12x128xi32, #tpu.memory_space<vmem>>[vector<16xi32>, vector<16xi32>], vector<16xi32>,
    %get3A_2278 = arith.constant 2 : i32
    %get3A_2279 = arith.index_cast %get3A_2278 : i32 to index
    %get3A_2280 = arith.constant 96 : index
    %get3A_2281 = tpu.vector_load %arg9[%get3A_2279, %get3A_2280] {strides = array<i32>} : memref<4x128xi32, #tpu.memory_space<vmem>>, vector<16xi32>,
    %mul3A_2282 = arith.constant 4 : i32
    %mul3A_2283 = vector.broadcast %mul3A_2282 : i32 to vector<16xi32>
    %mul3A_2284 = arith.muli %iota3A, %mul3A_2283 : vector<16xi32>
    %add3A_2285 = arith.constant 1408 : i32
    %add3A_2286 = vector.broadcast %add3A_2285 : i32 to vector<16xi32>
    %add3A_2287 = arith.addi %add3A_2286, %mul3A_2284 : vector<16xi32>
    %add3A_2288 = arith.constant 0 : i32
    %add3A_2289 = vector.broadcast %add3A_2288 : i32 to vector<16xi32>
    %add3A_2290 = arith.addi %add3A_2287, %add3A_2289 : vector<16xi32>
    %shift_right_arithmetic3A_2291 = arith.constant 7 : i32
    %shift_right_arithmetic3A_2292 = vector.broadcast %shift_right_arithmetic3A_2291 : i32 to vector<16xi32>
    %shift_right_arithmetic3A_2293 = arith.shrsi %add3A_2290, %shift_right_arithmetic3A_2292 : vector<16xi32>
    %and3A_2294 = arith.constant 127 : i32
    %and3A_2295 = vector.broadcast %and3A_2294 : i32 to vector<16xi32>
    %and3A_2296 = arith.andi %add3A_2290, %and3A_2295 : vector<16xi32>
    %add3A_2297 = arith.constant 0 : i32
    %add3A_2298 = vector.broadcast %add3A_2297 : i32 to vector<16xi32>
    %add3A_2299 = arith.addi %get3A_2281, %add3A_2298 : vector<16xi32>
    tpu.vector_store_idx %arg10[%shift_right_arithmetic3A_2293, %and3A_2296], %add3A_2299 : memref<16x128xi32, #tpu.memory_space<vmem>>[vector<16xi32>, vector<16xi32>], vector<16xi32>,
    %add3A_2300 = arith.constant 1 : i32
    %add3A_2301 = vector.broadcast %add3A_2300 : i32 to vector<16xi32>
    %add3A_2302 = arith.addi %add3A_2287, %add3A_2301 : vector<16xi32>
    %shift_right_arithmetic3A_2303 = arith.constant 7 : i32
    %shift_right_arithmetic3A_2304 = vector.broadcast %shift_right_arithmetic3A_2303 : i32 to vector<16xi32>
    %shift_right_arithmetic3A_2305 = arith.shrsi %add3A_2302, %shift_right_arithmetic3A_2304 : vector<16xi32>
    %and3A_2306 = arith.constant 127 : i32
    %and3A_2307 = vector.broadcast %and3A_2306 : i32 to vector<16xi32>
    %and3A_2308 = arith.andi %add3A_2302, %and3A_2307 : vector<16xi32>
    %add3A_2309 = arith.constant 1000000 : i32
    %add3A_2310 = vector.broadcast %add3A_2309 : i32 to vector<16xi32>
    %add3A_2311 = arith.addi %get3A_2281, %add3A_2310 : vector<16xi32>
    tpu.vector_store_idx %arg10[%shift_right_arithmetic3A_2305, %and3A_2308], %add3A_2311 : memref<16x128xi32, #tpu.memory_space<vmem>>[vector<16xi32>, vector<16xi32>], vector<16xi32>,
    %add3A_2312 = arith.constant 2 : i32
    %add3A_2313 = vector.broadcast %add3A_2312 : i32 to vector<16xi32>
    %add3A_2314 = arith.addi %add3A_2287, %add3A_2313 : vector<16xi32>
    %shift_right_arithmetic3A_2315 = arith.constant 7 : i32
    %shift_right_arithmetic3A_2316 = vector.broadcast %shift_right_arithmetic3A_2315 : i32 to vector<16xi32>
    %shift_right_arithmetic3A_2317 = arith.shrsi %add3A_2314, %shift_right_arithmetic3A_2316 : vector<16xi32>
    %and3A_2318 = arith.constant 127 : i32
    %and3A_2319 = vector.broadcast %and3A_2318 : i32 to vector<16xi32>
    %and3A_2320 = arith.andi %add3A_2314, %and3A_2319 : vector<16xi32>
    %add3A_2321 = arith.constant 2000000 : i32
    %add3A_2322 = vector.broadcast %add3A_2321 : i32 to vector<16xi32>
    %add3A_2323 = arith.addi %get3A_2281, %add3A_2322 : vector<16xi32>
    tpu.vector_store_idx %arg10[%shift_right_arithmetic3A_2317, %and3A_2320], %add3A_2323 : memref<16x128xi32, #tpu.memory_space<vmem>>[vector<16xi32>, vector<16xi32>], vector<16xi32>,
    %add3A_2324 = arith.constant 3 : i32
    %add3A_2325 = vector.broadcast %add3A_2324 : i32 to vector<16xi32>
    %add3A_2326 = arith.addi %add3A_2287, %add3A_2325 : vector<16xi32>
    %shift_right_arithmetic3A_2327 = arith.constant 7 : i32
    %shift_right_arithmetic3A_2328 = vector.broadcast %shift_right_arithmetic3A_2327 : i32 to vector<16xi32>
    %shift_right_arithmetic3A_2329 = arith.shrsi %add3A_2326, %shift_right_arithmetic3A_2328 : vector<16xi32>
    %and3A_2330 = arith.constant 127 : i32
    %and3A_2331 = vector.broadcast %and3A_2330 : i32 to vector<16xi32>
    %and3A_2332 = arith.andi %add3A_2326, %and3A_2331 : vector<16xi32>
    %add3A_2333 = arith.constant 3000000 : i32
    %add3A_2334 = vector.broadcast %add3A_2333 : i32 to vector<16xi32>
    %add3A_2335 = arith.addi %get3A_2281, %add3A_2334 : vector<16xi32>
    tpu.vector_store_idx %arg10[%shift_right_arithmetic3A_2329, %and3A_2332], %add3A_2335 : memref<16x128xi32, #tpu.memory_space<vmem>>[vector<16xi32>, vector<16xi32>], vector<16xi32>,
    %mul3A_2336 = arith.constant 3 : i32
    %mul3A_2337 = vector.broadcast %mul3A_2336 : i32 to vector<16xi32>
    %mul3A_2338 = arith.muli %iota3A, %mul3A_2337 : vector<16xi32>
    %add3A_2339 = arith.constant 1056 : i32
    %add3A_2340 = vector.broadcast %add3A_2339 : i32 to vector<16xi32>
    %add3A_2341 = arith.addi %add3A_2340, %mul3A_2338 : vector<16xi32>
    %add3A_2342 = arith.constant 0 : i32
    %add3A_2343 = vector.broadcast %add3A_2342 : i32 to vector<16xi32>
    %add3A_2344 = arith.addi %add3A_2341, %add3A_2343 : vector<16xi32>
    %shift_right_arithmetic3A_2345 = arith.constant 7 : i32
    %shift_right_arithmetic3A_2346 = vector.broadcast %shift_right_arithmetic3A_2345 : i32 to vector<16xi32>
    %shift_right_arithmetic3A_2347 = arith.shrsi %add3A_2344, %shift_right_arithmetic3A_2346 : vector<16xi32>
    %and3A_2348 = arith.constant 127 : i32
    %and3A_2349 = vector.broadcast %and3A_2348 : i32 to vector<16xi32>
    %and3A_2350 = arith.andi %add3A_2344, %and3A_2349 : vector<16xi32>
    %add3A_2351 = arith.constant 0 : i32
    %add3A_2352 = vector.broadcast %add3A_2351 : i32 to vector<16xi32>
    %add3A_2353 = arith.addi %get3A_2281, %add3A_2352 : vector<16xi32>
    tpu.vector_store_idx %arg11[%shift_right_arithmetic3A_2347, %and3A_2350], %add3A_2353 : memref<12x128xi32, #tpu.memory_space<vmem>>[vector<16xi32>, vector<16xi32>], vector<16xi32>,
    %add3A_2354 = arith.constant 1 : i32
    %add3A_2355 = vector.broadcast %add3A_2354 : i32 to vector<16xi32>
    %add3A_2356 = arith.addi %add3A_2341, %add3A_2355 : vector<16xi32>
    %shift_right_arithmetic3A_2357 = arith.constant 7 : i32
    %shift_right_arithmetic3A_2358 = vector.broadcast %shift_right_arithmetic3A_2357 : i32 to vector<16xi32>
    %shift_right_arithmetic3A_2359 = arith.shrsi %add3A_2356, %shift_right_arithmetic3A_2358 : vector<16xi32>
    %and3A_2360 = arith.constant 127 : i32
    %and3A_2361 = vector.broadcast %and3A_2360 : i32 to vector<16xi32>
    %and3A_2362 = arith.andi %add3A_2356, %and3A_2361 : vector<16xi32>
    %add3A_2363 = arith.constant 1000000 : i32
    %add3A_2364 = vector.broadcast %add3A_2363 : i32 to vector<16xi32>
    %add3A_2365 = arith.addi %get3A_2281, %add3A_2364 : vector<16xi32>
    tpu.vector_store_idx %arg11[%shift_right_arithmetic3A_2359, %and3A_2362], %add3A_2365 : memref<12x128xi32, #tpu.memory_space<vmem>>[vector<16xi32>, vector<16xi32>], vector<16xi32>,
    %add3A_2366 = arith.constant 2 : i32
    %add3A_2367 = vector.broadcast %add3A_2366 : i32 to vector<16xi32>
    %add3A_2368 = arith.addi %add3A_2341, %add3A_2367 : vector<16xi32>
    %shift_right_arithmetic3A_2369 = arith.constant 7 : i32
    %shift_right_arithmetic3A_2370 = vector.broadcast %shift_right_arithmetic3A_2369 : i32 to vector<16xi32>
    %shift_right_arithmetic3A_2371 = arith.shrsi %add3A_2368, %shift_right_arithmetic3A_2370 : vector<16xi32>
    %and3A_2372 = arith.constant 127 : i32
    %and3A_2373 = vector.broadcast %and3A_2372 : i32 to vector<16xi32>
    %and3A_2374 = arith.andi %add3A_2368, %and3A_2373 : vector<16xi32>
    %add3A_2375 = arith.constant 2000000 : i32
    %add3A_2376 = vector.broadcast %add3A_2375 : i32 to vector<16xi32>
    %add3A_2377 = arith.addi %get3A_2281, %add3A_2376 : vector<16xi32>
    tpu.vector_store_idx %arg11[%shift_right_arithmetic3A_2371, %and3A_2374], %add3A_2377 : memref<12x128xi32, #tpu.memory_space<vmem>>[vector<16xi32>, vector<16xi32>], vector<16xi32>,
    %get3A_2378 = arith.constant 2 : i32
    %get3A_2379 = arith.index_cast %get3A_2378 : i32 to index
    %get3A_2380 = arith.constant 112 : index
    %get3A_2381 = tpu.vector_load %arg9[%get3A_2379, %get3A_2380] {strides = array<i32>} : memref<4x128xi32, #tpu.memory_space<vmem>>, vector<16xi32>,
    %mul3A_2382 = arith.constant 4 : i32
    %mul3A_2383 = vector.broadcast %mul3A_2382 : i32 to vector<16xi32>
    %mul3A_2384 = arith.muli %iota3A, %mul3A_2383 : vector<16xi32>
    %add3A_2385 = arith.constant 1472 : i32
    %add3A_2386 = vector.broadcast %add3A_2385 : i32 to vector<16xi32>
    %add3A_2387 = arith.addi %add3A_2386, %mul3A_2384 : vector<16xi32>
    %add3A_2388 = arith.constant 0 : i32
    %add3A_2389 = vector.broadcast %add3A_2388 : i32 to vector<16xi32>
    %add3A_2390 = arith.addi %add3A_2387, %add3A_2389 : vector<16xi32>
    %shift_right_arithmetic3A_2391 = arith.constant 7 : i32
    %shift_right_arithmetic3A_2392 = vector.broadcast %shift_right_arithmetic3A_2391 : i32 to vector<16xi32>
    %shift_right_arithmetic3A_2393 = arith.shrsi %add3A_2390, %shift_right_arithmetic3A_2392 : vector<16xi32>
    %and3A_2394 = arith.constant 127 : i32
    %and3A_2395 = vector.broadcast %and3A_2394 : i32 to vector<16xi32>
    %and3A_2396 = arith.andi %add3A_2390, %and3A_2395 : vector<16xi32>
    %add3A_2397 = arith.constant 0 : i32
    %add3A_2398 = vector.broadcast %add3A_2397 : i32 to vector<16xi32>
    %add3A_2399 = arith.addi %get3A_2381, %add3A_2398 : vector<16xi32>
    tpu.vector_store_idx %arg10[%shift_right_arithmetic3A_2393, %and3A_2396], %add3A_2399 : memref<16x128xi32, #tpu.memory_space<vmem>>[vector<16xi32>, vector<16xi32>], vector<16xi32>,
    %add3A_2400 = arith.constant 1 : i32
    %add3A_2401 = vector.broadcast %add3A_2400 : i32 to vector<16xi32>
    %add3A_2402 = arith.addi %add3A_2387, %add3A_2401 : vector<16xi32>
    %shift_right_arithmetic3A_2403 = arith.constant 7 : i32
    %shift_right_arithmetic3A_2404 = vector.broadcast %shift_right_arithmetic3A_2403 : i32 to vector<16xi32>
    %shift_right_arithmetic3A_2405 = arith.shrsi %add3A_2402, %shift_right_arithmetic3A_2404 : vector<16xi32>
    %and3A_2406 = arith.constant 127 : i32
    %and3A_2407 = vector.broadcast %and3A_2406 : i32 to vector<16xi32>
    %and3A_2408 = arith.andi %add3A_2402, %and3A_2407 : vector<16xi32>
    %add3A_2409 = arith.constant 1000000 : i32
    %add3A_2410 = vector.broadcast %add3A_2409 : i32 to vector<16xi32>
    %add3A_2411 = arith.addi %get3A_2381, %add3A_2410 : vector<16xi32>
    tpu.vector_store_idx %arg10[%shift_right_arithmetic3A_2405, %and3A_2408], %add3A_2411 : memref<16x128xi32, #tpu.memory_space<vmem>>[vector<16xi32>, vector<16xi32>], vector<16xi32>,
    %add3A_2412 = arith.constant 2 : i32
    %add3A_2413 = vector.broadcast %add3A_2412 : i32 to vector<16xi32>
    %add3A_2414 = arith.addi %add3A_2387, %add3A_2413 : vector<16xi32>
    %shift_right_arithmetic3A_2415 = arith.constant 7 : i32
    %shift_right_arithmetic3A_2416 = vector.broadcast %shift_right_arithmetic3A_2415 : i32 to vector<16xi32>
    %shift_right_arithmetic3A_2417 = arith.shrsi %add3A_2414, %shift_right_arithmetic3A_2416 : vector<16xi32>
    %and3A_2418 = arith.constant 127 : i32
    %and3A_2419 = vector.broadcast %and3A_2418 : i32 to vector<16xi32>
    %and3A_2420 = arith.andi %add3A_2414, %and3A_2419 : vector<16xi32>
    %add3A_2421 = arith.constant 2000000 : i32
    %add3A_2422 = vector.broadcast %add3A_2421 : i32 to vector<16xi32>
    %add3A_2423 = arith.addi %get3A_2381, %add3A_2422 : vector<16xi32>
    tpu.vector_store_idx %arg10[%shift_right_arithmetic3A_2417, %and3A_2420], %add3A_2423 : memref<16x128xi32, #tpu.memory_space<vmem>>[vector<16xi32>, vector<16xi32>], vector<16xi32>,
    %add3A_2424 = arith.constant 3 : i32
    %add3A_2425 = vector.broadcast %add3A_2424 : i32 to vector<16xi32>
    %add3A_2426 = arith.addi %add3A_2387, %add3A_2425 : vector<16xi32>
    %shift_right_arithmetic3A_2427 = arith.constant 7 : i32
    %shift_right_arithmetic3A_2428 = vector.broadcast %shift_right_arithmetic3A_2427 : i32 to vector<16xi32>
    %shift_right_arithmetic3A_2429 = arith.shrsi %add3A_2426, %shift_right_arithmetic3A_2428 : vector<16xi32>
    %and3A_2430 = arith.constant 127 : i32
    %and3A_2431 = vector.broadcast %and3A_2430 : i32 to vector<16xi32>
    %and3A_2432 = arith.andi %add3A_2426, %and3A_2431 : vector<16xi32>
    %add3A_2433 = arith.constant 3000000 : i32
    %add3A_2434 = vector.broadcast %add3A_2433 : i32 to vector<16xi32>
    %add3A_2435 = arith.addi %get3A_2381, %add3A_2434 : vector<16xi32>
    tpu.vector_store_idx %arg10[%shift_right_arithmetic3A_2429, %and3A_2432], %add3A_2435 : memref<16x128xi32, #tpu.memory_space<vmem>>[vector<16xi32>, vector<16xi32>], vector<16xi32>,
    %mul3A_2436 = arith.constant 3 : i32
    %mul3A_2437 = vector.broadcast %mul3A_2436 : i32 to vector<16xi32>
    %mul3A_2438 = arith.muli %iota3A, %mul3A_2437 : vector<16xi32>
    %add3A_2439 = arith.constant 1104 : i32
    %add3A_2440 = vector.broadcast %add3A_2439 : i32 to vector<16xi32>
    %add3A_2441 = arith.addi %add3A_2440, %mul3A_2438 : vector<16xi32>
    %add3A_2442 = arith.constant 0 : i32
    %add3A_2443 = vector.broadcast %add3A_2442 : i32 to vector<16xi32>
    %add3A_2444 = arith.addi %add3A_2441, %add3A_2443 : vector<16xi32>
    %shift_right_arithmetic3A_2445 = arith.constant 7 : i32
    %shift_right_arithmetic3A_2446 = vector.broadcast %shift_right_arithmetic3A_2445 : i32 to vector<16xi32>
    %shift_right_arithmetic3A_2447 = arith.shrsi %add3A_2444, %shift_right_arithmetic3A_2446 : vector<16xi32>
    %and3A_2448 = arith.constant 127 : i32
    %and3A_2449 = vector.broadcast %and3A_2448 : i32 to vector<16xi32>
    %and3A_2450 = arith.andi %add3A_2444, %and3A_2449 : vector<16xi32>
    %add3A_2451 = arith.constant 0 : i32
    %add3A_2452 = vector.broadcast %add3A_2451 : i32 to vector<16xi32>
    %add3A_2453 = arith.addi %get3A_2381, %add3A_2452 : vector<16xi32>
    tpu.vector_store_idx %arg11[%shift_right_arithmetic3A_2447, %and3A_2450], %add3A_2453 : memref<12x128xi32, #tpu.memory_space<vmem>>[vector<16xi32>, vector<16xi32>], vector<16xi32>,
    %add3A_2454 = arith.constant 1 : i32
    %add3A_2455 = vector.broadcast %add3A_2454 : i32 to vector<16xi32>
    %add3A_2456 = arith.addi %add3A_2441, %add3A_2455 : vector<16xi32>
    %shift_right_arithmetic3A_2457 = arith.constant 7 : i32
    %shift_right_arithmetic3A_2458 = vector.broadcast %shift_right_arithmetic3A_2457 : i32 to vector<16xi32>
    %shift_right_arithmetic3A_2459 = arith.shrsi %add3A_2456, %shift_right_arithmetic3A_2458 : vector<16xi32>
    %and3A_2460 = arith.constant 127 : i32
    %and3A_2461 = vector.broadcast %and3A_2460 : i32 to vector<16xi32>
    %and3A_2462 = arith.andi %add3A_2456, %and3A_2461 : vector<16xi32>
    %add3A_2463 = arith.constant 1000000 : i32
    %add3A_2464 = vector.broadcast %add3A_2463 : i32 to vector<16xi32>
    %add3A_2465 = arith.addi %get3A_2381, %add3A_2464 : vector<16xi32>
    tpu.vector_store_idx %arg11[%shift_right_arithmetic3A_2459, %and3A_2462], %add3A_2465 : memref<12x128xi32, #tpu.memory_space<vmem>>[vector<16xi32>, vector<16xi32>], vector<16xi32>,
    %add3A_2466 = arith.constant 2 : i32
    %add3A_2467 = vector.broadcast %add3A_2466 : i32 to vector<16xi32>
    %add3A_2468 = arith.addi %add3A_2441, %add3A_2467 : vector<16xi32>
    %shift_right_arithmetic3A_2469 = arith.constant 7 : i32
    %shift_right_arithmetic3A_2470 = vector.broadcast %shift_right_arithmetic3A_2469 : i32 to vector<16xi32>
    %shift_right_arithmetic3A_2471 = arith.shrsi %add3A_2468, %shift_right_arithmetic3A_2470 : vector<16xi32>
    %and3A_2472 = arith.constant 127 : i32
    %and3A_2473 = vector.broadcast %and3A_2472 : i32 to vector<16xi32>
    %and3A_2474 = arith.andi %add3A_2468, %and3A_2473 : vector<16xi32>
    %add3A_2475 = arith.constant 2000000 : i32
    %add3A_2476 = vector.broadcast %add3A_2475 : i32 to vector<16xi32>
    %add3A_2477 = arith.addi %get3A_2381, %add3A_2476 : vector<16xi32>
    tpu.vector_store_idx %arg11[%shift_right_arithmetic3A_2471, %and3A_2474], %add3A_2477 : memref<12x128xi32, #tpu.memory_space<vmem>>[vector<16xi32>, vector<16xi32>], vector<16xi32>,
    %get3A_2478 = arith.constant 3 : i32
    %get3A_2479 = arith.index_cast %get3A_2478 : i32 to index
    %get3A_2480 = arith.constant 0 : index
    %get3A_2481 = tpu.vector_load %arg9[%get3A_2479, %get3A_2480] {strides = array<i32>} : memref<4x128xi32, #tpu.memory_space<vmem>>, vector<16xi32>,
    %mul3A_2482 = arith.constant 4 : i32
    %mul3A_2483 = vector.broadcast %mul3A_2482 : i32 to vector<16xi32>
    %mul3A_2484 = arith.muli %iota3A, %mul3A_2483 : vector<16xi32>
    %add3A_2485 = arith.constant 1536 : i32
    %add3A_2486 = vector.broadcast %add3A_2485 : i32 to vector<16xi32>
    %add3A_2487 = arith.addi %add3A_2486, %mul3A_2484 : vector<16xi32>
    %add3A_2488 = arith.constant 0 : i32
    %add3A_2489 = vector.broadcast %add3A_2488 : i32 to vector<16xi32>
    %add3A_2490 = arith.addi %add3A_2487, %add3A_2489 : vector<16xi32>
    %shift_right_arithmetic3A_2491 = arith.constant 7 : i32
    %shift_right_arithmetic3A_2492 = vector.broadcast %shift_right_arithmetic3A_2491 : i32 to vector<16xi32>
    %shift_right_arithmetic3A_2493 = arith.shrsi %add3A_2490, %shift_right_arithmetic3A_2492 : vector<16xi32>
    %and3A_2494 = arith.constant 127 : i32
    %and3A_2495 = vector.broadcast %and3A_2494 : i32 to vector<16xi32>
    %and3A_2496 = arith.andi %add3A_2490, %and3A_2495 : vector<16xi32>
    %add3A_2497 = arith.constant 0 : i32
    %add3A_2498 = vector.broadcast %add3A_2497 : i32 to vector<16xi32>
    %add3A_2499 = arith.addi %get3A_2481, %add3A_2498 : vector<16xi32>
    tpu.vector_store_idx %arg10[%shift_right_arithmetic3A_2493, %and3A_2496], %add3A_2499 : memref<16x128xi32, #tpu.memory_space<vmem>>[vector<16xi32>, vector<16xi32>], vector<16xi32>,
    %add3A_2500 = arith.constant 1 : i32
    %add3A_2501 = vector.broadcast %add3A_2500 : i32 to vector<16xi32>
    %add3A_2502 = arith.addi %add3A_2487, %add3A_2501 : vector<16xi32>
    %shift_right_arithmetic3A_2503 = arith.constant 7 : i32
    %shift_right_arithmetic3A_2504 = vector.broadcast %shift_right_arithmetic3A_2503 : i32 to vector<16xi32>
    %shift_right_arithmetic3A_2505 = arith.shrsi %add3A_2502, %shift_right_arithmetic3A_2504 : vector<16xi32>
    %and3A_2506 = arith.constant 127 : i32
    %and3A_2507 = vector.broadcast %and3A_2506 : i32 to vector<16xi32>
    %and3A_2508 = arith.andi %add3A_2502, %and3A_2507 : vector<16xi32>
    %add3A_2509 = arith.constant 1000000 : i32
    %add3A_2510 = vector.broadcast %add3A_2509 : i32 to vector<16xi32>
    %add3A_2511 = arith.addi %get3A_2481, %add3A_2510 : vector<16xi32>
    tpu.vector_store_idx %arg10[%shift_right_arithmetic3A_2505, %and3A_2508], %add3A_2511 : memref<16x128xi32, #tpu.memory_space<vmem>>[vector<16xi32>, vector<16xi32>], vector<16xi32>,
    %add3A_2512 = arith.constant 2 : i32
    %add3A_2513 = vector.broadcast %add3A_2512 : i32 to vector<16xi32>
    %add3A_2514 = arith.addi %add3A_2487, %add3A_2513 : vector<16xi32>
    %shift_right_arithmetic3A_2515 = arith.constant 7 : i32
    %shift_right_arithmetic3A_2516 = vector.broadcast %shift_right_arithmetic3A_2515 : i32 to vector<16xi32>
    %shift_right_arithmetic3A_2517 = arith.shrsi %add3A_2514, %shift_right_arithmetic3A_2516 : vector<16xi32>
    %and3A_2518 = arith.constant 127 : i32
    %and3A_2519 = vector.broadcast %and3A_2518 : i32 to vector<16xi32>
    %and3A_2520 = arith.andi %add3A_2514, %and3A_2519 : vector<16xi32>
    %add3A_2521 = arith.constant 2000000 : i32
    %add3A_2522 = vector.broadcast %add3A_2521 : i32 to vector<16xi32>
    %add3A_2523 = arith.addi %get3A_2481, %add3A_2522 : vector<16xi32>
    tpu.vector_store_idx %arg10[%shift_right_arithmetic3A_2517, %and3A_2520], %add3A_2523 : memref<16x128xi32, #tpu.memory_space<vmem>>[vector<16xi32>, vector<16xi32>], vector<16xi32>,
    %add3A_2524 = arith.constant 3 : i32
    %add3A_2525 = vector.broadcast %add3A_2524 : i32 to vector<16xi32>
    %add3A_2526 = arith.addi %add3A_2487, %add3A_2525 : vector<16xi32>
    %shift_right_arithmetic3A_2527 = arith.constant 7 : i32
    %shift_right_arithmetic3A_2528 = vector.broadcast %shift_right_arithmetic3A_2527 : i32 to vector<16xi32>
    %shift_right_arithmetic3A_2529 = arith.shrsi %add3A_2526, %shift_right_arithmetic3A_2528 : vector<16xi32>
    %and3A_2530 = arith.constant 127 : i32
    %and3A_2531 = vector.broadcast %and3A_2530 : i32 to vector<16xi32>
    %and3A_2532 = arith.andi %add3A_2526, %and3A_2531 : vector<16xi32>
    %add3A_2533 = arith.constant 3000000 : i32
    %add3A_2534 = vector.broadcast %add3A_2533 : i32 to vector<16xi32>
    %add3A_2535 = arith.addi %get3A_2481, %add3A_2534 : vector<16xi32>
    tpu.vector_store_idx %arg10[%shift_right_arithmetic3A_2529, %and3A_2532], %add3A_2535 : memref<16x128xi32, #tpu.memory_space<vmem>>[vector<16xi32>, vector<16xi32>], vector<16xi32>,
    %mul3A_2536 = arith.constant 3 : i32
    %mul3A_2537 = vector.broadcast %mul3A_2536 : i32 to vector<16xi32>
    %mul3A_2538 = arith.muli %iota3A, %mul3A_2537 : vector<16xi32>
    %add3A_2539 = arith.constant 1152 : i32
    %add3A_2540 = vector.broadcast %add3A_2539 : i32 to vector<16xi32>
    %add3A_2541 = arith.addi %add3A_2540, %mul3A_2538 : vector<16xi32>
    %add3A_2542 = arith.constant 0 : i32
    %add3A_2543 = vector.broadcast %add3A_2542 : i32 to vector<16xi32>
    %add3A_2544 = arith.addi %add3A_2541, %add3A_2543 : vector<16xi32>
    %shift_right_arithmetic3A_2545 = arith.constant 7 : i32
    %shift_right_arithmetic3A_2546 = vector.broadcast %shift_right_arithmetic3A_2545 : i32 to vector<16xi32>
    %shift_right_arithmetic3A_2547 = arith.shrsi %add3A_2544, %shift_right_arithmetic3A_2546 : vector<16xi32>
    %and3A_2548 = arith.constant 127 : i32
    %and3A_2549 = vector.broadcast %and3A_2548 : i32 to vector<16xi32>
    %and3A_2550 = arith.andi %add3A_2544, %and3A_2549 : vector<16xi32>
    %add3A_2551 = arith.constant 0 : i32
    %add3A_2552 = vector.broadcast %add3A_2551 : i32 to vector<16xi32>
    %add3A_2553 = arith.addi %get3A_2481, %add3A_2552 : vector<16xi32>
    tpu.vector_store_idx %arg11[%shift_right_arithmetic3A_2547, %and3A_2550], %add3A_2553 : memref<12x128xi32, #tpu.memory_space<vmem>>[vector<16xi32>, vector<16xi32>], vector<16xi32>,
    %add3A_2554 = arith.constant 1 : i32
    %add3A_2555 = vector.broadcast %add3A_2554 : i32 to vector<16xi32>
    %add3A_2556 = arith.addi %add3A_2541, %add3A_2555 : vector<16xi32>
    %shift_right_arithmetic3A_2557 = arith.constant 7 : i32
    %shift_right_arithmetic3A_2558 = vector.broadcast %shift_right_arithmetic3A_2557 : i32 to vector<16xi32>
    %shift_right_arithmetic3A_2559 = arith.shrsi %add3A_2556, %shift_right_arithmetic3A_2558 : vector<16xi32>
    %and3A_2560 = arith.constant 127 : i32
    %and3A_2561 = vector.broadcast %and3A_2560 : i32 to vector<16xi32>
    %and3A_2562 = arith.andi %add3A_2556, %and3A_2561 : vector<16xi32>
    %add3A_2563 = arith.constant 1000000 : i32
    %add3A_2564 = vector.broadcast %add3A_2563 : i32 to vector<16xi32>
    %add3A_2565 = arith.addi %get3A_2481, %add3A_2564 : vector<16xi32>
    tpu.vector_store_idx %arg11[%shift_right_arithmetic3A_2559, %and3A_2562], %add3A_2565 : memref<12x128xi32, #tpu.memory_space<vmem>>[vector<16xi32>, vector<16xi32>], vector<16xi32>,
    %add3A_2566 = arith.constant 2 : i32
    %add3A_2567 = vector.broadcast %add3A_2566 : i32 to vector<16xi32>
    %add3A_2568 = arith.addi %add3A_2541, %add3A_2567 : vector<16xi32>
    %shift_right_arithmetic3A_2569 = arith.constant 7 : i32
    %shift_right_arithmetic3A_2570 = vector.broadcast %shift_right_arithmetic3A_2569 : i32 to vector<16xi32>
    %shift_right_arithmetic3A_2571 = arith.shrsi %add3A_2568, %shift_right_arithmetic3A_2570 : vector<16xi32>
    %and3A_2572 = arith.constant 127 : i32
    %and3A_2573 = vector.broadcast %and3A_2572 : i32 to vector<16xi32>
    %and3A_2574 = arith.andi %add3A_2568, %and3A_2573 : vector<16xi32>
    %add3A_2575 = arith.constant 2000000 : i32
    %add3A_2576 = vector.broadcast %add3A_2575 : i32 to vector<16xi32>
    %add3A_2577 = arith.addi %get3A_2481, %add3A_2576 : vector<16xi32>
    tpu.vector_store_idx %arg11[%shift_right_arithmetic3A_2571, %and3A_2574], %add3A_2577 : memref<12x128xi32, #tpu.memory_space<vmem>>[vector<16xi32>, vector<16xi32>], vector<16xi32>,
    %get3A_2578 = arith.constant 3 : i32
    %get3A_2579 = arith.index_cast %get3A_2578 : i32 to index
    %get3A_2580 = arith.constant 16 : index
    %get3A_2581 = tpu.vector_load %arg9[%get3A_2579, %get3A_2580] {strides = array<i32>} : memref<4x128xi32, #tpu.memory_space<vmem>>, vector<16xi32>,
    %mul3A_2582 = arith.constant 4 : i32
    %mul3A_2583 = vector.broadcast %mul3A_2582 : i32 to vector<16xi32>
    %mul3A_2584 = arith.muli %iota3A, %mul3A_2583 : vector<16xi32>
    %add3A_2585 = arith.constant 1600 : i32
    %add3A_2586 = vector.broadcast %add3A_2585 : i32 to vector<16xi32>
    %add3A_2587 = arith.addi %add3A_2586, %mul3A_2584 : vector<16xi32>
    %add3A_2588 = arith.constant 0 : i32
    %add3A_2589 = vector.broadcast %add3A_2588 : i32 to vector<16xi32>
    %add3A_2590 = arith.addi %add3A_2587, %add3A_2589 : vector<16xi32>
    %shift_right_arithmetic3A_2591 = arith.constant 7 : i32
    %shift_right_arithmetic3A_2592 = vector.broadcast %shift_right_arithmetic3A_2591 : i32 to vector<16xi32>
    %shift_right_arithmetic3A_2593 = arith.shrsi %add3A_2590, %shift_right_arithmetic3A_2592 : vector<16xi32>
    %and3A_2594 = arith.constant 127 : i32
    %and3A_2595 = vector.broadcast %and3A_2594 : i32 to vector<16xi32>
    %and3A_2596 = arith.andi %add3A_2590, %and3A_2595 : vector<16xi32>
    %add3A_2597 = arith.constant 0 : i32
    %add3A_2598 = vector.broadcast %add3A_2597 : i32 to vector<16xi32>
    %add3A_2599 = arith.addi %get3A_2581, %add3A_2598 : vector<16xi32>
    tpu.vector_store_idx %arg10[%shift_right_arithmetic3A_2593, %and3A_2596], %add3A_2599 : memref<16x128xi32, #tpu.memory_space<vmem>>[vector<16xi32>, vector<16xi32>], vector<16xi32>,
    %add3A_2600 = arith.constant 1 : i32
    %add3A_2601 = vector.broadcast %add3A_2600 : i32 to vector<16xi32>
    %add3A_2602 = arith.addi %add3A_2587, %add3A_2601 : vector<16xi32>
    %shift_right_arithmetic3A_2603 = arith.constant 7 : i32
    %shift_right_arithmetic3A_2604 = vector.broadcast %shift_right_arithmetic3A_2603 : i32 to vector<16xi32>
    %shift_right_arithmetic3A_2605 = arith.shrsi %add3A_2602, %shift_right_arithmetic3A_2604 : vector<16xi32>
    %and3A_2606 = arith.constant 127 : i32
    %and3A_2607 = vector.broadcast %and3A_2606 : i32 to vector<16xi32>
    %and3A_2608 = arith.andi %add3A_2602, %and3A_2607 : vector<16xi32>
    %add3A_2609 = arith.constant 1000000 : i32
    %add3A_2610 = vector.broadcast %add3A_2609 : i32 to vector<16xi32>
    %add3A_2611 = arith.addi %get3A_2581, %add3A_2610 : vector<16xi32>
    tpu.vector_store_idx %arg10[%shift_right_arithmetic3A_2605, %and3A_2608], %add3A_2611 : memref<16x128xi32, #tpu.memory_space<vmem>>[vector<16xi32>, vector<16xi32>], vector<16xi32>,
    %add3A_2612 = arith.constant 2 : i32
    %add3A_2613 = vector.broadcast %add3A_2612 : i32 to vector<16xi32>
    %add3A_2614 = arith.addi %add3A_2587, %add3A_2613 : vector<16xi32>
    %shift_right_arithmetic3A_2615 = arith.constant 7 : i32
    %shift_right_arithmetic3A_2616 = vector.broadcast %shift_right_arithmetic3A_2615 : i32 to vector<16xi32>
    %shift_right_arithmetic3A_2617 = arith.shrsi %add3A_2614, %shift_right_arithmetic3A_2616 : vector<16xi32>
    %and3A_2618 = arith.constant 127 : i32
    %and3A_2619 = vector.broadcast %and3A_2618 : i32 to vector<16xi32>
    %and3A_2620 = arith.andi %add3A_2614, %and3A_2619 : vector<16xi32>
    %add3A_2621 = arith.constant 2000000 : i32
    %add3A_2622 = vector.broadcast %add3A_2621 : i32 to vector<16xi32>
    %add3A_2623 = arith.addi %get3A_2581, %add3A_2622 : vector<16xi32>
    tpu.vector_store_idx %arg10[%shift_right_arithmetic3A_2617, %and3A_2620], %add3A_2623 : memref<16x128xi32, #tpu.memory_space<vmem>>[vector<16xi32>, vector<16xi32>], vector<16xi32>,
    %add3A_2624 = arith.constant 3 : i32
    %add3A_2625 = vector.broadcast %add3A_2624 : i32 to vector<16xi32>
    %add3A_2626 = arith.addi %add3A_2587, %add3A_2625 : vector<16xi32>
    %shift_right_arithmetic3A_2627 = arith.constant 7 : i32
    %shift_right_arithmetic3A_2628 = vector.broadcast %shift_right_arithmetic3A_2627 : i32 to vector<16xi32>
    %shift_right_arithmetic3A_2629 = arith.shrsi %add3A_2626, %shift_right_arithmetic3A_2628 : vector<16xi32>
    %and3A_2630 = arith.constant 127 : i32
    %and3A_2631 = vector.broadcast %and3A_2630 : i32 to vector<16xi32>
    %and3A_2632 = arith.andi %add3A_2626, %and3A_2631 : vector<16xi32>
    %add3A_2633 = arith.constant 3000000 : i32
    %add3A_2634 = vector.broadcast %add3A_2633 : i32 to vector<16xi32>
    %add3A_2635 = arith.addi %get3A_2581, %add3A_2634 : vector<16xi32>
    tpu.vector_store_idx %arg10[%shift_right_arithmetic3A_2629, %and3A_2632], %add3A_2635 : memref<16x128xi32, #tpu.memory_space<vmem>>[vector<16xi32>, vector<16xi32>], vector<16xi32>,
    %mul3A_2636 = arith.constant 3 : i32
    %mul3A_2637 = vector.broadcast %mul3A_2636 : i32 to vector<16xi32>
    %mul3A_2638 = arith.muli %iota3A, %mul3A_2637 : vector<16xi32>
    %add3A_2639 = arith.constant 1200 : i32
    %add3A_2640 = vector.broadcast %add3A_2639 : i32 to vector<16xi32>
    %add3A_2641 = arith.addi %add3A_2640, %mul3A_2638 : vector<16xi32>
    %add3A_2642 = arith.constant 0 : i32
    %add3A_2643 = vector.broadcast %add3A_2642 : i32 to vector<16xi32>
    %add3A_2644 = arith.addi %add3A_2641, %add3A_2643 : vector<16xi32>
    %shift_right_arithmetic3A_2645 = arith.constant 7 : i32
    %shift_right_arithmetic3A_2646 = vector.broadcast %shift_right_arithmetic3A_2645 : i32 to vector<16xi32>
    %shift_right_arithmetic3A_2647 = arith.shrsi %add3A_2644, %shift_right_arithmetic3A_2646 : vector<16xi32>
    %and3A_2648 = arith.constant 127 : i32
    %and3A_2649 = vector.broadcast %and3A_2648 : i32 to vector<16xi32>
    %and3A_2650 = arith.andi %add3A_2644, %and3A_2649 : vector<16xi32>
    %add3A_2651 = arith.constant 0 : i32
    %add3A_2652 = vector.broadcast %add3A_2651 : i32 to vector<16xi32>
    %add3A_2653 = arith.addi %get3A_2581, %add3A_2652 : vector<16xi32>
    tpu.vector_store_idx %arg11[%shift_right_arithmetic3A_2647, %and3A_2650], %add3A_2653 : memref<12x128xi32, #tpu.memory_space<vmem>>[vector<16xi32>, vector<16xi32>], vector<16xi32>,
    %add3A_2654 = arith.constant 1 : i32
    %add3A_2655 = vector.broadcast %add3A_2654 : i32 to vector<16xi32>
    %add3A_2656 = arith.addi %add3A_2641, %add3A_2655 : vector<16xi32>
    %shift_right_arithmetic3A_2657 = arith.constant 7 : i32
    %shift_right_arithmetic3A_2658 = vector.broadcast %shift_right_arithmetic3A_2657 : i32 to vector<16xi32>
    %shift_right_arithmetic3A_2659 = arith.shrsi %add3A_2656, %shift_right_arithmetic3A_2658 : vector<16xi32>
    %and3A_2660 = arith.constant 127 : i32
    %and3A_2661 = vector.broadcast %and3A_2660 : i32 to vector<16xi32>
    %and3A_2662 = arith.andi %add3A_2656, %and3A_2661 : vector<16xi32>
    %add3A_2663 = arith.constant 1000000 : i32
    %add3A_2664 = vector.broadcast %add3A_2663 : i32 to vector<16xi32>
    %add3A_2665 = arith.addi %get3A_2581, %add3A_2664 : vector<16xi32>
    tpu.vector_store_idx %arg11[%shift_right_arithmetic3A_2659, %and3A_2662], %add3A_2665 : memref<12x128xi32, #tpu.memory_space<vmem>>[vector<16xi32>, vector<16xi32>], vector<16xi32>,
    %add3A_2666 = arith.constant 2 : i32
    %add3A_2667 = vector.broadcast %add3A_2666 : i32 to vector<16xi32>
    %add3A_2668 = arith.addi %add3A_2641, %add3A_2667 : vector<16xi32>
    %shift_right_arithmetic3A_2669 = arith.constant 7 : i32
    %shift_right_arithmetic3A_2670 = vector.broadcast %shift_right_arithmetic3A_2669 : i32 to vector<16xi32>
    %shift_right_arithmetic3A_2671 = arith.shrsi %add3A_2668, %shift_right_arithmetic3A_2670 : vector<16xi32>
    %and3A_2672 = arith.constant 127 : i32
    %and3A_2673 = vector.broadcast %and3A_2672 : i32 to vector<16xi32>
    %and3A_2674 = arith.andi %add3A_2668, %and3A_2673 : vector<16xi32>
    %add3A_2675 = arith.constant 2000000 : i32
    %add3A_2676 = vector.broadcast %add3A_2675 : i32 to vector<16xi32>
    %add3A_2677 = arith.addi %get3A_2581, %add3A_2676 : vector<16xi32>
    tpu.vector_store_idx %arg11[%shift_right_arithmetic3A_2671, %and3A_2674], %add3A_2677 : memref<12x128xi32, #tpu.memory_space<vmem>>[vector<16xi32>, vector<16xi32>], vector<16xi32>,
    %get3A_2678 = arith.constant 3 : i32
    %get3A_2679 = arith.index_cast %get3A_2678 : i32 to index
    %get3A_2680 = arith.constant 32 : index
    %get3A_2681 = tpu.vector_load %arg9[%get3A_2679, %get3A_2680] {strides = array<i32>} : memref<4x128xi32, #tpu.memory_space<vmem>>, vector<16xi32>,
    %mul3A_2682 = arith.constant 4 : i32
    %mul3A_2683 = vector.broadcast %mul3A_2682 : i32 to vector<16xi32>
    %mul3A_2684 = arith.muli %iota3A, %mul3A_2683 : vector<16xi32>
    %add3A_2685 = arith.constant 1664 : i32
    %add3A_2686 = vector.broadcast %add3A_2685 : i32 to vector<16xi32>
    %add3A_2687 = arith.addi %add3A_2686, %mul3A_2684 : vector<16xi32>
    %add3A_2688 = arith.constant 0 : i32
    %add3A_2689 = vector.broadcast %add3A_2688 : i32 to vector<16xi32>
    %add3A_2690 = arith.addi %add3A_2687, %add3A_2689 : vector<16xi32>
    %shift_right_arithmetic3A_2691 = arith.constant 7 : i32
    %shift_right_arithmetic3A_2692 = vector.broadcast %shift_right_arithmetic3A_2691 : i32 to vector<16xi32>
    %shift_right_arithmetic3A_2693 = arith.shrsi %add3A_2690, %shift_right_arithmetic3A_2692 : vector<16xi32>
    %and3A_2694 = arith.constant 127 : i32
    %and3A_2695 = vector.broadcast %and3A_2694 : i32 to vector<16xi32>
    %and3A_2696 = arith.andi %add3A_2690, %and3A_2695 : vector<16xi32>
    %add3A_2697 = arith.constant 0 : i32
    %add3A_2698 = vector.broadcast %add3A_2697 : i32 to vector<16xi32>
    %add3A_2699 = arith.addi %get3A_2681, %add3A_2698 : vector<16xi32>
    tpu.vector_store_idx %arg10[%shift_right_arithmetic3A_2693, %and3A_2696], %add3A_2699 : memref<16x128xi32, #tpu.memory_space<vmem>>[vector<16xi32>, vector<16xi32>], vector<16xi32>,
    %add3A_2700 = arith.constant 1 : i32
    %add3A_2701 = vector.broadcast %add3A_2700 : i32 to vector<16xi32>
    %add3A_2702 = arith.addi %add3A_2687, %add3A_2701 : vector<16xi32>
    %shift_right_arithmetic3A_2703 = arith.constant 7 : i32
    %shift_right_arithmetic3A_2704 = vector.broadcast %shift_right_arithmetic3A_2703 : i32 to vector<16xi32>
    %shift_right_arithmetic3A_2705 = arith.shrsi %add3A_2702, %shift_right_arithmetic3A_2704 : vector<16xi32>
    %and3A_2706 = arith.constant 127 : i32
    %and3A_2707 = vector.broadcast %and3A_2706 : i32 to vector<16xi32>
    %and3A_2708 = arith.andi %add3A_2702, %and3A_2707 : vector<16xi32>
    %add3A_2709 = arith.constant 1000000 : i32
    %add3A_2710 = vector.broadcast %add3A_2709 : i32 to vector<16xi32>
    %add3A_2711 = arith.addi %get3A_2681, %add3A_2710 : vector<16xi32>
    tpu.vector_store_idx %arg10[%shift_right_arithmetic3A_2705, %and3A_2708], %add3A_2711 : memref<16x128xi32, #tpu.memory_space<vmem>>[vector<16xi32>, vector<16xi32>], vector<16xi32>,
    %add3A_2712 = arith.constant 2 : i32
    %add3A_2713 = vector.broadcast %add3A_2712 : i32 to vector<16xi32>
    %add3A_2714 = arith.addi %add3A_2687, %add3A_2713 : vector<16xi32>
    %shift_right_arithmetic3A_2715 = arith.constant 7 : i32
    %shift_right_arithmetic3A_2716 = vector.broadcast %shift_right_arithmetic3A_2715 : i32 to vector<16xi32>
    %shift_right_arithmetic3A_2717 = arith.shrsi %add3A_2714, %shift_right_arithmetic3A_2716 : vector<16xi32>
    %and3A_2718 = arith.constant 127 : i32
    %and3A_2719 = vector.broadcast %and3A_2718 : i32 to vector<16xi32>
    %and3A_2720 = arith.andi %add3A_2714, %and3A_2719 : vector<16xi32>
    %add3A_2721 = arith.constant 2000000 : i32
    %add3A_2722 = vector.broadcast %add3A_2721 : i32 to vector<16xi32>
    %add3A_2723 = arith.addi %get3A_2681, %add3A_2722 : vector<16xi32>
    tpu.vector_store_idx %arg10[%shift_right_arithmetic3A_2717, %and3A_2720], %add3A_2723 : memref<16x128xi32, #tpu.memory_space<vmem>>[vector<16xi32>, vector<16xi32>], vector<16xi32>,
    %add3A_2724 = arith.constant 3 : i32
    %add3A_2725 = vector.broadcast %add3A_2724 : i32 to vector<16xi32>
    %add3A_2726 = arith.addi %add3A_2687, %add3A_2725 : vector<16xi32>
    %shift_right_arithmetic3A_2727 = arith.constant 7 : i32
    %shift_right_arithmetic3A_2728 = vector.broadcast %shift_right_arithmetic3A_2727 : i32 to vector<16xi32>
    %shift_right_arithmetic3A_2729 = arith.shrsi %add3A_2726, %shift_right_arithmetic3A_2728 : vector<16xi32>
    %and3A_2730 = arith.constant 127 : i32
    %and3A_2731 = vector.broadcast %and3A_2730 : i32 to vector<16xi32>
    %and3A_2732 = arith.andi %add3A_2726, %and3A_2731 : vector<16xi32>
    %add3A_2733 = arith.constant 3000000 : i32
    %add3A_2734 = vector.broadcast %add3A_2733 : i32 to vector<16xi32>
    %add3A_2735 = arith.addi %get3A_2681, %add3A_2734 : vector<16xi32>
    tpu.vector_store_idx %arg10[%shift_right_arithmetic3A_2729, %and3A_2732], %add3A_2735 : memref<16x128xi32, #tpu.memory_space<vmem>>[vector<16xi32>, vector<16xi32>], vector<16xi32>,
    %mul3A_2736 = arith.constant 3 : i32
    %mul3A_2737 = vector.broadcast %mul3A_2736 : i32 to vector<16xi32>
    %mul3A_2738 = arith.muli %iota3A, %mul3A_2737 : vector<16xi32>
    %add3A_2739 = arith.constant 1248 : i32
    %add3A_2740 = vector.broadcast %add3A_2739 : i32 to vector<16xi32>
    %add3A_2741 = arith.addi %add3A_2740, %mul3A_2738 : vector<16xi32>
    %add3A_2742 = arith.constant 0 : i32
    %add3A_2743 = vector.broadcast %add3A_2742 : i32 to vector<16xi32>
    %add3A_2744 = arith.addi %add3A_2741, %add3A_2743 : vector<16xi32>
    %shift_right_arithmetic3A_2745 = arith.constant 7 : i32
    %shift_right_arithmetic3A_2746 = vector.broadcast %shift_right_arithmetic3A_2745 : i32 to vector<16xi32>
    %shift_right_arithmetic3A_2747 = arith.shrsi %add3A_2744, %shift_right_arithmetic3A_2746 : vector<16xi32>
    %and3A_2748 = arith.constant 127 : i32
    %and3A_2749 = vector.broadcast %and3A_2748 : i32 to vector<16xi32>
    %and3A_2750 = arith.andi %add3A_2744, %and3A_2749 : vector<16xi32>
    %add3A_2751 = arith.constant 0 : i32
    %add3A_2752 = vector.broadcast %add3A_2751 : i32 to vector<16xi32>
    %add3A_2753 = arith.addi %get3A_2681, %add3A_2752 : vector<16xi32>
    tpu.vector_store_idx %arg11[%shift_right_arithmetic3A_2747, %and3A_2750], %add3A_2753 : memref<12x128xi32, #tpu.memory_space<vmem>>[vector<16xi32>, vector<16xi32>], vector<16xi32>,
    %add3A_2754 = arith.constant 1 : i32
    %add3A_2755 = vector.broadcast %add3A_2754 : i32 to vector<16xi32>
    %add3A_2756 = arith.addi %add3A_2741, %add3A_2755 : vector<16xi32>
    %shift_right_arithmetic3A_2757 = arith.constant 7 : i32
    %shift_right_arithmetic3A_2758 = vector.broadcast %shift_right_arithmetic3A_2757 : i32 to vector<16xi32>
    %shift_right_arithmetic3A_2759 = arith.shrsi %add3A_2756, %shift_right_arithmetic3A_2758 : vector<16xi32>
    %and3A_2760 = arith.constant 127 : i32
    %and3A_2761 = vector.broadcast %and3A_2760 : i32 to vector<16xi32>
    %and3A_2762 = arith.andi %add3A_2756, %and3A_2761 : vector<16xi32>
    %add3A_2763 = arith.constant 1000000 : i32
    %add3A_2764 = vector.broadcast %add3A_2763 : i32 to vector<16xi32>
    %add3A_2765 = arith.addi %get3A_2681, %add3A_2764 : vector<16xi32>
    tpu.vector_store_idx %arg11[%shift_right_arithmetic3A_2759, %and3A_2762], %add3A_2765 : memref<12x128xi32, #tpu.memory_space<vmem>>[vector<16xi32>, vector<16xi32>], vector<16xi32>,
    %add3A_2766 = arith.constant 2 : i32
    %add3A_2767 = vector.broadcast %add3A_2766 : i32 to vector<16xi32>
    %add3A_2768 = arith.addi %add3A_2741, %add3A_2767 : vector<16xi32>
    %shift_right_arithmetic3A_2769 = arith.constant 7 : i32
    %shift_right_arithmetic3A_2770 = vector.broadcast %shift_right_arithmetic3A_2769 : i32 to vector<16xi32>
    %shift_right_arithmetic3A_2771 = arith.shrsi %add3A_2768, %shift_right_arithmetic3A_2770 : vector<16xi32>
    %and3A_2772 = arith.constant 127 : i32
    %and3A_2773 = vector.broadcast %and3A_2772 : i32 to vector<16xi32>
    %and3A_2774 = arith.andi %add3A_2768, %and3A_2773 : vector<16xi32>
    %add3A_2775 = arith.constant 2000000 : i32
    %add3A_2776 = vector.broadcast %add3A_2775 : i32 to vector<16xi32>
    %add3A_2777 = arith.addi %get3A_2681, %add3A_2776 : vector<16xi32>
    tpu.vector_store_idx %arg11[%shift_right_arithmetic3A_2771, %and3A_2774], %add3A_2777 : memref<12x128xi32, #tpu.memory_space<vmem>>[vector<16xi32>, vector<16xi32>], vector<16xi32>,
    %get3A_2778 = arith.constant 3 : i32
    %get3A_2779 = arith.index_cast %get3A_2778 : i32 to index
    %get3A_2780 = arith.constant 48 : index
    %get3A_2781 = tpu.vector_load %arg9[%get3A_2779, %get3A_2780] {strides = array<i32>} : memref<4x128xi32, #tpu.memory_space<vmem>>, vector<16xi32>,
    %mul3A_2782 = arith.constant 4 : i32
    %mul3A_2783 = vector.broadcast %mul3A_2782 : i32 to vector<16xi32>
    %mul3A_2784 = arith.muli %iota3A, %mul3A_2783 : vector<16xi32>
    %add3A_2785 = arith.constant 1728 : i32
    %add3A_2786 = vector.broadcast %add3A_2785 : i32 to vector<16xi32>
    %add3A_2787 = arith.addi %add3A_2786, %mul3A_2784 : vector<16xi32>
    %add3A_2788 = arith.constant 0 : i32
    %add3A_2789 = vector.broadcast %add3A_2788 : i32 to vector<16xi32>
    %add3A_2790 = arith.addi %add3A_2787, %add3A_2789 : vector<16xi32>
    %shift_right_arithmetic3A_2791 = arith.constant 7 : i32
    %shift_right_arithmetic3A_2792 = vector.broadcast %shift_right_arithmetic3A_2791 : i32 to vector<16xi32>
    %shift_right_arithmetic3A_2793 = arith.shrsi %add3A_2790, %shift_right_arithmetic3A_2792 : vector<16xi32>
    %and3A_2794 = arith.constant 127 : i32
    %and3A_2795 = vector.broadcast %and3A_2794 : i32 to vector<16xi32>
    %and3A_2796 = arith.andi %add3A_2790, %and3A_2795 : vector<16xi32>
    %add3A_2797 = arith.constant 0 : i32
    %add3A_2798 = vector.broadcast %add3A_2797 : i32 to vector<16xi32>
    %add3A_2799 = arith.addi %get3A_2781, %add3A_2798 : vector<16xi32>
    tpu.vector_store_idx %arg10[%shift_right_arithmetic3A_2793, %and3A_2796], %add3A_2799 : memref<16x128xi32, #tpu.memory_space<vmem>>[vector<16xi32>, vector<16xi32>], vector<16xi32>,
    %add3A_2800 = arith.constant 1 : i32
    %add3A_2801 = vector.broadcast %add3A_2800 : i32 to vector<16xi32>
    %add3A_2802 = arith.addi %add3A_2787, %add3A_2801 : vector<16xi32>
    %shift_right_arithmetic3A_2803 = arith.constant 7 : i32
    %shift_right_arithmetic3A_2804 = vector.broadcast %shift_right_arithmetic3A_2803 : i32 to vector<16xi32>
    %shift_right_arithmetic3A_2805 = arith.shrsi %add3A_2802, %shift_right_arithmetic3A_2804 : vector<16xi32>
    %and3A_2806 = arith.constant 127 : i32
    %and3A_2807 = vector.broadcast %and3A_2806 : i32 to vector<16xi32>
    %and3A_2808 = arith.andi %add3A_2802, %and3A_2807 : vector<16xi32>
    %add3A_2809 = arith.constant 1000000 : i32
    %add3A_2810 = vector.broadcast %add3A_2809 : i32 to vector<16xi32>
    %add3A_2811 = arith.addi %get3A_2781, %add3A_2810 : vector<16xi32>
    tpu.vector_store_idx %arg10[%shift_right_arithmetic3A_2805, %and3A_2808], %add3A_2811 : memref<16x128xi32, #tpu.memory_space<vmem>>[vector<16xi32>, vector<16xi32>], vector<16xi32>,
    %add3A_2812 = arith.constant 2 : i32
    %add3A_2813 = vector.broadcast %add3A_2812 : i32 to vector<16xi32>
    %add3A_2814 = arith.addi %add3A_2787, %add3A_2813 : vector<16xi32>
    %shift_right_arithmetic3A_2815 = arith.constant 7 : i32
    %shift_right_arithmetic3A_2816 = vector.broadcast %shift_right_arithmetic3A_2815 : i32 to vector<16xi32>
    %shift_right_arithmetic3A_2817 = arith.shrsi %add3A_2814, %shift_right_arithmetic3A_2816 : vector<16xi32>
    %and3A_2818 = arith.constant 127 : i32
    %and3A_2819 = vector.broadcast %and3A_2818 : i32 to vector<16xi32>
    %and3A_2820 = arith.andi %add3A_2814, %and3A_2819 : vector<16xi32>
    %add3A_2821 = arith.constant 2000000 : i32
    %add3A_2822 = vector.broadcast %add3A_2821 : i32 to vector<16xi32>
    %add3A_2823 = arith.addi %get3A_2781, %add3A_2822 : vector<16xi32>
    tpu.vector_store_idx %arg10[%shift_right_arithmetic3A_2817, %and3A_2820], %add3A_2823 : memref<16x128xi32, #tpu.memory_space<vmem>>[vector<16xi32>, vector<16xi32>], vector<16xi32>,
    %add3A_2824 = arith.constant 3 : i32
    %add3A_2825 = vector.broadcast %add3A_2824 : i32 to vector<16xi32>
    %add3A_2826 = arith.addi %add3A_2787, %add3A_2825 : vector<16xi32>
    %shift_right_arithmetic3A_2827 = arith.constant 7 : i32
    %shift_right_arithmetic3A_2828 = vector.broadcast %shift_right_arithmetic3A_2827 : i32 to vector<16xi32>
    %shift_right_arithmetic3A_2829 = arith.shrsi %add3A_2826, %shift_right_arithmetic3A_2828 : vector<16xi32>
    %and3A_2830 = arith.constant 127 : i32
    %and3A_2831 = vector.broadcast %and3A_2830 : i32 to vector<16xi32>
    %and3A_2832 = arith.andi %add3A_2826, %and3A_2831 : vector<16xi32>
    %add3A_2833 = arith.constant 3000000 : i32
    %add3A_2834 = vector.broadcast %add3A_2833 : i32 to vector<16xi32>
    %add3A_2835 = arith.addi %get3A_2781, %add3A_2834 : vector<16xi32>
    tpu.vector_store_idx %arg10[%shift_right_arithmetic3A_2829, %and3A_2832], %add3A_2835 : memref<16x128xi32, #tpu.memory_space<vmem>>[vector<16xi32>, vector<16xi32>], vector<16xi32>,
    %mul3A_2836 = arith.constant 3 : i32
    %mul3A_2837 = vector.broadcast %mul3A_2836 : i32 to vector<16xi32>
    %mul3A_2838 = arith.muli %iota3A, %mul3A_2837 : vector<16xi32>
    %add3A_2839 = arith.constant 1296 : i32
    %add3A_2840 = vector.broadcast %add3A_2839 : i32 to vector<16xi32>
    %add3A_2841 = arith.addi %add3A_2840, %mul3A_2838 : vector<16xi32>
    %add3A_2842 = arith.constant 0 : i32
    %add3A_2843 = vector.broadcast %add3A_2842 : i32 to vector<16xi32>
    %add3A_2844 = arith.addi %add3A_2841, %add3A_2843 : vector<16xi32>
    %shift_right_arithmetic3A_2845 = arith.constant 7 : i32
    %shift_right_arithmetic3A_2846 = vector.broadcast %shift_right_arithmetic3A_2845 : i32 to vector<16xi32>
    %shift_right_arithmetic3A_2847 = arith.shrsi %add3A_2844, %shift_right_arithmetic3A_2846 : vector<16xi32>
    %and3A_2848 = arith.constant 127 : i32
    %and3A_2849 = vector.broadcast %and3A_2848 : i32 to vector<16xi32>
    %and3A_2850 = arith.andi %add3A_2844, %and3A_2849 : vector<16xi32>
    %add3A_2851 = arith.constant 0 : i32
    %add3A_2852 = vector.broadcast %add3A_2851 : i32 to vector<16xi32>
    %add3A_2853 = arith.addi %get3A_2781, %add3A_2852 : vector<16xi32>
    tpu.vector_store_idx %arg11[%shift_right_arithmetic3A_2847, %and3A_2850], %add3A_2853 : memref<12x128xi32, #tpu.memory_space<vmem>>[vector<16xi32>, vector<16xi32>], vector<16xi32>,
    %add3A_2854 = arith.constant 1 : i32
    %add3A_2855 = vector.broadcast %add3A_2854 : i32 to vector<16xi32>
    %add3A_2856 = arith.addi %add3A_2841, %add3A_2855 : vector<16xi32>
    %shift_right_arithmetic3A_2857 = arith.constant 7 : i32
    %shift_right_arithmetic3A_2858 = vector.broadcast %shift_right_arithmetic3A_2857 : i32 to vector<16xi32>
    %shift_right_arithmetic3A_2859 = arith.shrsi %add3A_2856, %shift_right_arithmetic3A_2858 : vector<16xi32>
    %and3A_2860 = arith.constant 127 : i32
    %and3A_2861 = vector.broadcast %and3A_2860 : i32 to vector<16xi32>
    %and3A_2862 = arith.andi %add3A_2856, %and3A_2861 : vector<16xi32>
    %add3A_2863 = arith.constant 1000000 : i32
    %add3A_2864 = vector.broadcast %add3A_2863 : i32 to vector<16xi32>
    %add3A_2865 = arith.addi %get3A_2781, %add3A_2864 : vector<16xi32>
    tpu.vector_store_idx %arg11[%shift_right_arithmetic3A_2859, %and3A_2862], %add3A_2865 : memref<12x128xi32, #tpu.memory_space<vmem>>[vector<16xi32>, vector<16xi32>], vector<16xi32>,
    %add3A_2866 = arith.constant 2 : i32
    %add3A_2867 = vector.broadcast %add3A_2866 : i32 to vector<16xi32>
    %add3A_2868 = arith.addi %add3A_2841, %add3A_2867 : vector<16xi32>
    %shift_right_arithmetic3A_2869 = arith.constant 7 : i32
    %shift_right_arithmetic3A_2870 = vector.broadcast %shift_right_arithmetic3A_2869 : i32 to vector<16xi32>
    %shift_right_arithmetic3A_2871 = arith.shrsi %add3A_2868, %shift_right_arithmetic3A_2870 : vector<16xi32>
    %and3A_2872 = arith.constant 127 : i32
    %and3A_2873 = vector.broadcast %and3A_2872 : i32 to vector<16xi32>
    %and3A_2874 = arith.andi %add3A_2868, %and3A_2873 : vector<16xi32>
    %add3A_2875 = arith.constant 2000000 : i32
    %add3A_2876 = vector.broadcast %add3A_2875 : i32 to vector<16xi32>
    %add3A_2877 = arith.addi %get3A_2781, %add3A_2876 : vector<16xi32>
    tpu.vector_store_idx %arg11[%shift_right_arithmetic3A_2871, %and3A_2874], %add3A_2877 : memref<12x128xi32, #tpu.memory_space<vmem>>[vector<16xi32>, vector<16xi32>], vector<16xi32>,
    %get3A_2878 = arith.constant 3 : i32
    %get3A_2879 = arith.index_cast %get3A_2878 : i32 to index
    %get3A_2880 = arith.constant 64 : index
    %get3A_2881 = tpu.vector_load %arg9[%get3A_2879, %get3A_2880] {strides = array<i32>} : memref<4x128xi32, #tpu.memory_space<vmem>>, vector<16xi32>,
    %mul3A_2882 = arith.constant 4 : i32
    %mul3A_2883 = vector.broadcast %mul3A_2882 : i32 to vector<16xi32>
    %mul3A_2884 = arith.muli %iota3A, %mul3A_2883 : vector<16xi32>
    %add3A_2885 = arith.constant 1792 : i32
    %add3A_2886 = vector.broadcast %add3A_2885 : i32 to vector<16xi32>
    %add3A_2887 = arith.addi %add3A_2886, %mul3A_2884 : vector<16xi32>
    %add3A_2888 = arith.constant 0 : i32
    %add3A_2889 = vector.broadcast %add3A_2888 : i32 to vector<16xi32>
    %add3A_2890 = arith.addi %add3A_2887, %add3A_2889 : vector<16xi32>
    %shift_right_arithmetic3A_2891 = arith.constant 7 : i32
    %shift_right_arithmetic3A_2892 = vector.broadcast %shift_right_arithmetic3A_2891 : i32 to vector<16xi32>
    %shift_right_arithmetic3A_2893 = arith.shrsi %add3A_2890, %shift_right_arithmetic3A_2892 : vector<16xi32>
    %and3A_2894 = arith.constant 127 : i32
    %and3A_2895 = vector.broadcast %and3A_2894 : i32 to vector<16xi32>
    %and3A_2896 = arith.andi %add3A_2890, %and3A_2895 : vector<16xi32>
    %add3A_2897 = arith.constant 0 : i32
    %add3A_2898 = vector.broadcast %add3A_2897 : i32 to vector<16xi32>
    %add3A_2899 = arith.addi %get3A_2881, %add3A_2898 : vector<16xi32>
    tpu.vector_store_idx %arg10[%shift_right_arithmetic3A_2893, %and3A_2896], %add3A_2899 : memref<16x128xi32, #tpu.memory_space<vmem>>[vector<16xi32>, vector<16xi32>], vector<16xi32>,
    %add3A_2900 = arith.constant 1 : i32
    %add3A_2901 = vector.broadcast %add3A_2900 : i32 to vector<16xi32>
    %add3A_2902 = arith.addi %add3A_2887, %add3A_2901 : vector<16xi32>
    %shift_right_arithmetic3A_2903 = arith.constant 7 : i32
    %shift_right_arithmetic3A_2904 = vector.broadcast %shift_right_arithmetic3A_2903 : i32 to vector<16xi32>
    %shift_right_arithmetic3A_2905 = arith.shrsi %add3A_2902, %shift_right_arithmetic3A_2904 : vector<16xi32>
    %and3A_2906 = arith.constant 127 : i32
    %and3A_2907 = vector.broadcast %and3A_2906 : i32 to vector<16xi32>
    %and3A_2908 = arith.andi %add3A_2902, %and3A_2907 : vector<16xi32>
    %add3A_2909 = arith.constant 1000000 : i32
    %add3A_2910 = vector.broadcast %add3A_2909 : i32 to vector<16xi32>
    %add3A_2911 = arith.addi %get3A_2881, %add3A_2910 : vector<16xi32>
    tpu.vector_store_idx %arg10[%shift_right_arithmetic3A_2905, %and3A_2908], %add3A_2911 : memref<16x128xi32, #tpu.memory_space<vmem>>[vector<16xi32>, vector<16xi32>], vector<16xi32>,
    %add3A_2912 = arith.constant 2 : i32
    %add3A_2913 = vector.broadcast %add3A_2912 : i32 to vector<16xi32>
    %add3A_2914 = arith.addi %add3A_2887, %add3A_2913 : vector<16xi32>
    %shift_right_arithmetic3A_2915 = arith.constant 7 : i32
    %shift_right_arithmetic3A_2916 = vector.broadcast %shift_right_arithmetic3A_2915 : i32 to vector<16xi32>
    %shift_right_arithmetic3A_2917 = arith.shrsi %add3A_2914, %shift_right_arithmetic3A_2916 : vector<16xi32>
    %and3A_2918 = arith.constant 127 : i32
    %and3A_2919 = vector.broadcast %and3A_2918 : i32 to vector<16xi32>
    %and3A_2920 = arith.andi %add3A_2914, %and3A_2919 : vector<16xi32>
    %add3A_2921 = arith.constant 2000000 : i32
    %add3A_2922 = vector.broadcast %add3A_2921 : i32 to vector<16xi32>
    %add3A_2923 = arith.addi %get3A_2881, %add3A_2922 : vector<16xi32>
    tpu.vector_store_idx %arg10[%shift_right_arithmetic3A_2917, %and3A_2920], %add3A_2923 : memref<16x128xi32, #tpu.memory_space<vmem>>[vector<16xi32>, vector<16xi32>], vector<16xi32>,
    %add3A_2924 = arith.constant 3 : i32
    %add3A_2925 = vector.broadcast %add3A_2924 : i32 to vector<16xi32>
    %add3A_2926 = arith.addi %add3A_2887, %add3A_2925 : vector<16xi32>
    %shift_right_arithmetic3A_2927 = arith.constant 7 : i32
    %shift_right_arithmetic3A_2928 = vector.broadcast %shift_right_arithmetic3A_2927 : i32 to vector<16xi32>
    %shift_right_arithmetic3A_2929 = arith.shrsi %add3A_2926, %shift_right_arithmetic3A_2928 : vector<16xi32>
    %and3A_2930 = arith.constant 127 : i32
    %and3A_2931 = vector.broadcast %and3A_2930 : i32 to vector<16xi32>
    %and3A_2932 = arith.andi %add3A_2926, %and3A_2931 : vector<16xi32>
    %add3A_2933 = arith.constant 3000000 : i32
    %add3A_2934 = vector.broadcast %add3A_2933 : i32 to vector<16xi32>
    %add3A_2935 = arith.addi %get3A_2881, %add3A_2934 : vector<16xi32>
    tpu.vector_store_idx %arg10[%shift_right_arithmetic3A_2929, %and3A_2932], %add3A_2935 : memref<16x128xi32, #tpu.memory_space<vmem>>[vector<16xi32>, vector<16xi32>], vector<16xi32>,
    %mul3A_2936 = arith.constant 3 : i32
    %mul3A_2937 = vector.broadcast %mul3A_2936 : i32 to vector<16xi32>
    %mul3A_2938 = arith.muli %iota3A, %mul3A_2937 : vector<16xi32>
    %add3A_2939 = arith.constant 1344 : i32
    %add3A_2940 = vector.broadcast %add3A_2939 : i32 to vector<16xi32>
    %add3A_2941 = arith.addi %add3A_2940, %mul3A_2938 : vector<16xi32>
    %add3A_2942 = arith.constant 0 : i32
    %add3A_2943 = vector.broadcast %add3A_2942 : i32 to vector<16xi32>
    %add3A_2944 = arith.addi %add3A_2941, %add3A_2943 : vector<16xi32>
    %shift_right_arithmetic3A_2945 = arith.constant 7 : i32
    %shift_right_arithmetic3A_2946 = vector.broadcast %shift_right_arithmetic3A_2945 : i32 to vector<16xi32>
    %shift_right_arithmetic3A_2947 = arith.shrsi %add3A_2944, %shift_right_arithmetic3A_2946 : vector<16xi32>
    %and3A_2948 = arith.constant 127 : i32
    %and3A_2949 = vector.broadcast %and3A_2948 : i32 to vector<16xi32>
    %and3A_2950 = arith.andi %add3A_2944, %and3A_2949 : vector<16xi32>
    %add3A_2951 = arith.constant 0 : i32
    %add3A_2952 = vector.broadcast %add3A_2951 : i32 to vector<16xi32>
    %add3A_2953 = arith.addi %get3A_2881, %add3A_2952 : vector<16xi32>
    tpu.vector_store_idx %arg11[%shift_right_arithmetic3A_2947, %and3A_2950], %add3A_2953 : memref<12x128xi32, #tpu.memory_space<vmem>>[vector<16xi32>, vector<16xi32>], vector<16xi32>,
    %add3A_2954 = arith.constant 1 : i32
    %add3A_2955 = vector.broadcast %add3A_2954 : i32 to vector<16xi32>
    %add3A_2956 = arith.addi %add3A_2941, %add3A_2955 : vector<16xi32>
    %shift_right_arithmetic3A_2957 = arith.constant 7 : i32
    %shift_right_arithmetic3A_2958 = vector.broadcast %shift_right_arithmetic3A_2957 : i32 to vector<16xi32>
    %shift_right_arithmetic3A_2959 = arith.shrsi %add3A_2956, %shift_right_arithmetic3A_2958 : vector<16xi32>
    %and3A_2960 = arith.constant 127 : i32
    %and3A_2961 = vector.broadcast %and3A_2960 : i32 to vector<16xi32>
    %and3A_2962 = arith.andi %add3A_2956, %and3A_2961 : vector<16xi32>
    %add3A_2963 = arith.constant 1000000 : i32
    %add3A_2964 = vector.broadcast %add3A_2963 : i32 to vector<16xi32>
    %add3A_2965 = arith.addi %get3A_2881, %add3A_2964 : vector<16xi32>
    tpu.vector_store_idx %arg11[%shift_right_arithmetic3A_2959, %and3A_2962], %add3A_2965 : memref<12x128xi32, #tpu.memory_space<vmem>>[vector<16xi32>, vector<16xi32>], vector<16xi32>,
    %add3A_2966 = arith.constant 2 : i32
    %add3A_2967 = vector.broadcast %add3A_2966 : i32 to vector<16xi32>
    %add3A_2968 = arith.addi %add3A_2941, %add3A_2967 : vector<16xi32>
    %shift_right_arithmetic3A_2969 = arith.constant 7 : i32
    %shift_right_arithmetic3A_2970 = vector.broadcast %shift_right_arithmetic3A_2969 : i32 to vector<16xi32>
    %shift_right_arithmetic3A_2971 = arith.shrsi %add3A_2968, %shift_right_arithmetic3A_2970 : vector<16xi32>
    %and3A_2972 = arith.constant 127 : i32
    %and3A_2973 = vector.broadcast %and3A_2972 : i32 to vector<16xi32>
    %and3A_2974 = arith.andi %add3A_2968, %and3A_2973 : vector<16xi32>
    %add3A_2975 = arith.constant 2000000 : i32
    %add3A_2976 = vector.broadcast %add3A_2975 : i32 to vector<16xi32>
    %add3A_2977 = arith.addi %get3A_2881, %add3A_2976 : vector<16xi32>
    tpu.vector_store_idx %arg11[%shift_right_arithmetic3A_2971, %and3A_2974], %add3A_2977 : memref<12x128xi32, #tpu.memory_space<vmem>>[vector<16xi32>, vector<16xi32>], vector<16xi32>,
    %get3A_2978 = arith.constant 3 : i32
    %get3A_2979 = arith.index_cast %get3A_2978 : i32 to index
    %get3A_2980 = arith.constant 80 : index
    %get3A_2981 = tpu.vector_load %arg9[%get3A_2979, %get3A_2980] {strides = array<i32>} : memref<4x128xi32, #tpu.memory_space<vmem>>, vector<16xi32>,
    %mul3A_2982 = arith.constant 4 : i32
    %mul3A_2983 = vector.broadcast %mul3A_2982 : i32 to vector<16xi32>
    %mul3A_2984 = arith.muli %iota3A, %mul3A_2983 : vector<16xi32>
    %add3A_2985 = arith.constant 1856 : i32
    %add3A_2986 = vector.broadcast %add3A_2985 : i32 to vector<16xi32>
    %add3A_2987 = arith.addi %add3A_2986, %mul3A_2984 : vector<16xi32>
    %add3A_2988 = arith.constant 0 : i32
    %add3A_2989 = vector.broadcast %add3A_2988 : i32 to vector<16xi32>
    %add3A_2990 = arith.addi %add3A_2987, %add3A_2989 : vector<16xi32>
    %shift_right_arithmetic3A_2991 = arith.constant 7 : i32
    %shift_right_arithmetic3A_2992 = vector.broadcast %shift_right_arithmetic3A_2991 : i32 to vector<16xi32>
    %shift_right_arithmetic3A_2993 = arith.shrsi %add3A_2990, %shift_right_arithmetic3A_2992 : vector<16xi32>
    %and3A_2994 = arith.constant 127 : i32
    %and3A_2995 = vector.broadcast %and3A_2994 : i32 to vector<16xi32>
    %and3A_2996 = arith.andi %add3A_2990, %and3A_2995 : vector<16xi32>
    %add3A_2997 = arith.constant 0 : i32
    %add3A_2998 = vector.broadcast %add3A_2997 : i32 to vector<16xi32>
    %add3A_2999 = arith.addi %get3A_2981, %add3A_2998 : vector<16xi32>
    tpu.vector_store_idx %arg10[%shift_right_arithmetic3A_2993, %and3A_2996], %add3A_2999 : memref<16x128xi32, #tpu.memory_space<vmem>>[vector<16xi32>, vector<16xi32>], vector<16xi32>,
    %add3A_3000 = arith.constant 1 : i32
    %add3A_3001 = vector.broadcast %add3A_3000 : i32 to vector<16xi32>
    %add3A_3002 = arith.addi %add3A_2987, %add3A_3001 : vector<16xi32>
    %shift_right_arithmetic3A_3003 = arith.constant 7 : i32
    %shift_right_arithmetic3A_3004 = vector.broadcast %shift_right_arithmetic3A_3003 : i32 to vector<16xi32>
    %shift_right_arithmetic3A_3005 = arith.shrsi %add3A_3002, %shift_right_arithmetic3A_3004 : vector<16xi32>
    %and3A_3006 = arith.constant 127 : i32
    %and3A_3007 = vector.broadcast %and3A_3006 : i32 to vector<16xi32>
    %and3A_3008 = arith.andi %add3A_3002, %and3A_3007 : vector<16xi32>
    %add3A_3009 = arith.constant 1000000 : i32
    %add3A_3010 = vector.broadcast %add3A_3009 : i32 to vector<16xi32>
    %add3A_3011 = arith.addi %get3A_2981, %add3A_3010 : vector<16xi32>
    tpu.vector_store_idx %arg10[%shift_right_arithmetic3A_3005, %and3A_3008], %add3A_3011 : memref<16x128xi32, #tpu.memory_space<vmem>>[vector<16xi32>, vector<16xi32>], vector<16xi32>,
    %add3A_3012 = arith.constant 2 : i32
    %add3A_3013 = vector.broadcast %add3A_3012 : i32 to vector<16xi32>
    %add3A_3014 = arith.addi %add3A_2987, %add3A_3013 : vector<16xi32>
    %shift_right_arithmetic3A_3015 = arith.constant 7 : i32
    %shift_right_arithmetic3A_3016 = vector.broadcast %shift_right_arithmetic3A_3015 : i32 to vector<16xi32>
    %shift_right_arithmetic3A_3017 = arith.shrsi %add3A_3014, %shift_right_arithmetic3A_3016 : vector<16xi32>
    %and3A_3018 = arith.constant 127 : i32
    %and3A_3019 = vector.broadcast %and3A_3018 : i32 to vector<16xi32>
    %and3A_3020 = arith.andi %add3A_3014, %and3A_3019 : vector<16xi32>
    %add3A_3021 = arith.constant 2000000 : i32
    %add3A_3022 = vector.broadcast %add3A_3021 : i32 to vector<16xi32>
    %add3A_3023 = arith.addi %get3A_2981, %add3A_3022 : vector<16xi32>
    tpu.vector_store_idx %arg10[%shift_right_arithmetic3A_3017, %and3A_3020], %add3A_3023 : memref<16x128xi32, #tpu.memory_space<vmem>>[vector<16xi32>, vector<16xi32>], vector<16xi32>,
    %add3A_3024 = arith.constant 3 : i32
    %add3A_3025 = vector.broadcast %add3A_3024 : i32 to vector<16xi32>
    %add3A_3026 = arith.addi %add3A_2987, %add3A_3025 : vector<16xi32>
    %shift_right_arithmetic3A_3027 = arith.constant 7 : i32
    %shift_right_arithmetic3A_3028 = vector.broadcast %shift_right_arithmetic3A_3027 : i32 to vector<16xi32>
    %shift_right_arithmetic3A_3029 = arith.shrsi %add3A_3026, %shift_right_arithmetic3A_3028 : vector<16xi32>
    %and3A_3030 = arith.constant 127 : i32
    %and3A_3031 = vector.broadcast %and3A_3030 : i32 to vector<16xi32>
    %and3A_3032 = arith.andi %add3A_3026, %and3A_3031 : vector<16xi32>
    %add3A_3033 = arith.constant 3000000 : i32
    %add3A_3034 = vector.broadcast %add3A_3033 : i32 to vector<16xi32>
    %add3A_3035 = arith.addi %get3A_2981, %add3A_3034 : vector<16xi32>
    tpu.vector_store_idx %arg10[%shift_right_arithmetic3A_3029, %and3A_3032], %add3A_3035 : memref<16x128xi32, #tpu.memory_space<vmem>>[vector<16xi32>, vector<16xi32>], vector<16xi32>,
    %mul3A_3036 = arith.constant 3 : i32
    %mul3A_3037 = vector.broadcast %mul3A_3036 : i32 to vector<16xi32>
    %mul3A_3038 = arith.muli %iota3A, %mul3A_3037 : vector<16xi32>
    %add3A_3039 = arith.constant 1392 : i32
    %add3A_3040 = vector.broadcast %add3A_3039 : i32 to vector<16xi32>
    %add3A_3041 = arith.addi %add3A_3040, %mul3A_3038 : vector<16xi32>
    %add3A_3042 = arith.constant 0 : i32
    %add3A_3043 = vector.broadcast %add3A_3042 : i32 to vector<16xi32>
    %add3A_3044 = arith.addi %add3A_3041, %add3A_3043 : vector<16xi32>
    %shift_right_arithmetic3A_3045 = arith.constant 7 : i32
    %shift_right_arithmetic3A_3046 = vector.broadcast %shift_right_arithmetic3A_3045 : i32 to vector<16xi32>
    %shift_right_arithmetic3A_3047 = arith.shrsi %add3A_3044, %shift_right_arithmetic3A_3046 : vector<16xi32>
    %and3A_3048 = arith.constant 127 : i32
    %and3A_3049 = vector.broadcast %and3A_3048 : i32 to vector<16xi32>
    %and3A_3050 = arith.andi %add3A_3044, %and3A_3049 : vector<16xi32>
    %add3A_3051 = arith.constant 0 : i32
    %add3A_3052 = vector.broadcast %add3A_3051 : i32 to vector<16xi32>
    %add3A_3053 = arith.addi %get3A_2981, %add3A_3052 : vector<16xi32>
    tpu.vector_store_idx %arg11[%shift_right_arithmetic3A_3047, %and3A_3050], %add3A_3053 : memref<12x128xi32, #tpu.memory_space<vmem>>[vector<16xi32>, vector<16xi32>], vector<16xi32>,
    %add3A_3054 = arith.constant 1 : i32
    %add3A_3055 = vector.broadcast %add3A_3054 : i32 to vector<16xi32>
    %add3A_3056 = arith.addi %add3A_3041, %add3A_3055 : vector<16xi32>
    %shift_right_arithmetic3A_3057 = arith.constant 7 : i32
    %shift_right_arithmetic3A_3058 = vector.broadcast %shift_right_arithmetic3A_3057 : i32 to vector<16xi32>
    %shift_right_arithmetic3A_3059 = arith.shrsi %add3A_3056, %shift_right_arithmetic3A_3058 : vector<16xi32>
    %and3A_3060 = arith.constant 127 : i32
    %and3A_3061 = vector.broadcast %and3A_3060 : i32 to vector<16xi32>
    %and3A_3062 = arith.andi %add3A_3056, %and3A_3061 : vector<16xi32>
    %add3A_3063 = arith.constant 1000000 : i32
    %add3A_3064 = vector.broadcast %add3A_3063 : i32 to vector<16xi32>
    %add3A_3065 = arith.addi %get3A_2981, %add3A_3064 : vector<16xi32>
    tpu.vector_store_idx %arg11[%shift_right_arithmetic3A_3059, %and3A_3062], %add3A_3065 : memref<12x128xi32, #tpu.memory_space<vmem>>[vector<16xi32>, vector<16xi32>], vector<16xi32>,
    %add3A_3066 = arith.constant 2 : i32
    %add3A_3067 = vector.broadcast %add3A_3066 : i32 to vector<16xi32>
    %add3A_3068 = arith.addi %add3A_3041, %add3A_3067 : vector<16xi32>
    %shift_right_arithmetic3A_3069 = arith.constant 7 : i32
    %shift_right_arithmetic3A_3070 = vector.broadcast %shift_right_arithmetic3A_3069 : i32 to vector<16xi32>
    %shift_right_arithmetic3A_3071 = arith.shrsi %add3A_3068, %shift_right_arithmetic3A_3070 : vector<16xi32>
    %and3A_3072 = arith.constant 127 : i32
    %and3A_3073 = vector.broadcast %and3A_3072 : i32 to vector<16xi32>
    %and3A_3074 = arith.andi %add3A_3068, %and3A_3073 : vector<16xi32>
    %add3A_3075 = arith.constant 2000000 : i32
    %add3A_3076 = vector.broadcast %add3A_3075 : i32 to vector<16xi32>
    %add3A_3077 = arith.addi %get3A_2981, %add3A_3076 : vector<16xi32>
    tpu.vector_store_idx %arg11[%shift_right_arithmetic3A_3071, %and3A_3074], %add3A_3077 : memref<12x128xi32, #tpu.memory_space<vmem>>[vector<16xi32>, vector<16xi32>], vector<16xi32>,
    %get3A_3078 = arith.constant 3 : i32
    %get3A_3079 = arith.index_cast %get3A_3078 : i32 to index
    %get3A_3080 = arith.constant 96 : index
    %get3A_3081 = tpu.vector_load %arg9[%get3A_3079, %get3A_3080] {strides = array<i32>} : memref<4x128xi32, #tpu.memory_space<vmem>>, vector<16xi32>,
    %mul3A_3082 = arith.constant 4 : i32
    %mul3A_3083 = vector.broadcast %mul3A_3082 : i32 to vector<16xi32>
    %mul3A_3084 = arith.muli %iota3A, %mul3A_3083 : vector<16xi32>
    %add3A_3085 = arith.constant 1920 : i32
    %add3A_3086 = vector.broadcast %add3A_3085 : i32 to vector<16xi32>
    %add3A_3087 = arith.addi %add3A_3086, %mul3A_3084 : vector<16xi32>
    %add3A_3088 = arith.constant 0 : i32
    %add3A_3089 = vector.broadcast %add3A_3088 : i32 to vector<16xi32>
    %add3A_3090 = arith.addi %add3A_3087, %add3A_3089 : vector<16xi32>
    %shift_right_arithmetic3A_3091 = arith.constant 7 : i32
    %shift_right_arithmetic3A_3092 = vector.broadcast %shift_right_arithmetic3A_3091 : i32 to vector<16xi32>
    %shift_right_arithmetic3A_3093 = arith.shrsi %add3A_3090, %shift_right_arithmetic3A_3092 : vector<16xi32>
    %and3A_3094 = arith.constant 127 : i32
    %and3A_3095 = vector.broadcast %and3A_3094 : i32 to vector<16xi32>
    %and3A_3096 = arith.andi %add3A_3090, %and3A_3095 : vector<16xi32>
    %add3A_3097 = arith.constant 0 : i32
    %add3A_3098 = vector.broadcast %add3A_3097 : i32 to vector<16xi32>
    %add3A_3099 = arith.addi %get3A_3081, %add3A_3098 : vector<16xi32>
    tpu.vector_store_idx %arg10[%shift_right_arithmetic3A_3093, %and3A_3096], %add3A_3099 : memref<16x128xi32, #tpu.memory_space<vmem>>[vector<16xi32>, vector<16xi32>], vector<16xi32>,
    %add3A_3100 = arith.constant 1 : i32
    %add3A_3101 = vector.broadcast %add3A_3100 : i32 to vector<16xi32>
    %add3A_3102 = arith.addi %add3A_3087, %add3A_3101 : vector<16xi32>
    %shift_right_arithmetic3A_3103 = arith.constant 7 : i32
    %shift_right_arithmetic3A_3104 = vector.broadcast %shift_right_arithmetic3A_3103 : i32 to vector<16xi32>
    %shift_right_arithmetic3A_3105 = arith.shrsi %add3A_3102, %shift_right_arithmetic3A_3104 : vector<16xi32>
    %and3A_3106 = arith.constant 127 : i32
    %and3A_3107 = vector.broadcast %and3A_3106 : i32 to vector<16xi32>
    %and3A_3108 = arith.andi %add3A_3102, %and3A_3107 : vector<16xi32>
    %add3A_3109 = arith.constant 1000000 : i32
    %add3A_3110 = vector.broadcast %add3A_3109 : i32 to vector<16xi32>
    %add3A_3111 = arith.addi %get3A_3081, %add3A_3110 : vector<16xi32>
    tpu.vector_store_idx %arg10[%shift_right_arithmetic3A_3105, %and3A_3108], %add3A_3111 : memref<16x128xi32, #tpu.memory_space<vmem>>[vector<16xi32>, vector<16xi32>], vector<16xi32>,
    %add3A_3112 = arith.constant 2 : i32
    %add3A_3113 = vector.broadcast %add3A_3112 : i32 to vector<16xi32>
    %add3A_3114 = arith.addi %add3A_3087, %add3A_3113 : vector<16xi32>
    %shift_right_arithmetic3A_3115 = arith.constant 7 : i32
    %shift_right_arithmetic3A_3116 = vector.broadcast %shift_right_arithmetic3A_3115 : i32 to vector<16xi32>
    %shift_right_arithmetic3A_3117 = arith.shrsi %add3A_3114, %shift_right_arithmetic3A_3116 : vector<16xi32>
    %and3A_3118 = arith.constant 127 : i32
    %and3A_3119 = vector.broadcast %and3A_3118 : i32 to vector<16xi32>
    %and3A_3120 = arith.andi %add3A_3114, %and3A_3119 : vector<16xi32>
    %add3A_3121 = arith.constant 2000000 : i32
    %add3A_3122 = vector.broadcast %add3A_3121 : i32 to vector<16xi32>
    %add3A_3123 = arith.addi %get3A_3081, %add3A_3122 : vector<16xi32>
    tpu.vector_store_idx %arg10[%shift_right_arithmetic3A_3117, %and3A_3120], %add3A_3123 : memref<16x128xi32, #tpu.memory_space<vmem>>[vector<16xi32>, vector<16xi32>], vector<16xi32>,
    %add3A_3124 = arith.constant 3 : i32
    %add3A_3125 = vector.broadcast %add3A_3124 : i32 to vector<16xi32>
    %add3A_3126 = arith.addi %add3A_3087, %add3A_3125 : vector<16xi32>
    %shift_right_arithmetic3A_3127 = arith.constant 7 : i32
    %shift_right_arithmetic3A_3128 = vector.broadcast %shift_right_arithmetic3A_3127 : i32 to vector<16xi32>
    %shift_right_arithmetic3A_3129 = arith.shrsi %add3A_3126, %shift_right_arithmetic3A_3128 : vector<16xi32>
    %and3A_3130 = arith.constant 127 : i32
    %and3A_3131 = vector.broadcast %and3A_3130 : i32 to vector<16xi32>
    %and3A_3132 = arith.andi %add3A_3126, %and3A_3131 : vector<16xi32>
    %add3A_3133 = arith.constant 3000000 : i32
    %add3A_3134 = vector.broadcast %add3A_3133 : i32 to vector<16xi32>
    %add3A_3135 = arith.addi %get3A_3081, %add3A_3134 : vector<16xi32>
    tpu.vector_store_idx %arg10[%shift_right_arithmetic3A_3129, %and3A_3132], %add3A_3135 : memref<16x128xi32, #tpu.memory_space<vmem>>[vector<16xi32>, vector<16xi32>], vector<16xi32>,
    %mul3A_3136 = arith.constant 3 : i32
    %mul3A_3137 = vector.broadcast %mul3A_3136 : i32 to vector<16xi32>
    %mul3A_3138 = arith.muli %iota3A, %mul3A_3137 : vector<16xi32>
    %add3A_3139 = arith.constant 1440 : i32
    %add3A_3140 = vector.broadcast %add3A_3139 : i32 to vector<16xi32>
    %add3A_3141 = arith.addi %add3A_3140, %mul3A_3138 : vector<16xi32>
    %add3A_3142 = arith.constant 0 : i32
    %add3A_3143 = vector.broadcast %add3A_3142 : i32 to vector<16xi32>
    %add3A_3144 = arith.addi %add3A_3141, %add3A_3143 : vector<16xi32>
    %shift_right_arithmetic3A_3145 = arith.constant 7 : i32
    %shift_right_arithmetic3A_3146 = vector.broadcast %shift_right_arithmetic3A_3145 : i32 to vector<16xi32>
    %shift_right_arithmetic3A_3147 = arith.shrsi %add3A_3144, %shift_right_arithmetic3A_3146 : vector<16xi32>
    %and3A_3148 = arith.constant 127 : i32
    %and3A_3149 = vector.broadcast %and3A_3148 : i32 to vector<16xi32>
    %and3A_3150 = arith.andi %add3A_3144, %and3A_3149 : vector<16xi32>
    %add3A_3151 = arith.constant 0 : i32
    %add3A_3152 = vector.broadcast %add3A_3151 : i32 to vector<16xi32>
    %add3A_3153 = arith.addi %get3A_3081, %add3A_3152 : vector<16xi32>
    tpu.vector_store_idx %arg11[%shift_right_arithmetic3A_3147, %and3A_3150], %add3A_3153 : memref<12x128xi32, #tpu.memory_space<vmem>>[vector<16xi32>, vector<16xi32>], vector<16xi32>,
    %add3A_3154 = arith.constant 1 : i32
    %add3A_3155 = vector.broadcast %add3A_3154 : i32 to vector<16xi32>
    %add3A_3156 = arith.addi %add3A_3141, %add3A_3155 : vector<16xi32>
    %shift_right_arithmetic3A_3157 = arith.constant 7 : i32
    %shift_right_arithmetic3A_3158 = vector.broadcast %shift_right_arithmetic3A_3157 : i32 to vector<16xi32>
    %shift_right_arithmetic3A_3159 = arith.shrsi %add3A_3156, %shift_right_arithmetic3A_3158 : vector<16xi32>
    %and3A_3160 = arith.constant 127 : i32
    %and3A_3161 = vector.broadcast %and3A_3160 : i32 to vector<16xi32>
    %and3A_3162 = arith.andi %add3A_3156, %and3A_3161 : vector<16xi32>
    %add3A_3163 = arith.constant 1000000 : i32
    %add3A_3164 = vector.broadcast %add3A_3163 : i32 to vector<16xi32>
    %add3A_3165 = arith.addi %get3A_3081, %add3A_3164 : vector<16xi32>
    tpu.vector_store_idx %arg11[%shift_right_arithmetic3A_3159, %and3A_3162], %add3A_3165 : memref<12x128xi32, #tpu.memory_space<vmem>>[vector<16xi32>, vector<16xi32>], vector<16xi32>,
    %add3A_3166 = arith.constant 2 : i32
    %add3A_3167 = vector.broadcast %add3A_3166 : i32 to vector<16xi32>
    %add3A_3168 = arith.addi %add3A_3141, %add3A_3167 : vector<16xi32>
    %shift_right_arithmetic3A_3169 = arith.constant 7 : i32
    %shift_right_arithmetic3A_3170 = vector.broadcast %shift_right_arithmetic3A_3169 : i32 to vector<16xi32>
    %shift_right_arithmetic3A_3171 = arith.shrsi %add3A_3168, %shift_right_arithmetic3A_3170 : vector<16xi32>
    %and3A_3172 = arith.constant 127 : i32
    %and3A_3173 = vector.broadcast %and3A_3172 : i32 to vector<16xi32>
    %and3A_3174 = arith.andi %add3A_3168, %and3A_3173 : vector<16xi32>
    %add3A_3175 = arith.constant 2000000 : i32
    %add3A_3176 = vector.broadcast %add3A_3175 : i32 to vector<16xi32>
    %add3A_3177 = arith.addi %get3A_3081, %add3A_3176 : vector<16xi32>
    tpu.vector_store_idx %arg11[%shift_right_arithmetic3A_3171, %and3A_3174], %add3A_3177 : memref<12x128xi32, #tpu.memory_space<vmem>>[vector<16xi32>, vector<16xi32>], vector<16xi32>,
    %get3A_3178 = arith.constant 3 : i32
    %get3A_3179 = arith.index_cast %get3A_3178 : i32 to index
    %get3A_3180 = arith.constant 112 : index
    %get3A_3181 = tpu.vector_load %arg9[%get3A_3179, %get3A_3180] {strides = array<i32>} : memref<4x128xi32, #tpu.memory_space<vmem>>, vector<16xi32>,
    %mul3A_3182 = arith.constant 4 : i32
    %mul3A_3183 = vector.broadcast %mul3A_3182 : i32 to vector<16xi32>
    %mul3A_3184 = arith.muli %iota3A, %mul3A_3183 : vector<16xi32>
    %add3A_3185 = arith.constant 1984 : i32
    %add3A_3186 = vector.broadcast %add3A_3185 : i32 to vector<16xi32>
    %add3A_3187 = arith.addi %add3A_3186, %mul3A_3184 : vector<16xi32>
    %add3A_3188 = arith.constant 0 : i32
    %add3A_3189 = vector.broadcast %add3A_3188 : i32 to vector<16xi32>
    %add3A_3190 = arith.addi %add3A_3187, %add3A_3189 : vector<16xi32>
    %shift_right_arithmetic3A_3191 = arith.constant 7 : i32
    %shift_right_arithmetic3A_3192 = vector.broadcast %shift_right_arithmetic3A_3191 : i32 to vector<16xi32>
    %shift_right_arithmetic3A_3193 = arith.shrsi %add3A_3190, %shift_right_arithmetic3A_3192 : vector<16xi32>
    %and3A_3194 = arith.constant 127 : i32
    %and3A_3195 = vector.broadcast %and3A_3194 : i32 to vector<16xi32>
    %and3A_3196 = arith.andi %add3A_3190, %and3A_3195 : vector<16xi32>
    %add3A_3197 = arith.constant 0 : i32
    %add3A_3198 = vector.broadcast %add3A_3197 : i32 to vector<16xi32>
    %add3A_3199 = arith.addi %get3A_3181, %add3A_3198 : vector<16xi32>
    tpu.vector_store_idx %arg10[%shift_right_arithmetic3A_3193, %and3A_3196], %add3A_3199 : memref<16x128xi32, #tpu.memory_space<vmem>>[vector<16xi32>, vector<16xi32>], vector<16xi32>,
    %add3A_3200 = arith.constant 1 : i32
    %add3A_3201 = vector.broadcast %add3A_3200 : i32 to vector<16xi32>
    %add3A_3202 = arith.addi %add3A_3187, %add3A_3201 : vector<16xi32>
    %shift_right_arithmetic3A_3203 = arith.constant 7 : i32
    %shift_right_arithmetic3A_3204 = vector.broadcast %shift_right_arithmetic3A_3203 : i32 to vector<16xi32>
    %shift_right_arithmetic3A_3205 = arith.shrsi %add3A_3202, %shift_right_arithmetic3A_3204 : vector<16xi32>
    %and3A_3206 = arith.constant 127 : i32
    %and3A_3207 = vector.broadcast %and3A_3206 : i32 to vector<16xi32>
    %and3A_3208 = arith.andi %add3A_3202, %and3A_3207 : vector<16xi32>
    %add3A_3209 = arith.constant 1000000 : i32
    %add3A_3210 = vector.broadcast %add3A_3209 : i32 to vector<16xi32>
    %add3A_3211 = arith.addi %get3A_3181, %add3A_3210 : vector<16xi32>
    tpu.vector_store_idx %arg10[%shift_right_arithmetic3A_3205, %and3A_3208], %add3A_3211 : memref<16x128xi32, #tpu.memory_space<vmem>>[vector<16xi32>, vector<16xi32>], vector<16xi32>,
    %add3A_3212 = arith.constant 2 : i32
    %add3A_3213 = vector.broadcast %add3A_3212 : i32 to vector<16xi32>
    %add3A_3214 = arith.addi %add3A_3187, %add3A_3213 : vector<16xi32>
    %shift_right_arithmetic3A_3215 = arith.constant 7 : i32
    %shift_right_arithmetic3A_3216 = vector.broadcast %shift_right_arithmetic3A_3215 : i32 to vector<16xi32>
    %shift_right_arithmetic3A_3217 = arith.shrsi %add3A_3214, %shift_right_arithmetic3A_3216 : vector<16xi32>
    %and3A_3218 = arith.constant 127 : i32
    %and3A_3219 = vector.broadcast %and3A_3218 : i32 to vector<16xi32>
    %and3A_3220 = arith.andi %add3A_3214, %and3A_3219 : vector<16xi32>
    %add3A_3221 = arith.constant 2000000 : i32
    %add3A_3222 = vector.broadcast %add3A_3221 : i32 to vector<16xi32>
    %add3A_3223 = arith.addi %get3A_3181, %add3A_3222 : vector<16xi32>
    tpu.vector_store_idx %arg10[%shift_right_arithmetic3A_3217, %and3A_3220], %add3A_3223 : memref<16x128xi32, #tpu.memory_space<vmem>>[vector<16xi32>, vector<16xi32>], vector<16xi32>,
    %add3A_3224 = arith.constant 3 : i32
    %add3A_3225 = vector.broadcast %add3A_3224 : i32 to vector<16xi32>
    %add3A_3226 = arith.addi %add3A_3187, %add3A_3225 : vector<16xi32>
    %shift_right_arithmetic3A_3227 = arith.constant 7 : i32
    %shift_right_arithmetic3A_3228 = vector.broadcast %shift_right_arithmetic3A_3227 : i32 to vector<16xi32>
    %shift_right_arithmetic3A_3229 = arith.shrsi %add3A_3226, %shift_right_arithmetic3A_3228 : vector<16xi32>
    %and3A_3230 = arith.constant 127 : i32
    %and3A_3231 = vector.broadcast %and3A_3230 : i32 to vector<16xi32>
    %and3A_3232 = arith.andi %add3A_3226, %and3A_3231 : vector<16xi32>
    %add3A_3233 = arith.constant 3000000 : i32
    %add3A_3234 = vector.broadcast %add3A_3233 : i32 to vector<16xi32>
    %add3A_3235 = arith.addi %get3A_3181, %add3A_3234 : vector<16xi32>
    tpu.vector_store_idx %arg10[%shift_right_arithmetic3A_3229, %and3A_3232], %add3A_3235 : memref<16x128xi32, #tpu.memory_space<vmem>>[vector<16xi32>, vector<16xi32>], vector<16xi32>,
    %mul3A_3236 = arith.constant 3 : i32
    %mul3A_3237 = vector.broadcast %mul3A_3236 : i32 to vector<16xi32>
    %mul3A_3238 = arith.muli %iota3A, %mul3A_3237 : vector<16xi32>
    %add3A_3239 = arith.constant 1488 : i32
    %add3A_3240 = vector.broadcast %add3A_3239 : i32 to vector<16xi32>
    %add3A_3241 = arith.addi %add3A_3240, %mul3A_3238 : vector<16xi32>
    %add3A_3242 = arith.constant 0 : i32
    %add3A_3243 = vector.broadcast %add3A_3242 : i32 to vector<16xi32>
    %add3A_3244 = arith.addi %add3A_3241, %add3A_3243 : vector<16xi32>
    %shift_right_arithmetic3A_3245 = arith.constant 7 : i32
    %shift_right_arithmetic3A_3246 = vector.broadcast %shift_right_arithmetic3A_3245 : i32 to vector<16xi32>
    %shift_right_arithmetic3A_3247 = arith.shrsi %add3A_3244, %shift_right_arithmetic3A_3246 : vector<16xi32>
    %and3A_3248 = arith.constant 127 : i32
    %and3A_3249 = vector.broadcast %and3A_3248 : i32 to vector<16xi32>
    %and3A_3250 = arith.andi %add3A_3244, %and3A_3249 : vector<16xi32>
    %add3A_3251 = arith.constant 0 : i32
    %add3A_3252 = vector.broadcast %add3A_3251 : i32 to vector<16xi32>
    %add3A_3253 = arith.addi %get3A_3181, %add3A_3252 : vector<16xi32>
    tpu.vector_store_idx %arg11[%shift_right_arithmetic3A_3247, %and3A_3250], %add3A_3253 : memref<12x128xi32, #tpu.memory_space<vmem>>[vector<16xi32>, vector<16xi32>], vector<16xi32>,
    %add3A_3254 = arith.constant 1 : i32
    %add3A_3255 = vector.broadcast %add3A_3254 : i32 to vector<16xi32>
    %add3A_3256 = arith.addi %add3A_3241, %add3A_3255 : vector<16xi32>
    %shift_right_arithmetic3A_3257 = arith.constant 7 : i32
    %shift_right_arithmetic3A_3258 = vector.broadcast %shift_right_arithmetic3A_3257 : i32 to vector<16xi32>
    %shift_right_arithmetic3A_3259 = arith.shrsi %add3A_3256, %shift_right_arithmetic3A_3258 : vector<16xi32>
    %and3A_3260 = arith.constant 127 : i32
    %and3A_3261 = vector.broadcast %and3A_3260 : i32 to vector<16xi32>
    %and3A_3262 = arith.andi %add3A_3256, %and3A_3261 : vector<16xi32>
    %add3A_3263 = arith.constant 1000000 : i32
    %add3A_3264 = vector.broadcast %add3A_3263 : i32 to vector<16xi32>
    %add3A_3265 = arith.addi %get3A_3181, %add3A_3264 : vector<16xi32>
    tpu.vector_store_idx %arg11[%shift_right_arithmetic3A_3259, %and3A_3262], %add3A_3265 : memref<12x128xi32, #tpu.memory_space<vmem>>[vector<16xi32>, vector<16xi32>], vector<16xi32>,
    %add3A_3266 = arith.constant 2 : i32
    %add3A_3267 = vector.broadcast %add3A_3266 : i32 to vector<16xi32>
    %add3A_3268 = arith.addi %add3A_3241, %add3A_3267 : vector<16xi32>
    %shift_right_arithmetic3A_3269 = arith.constant 7 : i32
    %shift_right_arithmetic3A_3270 = vector.broadcast %shift_right_arithmetic3A_3269 : i32 to vector<16xi32>
    %shift_right_arithmetic3A_3271 = arith.shrsi %add3A_3268, %shift_right_arithmetic3A_3270 : vector<16xi32>
    %and3A_3272 = arith.constant 127 : i32
    %and3A_3273 = vector.broadcast %and3A_3272 : i32 to vector<16xi32>
    %and3A_3274 = arith.andi %add3A_3268, %and3A_3273 : vector<16xi32>
    %add3A_3275 = arith.constant 2000000 : i32
    %add3A_3276 = vector.broadcast %add3A_3275 : i32 to vector<16xi32>
    %add3A_3277 = arith.addi %get3A_3181, %add3A_3276 : vector<16xi32>
    tpu.vector_store_idx %arg11[%shift_right_arithmetic3A_3271, %and3A_3274], %add3A_3277 : memref<12x128xi32, #tpu.memory_space<vmem>>[vector<16xi32>, vector<16xi32>], vector<16xi32>,
    %dma_start3A_3278 = arith.constant 0 : i32
    %dma_start3A_3279 = arith.constant 0 : i32
    %dma_start3A_3280 = arith.constant 0 : i32
    %dma_start3A_3281 = tpu.memref_slice %arg12[%dma_start3A_3279, %dma_start3A_3280] : memref<16x128xf32, #tpu.memory_space<vmem>> -> memref<1x128xf32, #tpu.memory_space<vmem>>
    %dma_start3A_3282 = tpu.memref_squeeze %dma_start3A_3281 : memref<1x128xf32, #tpu.memory_space<vmem>> -> memref<128xf32, #tpu.memory_space<vmem>>
    %dma_start3A_3283 = arith.constant 0 : i32
    %dma_start3A_3284 = tpu.memref_slice %arg10[%dma_start3A_3278, %dma_start3A_3283] : memref<16x128xi32, #tpu.memory_space<vmem>> -> memref<1x128xi32, #tpu.memory_space<vmem>>
    %dma_start3A_3285 = tpu.memref_squeeze %dma_start3A_3284 : memref<1x128xi32, #tpu.memory_space<vmem>> -> memref<128xi32, #tpu.memory_space<vmem>>
    %dma_start3A_3286 = arith.constant 0 : i32
    %dma_start3A_3287 = tpu.memref_slice %arg2[%dma_start3A_3286] : memref<4000000xf32, #tpu.memory_space<hbm>> -> memref<4000000xf32, #tpu.memory_space<hbm>>
    tpu.enqueue_indirect_dma source(%dma_start3A_3287 : memref<4000000xf32, #tpu.memory_space<hbm>>) target(%dma_start3A_3282 : memref<128xf32, #tpu.memory_space<vmem>>) offsets(%dma_start3A_3285 : memref<128xi32, #tpu.memory_space<vmem>>) semaphore(%arg14 : memref<!tpu.dma_semaphore, #tpu.memory_space<semaphore_mem>>)
    %dma_start3A_3288 = arith.constant 1 : i32
    %dma_start3A_3289 = arith.constant 1 : i32
    %dma_start3A_3290 = arith.constant 0 : i32
    %dma_start3A_3291 = tpu.memref_slice %arg12[%dma_start3A_3289, %dma_start3A_3290] : memref<16x128xf32, #tpu.memory_space<vmem>> -> memref<1x128xf32, #tpu.memory_space<vmem>>
    %dma_start3A_3292 = tpu.memref_squeeze %dma_start3A_3291 : memref<1x128xf32, #tpu.memory_space<vmem>> -> memref<128xf32, #tpu.memory_space<vmem>>
    %dma_start3A_3293 = arith.constant 0 : i32
    %dma_start3A_3294 = tpu.memref_slice %arg10[%dma_start3A_3288, %dma_start3A_3293] : memref<16x128xi32, #tpu.memory_space<vmem>> -> memref<1x128xi32, #tpu.memory_space<vmem>>
    %dma_start3A_3295 = tpu.memref_squeeze %dma_start3A_3294 : memref<1x128xi32, #tpu.memory_space<vmem>> -> memref<128xi32, #tpu.memory_space<vmem>>
    %dma_start3A_3296 = arith.constant 0 : i32
    %dma_start3A_3297 = tpu.memref_slice %arg2[%dma_start3A_3296] : memref<4000000xf32, #tpu.memory_space<hbm>> -> memref<4000000xf32, #tpu.memory_space<hbm>>
    tpu.enqueue_indirect_dma source(%dma_start3A_3297 : memref<4000000xf32, #tpu.memory_space<hbm>>) target(%dma_start3A_3292 : memref<128xf32, #tpu.memory_space<vmem>>) offsets(%dma_start3A_3295 : memref<128xi32, #tpu.memory_space<vmem>>) semaphore(%arg14 : memref<!tpu.dma_semaphore, #tpu.memory_space<semaphore_mem>>)
    %dma_start3A_3298 = arith.constant 2 : i32
    %dma_start3A_3299 = arith.constant 2 : i32
    %dma_start3A_3300 = arith.constant 0 : i32
    %dma_start3A_3301 = tpu.memref_slice %arg12[%dma_start3A_3299, %dma_start3A_3300] : memref<16x128xf32, #tpu.memory_space<vmem>> -> memref<1x128xf32, #tpu.memory_space<vmem>>
    %dma_start3A_3302 = tpu.memref_squeeze %dma_start3A_3301 : memref<1x128xf32, #tpu.memory_space<vmem>> -> memref<128xf32, #tpu.memory_space<vmem>>
    %dma_start3A_3303 = arith.constant 0 : i32
    %dma_start3A_3304 = tpu.memref_slice %arg10[%dma_start3A_3298, %dma_start3A_3303] : memref<16x128xi32, #tpu.memory_space<vmem>> -> memref<1x128xi32, #tpu.memory_space<vmem>>
    %dma_start3A_3305 = tpu.memref_squeeze %dma_start3A_3304 : memref<1x128xi32, #tpu.memory_space<vmem>> -> memref<128xi32, #tpu.memory_space<vmem>>
    %dma_start3A_3306 = arith.constant 0 : i32
    %dma_start3A_3307 = tpu.memref_slice %arg2[%dma_start3A_3306] : memref<4000000xf32, #tpu.memory_space<hbm>> -> memref<4000000xf32, #tpu.memory_space<hbm>>
    tpu.enqueue_indirect_dma source(%dma_start3A_3307 : memref<4000000xf32, #tpu.memory_space<hbm>>) target(%dma_start3A_3302 : memref<128xf32, #tpu.memory_space<vmem>>) offsets(%dma_start3A_3305 : memref<128xi32, #tpu.memory_space<vmem>>) semaphore(%arg14 : memref<!tpu.dma_semaphore, #tpu.memory_space<semaphore_mem>>)
    %dma_start3A_3308 = arith.constant 3 : i32
    %dma_start3A_3309 = arith.constant 3 : i32
    %dma_start3A_3310 = arith.constant 0 : i32
    %dma_start3A_3311 = tpu.memref_slice %arg12[%dma_start3A_3309, %dma_start3A_3310] : memref<16x128xf32, #tpu.memory_space<vmem>> -> memref<1x128xf32, #tpu.memory_space<vmem>>
    %dma_start3A_3312 = tpu.memref_squeeze %dma_start3A_3311 : memref<1x128xf32, #tpu.memory_space<vmem>> -> memref<128xf32, #tpu.memory_space<vmem>>
    %dma_start3A_3313 = arith.constant 0 : i32
    %dma_start3A_3314 = tpu.memref_slice %arg10[%dma_start3A_3308, %dma_start3A_3313] : memref<16x128xi32, #tpu.memory_space<vmem>> -> memref<1x128xi32, #tpu.memory_space<vmem>>
    %dma_start3A_3315 = tpu.memref_squeeze %dma_start3A_3314 : memref<1x128xi32, #tpu.memory_space<vmem>> -> memref<128xi32, #tpu.memory_space<vmem>>
    %dma_start3A_3316 = arith.constant 0 : i32
    %dma_start3A_3317 = tpu.memref_slice %arg2[%dma_start3A_3316] : memref<4000000xf32, #tpu.memory_space<hbm>> -> memref<4000000xf32, #tpu.memory_space<hbm>>
    tpu.enqueue_indirect_dma source(%dma_start3A_3317 : memref<4000000xf32, #tpu.memory_space<hbm>>) target(%dma_start3A_3312 : memref<128xf32, #tpu.memory_space<vmem>>) offsets(%dma_start3A_3315 : memref<128xi32, #tpu.memory_space<vmem>>) semaphore(%arg14 : memref<!tpu.dma_semaphore, #tpu.memory_space<semaphore_mem>>)
    %dma_start3A_3318 = arith.constant 4 : i32
    %dma_start3A_3319 = arith.constant 4 : i32
    %dma_start3A_3320 = arith.constant 0 : i32
    %dma_start3A_3321 = tpu.memref_slice %arg12[%dma_start3A_3319, %dma_start3A_3320] : memref<16x128xf32, #tpu.memory_space<vmem>> -> memref<1x128xf32, #tpu.memory_space<vmem>>
    %dma_start3A_3322 = tpu.memref_squeeze %dma_start3A_3321 : memref<1x128xf32, #tpu.memory_space<vmem>> -> memref<128xf32, #tpu.memory_space<vmem>>
    %dma_start3A_3323 = arith.constant 0 : i32
    %dma_start3A_3324 = tpu.memref_slice %arg10[%dma_start3A_3318, %dma_start3A_3323] : memref<16x128xi32, #tpu.memory_space<vmem>> -> memref<1x128xi32, #tpu.memory_space<vmem>>
    %dma_start3A_3325 = tpu.memref_squeeze %dma_start3A_3324 : memref<1x128xi32, #tpu.memory_space<vmem>> -> memref<128xi32, #tpu.memory_space<vmem>>
    %dma_start3A_3326 = arith.constant 0 : i32
    %dma_start3A_3327 = tpu.memref_slice %arg2[%dma_start3A_3326] : memref<4000000xf32, #tpu.memory_space<hbm>> -> memref<4000000xf32, #tpu.memory_space<hbm>>
    tpu.enqueue_indirect_dma source(%dma_start3A_3327 : memref<4000000xf32, #tpu.memory_space<hbm>>) target(%dma_start3A_3322 : memref<128xf32, #tpu.memory_space<vmem>>) offsets(%dma_start3A_3325 : memref<128xi32, #tpu.memory_space<vmem>>) semaphore(%arg14 : memref<!tpu.dma_semaphore, #tpu.memory_space<semaphore_mem>>)
    %dma_start3A_3328 = arith.constant 5 : i32
    %dma_start3A_3329 = arith.constant 5 : i32
    %dma_start3A_3330 = arith.constant 0 : i32
    %dma_start3A_3331 = tpu.memref_slice %arg12[%dma_start3A_3329, %dma_start3A_3330] : memref<16x128xf32, #tpu.memory_space<vmem>> -> memref<1x128xf32, #tpu.memory_space<vmem>>
    %dma_start3A_3332 = tpu.memref_squeeze %dma_start3A_3331 : memref<1x128xf32, #tpu.memory_space<vmem>> -> memref<128xf32, #tpu.memory_space<vmem>>
    %dma_start3A_3333 = arith.constant 0 : i32
    %dma_start3A_3334 = tpu.memref_slice %arg10[%dma_start3A_3328, %dma_start3A_3333] : memref<16x128xi32, #tpu.memory_space<vmem>> -> memref<1x128xi32, #tpu.memory_space<vmem>>
    %dma_start3A_3335 = tpu.memref_squeeze %dma_start3A_3334 : memref<1x128xi32, #tpu.memory_space<vmem>> -> memref<128xi32, #tpu.memory_space<vmem>>
    %dma_start3A_3336 = arith.constant 0 : i32
    %dma_start3A_3337 = tpu.memref_slice %arg2[%dma_start3A_3336] : memref<4000000xf32, #tpu.memory_space<hbm>> -> memref<4000000xf32, #tpu.memory_space<hbm>>
    tpu.enqueue_indirect_dma source(%dma_start3A_3337 : memref<4000000xf32, #tpu.memory_space<hbm>>) target(%dma_start3A_3332 : memref<128xf32, #tpu.memory_space<vmem>>) offsets(%dma_start3A_3335 : memref<128xi32, #tpu.memory_space<vmem>>) semaphore(%arg14 : memref<!tpu.dma_semaphore, #tpu.memory_space<semaphore_mem>>)
    %dma_start3A_3338 = arith.constant 6 : i32
    %dma_start3A_3339 = arith.constant 6 : i32
    %dma_start3A_3340 = arith.constant 0 : i32
    %dma_start3A_3341 = tpu.memref_slice %arg12[%dma_start3A_3339, %dma_start3A_3340] : memref<16x128xf32, #tpu.memory_space<vmem>> -> memref<1x128xf32, #tpu.memory_space<vmem>>
    %dma_start3A_3342 = tpu.memref_squeeze %dma_start3A_3341 : memref<1x128xf32, #tpu.memory_space<vmem>> -> memref<128xf32, #tpu.memory_space<vmem>>
    %dma_start3A_3343 = arith.constant 0 : i32
    %dma_start3A_3344 = tpu.memref_slice %arg10[%dma_start3A_3338, %dma_start3A_3343] : memref<16x128xi32, #tpu.memory_space<vmem>> -> memref<1x128xi32, #tpu.memory_space<vmem>>
    %dma_start3A_3345 = tpu.memref_squeeze %dma_start3A_3344 : memref<1x128xi32, #tpu.memory_space<vmem>> -> memref<128xi32, #tpu.memory_space<vmem>>
    %dma_start3A_3346 = arith.constant 0 : i32
    %dma_start3A_3347 = tpu.memref_slice %arg2[%dma_start3A_3346] : memref<4000000xf32, #tpu.memory_space<hbm>> -> memref<4000000xf32, #tpu.memory_space<hbm>>
    tpu.enqueue_indirect_dma source(%dma_start3A_3347 : memref<4000000xf32, #tpu.memory_space<hbm>>) target(%dma_start3A_3342 : memref<128xf32, #tpu.memory_space<vmem>>) offsets(%dma_start3A_3345 : memref<128xi32, #tpu.memory_space<vmem>>) semaphore(%arg14 : memref<!tpu.dma_semaphore, #tpu.memory_space<semaphore_mem>>)
    %dma_start3A_3348 = arith.constant 7 : i32
    %dma_start3A_3349 = arith.constant 7 : i32
    %dma_start3A_3350 = arith.constant 0 : i32
    %dma_start3A_3351 = tpu.memref_slice %arg12[%dma_start3A_3349, %dma_start3A_3350] : memref<16x128xf32, #tpu.memory_space<vmem>> -> memref<1x128xf32, #tpu.memory_space<vmem>>
    %dma_start3A_3352 = tpu.memref_squeeze %dma_start3A_3351 : memref<1x128xf32, #tpu.memory_space<vmem>> -> memref<128xf32, #tpu.memory_space<vmem>>
    %dma_start3A_3353 = arith.constant 0 : i32
    %dma_start3A_3354 = tpu.memref_slice %arg10[%dma_start3A_3348, %dma_start3A_3353] : memref<16x128xi32, #tpu.memory_space<vmem>> -> memref<1x128xi32, #tpu.memory_space<vmem>>
    %dma_start3A_3355 = tpu.memref_squeeze %dma_start3A_3354 : memref<1x128xi32, #tpu.memory_space<vmem>> -> memref<128xi32, #tpu.memory_space<vmem>>
    %dma_start3A_3356 = arith.constant 0 : i32
    %dma_start3A_3357 = tpu.memref_slice %arg2[%dma_start3A_3356] : memref<4000000xf32, #tpu.memory_space<hbm>> -> memref<4000000xf32, #tpu.memory_space<hbm>>
    tpu.enqueue_indirect_dma source(%dma_start3A_3357 : memref<4000000xf32, #tpu.memory_space<hbm>>) target(%dma_start3A_3352 : memref<128xf32, #tpu.memory_space<vmem>>) offsets(%dma_start3A_3355 : memref<128xi32, #tpu.memory_space<vmem>>) semaphore(%arg14 : memref<!tpu.dma_semaphore, #tpu.memory_space<semaphore_mem>>)
    %dma_start3A_3358 = arith.constant 8 : i32
    %dma_start3A_3359 = arith.constant 8 : i32
    %dma_start3A_3360 = arith.constant 0 : i32
    %dma_start3A_3361 = tpu.memref_slice %arg12[%dma_start3A_3359, %dma_start3A_3360] : memref<16x128xf32, #tpu.memory_space<vmem>> -> memref<1x128xf32, #tpu.memory_space<vmem>>
    %dma_start3A_3362 = tpu.memref_squeeze %dma_start3A_3361 : memref<1x128xf32, #tpu.memory_space<vmem>> -> memref<128xf32, #tpu.memory_space<vmem>>
    %dma_start3A_3363 = arith.constant 0 : i32
    %dma_start3A_3364 = tpu.memref_slice %arg10[%dma_start3A_3358, %dma_start3A_3363] : memref<16x128xi32, #tpu.memory_space<vmem>> -> memref<1x128xi32, #tpu.memory_space<vmem>>
    %dma_start3A_3365 = tpu.memref_squeeze %dma_start3A_3364 : memref<1x128xi32, #tpu.memory_space<vmem>> -> memref<128xi32, #tpu.memory_space<vmem>>
    %dma_start3A_3366 = arith.constant 0 : i32
    %dma_start3A_3367 = tpu.memref_slice %arg2[%dma_start3A_3366] : memref<4000000xf32, #tpu.memory_space<hbm>> -> memref<4000000xf32, #tpu.memory_space<hbm>>
    tpu.enqueue_indirect_dma source(%dma_start3A_3367 : memref<4000000xf32, #tpu.memory_space<hbm>>) target(%dma_start3A_3362 : memref<128xf32, #tpu.memory_space<vmem>>) offsets(%dma_start3A_3365 : memref<128xi32, #tpu.memory_space<vmem>>) semaphore(%arg14 : memref<!tpu.dma_semaphore, #tpu.memory_space<semaphore_mem>>)
    %dma_start3A_3368 = arith.constant 9 : i32
    %dma_start3A_3369 = arith.constant 9 : i32
    %dma_start3A_3370 = arith.constant 0 : i32
    %dma_start3A_3371 = tpu.memref_slice %arg12[%dma_start3A_3369, %dma_start3A_3370] : memref<16x128xf32, #tpu.memory_space<vmem>> -> memref<1x128xf32, #tpu.memory_space<vmem>>
    %dma_start3A_3372 = tpu.memref_squeeze %dma_start3A_3371 : memref<1x128xf32, #tpu.memory_space<vmem>> -> memref<128xf32, #tpu.memory_space<vmem>>
    %dma_start3A_3373 = arith.constant 0 : i32
    %dma_start3A_3374 = tpu.memref_slice %arg10[%dma_start3A_3368, %dma_start3A_3373] : memref<16x128xi32, #tpu.memory_space<vmem>> -> memref<1x128xi32, #tpu.memory_space<vmem>>
    %dma_start3A_3375 = tpu.memref_squeeze %dma_start3A_3374 : memref<1x128xi32, #tpu.memory_space<vmem>> -> memref<128xi32, #tpu.memory_space<vmem>>
    %dma_start3A_3376 = arith.constant 0 : i32
    %dma_start3A_3377 = tpu.memref_slice %arg2[%dma_start3A_3376] : memref<4000000xf32, #tpu.memory_space<hbm>> -> memref<4000000xf32, #tpu.memory_space<hbm>>
    tpu.enqueue_indirect_dma source(%dma_start3A_3377 : memref<4000000xf32, #tpu.memory_space<hbm>>) target(%dma_start3A_3372 : memref<128xf32, #tpu.memory_space<vmem>>) offsets(%dma_start3A_3375 : memref<128xi32, #tpu.memory_space<vmem>>) semaphore(%arg14 : memref<!tpu.dma_semaphore, #tpu.memory_space<semaphore_mem>>)
    %dma_start3A_3378 = arith.constant 10 : i32
    %dma_start3A_3379 = arith.constant 10 : i32
    %dma_start3A_3380 = arith.constant 0 : i32
    %dma_start3A_3381 = tpu.memref_slice %arg12[%dma_start3A_3379, %dma_start3A_3380] : memref<16x128xf32, #tpu.memory_space<vmem>> -> memref<1x128xf32, #tpu.memory_space<vmem>>
    %dma_start3A_3382 = tpu.memref_squeeze %dma_start3A_3381 : memref<1x128xf32, #tpu.memory_space<vmem>> -> memref<128xf32, #tpu.memory_space<vmem>>
    %dma_start3A_3383 = arith.constant 0 : i32
    %dma_start3A_3384 = tpu.memref_slice %arg10[%dma_start3A_3378, %dma_start3A_3383] : memref<16x128xi32, #tpu.memory_space<vmem>> -> memref<1x128xi32, #tpu.memory_space<vmem>>
    %dma_start3A_3385 = tpu.memref_squeeze %dma_start3A_3384 : memref<1x128xi32, #tpu.memory_space<vmem>> -> memref<128xi32, #tpu.memory_space<vmem>>
    %dma_start3A_3386 = arith.constant 0 : i32
    %dma_start3A_3387 = tpu.memref_slice %arg2[%dma_start3A_3386] : memref<4000000xf32, #tpu.memory_space<hbm>> -> memref<4000000xf32, #tpu.memory_space<hbm>>
    tpu.enqueue_indirect_dma source(%dma_start3A_3387 : memref<4000000xf32, #tpu.memory_space<hbm>>) target(%dma_start3A_3382 : memref<128xf32, #tpu.memory_space<vmem>>) offsets(%dma_start3A_3385 : memref<128xi32, #tpu.memory_space<vmem>>) semaphore(%arg14 : memref<!tpu.dma_semaphore, #tpu.memory_space<semaphore_mem>>)
    %dma_start3A_3388 = arith.constant 11 : i32
    %dma_start3A_3389 = arith.constant 11 : i32
    %dma_start3A_3390 = arith.constant 0 : i32
    %dma_start3A_3391 = tpu.memref_slice %arg12[%dma_start3A_3389, %dma_start3A_3390] : memref<16x128xf32, #tpu.memory_space<vmem>> -> memref<1x128xf32, #tpu.memory_space<vmem>>
    %dma_start3A_3392 = tpu.memref_squeeze %dma_start3A_3391 : memref<1x128xf32, #tpu.memory_space<vmem>> -> memref<128xf32, #tpu.memory_space<vmem>>
    %dma_start3A_3393 = arith.constant 0 : i32
    %dma_start3A_3394 = tpu.memref_slice %arg10[%dma_start3A_3388, %dma_start3A_3393] : memref<16x128xi32, #tpu.memory_space<vmem>> -> memref<1x128xi32, #tpu.memory_space<vmem>>
    %dma_start3A_3395 = tpu.memref_squeeze %dma_start3A_3394 : memref<1x128xi32, #tpu.memory_space<vmem>> -> memref<128xi32, #tpu.memory_space<vmem>>
    %dma_start3A_3396 = arith.constant 0 : i32
    %dma_start3A_3397 = tpu.memref_slice %arg2[%dma_start3A_3396] : memref<4000000xf32, #tpu.memory_space<hbm>> -> memref<4000000xf32, #tpu.memory_space<hbm>>
    tpu.enqueue_indirect_dma source(%dma_start3A_3397 : memref<4000000xf32, #tpu.memory_space<hbm>>) target(%dma_start3A_3392 : memref<128xf32, #tpu.memory_space<vmem>>) offsets(%dma_start3A_3395 : memref<128xi32, #tpu.memory_space<vmem>>) semaphore(%arg14 : memref<!tpu.dma_semaphore, #tpu.memory_space<semaphore_mem>>)
    %dma_start3A_3398 = arith.constant 12 : i32
    %dma_start3A_3399 = arith.constant 12 : i32
    %dma_start3A_3400 = arith.constant 0 : i32
    %dma_start3A_3401 = tpu.memref_slice %arg12[%dma_start3A_3399, %dma_start3A_3400] : memref<16x128xf32, #tpu.memory_space<vmem>> -> memref<1x128xf32, #tpu.memory_space<vmem>>
    %dma_start3A_3402 = tpu.memref_squeeze %dma_start3A_3401 : memref<1x128xf32, #tpu.memory_space<vmem>> -> memref<128xf32, #tpu.memory_space<vmem>>
    %dma_start3A_3403 = arith.constant 0 : i32
    %dma_start3A_3404 = tpu.memref_slice %arg10[%dma_start3A_3398, %dma_start3A_3403] : memref<16x128xi32, #tpu.memory_space<vmem>> -> memref<1x128xi32, #tpu.memory_space<vmem>>
    %dma_start3A_3405 = tpu.memref_squeeze %dma_start3A_3404 : memref<1x128xi32, #tpu.memory_space<vmem>> -> memref<128xi32, #tpu.memory_space<vmem>>
    %dma_start3A_3406 = arith.constant 0 : i32
    %dma_start3A_3407 = tpu.memref_slice %arg2[%dma_start3A_3406] : memref<4000000xf32, #tpu.memory_space<hbm>> -> memref<4000000xf32, #tpu.memory_space<hbm>>
    tpu.enqueue_indirect_dma source(%dma_start3A_3407 : memref<4000000xf32, #tpu.memory_space<hbm>>) target(%dma_start3A_3402 : memref<128xf32, #tpu.memory_space<vmem>>) offsets(%dma_start3A_3405 : memref<128xi32, #tpu.memory_space<vmem>>) semaphore(%arg14 : memref<!tpu.dma_semaphore, #tpu.memory_space<semaphore_mem>>)
    %dma_start3A_3408 = arith.constant 13 : i32
    %dma_start3A_3409 = arith.constant 13 : i32
    %dma_start3A_3410 = arith.constant 0 : i32
    %dma_start3A_3411 = tpu.memref_slice %arg12[%dma_start3A_3409, %dma_start3A_3410] : memref<16x128xf32, #tpu.memory_space<vmem>> -> memref<1x128xf32, #tpu.memory_space<vmem>>
    %dma_start3A_3412 = tpu.memref_squeeze %dma_start3A_3411 : memref<1x128xf32, #tpu.memory_space<vmem>> -> memref<128xf32, #tpu.memory_space<vmem>>
    %dma_start3A_3413 = arith.constant 0 : i32
    %dma_start3A_3414 = tpu.memref_slice %arg10[%dma_start3A_3408, %dma_start3A_3413] : memref<16x128xi32, #tpu.memory_space<vmem>> -> memref<1x128xi32, #tpu.memory_space<vmem>>
    %dma_start3A_3415 = tpu.memref_squeeze %dma_start3A_3414 : memref<1x128xi32, #tpu.memory_space<vmem>> -> memref<128xi32, #tpu.memory_space<vmem>>
    %dma_start3A_3416 = arith.constant 0 : i32
    %dma_start3A_3417 = tpu.memref_slice %arg2[%dma_start3A_3416] : memref<4000000xf32, #tpu.memory_space<hbm>> -> memref<4000000xf32, #tpu.memory_space<hbm>>
    tpu.enqueue_indirect_dma source(%dma_start3A_3417 : memref<4000000xf32, #tpu.memory_space<hbm>>) target(%dma_start3A_3412 : memref<128xf32, #tpu.memory_space<vmem>>) offsets(%dma_start3A_3415 : memref<128xi32, #tpu.memory_space<vmem>>) semaphore(%arg14 : memref<!tpu.dma_semaphore, #tpu.memory_space<semaphore_mem>>)
    %dma_start3A_3418 = arith.constant 14 : i32
    %dma_start3A_3419 = arith.constant 14 : i32
    %dma_start3A_3420 = arith.constant 0 : i32
    %dma_start3A_3421 = tpu.memref_slice %arg12[%dma_start3A_3419, %dma_start3A_3420] : memref<16x128xf32, #tpu.memory_space<vmem>> -> memref<1x128xf32, #tpu.memory_space<vmem>>
    %dma_start3A_3422 = tpu.memref_squeeze %dma_start3A_3421 : memref<1x128xf32, #tpu.memory_space<vmem>> -> memref<128xf32, #tpu.memory_space<vmem>>
    %dma_start3A_3423 = arith.constant 0 : i32
    %dma_start3A_3424 = tpu.memref_slice %arg10[%dma_start3A_3418, %dma_start3A_3423] : memref<16x128xi32, #tpu.memory_space<vmem>> -> memref<1x128xi32, #tpu.memory_space<vmem>>
    %dma_start3A_3425 = tpu.memref_squeeze %dma_start3A_3424 : memref<1x128xi32, #tpu.memory_space<vmem>> -> memref<128xi32, #tpu.memory_space<vmem>>
    %dma_start3A_3426 = arith.constant 0 : i32
    %dma_start3A_3427 = tpu.memref_slice %arg2[%dma_start3A_3426] : memref<4000000xf32, #tpu.memory_space<hbm>> -> memref<4000000xf32, #tpu.memory_space<hbm>>
    tpu.enqueue_indirect_dma source(%dma_start3A_3427 : memref<4000000xf32, #tpu.memory_space<hbm>>) target(%dma_start3A_3422 : memref<128xf32, #tpu.memory_space<vmem>>) offsets(%dma_start3A_3425 : memref<128xi32, #tpu.memory_space<vmem>>) semaphore(%arg14 : memref<!tpu.dma_semaphore, #tpu.memory_space<semaphore_mem>>)
    %dma_start3A_3428 = arith.constant 15 : i32
    %dma_start3A_3429 = arith.constant 15 : i32
    %dma_start3A_3430 = arith.constant 0 : i32
    %dma_start3A_3431 = tpu.memref_slice %arg12[%dma_start3A_3429, %dma_start3A_3430] : memref<16x128xf32, #tpu.memory_space<vmem>> -> memref<1x128xf32, #tpu.memory_space<vmem>>
    %dma_start3A_3432 = tpu.memref_squeeze %dma_start3A_3431 : memref<1x128xf32, #tpu.memory_space<vmem>> -> memref<128xf32, #tpu.memory_space<vmem>>
    %dma_start3A_3433 = arith.constant 0 : i32
    %dma_start3A_3434 = tpu.memref_slice %arg10[%dma_start3A_3428, %dma_start3A_3433] : memref<16x128xi32, #tpu.memory_space<vmem>> -> memref<1x128xi32, #tpu.memory_space<vmem>>
    %dma_start3A_3435 = tpu.memref_squeeze %dma_start3A_3434 : memref<1x128xi32, #tpu.memory_space<vmem>> -> memref<128xi32, #tpu.memory_space<vmem>>
    %dma_start3A_3436 = arith.constant 0 : i32
    %dma_start3A_3437 = tpu.memref_slice %arg2[%dma_start3A_3436] : memref<4000000xf32, #tpu.memory_space<hbm>> -> memref<4000000xf32, #tpu.memory_space<hbm>>
    tpu.enqueue_indirect_dma source(%dma_start3A_3437 : memref<4000000xf32, #tpu.memory_space<hbm>>) target(%dma_start3A_3432 : memref<128xf32, #tpu.memory_space<vmem>>) offsets(%dma_start3A_3435 : memref<128xi32, #tpu.memory_space<vmem>>) semaphore(%arg14 : memref<!tpu.dma_semaphore, #tpu.memory_space<semaphore_mem>>)
    %dma_start3A_3438 = arith.constant 0 : i32
    %dma_start3A_3439 = arith.constant 0 : i32
    %dma_start3A_3440 = arith.constant 0 : i32
    %dma_start3A_3441 = tpu.memref_slice %arg13[%dma_start3A_3439, %dma_start3A_3440] : memref<12x128xf32, #tpu.memory_space<vmem>> -> memref<1x128xf32, #tpu.memory_space<vmem>>
    %dma_start3A_3442 = tpu.memref_squeeze %dma_start3A_3441 : memref<1x128xf32, #tpu.memory_space<vmem>> -> memref<128xf32, #tpu.memory_space<vmem>>
    %dma_start3A_3443 = arith.constant 0 : i32
    %dma_start3A_3444 = tpu.memref_slice %arg11[%dma_start3A_3438, %dma_start3A_3443] : memref<12x128xi32, #tpu.memory_space<vmem>> -> memref<1x128xi32, #tpu.memory_space<vmem>>
    %dma_start3A_3445 = tpu.memref_squeeze %dma_start3A_3444 : memref<1x128xi32, #tpu.memory_space<vmem>> -> memref<128xi32, #tpu.memory_space<vmem>>
    %dma_start3A_3446 = arith.constant 0 : i32
    %dma_start3A_3447 = tpu.memref_slice %arg3[%dma_start3A_3446] : memref<3000000xf32, #tpu.memory_space<hbm>> -> memref<3000000xf32, #tpu.memory_space<hbm>>
    tpu.enqueue_indirect_dma source(%dma_start3A_3447 : memref<3000000xf32, #tpu.memory_space<hbm>>) target(%dma_start3A_3442 : memref<128xf32, #tpu.memory_space<vmem>>) offsets(%dma_start3A_3445 : memref<128xi32, #tpu.memory_space<vmem>>) semaphore(%arg14 : memref<!tpu.dma_semaphore, #tpu.memory_space<semaphore_mem>>)
    %dma_start3A_3448 = arith.constant 1 : i32
    %dma_start3A_3449 = arith.constant 1 : i32
    %dma_start3A_3450 = arith.constant 0 : i32
    %dma_start3A_3451 = tpu.memref_slice %arg13[%dma_start3A_3449, %dma_start3A_3450] : memref<12x128xf32, #tpu.memory_space<vmem>> -> memref<1x128xf32, #tpu.memory_space<vmem>>
    %dma_start3A_3452 = tpu.memref_squeeze %dma_start3A_3451 : memref<1x128xf32, #tpu.memory_space<vmem>> -> memref<128xf32, #tpu.memory_space<vmem>>
    %dma_start3A_3453 = arith.constant 0 : i32
    %dma_start3A_3454 = tpu.memref_slice %arg11[%dma_start3A_3448, %dma_start3A_3453] : memref<12x128xi32, #tpu.memory_space<vmem>> -> memref<1x128xi32, #tpu.memory_space<vmem>>
    %dma_start3A_3455 = tpu.memref_squeeze %dma_start3A_3454 : memref<1x128xi32, #tpu.memory_space<vmem>> -> memref<128xi32, #tpu.memory_space<vmem>>
    %dma_start3A_3456 = arith.constant 0 : i32
    %dma_start3A_3457 = tpu.memref_slice %arg3[%dma_start3A_3456] : memref<3000000xf32, #tpu.memory_space<hbm>> -> memref<3000000xf32, #tpu.memory_space<hbm>>
    tpu.enqueue_indirect_dma source(%dma_start3A_3457 : memref<3000000xf32, #tpu.memory_space<hbm>>) target(%dma_start3A_3452 : memref<128xf32, #tpu.memory_space<vmem>>) offsets(%dma_start3A_3455 : memref<128xi32, #tpu.memory_space<vmem>>) semaphore(%arg14 : memref<!tpu.dma_semaphore, #tpu.memory_space<semaphore_mem>>)
    %dma_start3A_3458 = arith.constant 2 : i32
    %dma_start3A_3459 = arith.constant 2 : i32
    %dma_start3A_3460 = arith.constant 0 : i32
    %dma_start3A_3461 = tpu.memref_slice %arg13[%dma_start3A_3459, %dma_start3A_3460] : memref<12x128xf32, #tpu.memory_space<vmem>> -> memref<1x128xf32, #tpu.memory_space<vmem>>
    %dma_start3A_3462 = tpu.memref_squeeze %dma_start3A_3461 : memref<1x128xf32, #tpu.memory_space<vmem>> -> memref<128xf32, #tpu.memory_space<vmem>>
    %dma_start3A_3463 = arith.constant 0 : i32
    %dma_start3A_3464 = tpu.memref_slice %arg11[%dma_start3A_3458, %dma_start3A_3463] : memref<12x128xi32, #tpu.memory_space<vmem>> -> memref<1x128xi32, #tpu.memory_space<vmem>>
    %dma_start3A_3465 = tpu.memref_squeeze %dma_start3A_3464 : memref<1x128xi32, #tpu.memory_space<vmem>> -> memref<128xi32, #tpu.memory_space<vmem>>
    %dma_start3A_3466 = arith.constant 0 : i32
    %dma_start3A_3467 = tpu.memref_slice %arg3[%dma_start3A_3466] : memref<3000000xf32, #tpu.memory_space<hbm>> -> memref<3000000xf32, #tpu.memory_space<hbm>>
    tpu.enqueue_indirect_dma source(%dma_start3A_3467 : memref<3000000xf32, #tpu.memory_space<hbm>>) target(%dma_start3A_3462 : memref<128xf32, #tpu.memory_space<vmem>>) offsets(%dma_start3A_3465 : memref<128xi32, #tpu.memory_space<vmem>>) semaphore(%arg14 : memref<!tpu.dma_semaphore, #tpu.memory_space<semaphore_mem>>)
    %dma_start3A_3468 = arith.constant 3 : i32
    %dma_start3A_3469 = arith.constant 3 : i32
    %dma_start3A_3470 = arith.constant 0 : i32
    %dma_start3A_3471 = tpu.memref_slice %arg13[%dma_start3A_3469, %dma_start3A_3470] : memref<12x128xf32, #tpu.memory_space<vmem>> -> memref<1x128xf32, #tpu.memory_space<vmem>>
    %dma_start3A_3472 = tpu.memref_squeeze %dma_start3A_3471 : memref<1x128xf32, #tpu.memory_space<vmem>> -> memref<128xf32, #tpu.memory_space<vmem>>
    %dma_start3A_3473 = arith.constant 0 : i32
    %dma_start3A_3474 = tpu.memref_slice %arg11[%dma_start3A_3468, %dma_start3A_3473] : memref<12x128xi32, #tpu.memory_space<vmem>> -> memref<1x128xi32, #tpu.memory_space<vmem>>
    %dma_start3A_3475 = tpu.memref_squeeze %dma_start3A_3474 : memref<1x128xi32, #tpu.memory_space<vmem>> -> memref<128xi32, #tpu.memory_space<vmem>>
    %dma_start3A_3476 = arith.constant 0 : i32
    %dma_start3A_3477 = tpu.memref_slice %arg3[%dma_start3A_3476] : memref<3000000xf32, #tpu.memory_space<hbm>> -> memref<3000000xf32, #tpu.memory_space<hbm>>
    tpu.enqueue_indirect_dma source(%dma_start3A_3477 : memref<3000000xf32, #tpu.memory_space<hbm>>) target(%dma_start3A_3472 : memref<128xf32, #tpu.memory_space<vmem>>) offsets(%dma_start3A_3475 : memref<128xi32, #tpu.memory_space<vmem>>) semaphore(%arg14 : memref<!tpu.dma_semaphore, #tpu.memory_space<semaphore_mem>>)
    %dma_start3A_3478 = arith.constant 4 : i32
    %dma_start3A_3479 = arith.constant 4 : i32
    %dma_start3A_3480 = arith.constant 0 : i32
    %dma_start3A_3481 = tpu.memref_slice %arg13[%dma_start3A_3479, %dma_start3A_3480] : memref<12x128xf32, #tpu.memory_space<vmem>> -> memref<1x128xf32, #tpu.memory_space<vmem>>
    %dma_start3A_3482 = tpu.memref_squeeze %dma_start3A_3481 : memref<1x128xf32, #tpu.memory_space<vmem>> -> memref<128xf32, #tpu.memory_space<vmem>>
    %dma_start3A_3483 = arith.constant 0 : i32
    %dma_start3A_3484 = tpu.memref_slice %arg11[%dma_start3A_3478, %dma_start3A_3483] : memref<12x128xi32, #tpu.memory_space<vmem>> -> memref<1x128xi32, #tpu.memory_space<vmem>>
    %dma_start3A_3485 = tpu.memref_squeeze %dma_start3A_3484 : memref<1x128xi32, #tpu.memory_space<vmem>> -> memref<128xi32, #tpu.memory_space<vmem>>
    %dma_start3A_3486 = arith.constant 0 : i32
    %dma_start3A_3487 = tpu.memref_slice %arg3[%dma_start3A_3486] : memref<3000000xf32, #tpu.memory_space<hbm>> -> memref<3000000xf32, #tpu.memory_space<hbm>>
    tpu.enqueue_indirect_dma source(%dma_start3A_3487 : memref<3000000xf32, #tpu.memory_space<hbm>>) target(%dma_start3A_3482 : memref<128xf32, #tpu.memory_space<vmem>>) offsets(%dma_start3A_3485 : memref<128xi32, #tpu.memory_space<vmem>>) semaphore(%arg14 : memref<!tpu.dma_semaphore, #tpu.memory_space<semaphore_mem>>)
    %dma_start3A_3488 = arith.constant 5 : i32
    %dma_start3A_3489 = arith.constant 5 : i32
    %dma_start3A_3490 = arith.constant 0 : i32
    %dma_start3A_3491 = tpu.memref_slice %arg13[%dma_start3A_3489, %dma_start3A_3490] : memref<12x128xf32, #tpu.memory_space<vmem>> -> memref<1x128xf32, #tpu.memory_space<vmem>>
    %dma_start3A_3492 = tpu.memref_squeeze %dma_start3A_3491 : memref<1x128xf32, #tpu.memory_space<vmem>> -> memref<128xf32, #tpu.memory_space<vmem>>
    %dma_start3A_3493 = arith.constant 0 : i32
    %dma_start3A_3494 = tpu.memref_slice %arg11[%dma_start3A_3488, %dma_start3A_3493] : memref<12x128xi32, #tpu.memory_space<vmem>> -> memref<1x128xi32, #tpu.memory_space<vmem>>
    %dma_start3A_3495 = tpu.memref_squeeze %dma_start3A_3494 : memref<1x128xi32, #tpu.memory_space<vmem>> -> memref<128xi32, #tpu.memory_space<vmem>>
    %dma_start3A_3496 = arith.constant 0 : i32
    %dma_start3A_3497 = tpu.memref_slice %arg3[%dma_start3A_3496] : memref<3000000xf32, #tpu.memory_space<hbm>> -> memref<3000000xf32, #tpu.memory_space<hbm>>
    tpu.enqueue_indirect_dma source(%dma_start3A_3497 : memref<3000000xf32, #tpu.memory_space<hbm>>) target(%dma_start3A_3492 : memref<128xf32, #tpu.memory_space<vmem>>) offsets(%dma_start3A_3495 : memref<128xi32, #tpu.memory_space<vmem>>) semaphore(%arg14 : memref<!tpu.dma_semaphore, #tpu.memory_space<semaphore_mem>>)
    %dma_start3A_3498 = arith.constant 6 : i32
    %dma_start3A_3499 = arith.constant 6 : i32
    %dma_start3A_3500 = arith.constant 0 : i32
    %dma_start3A_3501 = tpu.memref_slice %arg13[%dma_start3A_3499, %dma_start3A_3500] : memref<12x128xf32, #tpu.memory_space<vmem>> -> memref<1x128xf32, #tpu.memory_space<vmem>>
    %dma_start3A_3502 = tpu.memref_squeeze %dma_start3A_3501 : memref<1x128xf32, #tpu.memory_space<vmem>> -> memref<128xf32, #tpu.memory_space<vmem>>
    %dma_start3A_3503 = arith.constant 0 : i32
    %dma_start3A_3504 = tpu.memref_slice %arg11[%dma_start3A_3498, %dma_start3A_3503] : memref<12x128xi32, #tpu.memory_space<vmem>> -> memref<1x128xi32, #tpu.memory_space<vmem>>
    %dma_start3A_3505 = tpu.memref_squeeze %dma_start3A_3504 : memref<1x128xi32, #tpu.memory_space<vmem>> -> memref<128xi32, #tpu.memory_space<vmem>>
    %dma_start3A_3506 = arith.constant 0 : i32
    %dma_start3A_3507 = tpu.memref_slice %arg3[%dma_start3A_3506] : memref<3000000xf32, #tpu.memory_space<hbm>> -> memref<3000000xf32, #tpu.memory_space<hbm>>
    tpu.enqueue_indirect_dma source(%dma_start3A_3507 : memref<3000000xf32, #tpu.memory_space<hbm>>) target(%dma_start3A_3502 : memref<128xf32, #tpu.memory_space<vmem>>) offsets(%dma_start3A_3505 : memref<128xi32, #tpu.memory_space<vmem>>) semaphore(%arg14 : memref<!tpu.dma_semaphore, #tpu.memory_space<semaphore_mem>>)
    %dma_start3A_3508 = arith.constant 7 : i32
    %dma_start3A_3509 = arith.constant 7 : i32
    %dma_start3A_3510 = arith.constant 0 : i32
    %dma_start3A_3511 = tpu.memref_slice %arg13[%dma_start3A_3509, %dma_start3A_3510] : memref<12x128xf32, #tpu.memory_space<vmem>> -> memref<1x128xf32, #tpu.memory_space<vmem>>
    %dma_start3A_3512 = tpu.memref_squeeze %dma_start3A_3511 : memref<1x128xf32, #tpu.memory_space<vmem>> -> memref<128xf32, #tpu.memory_space<vmem>>
    %dma_start3A_3513 = arith.constant 0 : i32
    %dma_start3A_3514 = tpu.memref_slice %arg11[%dma_start3A_3508, %dma_start3A_3513] : memref<12x128xi32, #tpu.memory_space<vmem>> -> memref<1x128xi32, #tpu.memory_space<vmem>>
    %dma_start3A_3515 = tpu.memref_squeeze %dma_start3A_3514 : memref<1x128xi32, #tpu.memory_space<vmem>> -> memref<128xi32, #tpu.memory_space<vmem>>
    %dma_start3A_3516 = arith.constant 0 : i32
    %dma_start3A_3517 = tpu.memref_slice %arg3[%dma_start3A_3516] : memref<3000000xf32, #tpu.memory_space<hbm>> -> memref<3000000xf32, #tpu.memory_space<hbm>>
    tpu.enqueue_indirect_dma source(%dma_start3A_3517 : memref<3000000xf32, #tpu.memory_space<hbm>>) target(%dma_start3A_3512 : memref<128xf32, #tpu.memory_space<vmem>>) offsets(%dma_start3A_3515 : memref<128xi32, #tpu.memory_space<vmem>>) semaphore(%arg14 : memref<!tpu.dma_semaphore, #tpu.memory_space<semaphore_mem>>)
    %dma_start3A_3518 = arith.constant 8 : i32
    %dma_start3A_3519 = arith.constant 8 : i32
    %dma_start3A_3520 = arith.constant 0 : i32
    %dma_start3A_3521 = tpu.memref_slice %arg13[%dma_start3A_3519, %dma_start3A_3520] : memref<12x128xf32, #tpu.memory_space<vmem>> -> memref<1x128xf32, #tpu.memory_space<vmem>>
    %dma_start3A_3522 = tpu.memref_squeeze %dma_start3A_3521 : memref<1x128xf32, #tpu.memory_space<vmem>> -> memref<128xf32, #tpu.memory_space<vmem>>
    %dma_start3A_3523 = arith.constant 0 : i32
    %dma_start3A_3524 = tpu.memref_slice %arg11[%dma_start3A_3518, %dma_start3A_3523] : memref<12x128xi32, #tpu.memory_space<vmem>> -> memref<1x128xi32, #tpu.memory_space<vmem>>
    %dma_start3A_3525 = tpu.memref_squeeze %dma_start3A_3524 : memref<1x128xi32, #tpu.memory_space<vmem>> -> memref<128xi32, #tpu.memory_space<vmem>>
    %dma_start3A_3526 = arith.constant 0 : i32
    %dma_start3A_3527 = tpu.memref_slice %arg3[%dma_start3A_3526] : memref<3000000xf32, #tpu.memory_space<hbm>> -> memref<3000000xf32, #tpu.memory_space<hbm>>
    tpu.enqueue_indirect_dma source(%dma_start3A_3527 : memref<3000000xf32, #tpu.memory_space<hbm>>) target(%dma_start3A_3522 : memref<128xf32, #tpu.memory_space<vmem>>) offsets(%dma_start3A_3525 : memref<128xi32, #tpu.memory_space<vmem>>) semaphore(%arg14 : memref<!tpu.dma_semaphore, #tpu.memory_space<semaphore_mem>>)
    %dma_start3A_3528 = arith.constant 9 : i32
    %dma_start3A_3529 = arith.constant 9 : i32
    %dma_start3A_3530 = arith.constant 0 : i32
    %dma_start3A_3531 = tpu.memref_slice %arg13[%dma_start3A_3529, %dma_start3A_3530] : memref<12x128xf32, #tpu.memory_space<vmem>> -> memref<1x128xf32, #tpu.memory_space<vmem>>
    %dma_start3A_3532 = tpu.memref_squeeze %dma_start3A_3531 : memref<1x128xf32, #tpu.memory_space<vmem>> -> memref<128xf32, #tpu.memory_space<vmem>>
    %dma_start3A_3533 = arith.constant 0 : i32
    %dma_start3A_3534 = tpu.memref_slice %arg11[%dma_start3A_3528, %dma_start3A_3533] : memref<12x128xi32, #tpu.memory_space<vmem>> -> memref<1x128xi32, #tpu.memory_space<vmem>>
    %dma_start3A_3535 = tpu.memref_squeeze %dma_start3A_3534 : memref<1x128xi32, #tpu.memory_space<vmem>> -> memref<128xi32, #tpu.memory_space<vmem>>
    %dma_start3A_3536 = arith.constant 0 : i32
    %dma_start3A_3537 = tpu.memref_slice %arg3[%dma_start3A_3536] : memref<3000000xf32, #tpu.memory_space<hbm>> -> memref<3000000xf32, #tpu.memory_space<hbm>>
    tpu.enqueue_indirect_dma source(%dma_start3A_3537 : memref<3000000xf32, #tpu.memory_space<hbm>>) target(%dma_start3A_3532 : memref<128xf32, #tpu.memory_space<vmem>>) offsets(%dma_start3A_3535 : memref<128xi32, #tpu.memory_space<vmem>>) semaphore(%arg14 : memref<!tpu.dma_semaphore, #tpu.memory_space<semaphore_mem>>)
    %dma_start3A_3538 = arith.constant 10 : i32
    %dma_start3A_3539 = arith.constant 10 : i32
    %dma_start3A_3540 = arith.constant 0 : i32
    %dma_start3A_3541 = tpu.memref_slice %arg13[%dma_start3A_3539, %dma_start3A_3540] : memref<12x128xf32, #tpu.memory_space<vmem>> -> memref<1x128xf32, #tpu.memory_space<vmem>>
    %dma_start3A_3542 = tpu.memref_squeeze %dma_start3A_3541 : memref<1x128xf32, #tpu.memory_space<vmem>> -> memref<128xf32, #tpu.memory_space<vmem>>
    %dma_start3A_3543 = arith.constant 0 : i32
    %dma_start3A_3544 = tpu.memref_slice %arg11[%dma_start3A_3538, %dma_start3A_3543] : memref<12x128xi32, #tpu.memory_space<vmem>> -> memref<1x128xi32, #tpu.memory_space<vmem>>
    %dma_start3A_3545 = tpu.memref_squeeze %dma_start3A_3544 : memref<1x128xi32, #tpu.memory_space<vmem>> -> memref<128xi32, #tpu.memory_space<vmem>>
    %dma_start3A_3546 = arith.constant 0 : i32
    %dma_start3A_3547 = tpu.memref_slice %arg3[%dma_start3A_3546] : memref<3000000xf32, #tpu.memory_space<hbm>> -> memref<3000000xf32, #tpu.memory_space<hbm>>
    tpu.enqueue_indirect_dma source(%dma_start3A_3547 : memref<3000000xf32, #tpu.memory_space<hbm>>) target(%dma_start3A_3542 : memref<128xf32, #tpu.memory_space<vmem>>) offsets(%dma_start3A_3545 : memref<128xi32, #tpu.memory_space<vmem>>) semaphore(%arg14 : memref<!tpu.dma_semaphore, #tpu.memory_space<semaphore_mem>>)
    %dma_start3A_3548 = arith.constant 11 : i32
    %dma_start3A_3549 = arith.constant 11 : i32
    %dma_start3A_3550 = arith.constant 0 : i32
    %dma_start3A_3551 = tpu.memref_slice %arg13[%dma_start3A_3549, %dma_start3A_3550] : memref<12x128xf32, #tpu.memory_space<vmem>> -> memref<1x128xf32, #tpu.memory_space<vmem>>
    %dma_start3A_3552 = tpu.memref_squeeze %dma_start3A_3551 : memref<1x128xf32, #tpu.memory_space<vmem>> -> memref<128xf32, #tpu.memory_space<vmem>>
    %dma_start3A_3553 = arith.constant 0 : i32
    %dma_start3A_3554 = tpu.memref_slice %arg11[%dma_start3A_3548, %dma_start3A_3553] : memref<12x128xi32, #tpu.memory_space<vmem>> -> memref<1x128xi32, #tpu.memory_space<vmem>>
    %dma_start3A_3555 = tpu.memref_squeeze %dma_start3A_3554 : memref<1x128xi32, #tpu.memory_space<vmem>> -> memref<128xi32, #tpu.memory_space<vmem>>
    %dma_start3A_3556 = arith.constant 0 : i32
    %dma_start3A_3557 = tpu.memref_slice %arg3[%dma_start3A_3556] : memref<3000000xf32, #tpu.memory_space<hbm>> -> memref<3000000xf32, #tpu.memory_space<hbm>>
    tpu.enqueue_indirect_dma source(%dma_start3A_3557 : memref<3000000xf32, #tpu.memory_space<hbm>>) target(%dma_start3A_3552 : memref<128xf32, #tpu.memory_space<vmem>>) offsets(%dma_start3A_3555 : memref<128xi32, #tpu.memory_space<vmem>>) semaphore(%arg14 : memref<!tpu.dma_semaphore, #tpu.memory_space<semaphore_mem>>)
    %dma_wait3A_3558 = arith.constant 0 : i32
    %dma_wait3A_3559 = arith.constant 0 : i32
    %dma_wait3A_3560 = arith.constant 0 : i32
    %dma_wait3A_3561 = tpu.memref_slice %arg12[%dma_wait3A_3559, %dma_wait3A_3560] : memref<16x128xf32, #tpu.memory_space<vmem>> -> memref<1x128xf32, #tpu.memory_space<vmem>>
    %dma_wait3A_3562 = tpu.memref_squeeze %dma_wait3A_3561 : memref<1x128xf32, #tpu.memory_space<vmem>> -> memref<128xf32, #tpu.memory_space<vmem>>
    %dma_wait3A_3563 = arith.constant 0 : i32
    %dma_wait3A_3564 = tpu.memref_slice %arg10[%dma_wait3A_3558, %dma_wait3A_3563] : memref<16x128xi32, #tpu.memory_space<vmem>> -> memref<1x128xi32, #tpu.memory_space<vmem>>
    %dma_wait3A_3565 = tpu.memref_squeeze %dma_wait3A_3564 : memref<1x128xi32, #tpu.memory_space<vmem>> -> memref<128xi32, #tpu.memory_space<vmem>>
    %dma_wait3A_3566 = arith.constant 0 : i32
    %dma_wait3A_3567 = tpu.memref_slice %arg2[%dma_wait3A_3566] : memref<4000000xf32, #tpu.memory_space<hbm>> -> memref<4000000xf32, #tpu.memory_space<hbm>>
    tpu.wait_indirect_dma semaphore(%arg14 : memref<!tpu.dma_semaphore, #tpu.memory_space<semaphore_mem>>) src(%dma_wait3A_3567 : memref<4000000xf32, #tpu.memory_space<hbm>>) dst(%dma_wait3A_3562 : memref<128xf32, #tpu.memory_space<vmem>>)
    %dma_wait3A_3568 = arith.constant 1 : i32
    %dma_wait3A_3569 = arith.constant 1 : i32
    %dma_wait3A_3570 = arith.constant 0 : i32
    %dma_wait3A_3571 = tpu.memref_slice %arg12[%dma_wait3A_3569, %dma_wait3A_3570] : memref<16x128xf32, #tpu.memory_space<vmem>> -> memref<1x128xf32, #tpu.memory_space<vmem>>
    %dma_wait3A_3572 = tpu.memref_squeeze %dma_wait3A_3571 : memref<1x128xf32, #tpu.memory_space<vmem>> -> memref<128xf32, #tpu.memory_space<vmem>>
    %dma_wait3A_3573 = arith.constant 0 : i32
    %dma_wait3A_3574 = tpu.memref_slice %arg10[%dma_wait3A_3568, %dma_wait3A_3573] : memref<16x128xi32, #tpu.memory_space<vmem>> -> memref<1x128xi32, #tpu.memory_space<vmem>>
    %dma_wait3A_3575 = tpu.memref_squeeze %dma_wait3A_3574 : memref<1x128xi32, #tpu.memory_space<vmem>> -> memref<128xi32, #tpu.memory_space<vmem>>
    %dma_wait3A_3576 = arith.constant 0 : i32
    %dma_wait3A_3577 = tpu.memref_slice %arg2[%dma_wait3A_3576] : memref<4000000xf32, #tpu.memory_space<hbm>> -> memref<4000000xf32, #tpu.memory_space<hbm>>
    tpu.wait_indirect_dma semaphore(%arg14 : memref<!tpu.dma_semaphore, #tpu.memory_space<semaphore_mem>>) src(%dma_wait3A_3577 : memref<4000000xf32, #tpu.memory_space<hbm>>) dst(%dma_wait3A_3572 : memref<128xf32, #tpu.memory_space<vmem>>)
    %dma_wait3A_3578 = arith.constant 2 : i32
    %dma_wait3A_3579 = arith.constant 2 : i32
    %dma_wait3A_3580 = arith.constant 0 : i32
    %dma_wait3A_3581 = tpu.memref_slice %arg12[%dma_wait3A_3579, %dma_wait3A_3580] : memref<16x128xf32, #tpu.memory_space<vmem>> -> memref<1x128xf32, #tpu.memory_space<vmem>>
    %dma_wait3A_3582 = tpu.memref_squeeze %dma_wait3A_3581 : memref<1x128xf32, #tpu.memory_space<vmem>> -> memref<128xf32, #tpu.memory_space<vmem>>
    %dma_wait3A_3583 = arith.constant 0 : i32
    %dma_wait3A_3584 = tpu.memref_slice %arg10[%dma_wait3A_3578, %dma_wait3A_3583] : memref<16x128xi32, #tpu.memory_space<vmem>> -> memref<1x128xi32, #tpu.memory_space<vmem>>
    %dma_wait3A_3585 = tpu.memref_squeeze %dma_wait3A_3584 : memref<1x128xi32, #tpu.memory_space<vmem>> -> memref<128xi32, #tpu.memory_space<vmem>>
    %dma_wait3A_3586 = arith.constant 0 : i32
    %dma_wait3A_3587 = tpu.memref_slice %arg2[%dma_wait3A_3586] : memref<4000000xf32, #tpu.memory_space<hbm>> -> memref<4000000xf32, #tpu.memory_space<hbm>>
    tpu.wait_indirect_dma semaphore(%arg14 : memref<!tpu.dma_semaphore, #tpu.memory_space<semaphore_mem>>) src(%dma_wait3A_3587 : memref<4000000xf32, #tpu.memory_space<hbm>>) dst(%dma_wait3A_3582 : memref<128xf32, #tpu.memory_space<vmem>>)
    %dma_wait3A_3588 = arith.constant 3 : i32
    %dma_wait3A_3589 = arith.constant 3 : i32
    %dma_wait3A_3590 = arith.constant 0 : i32
    %dma_wait3A_3591 = tpu.memref_slice %arg12[%dma_wait3A_3589, %dma_wait3A_3590] : memref<16x128xf32, #tpu.memory_space<vmem>> -> memref<1x128xf32, #tpu.memory_space<vmem>>
    %dma_wait3A_3592 = tpu.memref_squeeze %dma_wait3A_3591 : memref<1x128xf32, #tpu.memory_space<vmem>> -> memref<128xf32, #tpu.memory_space<vmem>>
    %dma_wait3A_3593 = arith.constant 0 : i32
    %dma_wait3A_3594 = tpu.memref_slice %arg10[%dma_wait3A_3588, %dma_wait3A_3593] : memref<16x128xi32, #tpu.memory_space<vmem>> -> memref<1x128xi32, #tpu.memory_space<vmem>>
    %dma_wait3A_3595 = tpu.memref_squeeze %dma_wait3A_3594 : memref<1x128xi32, #tpu.memory_space<vmem>> -> memref<128xi32, #tpu.memory_space<vmem>>
    %dma_wait3A_3596 = arith.constant 0 : i32
    %dma_wait3A_3597 = tpu.memref_slice %arg2[%dma_wait3A_3596] : memref<4000000xf32, #tpu.memory_space<hbm>> -> memref<4000000xf32, #tpu.memory_space<hbm>>
    tpu.wait_indirect_dma semaphore(%arg14 : memref<!tpu.dma_semaphore, #tpu.memory_space<semaphore_mem>>) src(%dma_wait3A_3597 : memref<4000000xf32, #tpu.memory_space<hbm>>) dst(%dma_wait3A_3592 : memref<128xf32, #tpu.memory_space<vmem>>)
    %dma_wait3A_3598 = arith.constant 4 : i32
    %dma_wait3A_3599 = arith.constant 4 : i32
    %dma_wait3A_3600 = arith.constant 0 : i32
    %dma_wait3A_3601 = tpu.memref_slice %arg12[%dma_wait3A_3599, %dma_wait3A_3600] : memref<16x128xf32, #tpu.memory_space<vmem>> -> memref<1x128xf32, #tpu.memory_space<vmem>>
    %dma_wait3A_3602 = tpu.memref_squeeze %dma_wait3A_3601 : memref<1x128xf32, #tpu.memory_space<vmem>> -> memref<128xf32, #tpu.memory_space<vmem>>
    %dma_wait3A_3603 = arith.constant 0 : i32
    %dma_wait3A_3604 = tpu.memref_slice %arg10[%dma_wait3A_3598, %dma_wait3A_3603] : memref<16x128xi32, #tpu.memory_space<vmem>> -> memref<1x128xi32, #tpu.memory_space<vmem>>
    %dma_wait3A_3605 = tpu.memref_squeeze %dma_wait3A_3604 : memref<1x128xi32, #tpu.memory_space<vmem>> -> memref<128xi32, #tpu.memory_space<vmem>>
    %dma_wait3A_3606 = arith.constant 0 : i32
    %dma_wait3A_3607 = tpu.memref_slice %arg2[%dma_wait3A_3606] : memref<4000000xf32, #tpu.memory_space<hbm>> -> memref<4000000xf32, #tpu.memory_space<hbm>>
    tpu.wait_indirect_dma semaphore(%arg14 : memref<!tpu.dma_semaphore, #tpu.memory_space<semaphore_mem>>) src(%dma_wait3A_3607 : memref<4000000xf32, #tpu.memory_space<hbm>>) dst(%dma_wait3A_3602 : memref<128xf32, #tpu.memory_space<vmem>>)
    %dma_wait3A_3608 = arith.constant 5 : i32
    %dma_wait3A_3609 = arith.constant 5 : i32
    %dma_wait3A_3610 = arith.constant 0 : i32
    %dma_wait3A_3611 = tpu.memref_slice %arg12[%dma_wait3A_3609, %dma_wait3A_3610] : memref<16x128xf32, #tpu.memory_space<vmem>> -> memref<1x128xf32, #tpu.memory_space<vmem>>
    %dma_wait3A_3612 = tpu.memref_squeeze %dma_wait3A_3611 : memref<1x128xf32, #tpu.memory_space<vmem>> -> memref<128xf32, #tpu.memory_space<vmem>>
    %dma_wait3A_3613 = arith.constant 0 : i32
    %dma_wait3A_3614 = tpu.memref_slice %arg10[%dma_wait3A_3608, %dma_wait3A_3613] : memref<16x128xi32, #tpu.memory_space<vmem>> -> memref<1x128xi32, #tpu.memory_space<vmem>>
    %dma_wait3A_3615 = tpu.memref_squeeze %dma_wait3A_3614 : memref<1x128xi32, #tpu.memory_space<vmem>> -> memref<128xi32, #tpu.memory_space<vmem>>
    %dma_wait3A_3616 = arith.constant 0 : i32
    %dma_wait3A_3617 = tpu.memref_slice %arg2[%dma_wait3A_3616] : memref<4000000xf32, #tpu.memory_space<hbm>> -> memref<4000000xf32, #tpu.memory_space<hbm>>
    tpu.wait_indirect_dma semaphore(%arg14 : memref<!tpu.dma_semaphore, #tpu.memory_space<semaphore_mem>>) src(%dma_wait3A_3617 : memref<4000000xf32, #tpu.memory_space<hbm>>) dst(%dma_wait3A_3612 : memref<128xf32, #tpu.memory_space<vmem>>)
    %dma_wait3A_3618 = arith.constant 6 : i32
    %dma_wait3A_3619 = arith.constant 6 : i32
    %dma_wait3A_3620 = arith.constant 0 : i32
    %dma_wait3A_3621 = tpu.memref_slice %arg12[%dma_wait3A_3619, %dma_wait3A_3620] : memref<16x128xf32, #tpu.memory_space<vmem>> -> memref<1x128xf32, #tpu.memory_space<vmem>>
    %dma_wait3A_3622 = tpu.memref_squeeze %dma_wait3A_3621 : memref<1x128xf32, #tpu.memory_space<vmem>> -> memref<128xf32, #tpu.memory_space<vmem>>
    %dma_wait3A_3623 = arith.constant 0 : i32
    %dma_wait3A_3624 = tpu.memref_slice %arg10[%dma_wait3A_3618, %dma_wait3A_3623] : memref<16x128xi32, #tpu.memory_space<vmem>> -> memref<1x128xi32, #tpu.memory_space<vmem>>
    %dma_wait3A_3625 = tpu.memref_squeeze %dma_wait3A_3624 : memref<1x128xi32, #tpu.memory_space<vmem>> -> memref<128xi32, #tpu.memory_space<vmem>>
    %dma_wait3A_3626 = arith.constant 0 : i32
    %dma_wait3A_3627 = tpu.memref_slice %arg2[%dma_wait3A_3626] : memref<4000000xf32, #tpu.memory_space<hbm>> -> memref<4000000xf32, #tpu.memory_space<hbm>>
    tpu.wait_indirect_dma semaphore(%arg14 : memref<!tpu.dma_semaphore, #tpu.memory_space<semaphore_mem>>) src(%dma_wait3A_3627 : memref<4000000xf32, #tpu.memory_space<hbm>>) dst(%dma_wait3A_3622 : memref<128xf32, #tpu.memory_space<vmem>>)
    %dma_wait3A_3628 = arith.constant 7 : i32
    %dma_wait3A_3629 = arith.constant 7 : i32
    %dma_wait3A_3630 = arith.constant 0 : i32
    %dma_wait3A_3631 = tpu.memref_slice %arg12[%dma_wait3A_3629, %dma_wait3A_3630] : memref<16x128xf32, #tpu.memory_space<vmem>> -> memref<1x128xf32, #tpu.memory_space<vmem>>
    %dma_wait3A_3632 = tpu.memref_squeeze %dma_wait3A_3631 : memref<1x128xf32, #tpu.memory_space<vmem>> -> memref<128xf32, #tpu.memory_space<vmem>>
    %dma_wait3A_3633 = arith.constant 0 : i32
    %dma_wait3A_3634 = tpu.memref_slice %arg10[%dma_wait3A_3628, %dma_wait3A_3633] : memref<16x128xi32, #tpu.memory_space<vmem>> -> memref<1x128xi32, #tpu.memory_space<vmem>>
    %dma_wait3A_3635 = tpu.memref_squeeze %dma_wait3A_3634 : memref<1x128xi32, #tpu.memory_space<vmem>> -> memref<128xi32, #tpu.memory_space<vmem>>
    %dma_wait3A_3636 = arith.constant 0 : i32
    %dma_wait3A_3637 = tpu.memref_slice %arg2[%dma_wait3A_3636] : memref<4000000xf32, #tpu.memory_space<hbm>> -> memref<4000000xf32, #tpu.memory_space<hbm>>
    tpu.wait_indirect_dma semaphore(%arg14 : memref<!tpu.dma_semaphore, #tpu.memory_space<semaphore_mem>>) src(%dma_wait3A_3637 : memref<4000000xf32, #tpu.memory_space<hbm>>) dst(%dma_wait3A_3632 : memref<128xf32, #tpu.memory_space<vmem>>)
    %dma_wait3A_3638 = arith.constant 8 : i32
    %dma_wait3A_3639 = arith.constant 8 : i32
    %dma_wait3A_3640 = arith.constant 0 : i32
    %dma_wait3A_3641 = tpu.memref_slice %arg12[%dma_wait3A_3639, %dma_wait3A_3640] : memref<16x128xf32, #tpu.memory_space<vmem>> -> memref<1x128xf32, #tpu.memory_space<vmem>>
    %dma_wait3A_3642 = tpu.memref_squeeze %dma_wait3A_3641 : memref<1x128xf32, #tpu.memory_space<vmem>> -> memref<128xf32, #tpu.memory_space<vmem>>
    %dma_wait3A_3643 = arith.constant 0 : i32
    %dma_wait3A_3644 = tpu.memref_slice %arg10[%dma_wait3A_3638, %dma_wait3A_3643] : memref<16x128xi32, #tpu.memory_space<vmem>> -> memref<1x128xi32, #tpu.memory_space<vmem>>
    %dma_wait3A_3645 = tpu.memref_squeeze %dma_wait3A_3644 : memref<1x128xi32, #tpu.memory_space<vmem>> -> memref<128xi32, #tpu.memory_space<vmem>>
    %dma_wait3A_3646 = arith.constant 0 : i32
    %dma_wait3A_3647 = tpu.memref_slice %arg2[%dma_wait3A_3646] : memref<4000000xf32, #tpu.memory_space<hbm>> -> memref<4000000xf32, #tpu.memory_space<hbm>>
    tpu.wait_indirect_dma semaphore(%arg14 : memref<!tpu.dma_semaphore, #tpu.memory_space<semaphore_mem>>) src(%dma_wait3A_3647 : memref<4000000xf32, #tpu.memory_space<hbm>>) dst(%dma_wait3A_3642 : memref<128xf32, #tpu.memory_space<vmem>>)
    %dma_wait3A_3648 = arith.constant 9 : i32
    %dma_wait3A_3649 = arith.constant 9 : i32
    %dma_wait3A_3650 = arith.constant 0 : i32
    %dma_wait3A_3651 = tpu.memref_slice %arg12[%dma_wait3A_3649, %dma_wait3A_3650] : memref<16x128xf32, #tpu.memory_space<vmem>> -> memref<1x128xf32, #tpu.memory_space<vmem>>
    %dma_wait3A_3652 = tpu.memref_squeeze %dma_wait3A_3651 : memref<1x128xf32, #tpu.memory_space<vmem>> -> memref<128xf32, #tpu.memory_space<vmem>>
    %dma_wait3A_3653 = arith.constant 0 : i32
    %dma_wait3A_3654 = tpu.memref_slice %arg10[%dma_wait3A_3648, %dma_wait3A_3653] : memref<16x128xi32, #tpu.memory_space<vmem>> -> memref<1x128xi32, #tpu.memory_space<vmem>>
    %dma_wait3A_3655 = tpu.memref_squeeze %dma_wait3A_3654 : memref<1x128xi32, #tpu.memory_space<vmem>> -> memref<128xi32, #tpu.memory_space<vmem>>
    %dma_wait3A_3656 = arith.constant 0 : i32
    %dma_wait3A_3657 = tpu.memref_slice %arg2[%dma_wait3A_3656] : memref<4000000xf32, #tpu.memory_space<hbm>> -> memref<4000000xf32, #tpu.memory_space<hbm>>
    tpu.wait_indirect_dma semaphore(%arg14 : memref<!tpu.dma_semaphore, #tpu.memory_space<semaphore_mem>>) src(%dma_wait3A_3657 : memref<4000000xf32, #tpu.memory_space<hbm>>) dst(%dma_wait3A_3652 : memref<128xf32, #tpu.memory_space<vmem>>)
    %dma_wait3A_3658 = arith.constant 10 : i32
    %dma_wait3A_3659 = arith.constant 10 : i32
    %dma_wait3A_3660 = arith.constant 0 : i32
    %dma_wait3A_3661 = tpu.memref_slice %arg12[%dma_wait3A_3659, %dma_wait3A_3660] : memref<16x128xf32, #tpu.memory_space<vmem>> -> memref<1x128xf32, #tpu.memory_space<vmem>>
    %dma_wait3A_3662 = tpu.memref_squeeze %dma_wait3A_3661 : memref<1x128xf32, #tpu.memory_space<vmem>> -> memref<128xf32, #tpu.memory_space<vmem>>
    %dma_wait3A_3663 = arith.constant 0 : i32
    %dma_wait3A_3664 = tpu.memref_slice %arg10[%dma_wait3A_3658, %dma_wait3A_3663] : memref<16x128xi32, #tpu.memory_space<vmem>> -> memref<1x128xi32, #tpu.memory_space<vmem>>
    %dma_wait3A_3665 = tpu.memref_squeeze %dma_wait3A_3664 : memref<1x128xi32, #tpu.memory_space<vmem>> -> memref<128xi32, #tpu.memory_space<vmem>>
    %dma_wait3A_3666 = arith.constant 0 : i32
    %dma_wait3A_3667 = tpu.memref_slice %arg2[%dma_wait3A_3666] : memref<4000000xf32, #tpu.memory_space<hbm>> -> memref<4000000xf32, #tpu.memory_space<hbm>>
    tpu.wait_indirect_dma semaphore(%arg14 : memref<!tpu.dma_semaphore, #tpu.memory_space<semaphore_mem>>) src(%dma_wait3A_3667 : memref<4000000xf32, #tpu.memory_space<hbm>>) dst(%dma_wait3A_3662 : memref<128xf32, #tpu.memory_space<vmem>>)
    %dma_wait3A_3668 = arith.constant 11 : i32
    %dma_wait3A_3669 = arith.constant 11 : i32
    %dma_wait3A_3670 = arith.constant 0 : i32
    %dma_wait3A_3671 = tpu.memref_slice %arg12[%dma_wait3A_3669, %dma_wait3A_3670] : memref<16x128xf32, #tpu.memory_space<vmem>> -> memref<1x128xf32, #tpu.memory_space<vmem>>
    %dma_wait3A_3672 = tpu.memref_squeeze %dma_wait3A_3671 : memref<1x128xf32, #tpu.memory_space<vmem>> -> memref<128xf32, #tpu.memory_space<vmem>>
    %dma_wait3A_3673 = arith.constant 0 : i32
    %dma_wait3A_3674 = tpu.memref_slice %arg10[%dma_wait3A_3668, %dma_wait3A_3673] : memref<16x128xi32, #tpu.memory_space<vmem>> -> memref<1x128xi32, #tpu.memory_space<vmem>>
    %dma_wait3A_3675 = tpu.memref_squeeze %dma_wait3A_3674 : memref<1x128xi32, #tpu.memory_space<vmem>> -> memref<128xi32, #tpu.memory_space<vmem>>
    %dma_wait3A_3676 = arith.constant 0 : i32
    %dma_wait3A_3677 = tpu.memref_slice %arg2[%dma_wait3A_3676] : memref<4000000xf32, #tpu.memory_space<hbm>> -> memref<4000000xf32, #tpu.memory_space<hbm>>
    tpu.wait_indirect_dma semaphore(%arg14 : memref<!tpu.dma_semaphore, #tpu.memory_space<semaphore_mem>>) src(%dma_wait3A_3677 : memref<4000000xf32, #tpu.memory_space<hbm>>) dst(%dma_wait3A_3672 : memref<128xf32, #tpu.memory_space<vmem>>)
    %dma_wait3A_3678 = arith.constant 12 : i32
    %dma_wait3A_3679 = arith.constant 12 : i32
    %dma_wait3A_3680 = arith.constant 0 : i32
    %dma_wait3A_3681 = tpu.memref_slice %arg12[%dma_wait3A_3679, %dma_wait3A_3680] : memref<16x128xf32, #tpu.memory_space<vmem>> -> memref<1x128xf32, #tpu.memory_space<vmem>>
    %dma_wait3A_3682 = tpu.memref_squeeze %dma_wait3A_3681 : memref<1x128xf32, #tpu.memory_space<vmem>> -> memref<128xf32, #tpu.memory_space<vmem>>
    %dma_wait3A_3683 = arith.constant 0 : i32
    %dma_wait3A_3684 = tpu.memref_slice %arg10[%dma_wait3A_3678, %dma_wait3A_3683] : memref<16x128xi32, #tpu.memory_space<vmem>> -> memref<1x128xi32, #tpu.memory_space<vmem>>
    %dma_wait3A_3685 = tpu.memref_squeeze %dma_wait3A_3684 : memref<1x128xi32, #tpu.memory_space<vmem>> -> memref<128xi32, #tpu.memory_space<vmem>>
    %dma_wait3A_3686 = arith.constant 0 : i32
    %dma_wait3A_3687 = tpu.memref_slice %arg2[%dma_wait3A_3686] : memref<4000000xf32, #tpu.memory_space<hbm>> -> memref<4000000xf32, #tpu.memory_space<hbm>>
    tpu.wait_indirect_dma semaphore(%arg14 : memref<!tpu.dma_semaphore, #tpu.memory_space<semaphore_mem>>) src(%dma_wait3A_3687 : memref<4000000xf32, #tpu.memory_space<hbm>>) dst(%dma_wait3A_3682 : memref<128xf32, #tpu.memory_space<vmem>>)
    %dma_wait3A_3688 = arith.constant 13 : i32
    %dma_wait3A_3689 = arith.constant 13 : i32
    %dma_wait3A_3690 = arith.constant 0 : i32
    %dma_wait3A_3691 = tpu.memref_slice %arg12[%dma_wait3A_3689, %dma_wait3A_3690] : memref<16x128xf32, #tpu.memory_space<vmem>> -> memref<1x128xf32, #tpu.memory_space<vmem>>
    %dma_wait3A_3692 = tpu.memref_squeeze %dma_wait3A_3691 : memref<1x128xf32, #tpu.memory_space<vmem>> -> memref<128xf32, #tpu.memory_space<vmem>>
    %dma_wait3A_3693 = arith.constant 0 : i32
    %dma_wait3A_3694 = tpu.memref_slice %arg10[%dma_wait3A_3688, %dma_wait3A_3693] : memref<16x128xi32, #tpu.memory_space<vmem>> -> memref<1x128xi32, #tpu.memory_space<vmem>>
    %dma_wait3A_3695 = tpu.memref_squeeze %dma_wait3A_3694 : memref<1x128xi32, #tpu.memory_space<vmem>> -> memref<128xi32, #tpu.memory_space<vmem>>
    %dma_wait3A_3696 = arith.constant 0 : i32
    %dma_wait3A_3697 = tpu.memref_slice %arg2[%dma_wait3A_3696] : memref<4000000xf32, #tpu.memory_space<hbm>> -> memref<4000000xf32, #tpu.memory_space<hbm>>
    tpu.wait_indirect_dma semaphore(%arg14 : memref<!tpu.dma_semaphore, #tpu.memory_space<semaphore_mem>>) src(%dma_wait3A_3697 : memref<4000000xf32, #tpu.memory_space<hbm>>) dst(%dma_wait3A_3692 : memref<128xf32, #tpu.memory_space<vmem>>)
    %dma_wait3A_3698 = arith.constant 14 : i32
    %dma_wait3A_3699 = arith.constant 14 : i32
    %dma_wait3A_3700 = arith.constant 0 : i32
    %dma_wait3A_3701 = tpu.memref_slice %arg12[%dma_wait3A_3699, %dma_wait3A_3700] : memref<16x128xf32, #tpu.memory_space<vmem>> -> memref<1x128xf32, #tpu.memory_space<vmem>>
    %dma_wait3A_3702 = tpu.memref_squeeze %dma_wait3A_3701 : memref<1x128xf32, #tpu.memory_space<vmem>> -> memref<128xf32, #tpu.memory_space<vmem>>
    %dma_wait3A_3703 = arith.constant 0 : i32
    %dma_wait3A_3704 = tpu.memref_slice %arg10[%dma_wait3A_3698, %dma_wait3A_3703] : memref<16x128xi32, #tpu.memory_space<vmem>> -> memref<1x128xi32, #tpu.memory_space<vmem>>
    %dma_wait3A_3705 = tpu.memref_squeeze %dma_wait3A_3704 : memref<1x128xi32, #tpu.memory_space<vmem>> -> memref<128xi32, #tpu.memory_space<vmem>>
    %dma_wait3A_3706 = arith.constant 0 : i32
    %dma_wait3A_3707 = tpu.memref_slice %arg2[%dma_wait3A_3706] : memref<4000000xf32, #tpu.memory_space<hbm>> -> memref<4000000xf32, #tpu.memory_space<hbm>>
    tpu.wait_indirect_dma semaphore(%arg14 : memref<!tpu.dma_semaphore, #tpu.memory_space<semaphore_mem>>) src(%dma_wait3A_3707 : memref<4000000xf32, #tpu.memory_space<hbm>>) dst(%dma_wait3A_3702 : memref<128xf32, #tpu.memory_space<vmem>>)
    %dma_wait3A_3708 = arith.constant 15 : i32
    %dma_wait3A_3709 = arith.constant 15 : i32
    %dma_wait3A_3710 = arith.constant 0 : i32
    %dma_wait3A_3711 = tpu.memref_slice %arg12[%dma_wait3A_3709, %dma_wait3A_3710] : memref<16x128xf32, #tpu.memory_space<vmem>> -> memref<1x128xf32, #tpu.memory_space<vmem>>
    %dma_wait3A_3712 = tpu.memref_squeeze %dma_wait3A_3711 : memref<1x128xf32, #tpu.memory_space<vmem>> -> memref<128xf32, #tpu.memory_space<vmem>>
    %dma_wait3A_3713 = arith.constant 0 : i32
    %dma_wait3A_3714 = tpu.memref_slice %arg10[%dma_wait3A_3708, %dma_wait3A_3713] : memref<16x128xi32, #tpu.memory_space<vmem>> -> memref<1x128xi32, #tpu.memory_space<vmem>>
    %dma_wait3A_3715 = tpu.memref_squeeze %dma_wait3A_3714 : memref<1x128xi32, #tpu.memory_space<vmem>> -> memref<128xi32, #tpu.memory_space<vmem>>
    %dma_wait3A_3716 = arith.constant 0 : i32
    %dma_wait3A_3717 = tpu.memref_slice %arg2[%dma_wait3A_3716] : memref<4000000xf32, #tpu.memory_space<hbm>> -> memref<4000000xf32, #tpu.memory_space<hbm>>
    tpu.wait_indirect_dma semaphore(%arg14 : memref<!tpu.dma_semaphore, #tpu.memory_space<semaphore_mem>>) src(%dma_wait3A_3717 : memref<4000000xf32, #tpu.memory_space<hbm>>) dst(%dma_wait3A_3712 : memref<128xf32, #tpu.memory_space<vmem>>)
    %dma_wait3A_3718 = arith.constant 0 : i32
    %dma_wait3A_3719 = arith.constant 0 : i32
    %dma_wait3A_3720 = arith.constant 0 : i32
    %dma_wait3A_3721 = tpu.memref_slice %arg13[%dma_wait3A_3719, %dma_wait3A_3720] : memref<12x128xf32, #tpu.memory_space<vmem>> -> memref<1x128xf32, #tpu.memory_space<vmem>>
    %dma_wait3A_3722 = tpu.memref_squeeze %dma_wait3A_3721 : memref<1x128xf32, #tpu.memory_space<vmem>> -> memref<128xf32, #tpu.memory_space<vmem>>
    %dma_wait3A_3723 = arith.constant 0 : i32
    %dma_wait3A_3724 = tpu.memref_slice %arg11[%dma_wait3A_3718, %dma_wait3A_3723] : memref<12x128xi32, #tpu.memory_space<vmem>> -> memref<1x128xi32, #tpu.memory_space<vmem>>
    %dma_wait3A_3725 = tpu.memref_squeeze %dma_wait3A_3724 : memref<1x128xi32, #tpu.memory_space<vmem>> -> memref<128xi32, #tpu.memory_space<vmem>>
    %dma_wait3A_3726 = arith.constant 0 : i32
    %dma_wait3A_3727 = tpu.memref_slice %arg3[%dma_wait3A_3726] : memref<3000000xf32, #tpu.memory_space<hbm>> -> memref<3000000xf32, #tpu.memory_space<hbm>>
    tpu.wait_indirect_dma semaphore(%arg14 : memref<!tpu.dma_semaphore, #tpu.memory_space<semaphore_mem>>) src(%dma_wait3A_3727 : memref<3000000xf32, #tpu.memory_space<hbm>>) dst(%dma_wait3A_3722 : memref<128xf32, #tpu.memory_space<vmem>>)
    %dma_wait3A_3728 = arith.constant 1 : i32
    %dma_wait3A_3729 = arith.constant 1 : i32
    %dma_wait3A_3730 = arith.constant 0 : i32
    %dma_wait3A_3731 = tpu.memref_slice %arg13[%dma_wait3A_3729, %dma_wait3A_3730] : memref<12x128xf32, #tpu.memory_space<vmem>> -> memref<1x128xf32, #tpu.memory_space<vmem>>
    %dma_wait3A_3732 = tpu.memref_squeeze %dma_wait3A_3731 : memref<1x128xf32, #tpu.memory_space<vmem>> -> memref<128xf32, #tpu.memory_space<vmem>>
    %dma_wait3A_3733 = arith.constant 0 : i32
    %dma_wait3A_3734 = tpu.memref_slice %arg11[%dma_wait3A_3728, %dma_wait3A_3733] : memref<12x128xi32, #tpu.memory_space<vmem>> -> memref<1x128xi32, #tpu.memory_space<vmem>>
    %dma_wait3A_3735 = tpu.memref_squeeze %dma_wait3A_3734 : memref<1x128xi32, #tpu.memory_space<vmem>> -> memref<128xi32, #tpu.memory_space<vmem>>
    %dma_wait3A_3736 = arith.constant 0 : i32
    %dma_wait3A_3737 = tpu.memref_slice %arg3[%dma_wait3A_3736] : memref<3000000xf32, #tpu.memory_space<hbm>> -> memref<3000000xf32, #tpu.memory_space<hbm>>
    tpu.wait_indirect_dma semaphore(%arg14 : memref<!tpu.dma_semaphore, #tpu.memory_space<semaphore_mem>>) src(%dma_wait3A_3737 : memref<3000000xf32, #tpu.memory_space<hbm>>) dst(%dma_wait3A_3732 : memref<128xf32, #tpu.memory_space<vmem>>)
    %dma_wait3A_3738 = arith.constant 2 : i32
    %dma_wait3A_3739 = arith.constant 2 : i32
    %dma_wait3A_3740 = arith.constant 0 : i32
    %dma_wait3A_3741 = tpu.memref_slice %arg13[%dma_wait3A_3739, %dma_wait3A_3740] : memref<12x128xf32, #tpu.memory_space<vmem>> -> memref<1x128xf32, #tpu.memory_space<vmem>>
    %dma_wait3A_3742 = tpu.memref_squeeze %dma_wait3A_3741 : memref<1x128xf32, #tpu.memory_space<vmem>> -> memref<128xf32, #tpu.memory_space<vmem>>
    %dma_wait3A_3743 = arith.constant 0 : i32
    %dma_wait3A_3744 = tpu.memref_slice %arg11[%dma_wait3A_3738, %dma_wait3A_3743] : memref<12x128xi32, #tpu.memory_space<vmem>> -> memref<1x128xi32, #tpu.memory_space<vmem>>
    %dma_wait3A_3745 = tpu.memref_squeeze %dma_wait3A_3744 : memref<1x128xi32, #tpu.memory_space<vmem>> -> memref<128xi32, #tpu.memory_space<vmem>>
    %dma_wait3A_3746 = arith.constant 0 : i32
    %dma_wait3A_3747 = tpu.memref_slice %arg3[%dma_wait3A_3746] : memref<3000000xf32, #tpu.memory_space<hbm>> -> memref<3000000xf32, #tpu.memory_space<hbm>>
    tpu.wait_indirect_dma semaphore(%arg14 : memref<!tpu.dma_semaphore, #tpu.memory_space<semaphore_mem>>) src(%dma_wait3A_3747 : memref<3000000xf32, #tpu.memory_space<hbm>>) dst(%dma_wait3A_3742 : memref<128xf32, #tpu.memory_space<vmem>>)
    %dma_wait3A_3748 = arith.constant 3 : i32
    %dma_wait3A_3749 = arith.constant 3 : i32
    %dma_wait3A_3750 = arith.constant 0 : i32
    %dma_wait3A_3751 = tpu.memref_slice %arg13[%dma_wait3A_3749, %dma_wait3A_3750] : memref<12x128xf32, #tpu.memory_space<vmem>> -> memref<1x128xf32, #tpu.memory_space<vmem>>
    %dma_wait3A_3752 = tpu.memref_squeeze %dma_wait3A_3751 : memref<1x128xf32, #tpu.memory_space<vmem>> -> memref<128xf32, #tpu.memory_space<vmem>>
    %dma_wait3A_3753 = arith.constant 0 : i32
    %dma_wait3A_3754 = tpu.memref_slice %arg11[%dma_wait3A_3748, %dma_wait3A_3753] : memref<12x128xi32, #tpu.memory_space<vmem>> -> memref<1x128xi32, #tpu.memory_space<vmem>>
    %dma_wait3A_3755 = tpu.memref_squeeze %dma_wait3A_3754 : memref<1x128xi32, #tpu.memory_space<vmem>> -> memref<128xi32, #tpu.memory_space<vmem>>
    %dma_wait3A_3756 = arith.constant 0 : i32
    %dma_wait3A_3757 = tpu.memref_slice %arg3[%dma_wait3A_3756] : memref<3000000xf32, #tpu.memory_space<hbm>> -> memref<3000000xf32, #tpu.memory_space<hbm>>
    tpu.wait_indirect_dma semaphore(%arg14 : memref<!tpu.dma_semaphore, #tpu.memory_space<semaphore_mem>>) src(%dma_wait3A_3757 : memref<3000000xf32, #tpu.memory_space<hbm>>) dst(%dma_wait3A_3752 : memref<128xf32, #tpu.memory_space<vmem>>)
    %dma_wait3A_3758 = arith.constant 4 : i32
    %dma_wait3A_3759 = arith.constant 4 : i32
    %dma_wait3A_3760 = arith.constant 0 : i32
    %dma_wait3A_3761 = tpu.memref_slice %arg13[%dma_wait3A_3759, %dma_wait3A_3760] : memref<12x128xf32, #tpu.memory_space<vmem>> -> memref<1x128xf32, #tpu.memory_space<vmem>>
    %dma_wait3A_3762 = tpu.memref_squeeze %dma_wait3A_3761 : memref<1x128xf32, #tpu.memory_space<vmem>> -> memref<128xf32, #tpu.memory_space<vmem>>
    %dma_wait3A_3763 = arith.constant 0 : i32
    %dma_wait3A_3764 = tpu.memref_slice %arg11[%dma_wait3A_3758, %dma_wait3A_3763] : memref<12x128xi32, #tpu.memory_space<vmem>> -> memref<1x128xi32, #tpu.memory_space<vmem>>
    %dma_wait3A_3765 = tpu.memref_squeeze %dma_wait3A_3764 : memref<1x128xi32, #tpu.memory_space<vmem>> -> memref<128xi32, #tpu.memory_space<vmem>>
    %dma_wait3A_3766 = arith.constant 0 : i32
    %dma_wait3A_3767 = tpu.memref_slice %arg3[%dma_wait3A_3766] : memref<3000000xf32, #tpu.memory_space<hbm>> -> memref<3000000xf32, #tpu.memory_space<hbm>>
    tpu.wait_indirect_dma semaphore(%arg14 : memref<!tpu.dma_semaphore, #tpu.memory_space<semaphore_mem>>) src(%dma_wait3A_3767 : memref<3000000xf32, #tpu.memory_space<hbm>>) dst(%dma_wait3A_3762 : memref<128xf32, #tpu.memory_space<vmem>>)
    %dma_wait3A_3768 = arith.constant 5 : i32
    %dma_wait3A_3769 = arith.constant 5 : i32
    %dma_wait3A_3770 = arith.constant 0 : i32
    %dma_wait3A_3771 = tpu.memref_slice %arg13[%dma_wait3A_3769, %dma_wait3A_3770] : memref<12x128xf32, #tpu.memory_space<vmem>> -> memref<1x128xf32, #tpu.memory_space<vmem>>
    %dma_wait3A_3772 = tpu.memref_squeeze %dma_wait3A_3771 : memref<1x128xf32, #tpu.memory_space<vmem>> -> memref<128xf32, #tpu.memory_space<vmem>>
    %dma_wait3A_3773 = arith.constant 0 : i32
    %dma_wait3A_3774 = tpu.memref_slice %arg11[%dma_wait3A_3768, %dma_wait3A_3773] : memref<12x128xi32, #tpu.memory_space<vmem>> -> memref<1x128xi32, #tpu.memory_space<vmem>>
    %dma_wait3A_3775 = tpu.memref_squeeze %dma_wait3A_3774 : memref<1x128xi32, #tpu.memory_space<vmem>> -> memref<128xi32, #tpu.memory_space<vmem>>
    %dma_wait3A_3776 = arith.constant 0 : i32
    %dma_wait3A_3777 = tpu.memref_slice %arg3[%dma_wait3A_3776] : memref<3000000xf32, #tpu.memory_space<hbm>> -> memref<3000000xf32, #tpu.memory_space<hbm>>
    tpu.wait_indirect_dma semaphore(%arg14 : memref<!tpu.dma_semaphore, #tpu.memory_space<semaphore_mem>>) src(%dma_wait3A_3777 : memref<3000000xf32, #tpu.memory_space<hbm>>) dst(%dma_wait3A_3772 : memref<128xf32, #tpu.memory_space<vmem>>)
    %dma_wait3A_3778 = arith.constant 6 : i32
    %dma_wait3A_3779 = arith.constant 6 : i32
    %dma_wait3A_3780 = arith.constant 0 : i32
    %dma_wait3A_3781 = tpu.memref_slice %arg13[%dma_wait3A_3779, %dma_wait3A_3780] : memref<12x128xf32, #tpu.memory_space<vmem>> -> memref<1x128xf32, #tpu.memory_space<vmem>>
    %dma_wait3A_3782 = tpu.memref_squeeze %dma_wait3A_3781 : memref<1x128xf32, #tpu.memory_space<vmem>> -> memref<128xf32, #tpu.memory_space<vmem>>
    %dma_wait3A_3783 = arith.constant 0 : i32
    %dma_wait3A_3784 = tpu.memref_slice %arg11[%dma_wait3A_3778, %dma_wait3A_3783] : memref<12x128xi32, #tpu.memory_space<vmem>> -> memref<1x128xi32, #tpu.memory_space<vmem>>
    %dma_wait3A_3785 = tpu.memref_squeeze %dma_wait3A_3784 : memref<1x128xi32, #tpu.memory_space<vmem>> -> memref<128xi32, #tpu.memory_space<vmem>>
    %dma_wait3A_3786 = arith.constant 0 : i32
    %dma_wait3A_3787 = tpu.memref_slice %arg3[%dma_wait3A_3786] : memref<3000000xf32, #tpu.memory_space<hbm>> -> memref<3000000xf32, #tpu.memory_space<hbm>>
    tpu.wait_indirect_dma semaphore(%arg14 : memref<!tpu.dma_semaphore, #tpu.memory_space<semaphore_mem>>) src(%dma_wait3A_3787 : memref<3000000xf32, #tpu.memory_space<hbm>>) dst(%dma_wait3A_3782 : memref<128xf32, #tpu.memory_space<vmem>>)
    %dma_wait3A_3788 = arith.constant 7 : i32
    %dma_wait3A_3789 = arith.constant 7 : i32
    %dma_wait3A_3790 = arith.constant 0 : i32
    %dma_wait3A_3791 = tpu.memref_slice %arg13[%dma_wait3A_3789, %dma_wait3A_3790] : memref<12x128xf32, #tpu.memory_space<vmem>> -> memref<1x128xf32, #tpu.memory_space<vmem>>
    %dma_wait3A_3792 = tpu.memref_squeeze %dma_wait3A_3791 : memref<1x128xf32, #tpu.memory_space<vmem>> -> memref<128xf32, #tpu.memory_space<vmem>>
    %dma_wait3A_3793 = arith.constant 0 : i32
    %dma_wait3A_3794 = tpu.memref_slice %arg11[%dma_wait3A_3788, %dma_wait3A_3793] : memref<12x128xi32, #tpu.memory_space<vmem>> -> memref<1x128xi32, #tpu.memory_space<vmem>>
    %dma_wait3A_3795 = tpu.memref_squeeze %dma_wait3A_3794 : memref<1x128xi32, #tpu.memory_space<vmem>> -> memref<128xi32, #tpu.memory_space<vmem>>
    %dma_wait3A_3796 = arith.constant 0 : i32
    %dma_wait3A_3797 = tpu.memref_slice %arg3[%dma_wait3A_3796] : memref<3000000xf32, #tpu.memory_space<hbm>> -> memref<3000000xf32, #tpu.memory_space<hbm>>
    tpu.wait_indirect_dma semaphore(%arg14 : memref<!tpu.dma_semaphore, #tpu.memory_space<semaphore_mem>>) src(%dma_wait3A_3797 : memref<3000000xf32, #tpu.memory_space<hbm>>) dst(%dma_wait3A_3792 : memref<128xf32, #tpu.memory_space<vmem>>)
    %dma_wait3A_3798 = arith.constant 8 : i32
    %dma_wait3A_3799 = arith.constant 8 : i32
    %dma_wait3A_3800 = arith.constant 0 : i32
    %dma_wait3A_3801 = tpu.memref_slice %arg13[%dma_wait3A_3799, %dma_wait3A_3800] : memref<12x128xf32, #tpu.memory_space<vmem>> -> memref<1x128xf32, #tpu.memory_space<vmem>>
    %dma_wait3A_3802 = tpu.memref_squeeze %dma_wait3A_3801 : memref<1x128xf32, #tpu.memory_space<vmem>> -> memref<128xf32, #tpu.memory_space<vmem>>
    %dma_wait3A_3803 = arith.constant 0 : i32
    %dma_wait3A_3804 = tpu.memref_slice %arg11[%dma_wait3A_3798, %dma_wait3A_3803] : memref<12x128xi32, #tpu.memory_space<vmem>> -> memref<1x128xi32, #tpu.memory_space<vmem>>
    %dma_wait3A_3805 = tpu.memref_squeeze %dma_wait3A_3804 : memref<1x128xi32, #tpu.memory_space<vmem>> -> memref<128xi32, #tpu.memory_space<vmem>>
    %dma_wait3A_3806 = arith.constant 0 : i32
    %dma_wait3A_3807 = tpu.memref_slice %arg3[%dma_wait3A_3806] : memref<3000000xf32, #tpu.memory_space<hbm>> -> memref<3000000xf32, #tpu.memory_space<hbm>>
    tpu.wait_indirect_dma semaphore(%arg14 : memref<!tpu.dma_semaphore, #tpu.memory_space<semaphore_mem>>) src(%dma_wait3A_3807 : memref<3000000xf32, #tpu.memory_space<hbm>>) dst(%dma_wait3A_3802 : memref<128xf32, #tpu.memory_space<vmem>>)
    %dma_wait3A_3808 = arith.constant 9 : i32
    %dma_wait3A_3809 = arith.constant 9 : i32
    %dma_wait3A_3810 = arith.constant 0 : i32
    %dma_wait3A_3811 = tpu.memref_slice %arg13[%dma_wait3A_3809, %dma_wait3A_3810] : memref<12x128xf32, #tpu.memory_space<vmem>> -> memref<1x128xf32, #tpu.memory_space<vmem>>
    %dma_wait3A_3812 = tpu.memref_squeeze %dma_wait3A_3811 : memref<1x128xf32, #tpu.memory_space<vmem>> -> memref<128xf32, #tpu.memory_space<vmem>>
    %dma_wait3A_3813 = arith.constant 0 : i32
    %dma_wait3A_3814 = tpu.memref_slice %arg11[%dma_wait3A_3808, %dma_wait3A_3813] : memref<12x128xi32, #tpu.memory_space<vmem>> -> memref<1x128xi32, #tpu.memory_space<vmem>>
    %dma_wait3A_3815 = tpu.memref_squeeze %dma_wait3A_3814 : memref<1x128xi32, #tpu.memory_space<vmem>> -> memref<128xi32, #tpu.memory_space<vmem>>
    %dma_wait3A_3816 = arith.constant 0 : i32
    %dma_wait3A_3817 = tpu.memref_slice %arg3[%dma_wait3A_3816] : memref<3000000xf32, #tpu.memory_space<hbm>> -> memref<3000000xf32, #tpu.memory_space<hbm>>
    tpu.wait_indirect_dma semaphore(%arg14 : memref<!tpu.dma_semaphore, #tpu.memory_space<semaphore_mem>>) src(%dma_wait3A_3817 : memref<3000000xf32, #tpu.memory_space<hbm>>) dst(%dma_wait3A_3812 : memref<128xf32, #tpu.memory_space<vmem>>)
    %dma_wait3A_3818 = arith.constant 10 : i32
    %dma_wait3A_3819 = arith.constant 10 : i32
    %dma_wait3A_3820 = arith.constant 0 : i32
    %dma_wait3A_3821 = tpu.memref_slice %arg13[%dma_wait3A_3819, %dma_wait3A_3820] : memref<12x128xf32, #tpu.memory_space<vmem>> -> memref<1x128xf32, #tpu.memory_space<vmem>>
    %dma_wait3A_3822 = tpu.memref_squeeze %dma_wait3A_3821 : memref<1x128xf32, #tpu.memory_space<vmem>> -> memref<128xf32, #tpu.memory_space<vmem>>
    %dma_wait3A_3823 = arith.constant 0 : i32
    %dma_wait3A_3824 = tpu.memref_slice %arg11[%dma_wait3A_3818, %dma_wait3A_3823] : memref<12x128xi32, #tpu.memory_space<vmem>> -> memref<1x128xi32, #tpu.memory_space<vmem>>
    %dma_wait3A_3825 = tpu.memref_squeeze %dma_wait3A_3824 : memref<1x128xi32, #tpu.memory_space<vmem>> -> memref<128xi32, #tpu.memory_space<vmem>>
    %dma_wait3A_3826 = arith.constant 0 : i32
    %dma_wait3A_3827 = tpu.memref_slice %arg3[%dma_wait3A_3826] : memref<3000000xf32, #tpu.memory_space<hbm>> -> memref<3000000xf32, #tpu.memory_space<hbm>>
    tpu.wait_indirect_dma semaphore(%arg14 : memref<!tpu.dma_semaphore, #tpu.memory_space<semaphore_mem>>) src(%dma_wait3A_3827 : memref<3000000xf32, #tpu.memory_space<hbm>>) dst(%dma_wait3A_3822 : memref<128xf32, #tpu.memory_space<vmem>>)
    %dma_wait3A_3828 = arith.constant 11 : i32
    %dma_wait3A_3829 = arith.constant 11 : i32
    %dma_wait3A_3830 = arith.constant 0 : i32
    %dma_wait3A_3831 = tpu.memref_slice %arg13[%dma_wait3A_3829, %dma_wait3A_3830] : memref<12x128xf32, #tpu.memory_space<vmem>> -> memref<1x128xf32, #tpu.memory_space<vmem>>
    %dma_wait3A_3832 = tpu.memref_squeeze %dma_wait3A_3831 : memref<1x128xf32, #tpu.memory_space<vmem>> -> memref<128xf32, #tpu.memory_space<vmem>>
    %dma_wait3A_3833 = arith.constant 0 : i32
    %dma_wait3A_3834 = tpu.memref_slice %arg11[%dma_wait3A_3828, %dma_wait3A_3833] : memref<12x128xi32, #tpu.memory_space<vmem>> -> memref<1x128xi32, #tpu.memory_space<vmem>>
    %dma_wait3A_3835 = tpu.memref_squeeze %dma_wait3A_3834 : memref<1x128xi32, #tpu.memory_space<vmem>> -> memref<128xi32, #tpu.memory_space<vmem>>
    %dma_wait3A_3836 = arith.constant 0 : i32
    %dma_wait3A_3837 = tpu.memref_slice %arg3[%dma_wait3A_3836] : memref<3000000xf32, #tpu.memory_space<hbm>> -> memref<3000000xf32, #tpu.memory_space<hbm>>
    tpu.wait_indirect_dma semaphore(%arg14 : memref<!tpu.dma_semaphore, #tpu.memory_space<semaphore_mem>>) src(%dma_wait3A_3837 : memref<3000000xf32, #tpu.memory_space<hbm>>) dst(%dma_wait3A_3832 : memref<128xf32, #tpu.memory_space<vmem>>)
    %mul3A_3838 = arith.constant 16 : i32
    %mul3A_3839 = arith.muli %add3A, %mul3A_3838 : i32
    "tpu.region"() ({
      %run_scoped3A = tpu.sem_alloc : memref<!tpu.dma_semaphore, #tpu.memory_space<semaphore_mem>>
      %dma_start3A_3842 = arith.constant 0 : i32
      %dma_start3A_3843 = tpu.memref_slice %arg6[%mul3A_3839, %dma_start3A_3842] : memref<512x128xf32, #tpu.memory_space<hbm>> -> memref<16x128xf32, #tpu.memory_space<hbm>>
      %dma_start3A_3844 = arith.constant 0 : i32
      %dma_start3A_3845 = tpu.memref_slice %arg6[%mul3A_3839, %dma_start3A_3844] : memref<512x128xf32, #tpu.memory_space<hbm>> -> memref<16x128xf32, #tpu.memory_space<hbm>>
      tpu.enqueue_dma source(%arg12 : memref<16x128xf32, #tpu.memory_space<vmem>>) target(%dma_start3A_3845 : memref<16x128xf32, #tpu.memory_space<hbm>>) target_semaphore(%run_scoped3A : memref<!tpu.dma_semaphore, #tpu.memory_space<semaphore_mem>>)
      %dma_wait3A_3846 = arith.constant 0 : i32
      %dma_wait3A_3847 = tpu.memref_slice %arg6[%mul3A_3839, %dma_wait3A_3846] : memref<512x128xf32, #tpu.memory_space<hbm>> -> memref<16x128xf32, #tpu.memory_space<hbm>>
      %dma_wait3A_3848 = arith.constant 0 : i32
      %dma_wait3A_3849 = tpu.memref_slice %arg6[%mul3A_3839, %dma_wait3A_3848] : memref<512x128xf32, #tpu.memory_space<hbm>> -> memref<16x128xf32, #tpu.memory_space<hbm>>
      tpu.wait_dma2 semaphore(%run_scoped3A : memref<!tpu.dma_semaphore, #tpu.memory_space<semaphore_mem>>) src(%arg12 : memref<16x128xf32, #tpu.memory_space<vmem>>) dst(%dma_wait3A_3849 : memref<16x128xf32, #tpu.memory_space<hbm>>)
      tpu.yield
    }) : () -> ()
    %mul3A_3840 = arith.constant 12 : i32
    %mul3A_3841 = arith.muli %add3A, %mul3A_3840 : i32
    "tpu.region"() ({
      %run_scoped3A = tpu.sem_alloc : memref<!tpu.dma_semaphore, #tpu.memory_space<semaphore_mem>>
      %dma_start3A_3842 = arith.constant 0 : i32
      %dma_start3A_3843 = tpu.memref_slice %arg7[%mul3A_3841, %dma_start3A_3842] : memref<384x128xf32, #tpu.memory_space<hbm>> -> memref<12x128xf32, #tpu.memory_space<hbm>>
      %dma_start3A_3844 = arith.constant 0 : i32
      %dma_start3A_3845 = tpu.memref_slice %arg7[%mul3A_3841, %dma_start3A_3844] : memref<384x128xf32, #tpu.memory_space<hbm>> -> memref<12x128xf32, #tpu.memory_space<hbm>>
      tpu.enqueue_dma source(%arg13 : memref<12x128xf32, #tpu.memory_space<vmem>>) target(%dma_start3A_3845 : memref<12x128xf32, #tpu.memory_space<hbm>>) target_semaphore(%run_scoped3A : memref<!tpu.dma_semaphore, #tpu.memory_space<semaphore_mem>>)
      %dma_wait3A_3846 = arith.constant 0 : i32
      %dma_wait3A_3847 = tpu.memref_slice %arg7[%mul3A_3841, %dma_wait3A_3846] : memref<384x128xf32, #tpu.memory_space<hbm>> -> memref<12x128xf32, #tpu.memory_space<hbm>>
      %dma_wait3A_3848 = arith.constant 0 : i32
      %dma_wait3A_3849 = tpu.memref_slice %arg7[%mul3A_3841, %dma_wait3A_3848] : memref<384x128xf32, #tpu.memory_space<hbm>> -> memref<12x128xf32, #tpu.memory_space<hbm>>
      tpu.wait_dma2 semaphore(%run_scoped3A : memref<!tpu.dma_semaphore, #tpu.memory_space<semaphore_mem>>) src(%arg13 : memref<12x128xf32, #tpu.memory_space<vmem>>) dst(%dma_wait3A_3849 : memref<12x128xf32, #tpu.memory_space<hbm>>)
      tpu.yield
    }) : () -> ()
    return
  }
}

</mosaic_0001>

<sc_bundles>
// kernel: kernel.3.cloned.1.call-start
scs
__scs_entry_jumppad:
0x0: {  	(pc) =	sbr.rel $0x88, $3  }
0x1: {  	(tag) =	ssettag $0x0;
	lr =	simm.s32 $0x1  }
0x2: {  	[smem:$0x3F9D] =	sst lr;
	_ =	strace $0xD0000000  }
0x3: {  	_ = 	snop  }
0x4: {  	_ = 	snop  }
0x5: {  	_ = 	snop  }
0x6: {  	_ = 	snop  }
0x7: {  	_ = 	snop  }
__scs_overlays_trampoline_lowered:
0x8: {  	[smem:$0x3FAC] =	sst s0  }
0x9: {  	[smem:$0x3FAD] =	sst s1  }
0xa: {  	[smem:$0x3FAE] =	sst s2  }
0xb: {  	[smem:$0x3FAF] =	sst s3  }
0xc: {  	[smem:$0x3FB0] =	sst s4  }
0xd: {  	[smem:$0x3FB1] =	sst s5  }
0xe: {  	[smem:$0x3FB2] =	sst s6  }
0xf: {  	[smem:$0x3FB3] =	sst s7  }
0x10: {  	[smem:$0x3FB4] =	sst s8  }
0x11: {  	[smem:$0x3FB5] =	sst s9;
	s0 =	simm.s32 @!p0 $0x0  }
0x12: {  	s1 =	sld [smem:$0x3F9B];
	s0 =	simm.s32 @p0 $0x1  }
0x13: {  	[smem:$0x3FB6] =	sst s0;
	s0 =	simm.s32 @!p1 $0x0  }
0x14: {  	s2 =	sld [smem:$0x3F9A];
	s0 =	simm.s32 @p1 $0x1  }
0x15: {  	[smem:$0x3FB7] =	sst s0;
	s0 =	simm.s32 @!p2 $0x0  }
0x16: {  	s3 =	sld [smem:$0x3FDB];
	s0 =	simm.s32 @p2 $0x1  }
0x17: {  	s4 =	simm.s32 $0x1BF5;
	[smem:$0x3FB9] =	sst s0  }
0x18: {  	s0 =	sld [smem:$0x3F9C];
	_ =	swait.ge [sflag:s4], $0x0  }
0x19: {  	s7 =	sld [smem:$0x3F9D]  }
0x1a: {  	s8 =	sadd.s32 $0xFFFFE003, lr  }
0x1b: {  	s9 =	sadd.s32 $0xFFFFFEF7, lr;
	s5 =	simm.s32 $0xFFFFFFFF;
	p2 =	slt.u32 s8, $0xFFFFF086  }
0x1c: {  	p1 =	slt.u32 s9, $0xF7A;
	s5 =	simm.s32 @!p2 $0x0  }
0x1d: {  	s5 =	simm.s32 @p1 $0x1;
	p0 =	seq.s32 s7, s2  }
0x1e: {  	s7 =	smul.u32 @!p0 $0xF7A, s2;
	p2 =	seq.s32 @!p0 s5, $0x0  }
0x1f: {  	s9 =	smul.u32 $0xF7A, s1;
	s8 =	simm.s32 @!p0 $0x1BF5;
	p2 =	por !p2, p0  }
0x20: {  	[sflag:s8] =	ssyncset.s32 @!p0 $0xFFFFF086;
	s6 =	sadd.s32 @!p0 s3, s7;
	s7 =	simm.s32 @!p0 $0x108  }
0x21: {  	s3 =	sadd.s32 s3, s9;
	s6 =	sadd.s32 @!p0 $0x88, s6;
	s7 =	simm.s32 @p2 $0x1082  }
0x22: {  	[simem:s7], [sflag:s8] =	dma.local @!p0 [hbm:s6], $0xF7A  }
0x23: {  	s9 =	sor.u32 $0xD0000000, s2;
	s6 =	simm.s32 $0x108;
	_ =	swait.ge @!p0 [sflag:s8], $0x0  }
0x24: {  	s3 =	sadd.s32 $0x88, s3;
	s6 =	simm.s32 @!p1 $0x1082;
	[sflag:s4] =	ssyncset.s32 $0xFFFFF086  }
0x25: {  	[simem:s6], [sflag:s4] =	dma.local [hbm:s3], $0xF7A  }
0x26: {  	[smem:$0x3F9D] =	sst s1;
	(tag) =	ssettag s2;
	_ =	strace s9  }
0x27: {  	s1 =	sld [smem:$0x3FAD]  }
0x28: {  	s2 =	sld [smem:$0x3FAE]  }
0x29: {  	s4 =	sld [smem:$0x3FB0]  }
0x2a: {  	p0 =	seq.s32 s5, $0x0;
	s5 =	sld [smem:$0x3FB1]  }
0x2b: {  	s6 =	sld [smem:$0x3FB2]  }
0x2c: {  	s7 =	sld [smem:$0x3FB3]  }
0x2d: {  	s3 =	simm.s32 $0x108;
	s8 =	sld [smem:$0x3FB4]  }
0x2e: {  	s3 =	simm.s32 @!p0 $0x1082;
	s9 =	sld [smem:$0x3FB5]  }
0x2f: {  	lr =	sadd.s32 s0, s3;
	s0 =	sld [smem:$0x3FAC]  }
0x30: {  	s3 =	sld [smem:$0x3FAF]  }
0x31: {  	[smem:$0x3FB8] =	sst s10  }
0x32: {  	s10 =	sld [smem:$0x3FB6];
	_ =	sdelay $0x3  }
0x33: {  	p0 =	seq.s32 s10, $0x1;
	s10 =	sld [smem:$0x3FB8];
	_ =	sdelay $0x3  }
0x34: {  	[smem:$0x3FB8] =	sst s10  }
0x35: {  	s10 =	sld [smem:$0x3FB7];
	_ =	sdelay $0x3  }
0x36: {  	p1 =	seq.s32 s10, $0x1;
	s10 =	sld [smem:$0x3FB8];
	_ =	sdelay $0x3  }
0x37: {  	[smem:$0x3FB8] =	sst s10  }
0x38: {  	s10 =	sld [smem:$0x3FB9]  }
0x39: {  	_ = 	snop;
	(pc) =	sbr.ind lr, $3  }
0x3a: {  	_ = 	snop  }
0x3b: {  	_ = 	snop  }
0x3c: {  	p2 =	seq.s32 s10, $0x1;
	s10 =	sld [smem:$0x3FB8]  }
0x3d: {  	_ =	shalt  }
0x3e: {  	_ =	shalt  }
0x3f: {  	_ =	shalt  }
0x40: {  	_ =	shalt  }
0x41: {  	_ =	shalt  }
0x42: {  	_ =	shalt  }
0x43: {  	_ =	shalt  }
0x44: {  	_ =	shalt  }
0x45: {  	_ =	shalt  }
0x46: {  	_ =	shalt  }
0x47: {  	_ =	shalt  }
0x48: {  	_ =	shalt  }
0x49: {  	_ =	shalt  }
0x4a: {  	_ =	shalt  }
0x4b: {  	_ =	shalt  }
0x4c: {  	_ =	shalt  }
0x4d: {  	_ =	shalt  }
0x4e: {  	_ =	shalt  }
0x4f: {  	_ =	shalt  }
0x50: {  	_ =	shalt  }
0x51: {  	_ =	shalt  }
0x52: {  	_ =	shalt  }
0x53: {  	_ =	shalt  }
0x54: {  	_ =	shalt  }
0x55: {  	_ =	shalt  }
0x56: {  	_ =	shalt  }
0x57: {  	_ =	shalt  }
0x58: {  	_ =	shalt  }
0x59: {  	_ =	shalt  }
0x5a: {  	_ =	shalt  }
0x5b: {  	_ =	shalt  }
0x5c: {  	_ =	shalt  }
0x5d: {  	_ =	shalt  }
0x5e: {  	_ =	shalt  }
0x5f: {  	_ =	shalt  }
0x60: {  	_ =	shalt  }
0x61: {  	_ =	shalt  }
0x62: {  	_ =	shalt  }
0x63: {  	_ =	shalt  }
0x64: {  	_ =	shalt  }
0x65: {  	_ =	shalt  }
0x66: {  	_ =	shalt  }
0x67: {  	_ =	shalt  }
0x68: {  	_ =	shalt  }
0x69: {  	_ =	shalt  }
0x6a: {  	_ =	shalt  }
0x6b: {  	_ =	shalt  }
0x6c: {  	_ =	shalt  }
0x6d: {  	_ =	shalt  }
0x6e: {  	_ =	shalt  }
0x6f: {  	_ =	shalt  }
0x70: {  	_ =	shalt  }
0x71: {  	_ =	shalt  }
0x72: {  	_ =	shalt  }
0x73: {  	_ =	shalt  }
0x74: {  	_ =	shalt  }
0x75: {  	_ =	shalt  }
0x76: {  	_ =	shalt  }
0x77: {  	_ =	shalt  }
0x78: {  	_ =	shalt  }
0x79: {  	_ =	shalt  }
0x7a: {  	_ =	shalt  }
0x7b: {  	_ =	shalt  }
0x7c: {  	_ =	shalt  }
0x7d: {  	_ =	shalt  }
0x7e: {  	_ =	shalt  }
0x7f: {  	_ =	shalt  }
0x80: {  	_ =	shalt  }
0x81: {  	_ =	shalt  }
0x82: {  	_ =	shalt  }
0x83: {  	_ =	shalt  }
0x84: {  	_ =	shalt  }
0x85: {  	_ =	shalt  }
0x86: {  	_ =	shalt  }
0x87: {  	_ =	shalt  }
.Lfunc_end0:
.L_simem_size_0:
called_computation_lowered:
.L_overlay_start_0:
0x88: {  	s2 =	sld [smem:$0x3FD9]  }
0x89: {  	s3 =	sld [smem:$0x3FFE];
	_ =	sdelay $0x1  }
0x8a: {  	s1 =	srdreg.scid  }
0x8b: {  	s0 =	sand.u32 $0x1, s1  }
0x8c: {  	s14 =	sshll.u32 s0, $0xA;
	s2 =	sadd.s32 s3, s2  }
0x8d: {  	s2 =	sadd.s32 s2, s14  }
0x8e: {  	[smem:$0x3FC4] =	sst s2  }
0x8f: {  	_ = 	snop  }
0x90: {  	s2 =	sld [smem:$0x3FD0];
	_ =	sdelay $0x1  }
0x91: {  	s15 =	sld [smem:$0x3FC7]  }
0x92: {  	s5 =	simm.s32 $0xA;
	s6 =	simm.s32 $0x10;
	s4 =	sld [smem:$0x3FC6]  }
0x93: {  	[smem:s6], [sflag:s5] =	dma.local [hbm:s2], $0x1  }
0x94: {  	_ =	swait.eq [sflag:s5], $0x1  }
0x95: {  	[sflag:s5] =	ssyncset.done $0x0  }
0x96: {  	[sflag:s5] =	ssyncadd.s32 $0xFFFFFFFF  }
0x97: {  	s16 =	sld [smem:$0x11];
	(tm) =	ssettm $0x1  }
0x98: {  	s17 =	sld [smem:$0x3FFB];
	_ =	sdelay $0x3  }
0x99: {  	_ =	strace s17  }
0x9a: {  	s5 =	sld [smem:$0x3FFC];
	_ =	sdelay $0x3  }
0x9b: {  	_ =	strace s5  }
0x9c: {  	s5 =	sld [smem:$0x3FFD];
	_ =	sdelay $0x3  }
0x9d: {  	_ =	strace s5  }
0x9e: {  	_ =	strace $0x8FFFFFFF  }
0x9f: {  	s18 =	sld [smem:$0x3FDB];
	_ =	sdelay $0x1  }
0xa0: {  	s19 =	simm.s32 $_scs_section_size  }
0xa1: {  	s7 =	simm.s32 $_size__tile_overlayer_lowered;
	s8 =	simm.s32 $_tile_overlayer_lowered  }
0xa2: {  	s22 =	simm.s32 $0x1BFF;
	s21 =	sshll.u32 s8, $0x1;
	s5 =	sadd.s32 s19, s18  }
0xa3: {  	s9 =	simm.s32 $0x0;
	s20 =	sshll.u32 s7, $0x1;
	s7 =	sadd.s32 s21, s5  }
0xa4: {  	[timem:s9], [sflag:s22] =	dma.local [hbm:s7], s20  }
0xa5: {  	_ =	swait.ge [sflag:s22], s20  }
0xa6: {  	s6 =	ssub.s32 $0x0, s20;
	[sflag:s22] =	ssyncset.done $0x0  }
0xa7: {  	[sflag:s22] =	ssyncadd.s32 s6;
	_ =	sdelay $0x1  }
0xa8: {  	s23 =	simm.s32 $0x1B8B  }
0xa9: {  	_ =	swait.ge [sflag:s23], $0x1  }
0xaa: {  	[sflag:s23] =	ssyncset.done $0x0  }
0xab: {  	s25 =	simm.s32 $0x1B8E;
	s24 =	sld [smem:$0x3FFE];
	[sflag:s23] =	ssyncadd.s32 $0xFFFFFFFF  }
0xac: {  	s26 =	simm.s32 $execute0_lowered;
	[smem:$0x3FD2] =	sst s25  }
0xad: {  	s7 =	sshll.u32 s26, $0x1;
	_ =	strace $0x80000046;
	[dreg:$0x1] =	wrdreg $0xFFFFFFFF  }
0xae: {  	s28 =	simm.s32 $_size_execute0_lowered;
	s5 =	sadd.s32 s5, s7;
	[dreg:$0x0] =	wrdreg $0x0  }
0xaf: {  	s7 =	sshll.u32 s28, $0x1;
	[dreg:$0x2] =	wrdreg s5  }
0xb0: {  	[dreg:$0x3] =	wrdreg s7  }
0xb1: {  	[dreg:$0x4] =	wrdreg $0xC0  }
0xb2: {  	_ =	task [dreg:s9], $0x5FFFF  }
0xb3: {  	[dreg:$0x1] =	wrdreg $0xFFFFFFFF  }
0xb4: {  	[dreg:$0x0] =	wrdreg $0x60  }
0xb5: {  	[dreg:$0x2] =	wrdreg s24  }
0xb6: {  	[dreg:$0x3] =	wrdreg s15  }
0xb7: {  	[dreg:$0x4] =	wrdreg s4  }
0xb8: {  	[dreg:$0x5] =	wrdreg s16  }
0xb9: {  	[dreg:$0x6] =	wrdreg $0x9  }
0xba: {  	_ =	task.clear_ibuf [dreg:s9], $0x7FFFF;
	_ =	strace $0x90000046  }
0xbb: {  	s29 =	simm.s32 $0x9;
	_ =	strace $0x80000048  }
0xbc: {  	_ =	swait.ge [sflag:s29], $0x1  }
0xbd: {  	[sflag:s29] =	ssyncadd.s32 $0xFFFFFFFF  }
0xbe: {  	_ =	strace $0x90000048  }
0xbf: {  	_ =	sfence  }
0xc0: {  	s30 =	sld [smem:$0x0];
	_ =	sdelay $0x2  }
0xc1: {  	s31 =	sshll.u32 s1, $0xD;
	s1 =	sshrl.u32 s1, $0x2  }
0xc2: {  	s3 =	sand.u32 $0x4000, s31;
	s1 =	sadd.s32 s1, s30  }
0xc3: {  	s0 =	sor.u32 s3, s0;
	s1 =	sshll.u32 s1, $0x11  }
0xc4: {  	s0 =	sor.u32 s1, s0  }
0xc5: {  	s0 =	sadd.s32 $0x8F2B, s0  }
0xc6: {  	[sflag:s0] =	ssyncadd.remote.s32 $0x1  }
0xc7: {  	_ =	sfence.sel $0xFFFF  }
0xc8: {  	[dreg:$0x0] =	wrdreg $0xFFFFFFFF;
	(pc) =	sbr.abs _section_cstart, $3  }
0xc9: {  	[dreg:$0x1] =	wrdreg $0xFFFFFFFF  }
0xca: {  	_ =	task.clear_ibuf [dreg:s9], $0x2FFFF;
	_ =	strace $0x9FFFFFFF  }
0xcb: {  	(tm) =	ssettm $0x7FFFFFFF  }
tec
execute0_lowered:
.L_overlay_start_1:
0x0: {  	(tag) =	ssettag $0x1  }
0x1: {  	s2 =	rddreg [dreg:$0x0]  }
0x2: {  	s1 =	rddreg [dreg:$0x1]  }
0x3: {  	s4 =	rddreg [dreg:$0x2];
	s3 =	srdreg.scid  }
0x4: {  	s5 =	rddreg [dreg:$0x3];
	s6 =	sand.u32 $0x1, s3;
	s3 =	simm.s32 $0x0  }
0x5: {  	s10 =	simm.s32 $0x100;
	[smem:$0x7FF] =	sst s3  }
0x6: {  	s11 =	simm.s32 $0x300;
	_ =	strace $0x80000047;
	[dreg:$0xa] =	wrdreg s10  }
0x7: {  	s12 =	simm.s32 $0x180;
	[dreg:$0xb] =	wrdreg s11  }
0x8: {  	s13 =	simm.s32 $0x380;
	[dreg:$0xc] =	wrdreg s12  }
0x9: {  	s14 =	simm.s32 $0x480;
	[dreg:$0xd] =	wrdreg s13  }
0xa: {  	s15 =	simm.s32 $0x1280;
	[dreg:$0xe] =	wrdreg s14  }
0xb: {  	s16 =	simm.s32 $0x500;
	[dreg:$0xf] =	wrdreg s15  }
0xc: {  	s17 =	simm.s32 $0x1300;
	[dreg:$0x10] =	wrdreg s16  }
0xd: {  	s18 =	simm.s32 $0x580;
	[dreg:$0x11] =	wrdreg s17  }
0xe: {  	s19 =	simm.s32 $0x1380;
	[dreg:$0x12] =	wrdreg s18  }
0xf: {  	s20 =	simm.s32 $0x600;
	[dreg:$0x13] =	wrdreg s19  }
0x10: {  	s21 =	simm.s32 $0x1400;
	[dreg:$0x14] =	wrdreg s20  }
0x11: {  	s22 =	simm.s32 $0x680;
	[dreg:$0x15] =	wrdreg s21  }
0x12: {  	s23 =	simm.s32 $0x1480;
	[dreg:$0x16] =	wrdreg s22  }
0x13: {  	s24 =	simm.s32 $0x700;
	[dreg:$0x17] =	wrdreg s23  }
0x14: {  	s25 =	simm.s32 $0x1500;
	[dreg:$0x18] =	wrdreg s24  }
0x15: {  	s0 =	stileid.u32;
	s26 =	simm.s32 $0x780;
	[dreg:$0x19] =	wrdreg s25  }
0x16: {  	s7 =	sshll.u32 s0, $0x1;
	s0 =	simm.s32 $0x1580;
	[dreg:$0x1a] =	wrdreg s26  }
0x17: {  	s28 =	simm.s32 $0x1E80;
	[dreg:$0x1b] =	wrdreg s0;
	s10 =	simm.s32 $0x900  }
0x18: {  	s29 =	simm.s32 $0x1100;
	s11 =	simm.s32 $0x1700;
	[smem:$0x7EE] =	sst s10  }
0x19: {  	s30 =	simm.s32 $0x1F00;
	s12 =	simm.s32 $0x980;
	[smem:$0x7EF] =	sst s11  }
0x1a: {  	s31 =	simm.s32 $0x1180;
	s13 =	simm.s32 $0x1780;
	[smem:$0x7F0] =	sst s12  }
0x1b: {  	v1 =	vlaneseq.u32;
	s7 =	sor.u32 s6, s7;
	s14 =	simm.s32 $0xA00;
	[smem:$0x7F1] =	sst s13  }
0x1c: {  	v0 =	vmul.u32 $0x4, v1;
	s6 =	ssub.s32 $0x2, s6;
	s15 =	simm.s32 $0x1800;
	[smem:$0x7F2] =	sst s14  }
0x1d: {  	v1 =	vmul.u32 $0x3, v1;
	s8 =	smul.u32 $0xC0, s7;
	s16 =	simm.s32 $0xA80;
	[smem:$0x7F3] =	sst s15  }
0x1e: {  	s9 =	sshll.u32 s7, $0x6;
	v2 =	vor.u32 $0x1, v0;
	s17 =	simm.s32 $0x1880;
	[smem:$0x7F4] =	sst s16  }
0x1f: {  	s7 =	sshll.u32 s7, $0x8;
	v9 =	vor.u32 $0x42, v0;
	v10 =	vor.u32 $0x43, v0;
	v11 =	vadd.s32 $0x30, v1;
	s19 =	simm.s32 $0xB00;
	[smem:$0x7F5] =	sst s17  }
0x20: {  	v12 =	vadd.s32 $0x31, v1;
	v13 =	vadd.s32 $0x32, v1;
	v14 =	vor.u32 $0x80, v0;
	s18 =	sshrl.u32 s6, $0x1;
	s20 =	simm.s32 $0x1900;
	[smem:$0x7F6] =	sst s19  }
0x21: {  	v15 =	vor.u32 $0x81, v0;
	v16 =	vor.u32 $0x82, v0;
	v17 =	vor.u32 $0x83, v0;
	s21 =	simm.s32 $0xB80;
	s22 =	simm.s32 $0x1980;
	[smem:$0x7F7] =	sst s20  }
0x22: {  	v18 =	vadd.s32 $0x60, v1;
	v19 =	vadd.s32 $0x61, v1;
	v20 =	vadd.s32 $0x62, v1;
	s23 =	simm.s32 $0xC80;
	s24 =	simm.s32 $0x1A80;
	[smem:$0x7F8] =	sst s21  }
0x23: {  	v21 =	vor.u32 $0xC0, v0;
	v22 =	vor.u32 $0xC1, v0;
	v23 =	vor.u32 $0xC2, v0;
	s25 =	simm.s32 $0xD00;
	s26 =	simm.s32 $0x1B00;
	[smem:$0x7F9] =	sst s22  }
0x24: {  	v24 =	vor.u32 $0xC3, v0;
	v25 =	vadd.s32 $0x90, v1;
	v26 =	vadd.s32 $0x91, v1;
	s4 =	sadd.s32 s4, s9;
	s5 =	sadd.s32 s5, s7;
	[smem:$0x7FA] =	sst s23  }
0x25: {  	v27 =	vadd.s32 $0x92, v1;
	v28 =	vor.u32 $0x100, v0;
	v29 =	vor.u32 $0x101, v0;
	s9 =	simm.s32 $0x280;
	s6 =	ssub.s32 s6, s18;
	[smem:$0x7FB] =	sst s24  }
0x26: {  	v30 =	vor.u32 $0x102, v0;
	v31 =	vor.u32 $0x103, v0;
	v32 =	vor.u32 $0xC0, v1;
	s10 =	simm.s32 $0x400;
	s11 =	simm.s32 $0xC00;
	[smem:$0x7FC] =	sst s25  }
0x27: {  	v33 =	vadd.s32 $0xC1, v1;
	v34 =	vadd.s32 $0xC2, v1;
	v35 =	vor.u32 $0x140, v0;
	s12 =	simm.s32 $0x1200;
	s13 =	simm.s32 $0x1A00;
	[smem:$0x7FD] =	sst s26  }
0x28: {  	v36 =	vor.u32 $0x141, v0;
	v37 =	vor.u32 $0x142, v0;
	v38 =	vor.u32 $0x143, v0;
	s17 =	simm.s32 $0x1C00;
	s18 =	simm.s32 $0xE80;
	s19 =	simm.s32 $0x1C80  }
0x29: {  	v39 =	vadd.s32 $0xF0, v1;
	v40 =	vadd.s32 $0xF1, v1;
	v41 =	vadd.s32 $0xF2, v1;
	s20 =	simm.s32 $0xF00;
	s21 =	simm.s32 $0x1D00;
	s22 =	simm.s32 $0xF80  }
0x2a: {  	v42 =	vor.u32 $0x180, v0;
	v43 =	vor.u32 $0x181, v0;
	v44 =	vor.u32 $0x182, v0;
	s23 =	simm.s32 $0x1D80;
	s24 =	simm.s32 $0x1000;
	[dreg:$0x5] =	wrdreg s4  }
0x2b: {  	v45 =	vor.u32 $0x183, v0;
	v46 =	vadd.s32 $0x120, v1;
	v47 =	vadd.s32 $0x121, v1;
	s25 =	simm.s32 $0x1E00;
	s26 =	simm.s32 $0x1080;
	[dreg:$0x6] =	wrdreg s5  }
0x2c: {  	v48 =	vadd.s32 $0x122, v1;
	v49 =	vor.u32 $0x1C0, v0;
	[tilespmem:$0x1FF90] =	vst v2;
	v2 =	vor.u32 $0x2, v0;
	s8 =	sadd.s32 s8, s2;
	[dreg:$0x9] =	wrdreg s9;
	s5 =	simm.s32 $0x800  }
0x2d: {  	v50 =	vor.u32 $0x1C1, v0;
	v51 =	vor.u32 $0x1C2, v0;
	s9 =	simm.s32 $0x1680;
	[tilespmem:$0x1FFA0] =	vst v2;
	v2 =	vor.u32 $0x3, v0;
	s4 =	sadd.s32 $0x5C600, s2;
	[dreg:$0x1c] =	wrdreg s5  }
0x2e: {  	v52 =	vor.u32 $0x1C3, v0;
	v53 =	vadd.s32 $0x150, v1;
	s6 =	smax.u32 s6, $0x1;
	s7 =	sadd.s32 $0xD6800, s8;
	[dreg:$0x1f] =	wrdreg s9;
	[tilespmem:$0x1FFB0] =	vst v2;
	v2 =	vadd.s32 $0x1, v1  }
0x2f: {  	v54 =	vadd.s32 $0x151, v1;
	v55 =	vadd.s32 $0x152, v1;
	s8 =	simm.s32 $0x200;
	s5 =	sadd.s32 $0xC00, s2;
	[dreg:$0x7] =	wrdreg s7;
	[tilespmem:$0x1FFC0] =	vst v2;
	v2 =	vadd.s32 $0x2, v1  }
0x30: {  	v56 =	vor.u32 $0x200, v0;
	v57 =	vor.u32 $0x201, v0;
	s9 =	simm.s32 $0x1;
	[dreg:$0x8] =	wrdreg s8;
	s7 =	simm.s32 $0x1600;
	[tilespmem:$0x1FFD0] =	vst v2;
	v2 =	vor.u32 $0x40, v0  }
0x31: {  	v58 =	vor.u32 $0x202, v0;
	v59 =	vor.u32 $0x203, v0;
	s2 =	simm.s32 $0x1F80;
	s8 =	simm.s32 $0x880;
	[dreg:$0x1d] =	wrdreg s7;
	[tilespmem:$0x1FFE0] =	vst v2;
	v2 =	vor.u32 $0x41, v0  }
0x32: {  	v60 =	vor.u32 $0x180, v1;
	v61 =	vadd.s32 $0x181, v1;
	v62 =	vadd.s32 $0x182, v1;
	[dreg:$0x1e] =	wrdreg s8;
	s7 =	simm.s32 $0x2;
	s8 =	simm.s32 $0x80;
	[tilespmem:$0x1FFF0] =	vst v2  }
.LBB2_1:
0x33: {  	s0 =	rddreg [dreg:$0x5]  }
0x34: {  	[tilespmem:s3], [sflag:$0x2] =	stream.linear.gather [hbm4b:s0+s3], $0x200, $0x38;
	[tilespmem:$0x2000] =	vst v63  }
0x35: {  	_ =	swait.ge [sflag:s7], $0x200  }
0x36: {  	[sflag:s7] =	ssyncset.done $0x0  }
0x37: {  	s14 =	rddreg [dreg:$0x8];
	[sflag:s7] =	ssyncadd.s32 $0xFFFFFE00  }
0x38: {  	[tilespmem:s14], [sflag:$0x1] =	stream.indirect.gather [hbm4b:s1+s8], $0x1, s3, s8, $0xb8;
	[tilespmem:$0x2000] =	vst v63  }
0x39: {  	_ =	swait.ge [sflag:s9], $0x80  }
0x3a: {  	[sflag:s9] =	ssyncset.done $0x0  }
0x3b: {  	s15 =	rddreg [dreg:$0x9];
	[sflag:s9] =	ssyncadd.s32 $0xFFFFFF80  }
0x3c: {  	[tilespmem:s15], [sflag:$0x1] =	stream.indirect.gather [hbm4b:s1+s8], $0x1, s8, s8, $0xb8;
	[tilespmem:$0x2000] =	vst v63  }
0x3d: {  	_ =	swait.ge [sflag:s9], $0x80  }
0x3e: {  	s16 =	rddreg [dreg:$0xa];
	[sflag:s9] =	ssyncset.done $0x0  }
0x3f: {  	s14 =	rddreg [dreg:$0xb];
	[sflag:s9] =	ssyncadd.s32 $0xFFFFFF80  }
0x40: {  	[tilespmem:s14], [sflag:$0x1] =	stream.indirect.gather [hbm4b:s1+s8], $0x1, s16, s8, $0xb8;
	[tilespmem:$0x2000] =	vst v63  }
0x41: {  	_ =	swait.ge [sflag:s9], $0x80  }
0x42: {  	s15 =	rddreg [dreg:$0xc];
	[sflag:s9] =	ssyncset.done $0x0  }
0x43: {  	s16 =	rddreg [dreg:$0xd];
	[sflag:s9] =	ssyncadd.s32 $0xFFFFFF80  }
0x44: {  	[tilespmem:s16], [sflag:$0x1] =	stream.indirect.gather [hbm4b:s1+s8], $0x1, s15, s8, $0xb8;
	[tilespmem:$0x2000] =	vst v63  }
0x45: {  	_ =	swait.ge [sflag:s9], $0x80  }
0x46: {  	v3 =	vld [tilespmem:$0x1FF90]  }
0x47: {  	[sflag:s9] =	ssyncset.done $0x0;
	v4 =	vld [tilespmem:$0x1FFA0]  }
0x48: {  	v5 =	vld [tilespmem:$0x1FFB0];
	[sflag:s9] =	ssyncadd.s32 $0xFFFFFF80  }
0x49: {  	v63 =	vld [tilespmem:$0x200];
	_ =	sdelay $0x4  }
0x4a: {  	[tilespmem:v0+s10+$0x0] =	vst.idx.msk $0xffff, v63;
	v2 =	vadd.s32 $0xF4240, v63  }
0x4b: {  	[tilespmem:v3+s10+$0x0] =	vst.idx.msk $0xffff, v2;
	v3 =	vadd.s32 $0x1E8480, v63  }
0x4c: {  	[tilespmem:v4+s10+$0x0] =	vst.idx.msk $0xffff, v3;
	v4 =	vadd.s32 $0x2DC6C0, v63  }
0x4d: {  	[tilespmem:v5+s10+$0x0] =	vst.idx.msk $0xffff, v4  }
0x4e: {  	[tilespmem:v1+s11+$0x0] =	vst.idx.msk $0xffff, v63;
	v63 =	vld [tilespmem:$0x1FFC0];
	_ =	sdelay $0x7  }
0x4f: {  	[tilespmem:v63+s11+$0x0] =	vst.idx.msk $0xffff, v2;
	v2 =	vld [tilespmem:$0x1FFD0];
	_ =	sdelay $0x7  }
0x50: {  	[tilespmem:v2+s11+$0x0] =	vst.idx.msk $0xffff, v3;
	v3 =	vld [tilespmem:$0x1FFE0]  }
0x51: {  	v63 =	vld [tilespmem:$0x1FFF0];
	_ =	sdelay $0x1  }
0x52: {  	v2 =	vld [tilespmem:$0x210];
	_ =	sdelay $0x4  }
0x53: {  	[tilespmem:v3+s10+$0x0] =	vst.idx.msk $0xffff, v2;
	v3 =	vadd.s32 $0xF4240, v2  }
0x54: {  	v4 =	vadd.s32 $0x1E8480, v2;
	[tilespmem:v63+s10+$0x0] =	vst.idx.msk $0xffff, v3  }
0x55: {  	v6 =	vadd.s32 $0x2DC6C0, v2;
	[tilespmem:v9+s10+$0x0] =	vst.idx.msk $0xffff, v4  }
0x56: {  	[tilespmem:v10+s10+$0x0] =	vst.idx.msk $0xffff, v6  }
0x57: {  	[tilespmem:v11+s11+$0x0] =	vst.idx.msk $0xffff, v2  }
0x58: {  	[tilespmem:v12+s11+$0x0] =	vst.idx.msk $0xffff, v3  }
0x59: {  	[tilespmem:v13+s11+$0x0] =	vst.idx.msk $0xffff, v4  }
0x5a: {  	v2 =	vld [tilespmem:$0x220];
	_ =	sdelay $0x4  }
0x5b: {  	[tilespmem:v14+s10+$0x0] =	vst.idx.msk $0xffff, v2;
	v3 =	vadd.s32 $0xF4240, v2  }
0x5c: {  	v4 =	vadd.s32 $0x1E8480, v2;
	[tilespmem:v15+s10+$0x0] =	vst.idx.msk $0xffff, v3  }
0x5d: {  	v7 =	vadd.s32 $0x2DC6C0, v2;
	[tilespmem:v16+s10+$0x0] =	vst.idx.msk $0xffff, v4  }
0x5e: {  	[tilespmem:v17+s10+$0x0] =	vst.idx.msk $0xffff, v7  }
0x5f: {  	[tilespmem:v18+s11+$0x0] =	vst.idx.msk $0xffff, v2  }
0x60: {  	[tilespmem:v19+s11+$0x0] =	vst.idx.msk $0xffff, v3  }
0x61: {  	[tilespmem:v20+s11+$0x0] =	vst.idx.msk $0xffff, v4  }
0x62: {  	v2 =	vld [tilespmem:$0x230];
	_ =	sdelay $0x4  }
0x63: {  	[tilespmem:v21+s10+$0x0] =	vst.idx.msk $0xffff, v2;
	v3 =	vadd.s32 $0xF4240, v2  }
0x64: {  	v4 =	vadd.s32 $0x1E8480, v2;
	[tilespmem:v22+s10+$0x0] =	vst.idx.msk $0xffff, v3  }
0x65: {  	v5 =	vadd.s32 $0x2DC6C0, v2;
	[tilespmem:v23+s10+$0x0] =	vst.idx.msk $0xffff, v4  }
0x66: {  	[tilespmem:v24+s10+$0x0] =	vst.idx.msk $0xffff, v5  }
0x67: {  	[tilespmem:v25+s11+$0x0] =	vst.idx.msk $0xffff, v2  }
0x68: {  	[tilespmem:v26+s11+$0x0] =	vst.idx.msk $0xffff, v3  }
0x69: {  	[tilespmem:v27+s11+$0x0] =	vst.idx.msk $0xffff, v4  }
0x6a: {  	v2 =	vld [tilespmem:$0x240];
	_ =	sdelay $0x4  }
0x6b: {  	[tilespmem:v28+s10+$0x0] =	vst.idx.msk $0xffff, v2;
	v3 =	vadd.s32 $0xF4240, v2  }
0x6c: {  	v4 =	vadd.s32 $0x1E8480, v2;
	[tilespmem:v29+s10+$0x0] =	vst.idx.msk $0xffff, v3  }
0x6d: {  	v6 =	vadd.s32 $0x2DC6C0, v2;
	[tilespmem:v30+s10+$0x0] =	vst.idx.msk $0xffff, v4  }
0x6e: {  	[tilespmem:v31+s10+$0x0] =	vst.idx.msk $0xffff, v6  }
0x6f: {  	[tilespmem:v32+s11+$0x0] =	vst.idx.msk $0xffff, v2  }
0x70: {  	[tilespmem:v33+s11+$0x0] =	vst.idx.msk $0xffff, v3  }
0x71: {  	[tilespmem:v34+s11+$0x0] =	vst.idx.msk $0xffff, v4  }
0x72: {  	v2 =	vld [tilespmem:$0x250];
	_ =	sdelay $0x4  }
0x73: {  	[tilespmem:v35+s10+$0x0] =	vst.idx.msk $0xffff, v2;
	v3 =	vadd.s32 $0xF4240, v2  }
0x74: {  	v4 =	vadd.s32 $0x1E8480, v2;
	[tilespmem:v36+s10+$0x0] =	vst.idx.msk $0xffff, v3  }
0x75: {  	v7 =	vadd.s32 $0x2DC6C0, v2;
	[tilespmem:v37+s10+$0x0] =	vst.idx.msk $0xffff, v4  }
0x76: {  	[tilespmem:v38+s10+$0x0] =	vst.idx.msk $0xffff, v7  }
0x77: {  	[tilespmem:v39+s11+$0x0] =	vst.idx.msk $0xffff, v2  }
0x78: {  	[tilespmem:v40+s11+$0x0] =	vst.idx.msk $0xffff, v3  }
0x79: {  	[tilespmem:v41+s11+$0x0] =	vst.idx.msk $0xffff, v4  }
0x7a: {  	v2 =	vld [tilespmem:$0x260];
	_ =	sdelay $0x4  }
0x7b: {  	[tilespmem:v42+s10+$0x0] =	vst.idx.msk $0xffff, v2;
	v3 =	vadd.s32 $0xF4240, v2  }
0x7c: {  	v4 =	vadd.s32 $0x1E8480, v2;
	[tilespmem:v43+s10+$0x0] =	vst.idx.msk $0xffff, v3  }
0x7d: {  	v5 =	vadd.s32 $0x2DC6C0, v2;
	[tilespmem:v44+s10+$0x0] =	vst.idx.msk $0xffff, v4  }
0x7e: {  	[tilespmem:v45+s10+$0x0] =	vst.idx.msk $0xffff, v5  }
0x7f: {  	[tilespmem:v46+s11+$0x0] =	vst.idx.msk $0xffff, v2  }
0x80: {  	[tilespmem:v47+s11+$0x0] =	vst.idx.msk $0xffff, v3  }
0x81: {  	[tilespmem:v48+s11+$0x0] =	vst.idx.msk $0xffff, v4  }
0x82: {  	v2 =	vld [tilespmem:$0x270];
	_ =	sdelay $0x4  }
0x83: {  	[tilespmem:v49+s10+$0x0] =	vst.idx.msk $0xffff, v2;
	v3 =	vadd.s32 $0xF4240, v2  }
0x84: {  	v4 =	vadd.s32 $0x1E8480, v2;
	[tilespmem:v50+s10+$0x0] =	vst.idx.msk $0xffff, v3  }
0x85: {  	v6 =	vadd.s32 $0x2DC6C0, v2;
	[tilespmem:v51+s10+$0x0] =	vst.idx.msk $0xffff, v4  }
0x86: {  	[tilespmem:v52+s10+$0x0] =	vst.idx.msk $0xffff, v6  }
0x87: {  	[tilespmem:v53+s11+$0x0] =	vst.idx.msk $0xffff, v2  }
0x88: {  	[tilespmem:v54+s11+$0x0] =	vst.idx.msk $0xffff, v3  }
0x89: {  	[tilespmem:v55+s11+$0x0] =	vst.idx.msk $0xffff, v4  }
0x8a: {  	v2 =	vld [tilespmem:$0x280];
	_ =	sdelay $0x4  }
0x8b: {  	[tilespmem:v56+s10+$0x0] =	vst.idx.msk $0xffff, v2;
	v3 =	vadd.s32 $0xF4240, v2  }
0x8c: {  	v4 =	vadd.s32 $0x1E8480, v2;
	[tilespmem:v57+s10+$0x0] =	vst.idx.msk $0xffff, v3  }
0x8d: {  	v7 =	vadd.s32 $0x2DC6C0, v2;
	[tilespmem:v58+s10+$0x0] =	vst.idx.msk $0xffff, v4  }
0x8e: {  	[tilespmem:v59+s10+$0x0] =	vst.idx.msk $0xffff, v7  }
0x8f: {  	[tilespmem:v60+s11+$0x0] =	vst.idx.msk $0xffff, v2  }
0x90: {  	[tilespmem:v61+s11+$0x0] =	vst.idx.msk $0xffff, v3  }
0x91: {  	[tilespmem:v62+s11+$0x0] =	vst.idx.msk $0xffff, v4  }
0x92: {  	v3 =	vor.u32 $0x240, v0;
	v2 =	vld [tilespmem:$0x290]  }
0x93: {  	v4 =	vor.u32 $0x241, v0  }
0x94: {  	v63 =	vor.u32 $0x242, v0  }
0x95: {  	v5 =	vor.u32 $0x243, v0  }
0x96: {  	v6 =	vadd.s32 $0x1B0, v1  }
0x97: {  	v7 =	vadd.s32 $0x1B1, v1;
	[tilespmem:v3+s10+$0x0] =	vst.idx.msk $0xffff, v2;
	v3 =	vadd.s32 $0xF4240, v2  }
0x98: {  	v8 =	vadd.s32 $0x1B2, v1;
	[tilespmem:v4+s10+$0x0] =	vst.idx.msk $0xffff, v3;
	v4 =	vadd.s32 $0x1E8480, v2  }
0x99: {  	[tilespmem:v63+s10+$0x0] =	vst.idx.msk $0xffff, v4;
	v63 =	vadd.s32 $0x2DC6C0, v2  }
0x9a: {  	[tilespmem:v5+s10+$0x0] =	vst.idx.msk $0xffff, v63  }
0x9b: {  	[tilespmem:v6+s11+$0x0] =	vst.idx.msk $0xffff, v2  }
0x9c: {  	[tilespmem:v7+s11+$0x0] =	vst.idx.msk $0xffff, v3  }
0x9d: {  	[tilespmem:v8+s11+$0x0] =	vst.idx.msk $0xffff, v4  }
0x9e: {  	v3 =	vor.u32 $0x280, v0;
	v2 =	vld [tilespmem:$0x2A0]  }
0x9f: {  	v63 =	vor.u32 $0x281, v0  }
0xa0: {  	v5 =	vor.u32 $0x282, v0  }
0xa1: {  	v6 =	vor.u32 $0x283, v0  }
0xa2: {  	v7 =	vadd.s32 $0x1E0, v1  }
0xa3: {  	v8 =	vadd.s32 $0x1E1, v1;
	[tilespmem:v3+s10+$0x0] =	vst.idx.msk $0xffff, v2;
	v3 =	vadd.s32 $0xF4240, v2  }
0xa4: {  	v4 =	vadd.s32 $0x1E8480, v2;
	[tilespmem:v63+s10+$0x0] =	vst.idx.msk $0xffff, v3;
	v63 =	vadd.s32 $0x1E2, v1  }
0xa5: {  	[tilespmem:v5+s10+$0x0] =	vst.idx.msk $0xffff, v4;
	v5 =	vadd.s32 $0x2DC6C0, v2  }
0xa6: {  	[tilespmem:v6+s10+$0x0] =	vst.idx.msk $0xffff, v5  }
0xa7: {  	[tilespmem:v7+s11+$0x0] =	vst.idx.msk $0xffff, v2  }
0xa8: {  	[tilespmem:v8+s11+$0x0] =	vst.idx.msk $0xffff, v3  }
0xa9: {  	[tilespmem:v63+s11+$0x0] =	vst.idx.msk $0xffff, v4  }
0xaa: {  	v3 =	vor.u32 $0x2C0, v0;
	v2 =	vld [tilespmem:$0x2B0]  }
0xab: {  	v63 =	vor.u32 $0x2C1, v0  }
0xac: {  	v5 =	vor.u32 $0x2C2, v0  }
0xad: {  	v6 =	vor.u32 $0x2C3, v0  }
0xae: {  	v7 =	vadd.s32 $0x210, v1  }
0xaf: {  	v8 =	vadd.s32 $0x211, v1;
	[tilespmem:v3+s10+$0x0] =	vst.idx.msk $0xffff, v2;
	v3 =	vadd.s32 $0xF4240, v2  }
0xb0: {  	v4 =	vadd.s32 $0x1E8480, v2;
	[tilespmem:v63+s10+$0x0] =	vst.idx.msk $0xffff, v3;
	v63 =	vadd.s32 $0x212, v1  }
0xb1: {  	[tilespmem:v5+s10+$0x0] =	vst.idx.msk $0xffff, v4;
	v5 =	vadd.s32 $0x2DC6C0, v2  }
0xb2: {  	[tilespmem:v6+s10+$0x0] =	vst.idx.msk $0xffff, v5  }
0xb3: {  	[tilespmem:v7+s11+$0x0] =	vst.idx.msk $0xffff, v2  }
0xb4: {  	[tilespmem:v8+s11+$0x0] =	vst.idx.msk $0xffff, v3  }
0xb5: {  	[tilespmem:v63+s11+$0x0] =	vst.idx.msk $0xffff, v4  }
0xb6: {  	v3 =	vor.u32 $0x300, v0;
	v2 =	vld [tilespmem:$0x2C0]  }
0xb7: {  	v63 =	vor.u32 $0x301, v0  }
0xb8: {  	v5 =	vor.u32 $0x302, v0  }
0xb9: {  	v6 =	vor.u32 $0x303, v0  }
0xba: {  	v7 =	vor.u32 $0x240, v1  }
0xbb: {  	v8 =	vadd.s32 $0x241, v1;
	[tilespmem:v3+s10+$0x0] =	vst.idx.msk $0xffff, v2;
	v3 =	vadd.s32 $0xF4240, v2  }
0xbc: {  	v4 =	vadd.s32 $0x1E8480, v2;
	[tilespmem:v63+s10+$0x0] =	vst.idx.msk $0xffff, v3;
	v63 =	vadd.s32 $0x242, v1  }
0xbd: {  	[tilespmem:v5+s10+$0x0] =	vst.idx.msk $0xffff, v4;
	v5 =	vadd.s32 $0x2DC6C0, v2  }
0xbe: {  	[tilespmem:v6+s10+$0x0] =	vst.idx.msk $0xffff, v5  }
0xbf: {  	[tilespmem:v7+s11+$0x0] =	vst.idx.msk $0xffff, v2  }
0xc0: {  	[tilespmem:v8+s11+$0x0] =	vst.idx.msk $0xffff, v3  }
0xc1: {  	[tilespmem:v63+s11+$0x0] =	vst.idx.msk $0xffff, v4  }
0xc2: {  	v3 =	vor.u32 $0x340, v0;
	v2 =	vld [tilespmem:$0x2D0]  }
0xc3: {  	v63 =	vor.u32 $0x341, v0  }
0xc4: {  	v5 =	vor.u32 $0x342, v0  }
0xc5: {  	v6 =	vor.u32 $0x343, v0  }
0xc6: {  	v7 =	vadd.s32 $0x270, v1  }
0xc7: {  	v8 =	vadd.s32 $0x271, v1;
	[tilespmem:v3+s10+$0x0] =	vst.idx.msk $0xffff, v2;
	v3 =	vadd.s32 $0xF4240, v2  }
0xc8: {  	v4 =	vadd.s32 $0x1E8480, v2;
	[tilespmem:v63+s10+$0x0] =	vst.idx.msk $0xffff, v3;
	v63 =	vadd.s32 $0x272, v1  }
0xc9: {  	[tilespmem:v5+s10+$0x0] =	vst.idx.msk $0xffff, v4;
	v5 =	vadd.s32 $0x2DC6C0, v2  }
0xca: {  	[tilespmem:v6+s10+$0x0] =	vst.idx.msk $0xffff, v5  }
0xcb: {  	[tilespmem:v7+s11+$0x0] =	vst.idx.msk $0xffff, v2  }
0xcc: {  	[tilespmem:v8+s11+$0x0] =	vst.idx.msk $0xffff, v3  }
0xcd: {  	[tilespmem:v63+s11+$0x0] =	vst.idx.msk $0xffff, v4  }
0xce: {  	v3 =	vor.u32 $0x380, v0;
	v2 =	vld [tilespmem:$0x2E0]  }
0xcf: {  	v63 =	vor.u32 $0x381, v0  }
0xd0: {  	v5 =	vor.u32 $0x382, v0  }
0xd1: {  	v6 =	vor.u32 $0x383, v0  }
0xd2: {  	v7 =	vadd.s32 $0x2A0, v1  }
0xd3: {  	v8 =	vadd.s32 $0x2A1, v1;
	[tilespmem:v3+s10+$0x0] =	vst.idx.msk $0xffff, v2;
	v3 =	vadd.s32 $0xF4240, v2  }
0xd4: {  	v4 =	vadd.s32 $0x1E8480, v2;
	[tilespmem:v63+s10+$0x0] =	vst.idx.msk $0xffff, v3;
	v63 =	vadd.s32 $0x2A2, v1  }
0xd5: {  	[tilespmem:v5+s10+$0x0] =	vst.idx.msk $0xffff, v4;
	v5 =	vadd.s32 $0x2DC6C0, v2  }
0xd6: {  	[tilespmem:v6+s10+$0x0] =	vst.idx.msk $0xffff, v5  }
0xd7: {  	[tilespmem:v7+s11+$0x0] =	vst.idx.msk $0xffff, v2  }
0xd8: {  	[tilespmem:v8+s11+$0x0] =	vst.idx.msk $0xffff, v3  }
0xd9: {  	[tilespmem:v63+s11+$0x0] =	vst.idx.msk $0xffff, v4  }
0xda: {  	v3 =	vor.u32 $0x3C0, v0;
	v2 =	vld [tilespmem:$0x2F0]  }
0xdb: {  	v63 =	vor.u32 $0x3C1, v0  }
0xdc: {  	v5 =	vor.u32 $0x3C2, v0  }
0xdd: {  	v6 =	vor.u32 $0x3C3, v0  }
0xde: {  	v7 =	vadd.s32 $0x2D0, v1  }
0xdf: {  	v8 =	vadd.s32 $0x2D1, v1;
	[tilespmem:v3+s10+$0x0] =	vst.idx.msk $0xffff, v2;
	v3 =	vadd.s32 $0xF4240, v2  }
0xe0: {  	v4 =	vadd.s32 $0x1E8480, v2;
	[tilespmem:v63+s10+$0x0] =	vst.idx.msk $0xffff, v3;
	v63 =	vadd.s32 $0x2D2, v1  }
0xe1: {  	[tilespmem:v5+s10+$0x0] =	vst.idx.msk $0xffff, v4;
	v5 =	vadd.s32 $0x2DC6C0, v2  }
0xe2: {  	[tilespmem:v6+s10+$0x0] =	vst.idx.msk $0xffff, v5  }
0xe3: {  	[tilespmem:v7+s11+$0x0] =	vst.idx.msk $0xffff, v2  }
0xe4: {  	[tilespmem:v8+s11+$0x0] =	vst.idx.msk $0xffff, v3  }
0xe5: {  	[tilespmem:v63+s11+$0x0] =	vst.idx.msk $0xffff, v4  }
0xe6: {  	v3 =	vor.u32 $0x400, v0;
	v2 =	vld [tilespmem:$0x300]  }
0xe7: {  	v63 =	vor.u32 $0x401, v0  }
0xe8: {  	v5 =	vor.u32 $0x402, v0  }
0xe9: {  	v6 =	vor.u32 $0x403, v0  }
0xea: {  	v7 =	vor.u32 $0x300, v1  }
0xeb: {  	v8 =	vadd.s32 $0x301, v1;
	[tilespmem:v3+s10+$0x0] =	vst.idx.msk $0xffff, v2;
	v3 =	vadd.s32 $0xF4240, v2  }
0xec: {  	v4 =	vadd.s32 $0x1E8480, v2;
	[tilespmem:v63+s10+$0x0] =	vst.idx.msk $0xffff, v3;
	v63 =	vadd.s32 $0x302, v1  }
0xed: {  	[tilespmem:v5+s10+$0x0] =	vst.idx.msk $0xffff, v4;
	v5 =	vadd.s32 $0x2DC6C0, v2  }
0xee: {  	[tilespmem:v6+s10+$0x0] =	vst.idx.msk $0xffff, v5  }
0xef: {  	[tilespmem:v7+s11+$0x0] =	vst.idx.msk $0xffff, v2  }
0xf0: {  	[tilespmem:v8+s11+$0x0] =	vst.idx.msk $0xffff, v3  }
0xf1: {  	[tilespmem:v63+s11+$0x0] =	vst.idx.msk $0xffff, v4  }
0xf2: {  	v3 =	vor.u32 $0x440, v0;
	v2 =	vld [tilespmem:$0x310]  }
0xf3: {  	v63 =	vor.u32 $0x441, v0  }
0xf4: {  	v5 =	vor.u32 $0x442, v0  }
0xf5: {  	v6 =	vor.u32 $0x443, v0  }
0xf6: {  	v7 =	vadd.s32 $0x330, v1  }
0xf7: {  	v8 =	vadd.s32 $0x331, v1;
	[tilespmem:v3+s10+$0x0] =	vst.idx.msk $0xffff, v2;
	v3 =	vadd.s32 $0xF4240, v2  }
0xf8: {  	v4 =	vadd.s32 $0x1E8480, v2;
	[tilespmem:v63+s10+$0x0] =	vst.idx.msk $0xffff, v3;
	v63 =	vadd.s32 $0x332, v1  }
0xf9: {  	[tilespmem:v5+s10+$0x0] =	vst.idx.msk $0xffff, v4;
	v5 =	vadd.s32 $0x2DC6C0, v2  }
0xfa: {  	[tilespmem:v6+s10+$0x0] =	vst.idx.msk $0xffff, v5  }
0xfb: {  	[tilespmem:v7+s11+$0x0] =	vst.idx.msk $0xffff, v2  }
0xfc: {  	[tilespmem:v8+s11+$0x0] =	vst.idx.msk $0xffff, v3  }
0xfd: {  	[tilespmem:v63+s11+$0x0] =	vst.idx.msk $0xffff, v4  }
0xfe: {  	v3 =	vor.u32 $0x480, v0;
	v2 =	vld [tilespmem:$0x320]  }
0xff: {  	v63 =	vor.u32 $0x481, v0  }
0x100: {  	v5 =	vor.u32 $0x482, v0  }
0x101: {  	v6 =	vor.u32 $0x483, v0  }
0x102: {  	v7 =	vadd.s32 $0x360, v1  }
0x103: {  	v8 =	vadd.s32 $0x361, v1;
	[tilespmem:v3+s10+$0x0] =	vst.idx.msk $0xffff, v2;
	v3 =	vadd.s32 $0xF4240, v2  }
0x104: {  	v4 =	vadd.s32 $0x1E8480, v2;
	[tilespmem:v63+s10+$0x0] =	vst.idx.msk $0xffff, v3;
	v63 =	vadd.s32 $0x362, v1  }
0x105: {  	[tilespmem:v5+s10+$0x0] =	vst.idx.msk $0xffff, v4;
	v5 =	vadd.s32 $0x2DC6C0, v2  }
0x106: {  	[tilespmem:v6+s10+$0x0] =	vst.idx.msk $0xffff, v5  }
0x107: {  	[tilespmem:v7+s11+$0x0] =	vst.idx.msk $0xffff, v2  }
0x108: {  	[tilespmem:v8+s11+$0x0] =	vst.idx.msk $0xffff, v3  }
0x109: {  	[tilespmem:v63+s11+$0x0] =	vst.idx.msk $0xffff, v4  }
0x10a: {  	v3 =	vor.u32 $0x4C0, v0;
	v2 =	vld [tilespmem:$0x330]  }
0x10b: {  	v63 =	vor.u32 $0x4C1, v0  }
0x10c: {  	v5 =	vor.u32 $0x4C2, v0  }
0x10d: {  	v6 =	vor.u32 $0x4C3, v0  }
0x10e: {  	v7 =	vadd.s32 $0x390, v1  }
0x10f: {  	v8 =	vadd.s32 $0x391, v1;
	[tilespmem:v3+s10+$0x0] =	vst.idx.msk $0xffff, v2;
	v3 =	vadd.s32 $0xF4240, v2  }
0x110: {  	v4 =	vadd.s32 $0x1E8480, v2;
	[tilespmem:v63+s10+$0x0] =	vst.idx.msk $0xffff, v3;
	v63 =	vadd.s32 $0x392, v1  }
0x111: {  	[tilespmem:v5+s10+$0x0] =	vst.idx.msk $0xffff, v4;
	v5 =	vadd.s32 $0x2DC6C0, v2  }
0x112: {  	[tilespmem:v6+s10+$0x0] =	vst.idx.msk $0xffff, v5  }
0x113: {  	[tilespmem:v7+s11+$0x0] =	vst.idx.msk $0xffff, v2  }
0x114: {  	[tilespmem:v8+s11+$0x0] =	vst.idx.msk $0xffff, v3  }
0x115: {  	[tilespmem:v63+s11+$0x0] =	vst.idx.msk $0xffff, v4  }
0x116: {  	v3 =	vor.u32 $0x500, v0;
	v2 =	vld [tilespmem:$0x340]  }
0x117: {  	v63 =	vor.u32 $0x501, v0  }
0x118: {  	v5 =	vor.u32 $0x502, v0  }
0x119: {  	v6 =	vor.u32 $0x503, v0  }
0x11a: {  	v7 =	vor.u32 $0x3C0, v1  }
0x11b: {  	v8 =	vadd.s32 $0x3C1, v1;
	[tilespmem:v3+s10+$0x0] =	vst.idx.msk $0xffff, v2;
	v3 =	vadd.s32 $0xF4240, v2  }
0x11c: {  	v4 =	vadd.s32 $0x1E8480, v2;
	[tilespmem:v63+s10+$0x0] =	vst.idx.msk $0xffff, v3;
	v63 =	vadd.s32 $0x3C2, v1  }
0x11d: {  	[tilespmem:v5+s10+$0x0] =	vst.idx.msk $0xffff, v4;
	v5 =	vadd.s32 $0x2DC6C0, v2  }
0x11e: {  	[tilespmem:v6+s10+$0x0] =	vst.idx.msk $0xffff, v5  }
0x11f: {  	[tilespmem:v7+s11+$0x0] =	vst.idx.msk $0xffff, v2  }
0x120: {  	[tilespmem:v8+s11+$0x0] =	vst.idx.msk $0xffff, v3  }
0x121: {  	[tilespmem:v63+s11+$0x0] =	vst.idx.msk $0xffff, v4  }
0x122: {  	v3 =	vor.u32 $0x540, v0;
	v2 =	vld [tilespmem:$0x350]  }
0x123: {  	v63 =	vor.u32 $0x541, v0  }
0x124: {  	v5 =	vor.u32 $0x542, v0  }
0x125: {  	v6 =	vor.u32 $0x543, v0  }
0x126: {  	v7 =	vadd.s32 $0x3F0, v1  }
0x127: {  	v8 =	vadd.s32 $0x3F1, v1;
	[tilespmem:v3+s10+$0x0] =	vst.idx.msk $0xffff, v2;
	v3 =	vadd.s32 $0xF4240, v2  }
0x128: {  	v4 =	vadd.s32 $0x1E8480, v2;
	[tilespmem:v63+s10+$0x0] =	vst.idx.msk $0xffff, v3;
	v63 =	vadd.s32 $0x3F2, v1  }
0x129: {  	[tilespmem:v5+s10+$0x0] =	vst.idx.msk $0xffff, v4;
	v5 =	vadd.s32 $0x2DC6C0, v2  }
0x12a: {  	[tilespmem:v6+s10+$0x0] =	vst.idx.msk $0xffff, v5  }
0x12b: {  	[tilespmem:v7+s11+$0x0] =	vst.idx.msk $0xffff, v2  }
0x12c: {  	[tilespmem:v8+s11+$0x0] =	vst.idx.msk $0xffff, v3  }
0x12d: {  	[tilespmem:v63+s11+$0x0] =	vst.idx.msk $0xffff, v4  }
0x12e: {  	v3 =	vor.u32 $0x580, v0;
	v2 =	vld [tilespmem:$0x360]  }
0x12f: {  	v63 =	vor.u32 $0x581, v0  }
0x130: {  	v5 =	vor.u32 $0x582, v0  }
0x131: {  	v6 =	vor.u32 $0x583, v0  }
0x132: {  	v7 =	vadd.s32 $0x420, v1  }
0x133: {  	v8 =	vadd.s32 $0x421, v1;
	[tilespmem:v3+s10+$0x0] =	vst.idx.msk $0xffff, v2;
	v3 =	vadd.s32 $0xF4240, v2  }
0x134: {  	v4 =	vadd.s32 $0x1E8480, v2;
	[tilespmem:v63+s10+$0x0] =	vst.idx.msk $0xffff, v3;
	v63 =	vadd.s32 $0x422, v1  }
0x135: {  	[tilespmem:v5+s10+$0x0] =	vst.idx.msk $0xffff, v4;
	v5 =	vadd.s32 $0x2DC6C0, v2  }
0x136: {  	[tilespmem:v6+s10+$0x0] =	vst.idx.msk $0xffff, v5  }
0x137: {  	[tilespmem:v7+s11+$0x0] =	vst.idx.msk $0xffff, v2  }
0x138: {  	[tilespmem:v8+s11+$0x0] =	vst.idx.msk $0xffff, v3  }
0x139: {  	[tilespmem:v63+s11+$0x0] =	vst.idx.msk $0xffff, v4  }
0x13a: {  	v3 =	vor.u32 $0x5C0, v0;
	v2 =	vld [tilespmem:$0x370]  }
0x13b: {  	v63 =	vor.u32 $0x5C1, v0  }
0x13c: {  	v5 =	vor.u32 $0x5C2, v0  }
0x13d: {  	v6 =	vor.u32 $0x5C3, v0  }
0x13e: {  	v7 =	vadd.s32 $0x450, v1  }
0x13f: {  	v8 =	vadd.s32 $0x451, v1;
	[tilespmem:v3+s10+$0x0] =	vst.idx.msk $0xffff, v2;
	v3 =	vadd.s32 $0xF4240, v2  }
0x140: {  	v4 =	vadd.s32 $0x1E8480, v2;
	[tilespmem:v63+s10+$0x0] =	vst.idx.msk $0xffff, v3;
	v63 =	vadd.s32 $0x452, v1  }
0x141: {  	[tilespmem:v5+s10+$0x0] =	vst.idx.msk $0xffff, v4;
	v5 =	vadd.s32 $0x2DC6C0, v2  }
0x142: {  	[tilespmem:v6+s10+$0x0] =	vst.idx.msk $0xffff, v5  }
0x143: {  	[tilespmem:v7+s11+$0x0] =	vst.idx.msk $0xffff, v2  }
0x144: {  	[tilespmem:v8+s11+$0x0] =	vst.idx.msk $0xffff, v3  }
0x145: {  	[tilespmem:v63+s11+$0x0] =	vst.idx.msk $0xffff, v4  }
0x146: {  	v3 =	vor.u32 $0x600, v0;
	v2 =	vld [tilespmem:$0x380]  }
0x147: {  	v63 =	vor.u32 $0x601, v0  }
0x148: {  	v5 =	vor.u32 $0x602, v0  }
0x149: {  	v6 =	vor.u32 $0x603, v0  }
0x14a: {  	v7 =	vor.u32 $0x480, v1  }
0x14b: {  	v8 =	vadd.s32 $0x481, v1;
	[tilespmem:v3+s10+$0x0] =	vst.idx.msk $0xffff, v2;
	v3 =	vadd.s32 $0xF4240, v2  }
0x14c: {  	v4 =	vadd.s32 $0x1E8480, v2;
	[tilespmem:v63+s10+$0x0] =	vst.idx.msk $0xffff, v3;
	v63 =	vadd.s32 $0x482, v1  }
0x14d: {  	[tilespmem:v5+s10+$0x0] =	vst.idx.msk $0xffff, v4;
	v5 =	vadd.s32 $0x2DC6C0, v2  }
0x14e: {  	[tilespmem:v6+s10+$0x0] =	vst.idx.msk $0xffff, v5  }
0x14f: {  	[tilespmem:v7+s11+$0x0] =	vst.idx.msk $0xffff, v2  }
0x150: {  	[tilespmem:v8+s11+$0x0] =	vst.idx.msk $0xffff, v3  }
0x151: {  	[tilespmem:v63+s11+$0x0] =	vst.idx.msk $0xffff, v4  }
0x152: {  	v3 =	vor.u32 $0x640, v0;
	v2 =	vld [tilespmem:$0x390]  }
0x153: {  	v63 =	vor.u32 $0x641, v0  }
0x154: {  	v5 =	vor.u32 $0x642, v0  }
0x155: {  	v6 =	vor.u32 $0x643, v0  }
0x156: {  	v7 =	vadd.s32 $0x4B0, v1  }
0x157: {  	v8 =	vadd.s32 $0x4B1, v1;
	[tilespmem:v3+s10+$0x0] =	vst.idx.msk $0xffff, v2;
	v3 =	vadd.s32 $0xF4240, v2  }
0x158: {  	v4 =	vadd.s32 $0x1E8480, v2;
	[tilespmem:v63+s10+$0x0] =	vst.idx.msk $0xffff, v3;
	v63 =	vadd.s32 $0x4B2, v1  }
0x159: {  	[tilespmem:v5+s10+$0x0] =	vst.idx.msk $0xffff, v4;
	v5 =	vadd.s32 $0x2DC6C0, v2  }
0x15a: {  	[tilespmem:v6+s10+$0x0] =	vst.idx.msk $0xffff, v5  }
0x15b: {  	[tilespmem:v7+s11+$0x0] =	vst.idx.msk $0xffff, v2  }
0x15c: {  	[tilespmem:v8+s11+$0x0] =	vst.idx.msk $0xffff, v3  }
0x15d: {  	[tilespmem:v63+s11+$0x0] =	vst.idx.msk $0xffff, v4  }
0x15e: {  	v3 =	vor.u32 $0x680, v0;
	v2 =	vld [tilespmem:$0x3A0]  }
0x15f: {  	v63 =	vor.u32 $0x681, v0  }
0x160: {  	v5 =	vor.u32 $0x682, v0  }
0x161: {  	v6 =	vor.u32 $0x683, v0  }
0x162: {  	v7 =	vadd.s32 $0x4E0, v1  }
0x163: {  	v8 =	vadd.s32 $0x4E1, v1;
	[tilespmem:v3+s10+$0x0] =	vst.idx.msk $0xffff, v2;
	v3 =	vadd.s32 $0xF4240, v2  }
0x164: {  	v4 =	vadd.s32 $0x1E8480, v2;
	[tilespmem:v63+s10+$0x0] =	vst.idx.msk $0xffff, v3;
	v63 =	vadd.s32 $0x4E2, v1  }
0x165: {  	[tilespmem:v5+s10+$0x0] =	vst.idx.msk $0xffff, v4;
	v5 =	vadd.s32 $0x2DC6C0, v2  }
0x166: {  	[tilespmem:v6+s10+$0x0] =	vst.idx.msk $0xffff, v5  }
0x167: {  	[tilespmem:v7+s11+$0x0] =	vst.idx.msk $0xffff, v2  }
0x168: {  	[tilespmem:v8+s11+$0x0] =	vst.idx.msk $0xffff, v3  }
0x169: {  	[tilespmem:v63+s11+$0x0] =	vst.idx.msk $0xffff, v4  }
0x16a: {  	v3 =	vor.u32 $0x6C0, v0;
	v2 =	vld [tilespmem:$0x3B0]  }
0x16b: {  	v63 =	vor.u32 $0x6C1, v0  }
0x16c: {  	v5 =	vor.u32 $0x6C2, v0  }
0x16d: {  	v6 =	vor.u32 $0x6C3, v0  }
0x16e: {  	v7 =	vadd.s32 $0x510, v1  }
0x16f: {  	v8 =	vadd.s32 $0x511, v1;
	[tilespmem:v3+s10+$0x0] =	vst.idx.msk $0xffff, v2;
	v3 =	vadd.s32 $0xF4240, v2  }
0x170: {  	v4 =	vadd.s32 $0x1E8480, v2;
	[tilespmem:v63+s10+$0x0] =	vst.idx.msk $0xffff, v3;
	v63 =	vadd.s32 $0x512, v1  }
0x171: {  	[tilespmem:v5+s10+$0x0] =	vst.idx.msk $0xffff, v4;
	v5 =	vadd.s32 $0x2DC6C0, v2  }
0x172: {  	[tilespmem:v6+s10+$0x0] =	vst.idx.msk $0xffff, v5  }
0x173: {  	[tilespmem:v7+s11+$0x0] =	vst.idx.msk $0xffff, v2  }
0x174: {  	[tilespmem:v8+s11+$0x0] =	vst.idx.msk $0xffff, v3  }
0x175: {  	[tilespmem:v63+s11+$0x0] =	vst.idx.msk $0xffff, v4  }
0x176: {  	v3 =	vor.u32 $0x700, v0;
	v2 =	vld [tilespmem:$0x3C0]  }
0x177: {  	v63 =	vor.u32 $0x701, v0  }
0x178: {  	v5 =	vor.u32 $0x702, v0  }
0x179: {  	v6 =	vor.u32 $0x703, v0  }
0x17a: {  	v7 =	vor.u32 $0x540, v1  }
0x17b: {  	v8 =	vadd.s32 $0x541, v1;
	[tilespmem:v3+s10+$0x0] =	vst.idx.msk $0xffff, v2;
	v3 =	vadd.s32 $0xF4240, v2  }
0x17c: {  	v4 =	vadd.s32 $0x1E8480, v2;
	[tilespmem:v63+s10+$0x0] =	vst.idx.msk $0xffff, v3;
	v63 =	vadd.s32 $0x542, v1  }
0x17d: {  	[tilespmem:v5+s10+$0x0] =	vst.idx.msk $0xffff, v4;
	v5 =	vadd.s32 $0x2DC6C0, v2  }
0x17e: {  	[tilespmem:v6+s10+$0x0] =	vst.idx.msk $0xffff, v5  }
0x17f: {  	[tilespmem:v7+s11+$0x0] =	vst.idx.msk $0xffff, v2  }
0x180: {  	[tilespmem:v8+s11+$0x0] =	vst.idx.msk $0xffff, v3  }
0x181: {  	[tilespmem:v63+s11+$0x0] =	vst.idx.msk $0xffff, v4  }
0x182: {  	v3 =	vor.u32 $0x740, v0;
	v2 =	vld [tilespmem:$0x3D0]  }
0x183: {  	v63 =	vor.u32 $0x741, v0  }
0x184: {  	v5 =	vor.u32 $0x742, v0  }
0x185: {  	v6 =	vor.u32 $0x743, v0  }
0x186: {  	v7 =	vadd.s32 $0x570, v1  }
0x187: {  	v8 =	vadd.s32 $0x571, v1;
	[tilespmem:v3+s10+$0x0] =	vst.idx.msk $0xffff, v2;
	v3 =	vadd.s32 $0xF4240, v2  }
0x188: {  	v4 =	vadd.s32 $0x1E8480, v2;
	[tilespmem:v63+s10+$0x0] =	vst.idx.msk $0xffff, v3;
	v63 =	vadd.s32 $0x572, v1  }
0x189: {  	[tilespmem:v5+s10+$0x0] =	vst.idx.msk $0xffff, v4;
	v5 =	vadd.s32 $0x2DC6C0, v2  }
0x18a: {  	[tilespmem:v6+s10+$0x0] =	vst.idx.msk $0xffff, v5  }
0x18b: {  	[tilespmem:v7+s11+$0x0] =	vst.idx.msk $0xffff, v2  }
0x18c: {  	[tilespmem:v8+s11+$0x0] =	vst.idx.msk $0xffff, v3  }
0x18d: {  	[tilespmem:v63+s11+$0x0] =	vst.idx.msk $0xffff, v4  }
0x18e: {  	v3 =	vor.u32 $0x780, v0;
	v2 =	vld [tilespmem:$0x3E0]  }
0x18f: {  	v63 =	vor.u32 $0x781, v0  }
0x190: {  	v5 =	vor.u32 $0x782, v0  }
0x191: {  	v6 =	vor.u32 $0x783, v0  }
0x192: {  	v7 =	vadd.s32 $0x5A0, v1  }
0x193: {  	v8 =	vadd.s32 $0x5A1, v1;
	[tilespmem:v3+s10+$0x0] =	vst.idx.msk $0xffff, v2;
	v3 =	vadd.s32 $0xF4240, v2  }
0x194: {  	v4 =	vadd.s32 $0x1E8480, v2;
	[tilespmem:v63+s10+$0x0] =	vst.idx.msk $0xffff, v3;
	v63 =	vadd.s32 $0x5A2, v1  }
0x195: {  	[tilespmem:v5+s10+$0x0] =	vst.idx.msk $0xffff, v4;
	v5 =	vadd.s32 $0x2DC6C0, v2  }
0x196: {  	[tilespmem:v6+s10+$0x0] =	vst.idx.msk $0xffff, v5  }
0x197: {  	[tilespmem:v7+s11+$0x0] =	vst.idx.msk $0xffff, v2  }
0x198: {  	[tilespmem:v8+s11+$0x0] =	vst.idx.msk $0xffff, v3  }
0x199: {  	[tilespmem:v63+s11+$0x0] =	vst.idx.msk $0xffff, v4  }
0x19a: {  	v3 =	vor.u32 $0x7C0, v0;
	v2 =	vld [tilespmem:$0x3F0]  }
0x19b: {  	v63 =	vor.u32 $0x7C1, v0  }
0x19c: {  	v5 =	vor.u32 $0x7C2, v0  }
0x19d: {  	v6 =	vor.u32 $0x7C3, v0  }
0x19e: {  	v7 =	vadd.s32 $0x5D0, v1  }
0x19f: {  	v8 =	vadd.s32 $0x5D1, v1;
	[tilespmem:v3+s10+$0x0] =	vst.idx.msk $0xffff, v2;
	v3 =	vadd.s32 $0xF4240, v2  }
0x1a0: {  	v4 =	vadd.s32 $0x1E8480, v2;
	[tilespmem:v63+s10+$0x0] =	vst.idx.msk $0xffff, v3;
	v63 =	vadd.s32 $0x5D2, v1  }
0x1a1: {  	[tilespmem:v5+s10+$0x0] =	vst.idx.msk $0xffff, v4;
	v5 =	vadd.s32 $0x2DC6C0, v2  }
0x1a2: {  	[tilespmem:v6+s10+$0x0] =	vst.idx.msk $0xffff, v5  }
0x1a3: {  	s15 =	rddreg [dreg:$0xe];
	[tilespmem:v7+s11+$0x0] =	vst.idx.msk $0xffff, v2  }
0x1a4: {  	s16 =	rddreg [dreg:$0xf];
	[tilespmem:v8+s11+$0x0] =	vst.idx.msk $0xffff, v3  }
0x1a5: {  	s0 =	rddreg [dreg:$0x10];
	[tilespmem:v63+s11+$0x0] =	vst.idx.msk $0xffff, v4  }
0x1a6: {  	[tilespmem:s12], [sflag:$0x1] =	stream.indirect.gather [hbm4b:s4+s8], $0x1, s10, s8, $0xb8;
	[tilespmem:$0x2000] =	vst v63  }
0x1a7: {  	s14 =	rddreg [dreg:$0x11]  }
0x1a8: {  	[tilespmem:s16], [sflag:$0x1] =	stream.indirect.gather [hbm4b:s4+s8], $0x1, s15, s8, $0xb8;
	[tilespmem:$0x2000] =	vst v63  }
0x1a9: {  	s15 =	rddreg [dreg:$0x12]  }
0x1aa: {  	s16 =	rddreg [dreg:$0x13]  }
0x1ab: {  	[tilespmem:s14], [sflag:$0x1] =	stream.indirect.gather [hbm4b:s4+s8], $0x1, s0, s8, $0xb8;
	[tilespmem:$0x2000] =	vst v63  }
0x1ac: {  	s0 =	rddreg [dreg:$0x14]  }
0x1ad: {  	s14 =	rddreg [dreg:$0x15]  }
0x1ae: {  	[tilespmem:s16], [sflag:$0x1] =	stream.indirect.gather [hbm4b:s4+s8], $0x1, s15, s8, $0xb8;
	[tilespmem:$0x2000] =	vst v63  }
0x1af: {  	s15 =	rddreg [dreg:$0x16]  }
0x1b0: {  	s16 =	rddreg [dreg:$0x17]  }
0x1b1: {  	[tilespmem:s14], [sflag:$0x1] =	stream.indirect.gather [hbm4b:s4+s8], $0x1, s0, s8, $0xb8;
	[tilespmem:$0x2000] =	vst v63  }
0x1b2: {  	s0 =	rddreg [dreg:$0x18]  }
0x1b3: {  	s14 =	rddreg [dreg:$0x19]  }
0x1b4: {  	[tilespmem:s16], [sflag:$0x1] =	stream.indirect.gather [hbm4b:s4+s8], $0x1, s15, s8, $0xb8;
	[tilespmem:$0x2000] =	vst v63  }
0x1b5: {  	s15 =	rddreg [dreg:$0x1a]  }
0x1b6: {  	s16 =	rddreg [dreg:$0x1b]  }
0x1b7: {  	[tilespmem:s14], [sflag:$0x1] =	stream.indirect.gather [hbm4b:s4+s8], $0x1, s0, s8, $0xb8;
	[tilespmem:$0x2000] =	vst v63  }
0x1b8: {  	s0 =	rddreg [dreg:$0x1c]  }
0x1b9: {  	s14 =	rddreg [dreg:$0x1d]  }
0x1ba: {  	[tilespmem:s16], [sflag:$0x1] =	stream.indirect.gather [hbm4b:s4+s8], $0x1, s15, s8, $0xb8;
	[tilespmem:$0x2000] =	vst v63  }
0x1bb: {  	s15 =	rddreg [dreg:$0x1e]  }
0x1bc: {  	s16 =	rddreg [dreg:$0x1f]  }
0x1bd: {  	[tilespmem:s14], [sflag:$0x1] =	stream.indirect.gather [hbm4b:s4+s8], $0x1, s0, s8, $0xb8;
	[tilespmem:$0x2000] =	vst v63  }
0x1be: {  	s0 =	sld [smem:$0x7EE]  }
0x1bf: {  	s14 =	sld [smem:$0x7EF]  }
0x1c0: {  	[tilespmem:s16], [sflag:$0x1] =	stream.indirect.gather [hbm4b:s4+s8], $0x1, s15, s8, $0xb8;
	[tilespmem:$0x2000] =	vst v63  }
0x1c1: {  	s15 =	sld [smem:$0x7F0]  }
0x1c2: {  	s16 =	sld [smem:$0x7F1]  }
0x1c3: {  	[tilespmem:s14], [sflag:$0x1] =	stream.indirect.gather [hbm4b:s4+s8], $0x1, s0, s8, $0xb8;
	[tilespmem:$0x2000] =	vst v63  }
0x1c4: {  	s0 =	sld [smem:$0x7F2]  }
0x1c5: {  	s14 =	sld [smem:$0x7F3]  }
0x1c6: {  	[tilespmem:s16], [sflag:$0x1] =	stream.indirect.gather [hbm4b:s4+s8], $0x1, s15, s8, $0xb8;
	[tilespmem:$0x2000] =	vst v63  }
0x1c7: {  	s15 =	sld [smem:$0x7F4]  }
0x1c8: {  	s16 =	sld [smem:$0x7F5]  }
0x1c9: {  	[tilespmem:s14], [sflag:$0x1] =	stream.indirect.gather [hbm4b:s4+s8], $0x1, s0, s8, $0xb8;
	[tilespmem:$0x2000] =	vst v63  }
0x1ca: {  	s0 =	sld [smem:$0x7F6]  }
0x1cb: {  	s14 =	sld [smem:$0x7F7]  }
0x1cc: {  	[tilespmem:s16], [sflag:$0x1] =	stream.indirect.gather [hbm4b:s4+s8], $0x1, s15, s8, $0xb8;
	[tilespmem:$0x2000] =	vst v63  }
0x1cd: {  	s15 =	sld [smem:$0x7F8]  }
0x1ce: {  	s16 =	sld [smem:$0x7F9]  }
0x1cf: {  	[tilespmem:s14], [sflag:$0x1] =	stream.indirect.gather [hbm4b:s4+s8], $0x1, s0, s8, $0xb8;
	[tilespmem:$0x2000] =	vst v63  }
0x1d0: {  	s0 =	sld [smem:$0x7FA]  }
0x1d1: {  	s14 =	sld [smem:$0x7FB]  }
0x1d2: {  	[tilespmem:s16], [sflag:$0x1] =	stream.indirect.gather [hbm4b:s4+s8], $0x1, s15, s8, $0xb8;
	[tilespmem:$0x2000] =	vst v63  }
0x1d3: {  	s15 =	sld [smem:$0x7FC]  }
0x1d4: {  	[tilespmem:s13], [sflag:$0x1] =	stream.indirect.gather [hbm4b:s5+s8], $0x1, s11, s8, $0xb8;
	[tilespmem:$0x2000] =	vst v63  }
0x1d5: {  	s16 =	sld [smem:$0x7FD]  }
0x1d6: {  	[tilespmem:s14], [sflag:$0x1] =	stream.indirect.gather [hbm4b:s5+s8], $0x1, s0, s8, $0xb8;
	[tilespmem:$0x2000] =	vst v63  }
0x1d7: {  	_ = 	snop  }
0x1d8: {  	[tilespmem:s16], [sflag:$0x1] =	stream.indirect.gather [hbm4b:s5+s8], $0x1, s15, s8, $0xb8;
	[tilespmem:$0x2000] =	vst v63  }
0x1d9: {  	s15 =	simm.s32 $0xD80;
	s16 =	simm.s32 $0x1B80  }
0x1da: {  	[tilespmem:s16], [sflag:$0x1] =	stream.indirect.gather [hbm4b:s5+s8], $0x1, s15, s8, $0xb8;
	[tilespmem:$0x2000] =	vst v63  }
0x1db: {  	s14 =	simm.s32 $0xE00  }
0x1dc: {  	[tilespmem:s17], [sflag:$0x1] =	stream.indirect.gather [hbm4b:s5+s8], $0x1, s14, s8, $0xb8;
	[tilespmem:$0x2000] =	vst v63  }
0x1dd: {  	_ = 	snop  }
0x1de: {  	[tilespmem:s19], [sflag:$0x1] =	stream.indirect.gather [hbm4b:s5+s8], $0x1, s18, s8, $0xb8;
	[tilespmem:$0x2000] =	vst v63  }
0x1df: {  	_ = 	snop  }
0x1e0: {  	[tilespmem:s21], [sflag:$0x1] =	stream.indirect.gather [hbm4b:s5+s8], $0x1, s20, s8, $0xb8;
	[tilespmem:$0x2000] =	vst v63  }
0x1e1: {  	_ = 	snop  }
0x1e2: {  	[tilespmem:s23], [sflag:$0x1] =	stream.indirect.gather [hbm4b:s5+s8], $0x1, s22, s8, $0xb8;
	[tilespmem:$0x2000] =	vst v63  }
0x1e3: {  	_ = 	snop  }
0x1e4: {  	[tilespmem:s25], [sflag:$0x1] =	stream.indirect.gather [hbm4b:s5+s8], $0x1, s24, s8, $0xb8;
	[tilespmem:$0x2000] =	vst v63  }
0x1e5: {  	_ = 	snop  }
0x1e6: {  	[tilespmem:s28], [sflag:$0x1] =	stream.indirect.gather [hbm4b:s5+s8], $0x1, s26, s8, $0xb8;
	[tilespmem:$0x2000] =	vst v63  }
0x1e7: {  	_ = 	snop  }
0x1e8: {  	[tilespmem:s30], [sflag:$0x1] =	stream.indirect.gather [hbm4b:s5+s8], $0x1, s29, s8, $0xb8;
	[tilespmem:$0x2000] =	vst v63  }
0x1e9: {  	_ = 	snop  }
0x1ea: {  	[tilespmem:s2], [sflag:$0x1] =	stream.indirect.gather [hbm4b:s5+s8], $0x1, s31, s8, $0xb8;
	[tilespmem:$0x2000] =	vst v63  }
0x1eb: {  	_ =	swait.ge [sflag:s9], $0x80  }
0x1ec: {  	[sflag:s9] =	ssyncset.done $0x0  }
0x1ed: {  	[sflag:s9] =	ssyncadd.s32 $0xFFFFFF80  }
0x1ee: {  	_ =	swait.ge [sflag:s9], $0x80  }
0x1ef: {  	[sflag:s9] =	ssyncset.done $0x0  }
0x1f0: {  	[sflag:s9] =	ssyncadd.s32 $0xFFFFFF80  }
0x1f1: {  	_ =	swait.ge [sflag:s9], $0x80  }
0x1f2: {  	[sflag:s9] =	ssyncset.done $0x0  }
0x1f3: {  	[sflag:s9] =	ssyncadd.s32 $0xFFFFFF80  }
0x1f4: {  	_ =	swait.ge [sflag:s9], $0x80  }
0x1f5: {  	[sflag:s9] =	ssyncset.done $0x0  }
0x1f6: {  	[sflag:s9] =	ssyncadd.s32 $0xFFFFFF80  }
0x1f7: {  	_ =	swait.ge [sflag:s9], $0x80  }
0x1f8: {  	[sflag:s9] =	ssyncset.done $0x0  }
0x1f9: {  	[sflag:s9] =	ssyncadd.s32 $0xFFFFFF80  }
0x1fa: {  	_ =	swait.ge [sflag:s9], $0x80  }
0x1fb: {  	[sflag:s9] =	ssyncset.done $0x0  }
0x1fc: {  	[sflag:s9] =	ssyncadd.s32 $0xFFFFFF80  }
0x1fd: {  	_ =	swait.ge [sflag:s9], $0x80  }
0x1fe: {  	[sflag:s9] =	ssyncset.done $0x0  }
0x1ff: {  	[sflag:s9] =	ssyncadd.s32 $0xFFFFFF80  }
0x200: {  	_ =	swait.ge [sflag:s9], $0x80  }
0x201: {  	[sflag:s9] =	ssyncset.done $0x0  }
0x202: {  	[sflag:s9] =	ssyncadd.s32 $0xFFFFFF80  }
0x203: {  	_ =	swait.ge [sflag:s9], $0x80  }
0x204: {  	[sflag:s9] =	ssyncset.done $0x0  }
0x205: {  	[sflag:s9] =	ssyncadd.s32 $0xFFFFFF80  }
0x206: {  	_ =	swait.ge [sflag:s9], $0x80  }
0x207: {  	[sflag:s9] =	ssyncset.done $0x0  }
0x208: {  	[sflag:s9] =	ssyncadd.s32 $0xFFFFFF80  }
0x209: {  	_ =	swait.ge [sflag:s9], $0x80  }
0x20a: {  	[sflag:s9] =	ssyncset.done $0x0  }
0x20b: {  	[sflag:s9] =	ssyncadd.s32 $0xFFFFFF80  }
0x20c: {  	_ =	swait.ge [sflag:s9], $0x80  }
0x20d: {  	[sflag:s9] =	ssyncset.done $0x0  }
0x20e: {  	[sflag:s9] =	ssyncadd.s32 $0xFFFFFF80  }
0x20f: {  	_ =	swait.ge [sflag:s9], $0x80  }
0x210: {  	[sflag:s9] =	ssyncset.done $0x0  }
0x211: {  	[sflag:s9] =	ssyncadd.s32 $0xFFFFFF80  }
0x212: {  	_ =	swait.ge [sflag:s9], $0x80  }
0x213: {  	[sflag:s9] =	ssyncset.done $0x0  }
0x214: {  	[sflag:s9] =	ssyncadd.s32 $0xFFFFFF80  }
0x215: {  	_ =	swait.ge [sflag:s9], $0x80  }
0x216: {  	[sflag:s9] =	ssyncset.done $0x0  }
0x217: {  	[sflag:s9] =	ssyncadd.s32 $0xFFFFFF80  }
0x218: {  	_ =	swait.ge [sflag:s9], $0x80  }
0x219: {  	[sflag:s9] =	ssyncset.done $0x0  }
0x21a: {  	[sflag:s9] =	ssyncadd.s32 $0xFFFFFF80  }
0x21b: {  	_ =	swait.ge [sflag:s9], $0x80  }
0x21c: {  	[sflag:s9] =	ssyncset.done $0x0  }
0x21d: {  	[sflag:s9] =	ssyncadd.s32 $0xFFFFFF80  }
0x21e: {  	_ =	swait.ge [sflag:s9], $0x80  }
0x21f: {  	[sflag:s9] =	ssyncset.done $0x0  }
0x220: {  	[sflag:s9] =	ssyncadd.s32 $0xFFFFFF80  }
0x221: {  	_ =	swait.ge [sflag:s9], $0x80  }
0x222: {  	[sflag:s9] =	ssyncset.done $0x0  }
0x223: {  	[sflag:s9] =	ssyncadd.s32 $0xFFFFFF80  }
0x224: {  	_ =	swait.ge [sflag:s9], $0x80  }
0x225: {  	[sflag:s9] =	ssyncset.done $0x0  }
0x226: {  	[sflag:s9] =	ssyncadd.s32 $0xFFFFFF80  }
0x227: {  	_ =	swait.ge [sflag:s9], $0x80  }
0x228: {  	[sflag:s9] =	ssyncset.done $0x0  }
0x229: {  	[sflag:s9] =	ssyncadd.s32 $0xFFFFFF80  }
0x22a: {  	_ =	swait.ge [sflag:s9], $0x80  }
0x22b: {  	[sflag:s9] =	ssyncset.done $0x0  }
0x22c: {  	[sflag:s9] =	ssyncadd.s32 $0xFFFFFF80  }
0x22d: {  	_ =	swait.ge [sflag:s9], $0x80  }
0x22e: {  	[sflag:s9] =	ssyncset.done $0x0  }
0x22f: {  	[sflag:s9] =	ssyncadd.s32 $0xFFFFFF80  }
0x230: {  	_ =	swait.ge [sflag:s9], $0x80  }
0x231: {  	[sflag:s9] =	ssyncset.done $0x0  }
0x232: {  	[sflag:s9] =	ssyncadd.s32 $0xFFFFFF80  }
0x233: {  	_ =	swait.ge [sflag:s9], $0x80  }
0x234: {  	[sflag:s9] =	ssyncset.done $0x0  }
0x235: {  	[sflag:s9] =	ssyncadd.s32 $0xFFFFFF80  }
0x236: {  	_ =	swait.ge [sflag:s9], $0x80  }
0x237: {  	[sflag:s9] =	ssyncset.done $0x0  }
0x238: {  	[sflag:s9] =	ssyncadd.s32 $0xFFFFFF80  }
0x239: {  	_ =	swait.ge [sflag:s9], $0x80  }
0x23a: {  	[sflag:s9] =	ssyncset.done $0x0  }
0x23b: {  	[sflag:s9] =	ssyncadd.s32 $0xFFFFFF80  }
0x23c: {  	_ =	swait.ge [sflag:s9], $0x80  }
0x23d: {  	[sflag:s9] =	ssyncset.done $0x0  }
0x23e: {  	s15 =	rddreg [dreg:$0x6];
	[sflag:s9] =	ssyncadd.s32 $0xFFFFFF80  }
0x23f: {  	[hbm4b:s15+s3] =	stream.linear.scatter [tilespmem:s12], [sflag:$0x2], $0x800, $0x38;
	[tilespmem:$0x2000] =	vst v63  }
0x240: {  	_ =	swait.ge [sflag:s7], $0x800  }
0x241: {  	p0 =	sne.s32 s6, $0x1;
	[sflag:s7] =	ssyncset.done $0x0  }
.Ltmp0:
0x242: {  	s16 =	rddreg [dreg:$0x7];
	[sflag:s7] =	ssyncadd.s32 $0xFFFFF800;
	(pc) =	sbr.rel @p0 .LBB2_1-.Ltmp0, $4  }
0x243: {  	[hbm4b:s16+s3] =	stream.linear.scatter [tilespmem:s13], [sflag:$0x2], $0x600, $0x38;
	[tilespmem:$0x2000] =	vst v63  }
0x244: {  	_ =	swait.ge [sflag:s7], $0x600  }
0x245: {  	[sflag:s7] =	ssyncset.done $0x0  }
0x246: {  	s6 =	sadd.s32 $0xFFFFFFFF, s6;
	[sflag:s7] =	ssyncadd.s32 $0xFFFFFA00  }
0x247: {  	_ =	sfence.sel $0x180000  }
0x248: {  	[bflag:$0x0] =	sbarrier.arrive $0xFFFF  }
0x249: {  	_ =	strace $0x90000047  }
0x24a: {  	s0 =	stileid.u32;
	[bflag:$0x2] =	sbarrier.arrive $0xFFFF  }
0x24b: {  	p0 =	sne.s32 s0, $0x0;
	s0 =	rddreg [dreg:$0x4]  }
0x24c: {  	s0 =	sadd.s32 @!p0 $0x100000, s0  }
0x24d: {  	[sflag:s0] =	ssyncadd.tile.s32 @!p0 $0x1;
	_ =	shalt  }
.Lfunc_end2:
_tile_overlayer_lowered:
.L_overlay_start_2:
0x24e: {  	(tag) =	ssettag $0x2  }
0x24f: {  	s0 =	rddreg [dreg:$0x0];
	s2 =	stileid.u32  }
0x250: {  	s1 =	rddreg [dreg:$0x1];
	p0 =	sne.s32 s2, $0x0  }
0x251: {  	s3 =	rddreg [dreg:$0x2];
	[bflag:$0x3] =	sbarrier.arrive $0xFFFF;
	s2 =	simm.s32 @!p0 $0x1C02  }
0x252: {  	[timem:s3], [sflag:s2] =	dma.local @!p0 [hbm:s0], s1  }
0x253: {  	s0 =	simm.s32 @!p0 $0x2  }
0x254: {  	_ =	swait.ge @!p0 [sflag:s0], s1  }
0x255: {  	s1 =	ssub.s32 @!p0 $0x0, s1;
	[sflag:s0] =	ssyncset.done @!p0 $0x0  }
0x256: {  	[sflag:s0] =	ssyncadd.s32 @!p0 s1  }
0x257: {  	[bflag:$0x3] =	sbarrier.arrive $0xFFFF  }
0x258: {  	_ =	shalt  }

</sc_bundles>
